<compile_context>
chip_gen: v7x
topology: tpu7x:2x2x1
jax: 0.10.2.dev20260603
libtpu: 0.0.44.dev20260713+nightly
codegen_flags: <defaults>
</compile_context>

<pallas_src>
import functools

import jax
import jax.numpy as jnp
from jax import lax
from jax.experimental import pallas as pl
from jax.experimental.pallas import tpu as pltpu
from jax.experimental.pallas import tpu_sc as plsc

N = 10000
NPAD = 10240
E = 320000
FX = 128
FE = 16
FO = 128
D1 = FX + FE
D2 = FX + FO
EPS = 1e-5

NC = 2
NS = 16
NW = NC * NS
CH = 128
NCHUNK = E // CH
ROWS_PER_TILE = NPAD // NS

ECHUNK = 2560
EGRID = E // ECHUNK


def _mm_nt(a, b):
    return lax.dot_general(a, b, (((1,), (1,)), ((), ())),
                           preferred_element_type=jnp.float32)


def _elu(a):
    return jnp.where(a > 0, a, jnp.exp(a) - 1.0)


def _sc_mesh():
    return plsc.VectorSubcoreMesh(core_axis_name="c", subcore_axis_name="s",
                                  num_cores=NC, num_subcores=NS)


def _wid():
    return lax.axis_index("s") * NC + lax.axis_index("c")



def _sc_counts(row, col, z128, ones128):

    @functools.partial(
        pl.kernel,
        out_type=jax.ShapeDtypeStruct((NC, NPAD, FO), jnp.float32),
        mesh=_sc_mesh(),
        scratch_types=[pltpu.VMEM((4, CH), jnp.int32),
                       pltpu.VMEM((CH, FO), jnp.float32),
                       pltpu.VMEM_SHARED((NPAD, FO), jnp.float32),
                       pltpu.SemaphoreType.DMA,
                       pltpu.SemaphoreType.DMA,
                       pltpu.SemaphoreType.DMA,
                       pltpu.SemaphoreType.DMA],
    )
    def k(row_h, col_h, z_h, ones_h, out_h, idx_v, ones_v, acc, s0, s1, s2, s3):
        cid = lax.axis_index("c")
        sid = lax.axis_index("s")
        ssem = [s0, s1, s2, s3]
        r0 = sid * ROWS_PER_TILE
        pltpu.sync_copy(ones_h, ones_v)
        pltpu.sync_copy(z_h.at[pl.ds(r0, ROWS_PER_TILE)],
                        acc.at[pl.ds(r0, ROWS_PER_TILE)])
        plsc.subcore_barrier()

        trips = (NCHUNK - sid + NS - 1) // NS
        quads = trips // 4

        def load_idx(base, slot):
            @pl.when(cid == 0)
            def _():
                pltpu.sync_copy(row_h.at[pl.ds(base, CH)], idx_v.at[slot])

            @pl.when(cid == 1)
            def _():
                pltpu.sync_copy(col_h.at[pl.ds(base, CH)], idx_v.at[slot])

        def quad(i, carry):
            descs = []
            for b in range(4):
                base = (sid + (4 * i + b) * NS) * CH
                load_idx(base, b)
                descs.append(pltpu.async_copy(ones_v, acc.at[idx_v.at[b]],
                                              ssem[b], add=True))
            for b in range(4):
                descs[b].wait()
            return carry

        lax.fori_loop(0, quads, quad, 0)

        def tail(j, carry):
            base = (sid + (quads * 4 + j) * NS) * CH
            load_idx(base, 0)
            pltpu.sync_copy(ones_v, acc.at[idx_v.at[0]], add=True)
            return carry

        lax.fori_loop(0, trips - quads * 4, tail, 0)
        plsc.subcore_barrier()
        pltpu.sync_copy(acc.at[pl.ds(r0, ROWS_PER_TILE)],
                        out_h.at[cid, pl.ds(r0, ROWS_PER_TILE)])

    return k(row, col, z128, ones128)


def _sc_gather(ytab, row):

    @functools.partial(
        pl.kernel,
        out_type=jax.ShapeDtypeStruct((E, FO), jnp.float32),
        mesh=_sc_mesh(),
        scratch_types=[pltpu.VMEM((4, CH), jnp.int32),
                       pltpu.VMEM((CH, FO), jnp.float32),
                       pltpu.VMEM((CH, FO), jnp.float32),
                       pltpu.VMEM((CH, FO), jnp.float32),
                       pltpu.VMEM((CH, FO), jnp.float32),
                       pltpu.SemaphoreType.DMA,
                       pltpu.SemaphoreType.DMA,
                       pltpu.SemaphoreType.DMA,
                       pltpu.SemaphoreType.DMA,
                       pltpu.SemaphoreType.DMA,
                       pltpu.SemaphoreType.DMA,
                       pltpu.SemaphoreType.DMA,
                       pltpu.SemaphoreType.DMA],
    )
    def k(y_h, row_h, g_h, idx_v, rows_a, rows_b, rows_c, rows_d,
          g0, g1, g2, g3, s0, s1, s2, s3):
        w = _wid()
        rows = [rows_a, rows_b, rows_c, rows_d]
        gsem = [g0, g1, g2, g3]
        ssem = [s0, s1, s2, s3]
        trips = (NCHUNK - w + NW - 1) // NW
        quads = trips // 4

        def quad(i, carry):
            bases = [(w + (4 * i + b) * NW) * CH for b in range(4)]
            descs = []
            for b in range(4):
                pltpu.sync_copy(row_h.at[pl.ds(bases[b], CH)], idx_v.at[b])
                descs.append(pltpu.async_copy(y_h.at[idx_v.at[b]], rows[b], gsem[b]))
            sts = []
            for b in range(4):
                descs[b].wait()
                sts.append(pltpu.async_copy(rows[b], g_h.at[pl.ds(bases[b], CH)], ssem[b]))
            for b in range(4):
                sts[b].wait()
            return carry

        lax.fori_loop(0, quads, quad, 0)

        def tail(j, carry):
            base = (w + (quads * 4 + j) * NW) * CH
            pltpu.sync_copy(row_h.at[pl.ds(base, CH)], idx_v.at[0])
            pltpu.async_copy(y_h.at[idx_v.at[0]], rows_a, g0).wait()
            pltpu.sync_copy(rows_a, g_h.at[pl.ds(base, CH)])
            return carry

        lax.fori_loop(0, trips - quads * 4, tail, 0)

    return k(ytab, row)


def _sc_scatter(e2, col, z128):

    @functools.partial(
        pl.kernel,
        out_type=jax.ShapeDtypeStruct((NC, NPAD, FO), jnp.float32),
        mesh=_sc_mesh(),
        scratch_types=[pltpu.VMEM((2, CH), jnp.int32),
                       pltpu.VMEM((CH, FO), jnp.float32),
                       pltpu.VMEM((CH, FO), jnp.float32),
                       pltpu.VMEM_SHARED((NPAD, FO), jnp.float32),
                       pltpu.SemaphoreType.DMA,
                       pltpu.SemaphoreType.DMA,
                       pltpu.SemaphoreType.DMA,
                       pltpu.SemaphoreType.DMA],
    )
    def k(e2_h, col_h, z_h, out_h, idx_v, val_a, val_b, acc, la, lb, sa, sb):
        cid = lax.axis_index("c")
        sid = lax.axis_index("s")
        w = _wid()
        r0 = sid * ROWS_PER_TILE
        pltpu.sync_copy(z_h.at[pl.ds(r0, ROWS_PER_TILE)],
                        acc.at[pl.ds(r0, ROWS_PER_TILE)])
        plsc.subcore_barrier()

        trips = (NCHUNK - w + NW - 1) // NW
        pairs = trips // 2

        def pair(i, carry):
            ba = (w + (2 * i) * NW) * CH
            bb = (w + (2 * i + 1) * NW) * CH
            pltpu.sync_copy(col_h.at[pl.ds(ba, CH)], idx_v.at[0])
            da = pltpu.async_copy(e2_h.at[pl.ds(ba, CH)], val_a, la)
            pltpu.sync_copy(col_h.at[pl.ds(bb, CH)], idx_v.at[1])
            db = pltpu.async_copy(e2_h.at[pl.ds(bb, CH)], val_b, lb)
            da.wait()
            wa = pltpu.async_copy(val_a, acc.at[idx_v.at[0]], sa, add=True)
            db.wait()
            wb = pltpu.async_copy(val_b, acc.at[idx_v.at[1]], sb, add=True)
            wa.wait()
            wb.wait()
            return carry

        lax.fori_loop(0, pairs, pair, 0)

        @pl.when(trips % 2 == 1)
        def _():
            base = (w + (trips - 1) * NW) * CH
            pltpu.sync_copy(col_h.at[pl.ds(base, CH)], idx_v.at[0])
            pltpu.sync_copy(e2_h.at[pl.ds(base, CH)], val_a)
            pltpu.sync_copy(val_a, acc.at[idx_v.at[0]], add=True)

        plsc.subcore_barrier()
        pltpu.sync_copy(acc.at[pl.ds(r0, ROWS_PER_TILE)],
                        out_h.at[cid, pl.ds(r0, ROWS_PER_TILE)])

    return k(e2, col, z128)



def _tc_ea_stats(ea):

    def body(ea_ref, out_ref, acc_ref):
        i = pl.program_id(0)

        @pl.when(i == 0)
        def _():
            acc_ref[...] = jnp.zeros_like(acc_ref)

        blk = ea_ref[...]
        acc_ref[0:1, :] += jnp.sum(blk, axis=0, keepdims=True)
        acc_ref[1:2, :] += jnp.sum(blk * blk, axis=0, keepdims=True)

        @pl.when(i == EGRID - 1)
        def _():
            out_ref[...] = acc_ref[...]

    return pl.pallas_call(
        body,
        grid=(EGRID,),
        in_specs=[pl.BlockSpec((ECHUNK, FE), lambda i: (i, 0))],
        out_specs=pl.BlockSpec((8, FE), lambda i: (0, 0)),
        out_shape=jax.ShapeDtypeStruct((8, FE), jnp.float32),
        scratch_shapes=[pltpu.VMEM((8, FE), jnp.float32)],
    )(ea)


def _tc_prep(x, cnt2, easum, W1, g1r, b1r, c1r):

    def body(x_ref, cnt_ref, eas_ref, w1_ref, g1_ref, b1_ref, c1_ref,
             y_ref, w1es_ref, b1row_ref):
        cnt = cnt_ref[0, :N, 0:1]
        xv = x_ref[...]
        einv = 1.0 / E
        sum_x = jnp.sum(xv * cnt, axis=0, keepdims=True)
        sumsq_x = jnp.sum(xv * xv * cnt, axis=0, keepdims=True)
        mu_x = sum_x * einv
        var_x = sumsq_x * einv - mu_x * mu_x
        sc_x = g1_ref[0:1, :FX] * lax.rsqrt(var_x + EPS)
        sh_x = b1_ref[0:1, :FX] - mu_x * sc_x

        mu_e = eas_ref[0:1, :] * einv
        var_e = eas_ref[1:2, :] * einv - mu_e * mu_e
        sc_e = g1_ref[0:1, FX:] * lax.rsqrt(var_e + EPS)
        sh_e = b1_ref[0:1, FX:] - mu_e * sc_e

        w1 = w1_ref[...]
        w1x = w1[:, :FX]
        w1e = w1[:, FX:]
        y_ref[...] = _mm_nt(xv, w1x * sc_x)
        w1es_ref[...] = w1e * sc_e
        b1row_ref[...] = _mm_nt(sh_x, w1x) + _mm_nt(sh_e, w1e) + c1_ref[...]

    return pl.pallas_call(
        body,
        out_shape=[jax.ShapeDtypeStruct((N, FO), jnp.float32),
                   jax.ShapeDtypeStruct((FO, FE), jnp.float32),
                   jax.ShapeDtypeStruct((1, FO), jnp.float32)],
    )(x, cnt2, easum, W1, g1r, b1r, c1r)


def _tc_pass_a(G, ea, w1es, b1row):

    def body(g_ref, ea_ref, w_ref, b_ref, out_ref, acc_ref):
        i = pl.program_id(0)

        @pl.when(i == 0)
        def _():
            acc_ref[...] = jnp.zeros_like(acc_ref)

        a = g_ref[...] + _mm_nt(ea_ref[...], w_ref[...]) + b_ref[...]
        e1 = _elu(a)
        acc_ref[0:1, :] += jnp.sum(e1, axis=0, keepdims=True)
        acc_ref[1:2, :] += jnp.sum(e1 * e1, axis=0, keepdims=True)

        @pl.when(i == EGRID - 1)
        def _():
            out_ref[...] = acc_ref[...]

    return pl.pallas_call(
        body,
        grid=(EGRID,),
        in_specs=[pl.BlockSpec((ECHUNK, FO), lambda i: (i, 0)),
                  pl.BlockSpec((ECHUNK, FE), lambda i: (i, 0)),
                  pl.BlockSpec((FO, FE), lambda i: (0, 0)),
                  pl.BlockSpec((1, FO), lambda i: (0, 0))],
        out_specs=pl.BlockSpec((8, FO), lambda i: (0, 0)),
        out_shape=jax.ShapeDtypeStruct((8, FO), jnp.float32),
        scratch_shapes=[pltpu.VMEM((8, FO), jnp.float32)],
    )(G, ea, w1es, b1row)


def _tc_pass_b(G, ea, w1es, b1row, w2s, b2row):

    def body(g_ref, ea_ref, w_ref, b_ref, w2_ref, b2_ref,
             e2_ref, out_ref, acc_ref):
        i = pl.program_id(0)

        @pl.when(i == 0)
        def _():
            acc_ref[...] = jnp.zeros_like(acc_ref)

        a = g_ref[...] + _mm_nt(ea_ref[...], w_ref[...]) + b_ref[...]
        e1 = _elu(a)
        e2 = _elu(_mm_nt(e1, w2_ref[...]) + b2_ref[...])
        e2_ref[...] = e2
        acc_ref[0:1, :] += jnp.sum(e2, axis=0, keepdims=True)
        acc_ref[1:2, :] += jnp.sum(e2 * e2, axis=0, keepdims=True)

        @pl.when(i == EGRID - 1)
        def _():
            out_ref[...] = acc_ref[...]

    return pl.pallas_call(
        body,
        grid=(EGRID,),
        in_specs=[pl.BlockSpec((ECHUNK, FO), lambda i: (i, 0)),
                  pl.BlockSpec((ECHUNK, FE), lambda i: (i, 0)),
                  pl.BlockSpec((FO, FE), lambda i: (0, 0)),
                  pl.BlockSpec((1, FO), lambda i: (0, 0)),
                  pl.BlockSpec((FO, FO), lambda i: (0, 0)),
                  pl.BlockSpec((1, FO), lambda i: (0, 0))],
        out_specs=[pl.BlockSpec((ECHUNK, FO), lambda i: (i, 0)),
                   pl.BlockSpec((8, FO), lambda i: (0, 0))],
        out_shape=[jax.ShapeDtypeStruct((E, FO), jnp.float32),
                   jax.ShapeDtypeStruct((8, FO), jnp.float32)],
        scratch_shapes=[pltpu.VMEM((8, FO), jnp.float32)],
    )(G, ea, w1es, b1row, w2s, b2row)


def _tc_final(parts, cnt2, x, w3s, d3row, p):

    def body(parts_ref, cnt_ref, x_ref, w3_ref, d3_ref,
             g1_ref, b1_ref, mw1_ref, c1_ref,
             g2_ref, b2_ref, mw2_ref, c2_ref,
             g3_ref, b3_ref, mw3_ref, c3_ref, out_ref):
        seg = parts_ref[0, :N, :] + parts_ref[1, :N, :]
        cnt = cnt_ref[1, :N, 0:1]
        sums = _mm_nt(seg, w3_ref[...]) + cnt * d3_ref[...]
        mean = sums / jnp.maximum(cnt, 1.0)
        h = jnp.concatenate([x_ref[...], mean], axis=1)

        def bn(v, g, b):
            mu = jnp.mean(v, axis=0, keepdims=True)
            var = jnp.mean(v * v, axis=0, keepdims=True) - mu * mu
            s = g * lax.rsqrt(var + EPS)
            return v * s + (b - mu * s)

        h = bn(h, g1_ref[...], b1_ref[...])
        h = _elu(_mm_nt(h, mw1_ref[...]) + c1_ref[...])
        h = bn(h, g2_ref[...], b2_ref[...])
        h = _elu(_mm_nt(h, mw2_ref[...]) + c2_ref[...])
        h = bn(h, g3_ref[...], b3_ref[...])
        out_ref[...] = _mm_nt(h, mw3_ref[...]) + c3_ref[...]

    r = lambda v: v.reshape(1, -1)
    return pl.pallas_call(
        body,
        out_shape=jax.ShapeDtypeStruct((N, FO), jnp.float32),
    )(parts, cnt2, x, w3s, d3row,
      r(p['m2_g1']), r(p['m2_b1']), p['m2_W1'], r(p['m2_c1']),
      r(p['m2_g2']), r(p['m2_b2']), p['m2_W2'], r(p['m2_c2']),
      r(p['m2_g3']), r(p['m2_b3']), p['m2_W3'], r(p['m2_c3']))



def kernel(x, edge_index, edge_attr, u, batch, params):
    p = params
    row = edge_index[0]
    col = edge_index[1]

    z128 = jnp.zeros((NPAD, FO), jnp.float32)
    ones128 = jnp.ones((CH, FO), jnp.float32)

    cnt2 = _sc_counts(row, col, z128, ones128)
    easum = _tc_ea_stats(edge_attr)

    y, w1es, b1row = _tc_prep(
        x, cnt2, easum, p['m1_W1'],
        p['m1_g1'].reshape(1, D1), p['m1_b1'].reshape(1, D1),
        p['m1_c1'].reshape(1, FO))

    G = _sc_gather(y, row)

    st2 = _tc_pass_a(G, edge_attr, w1es, b1row)
    mu2 = st2[0] / E
    var2 = st2[1] / E - mu2 * mu2
    sc2 = p['m1_g2'] * lax.rsqrt(var2 + EPS)
    sh2 = p['m1_b2'] - mu2 * sc2
    w2s = p['m1_W2'] * sc2[None, :]
    b2row = (sh2 @ p['m1_W2'].T + p['m1_c2']).reshape(1, FO)

    e2, st3 = _tc_pass_b(G, edge_attr, w1es, b1row, w2s, b2row)
    mu3 = st3[0] / E
    var3 = st3[1] / E - mu3 * mu3
    sc3 = p['m1_g3'] * lax.rsqrt(var3 + EPS)
    sh3 = p['m1_b3'] - mu3 * sc3
    w3s = p['m1_W3'] * sc3[None, :]
    d3row = (sh3 @ p['m1_W3'].T + p['m1_c3']).reshape(1, FO)

    parts = _sc_scatter(e2, col, z128)

    return _tc_final(parts, cnt2, x, w3s, d3row, p)

# --- scband reference (transcript-rebuilt; emitter-appended) ---
"""Pipeline reference for scband-node-layer-2645699854468 (READ-ONLY COPY).

The authoritative reference and input builder live on the scoring server;
editing this copy changes nothing except your own understanding.
"""

import jax, jax.numpy as jnp
import numpy as np

N = 10000
E = 320000
FX = 128
FE = 16
FO = 128
B = 4
FU = 16
EPS = 1e-5


def _w(key, shape):
    return jax.random.normal(key, shape, dtype=jnp.float32) * 0.05


def setup_inputs(seed: int = 0) -> dict:
    key = jax.random.key(seed)
    ks = jax.random.split(key, 32)
    x = jax.random.normal(ks[0], (N, FX), dtype=jnp.float32)
    edge_index = jax.random.randint(ks[1], (2, E), 0, N).astype(jnp.int32)
    edge_attr = jax.random.normal(ks[2], (E, FE), dtype=jnp.float32)
    u = jax.random.normal(ks[3], (B, FU), dtype=jnp.float32)
    batch = jnp.zeros((E,), dtype=jnp.int32)
    d1 = FX + FE  # 144
    d2 = FX + FO  # 256
    params = {
        # node_mlp_1: BN(d1) -> Lin(d1,FO) -> ELU -> BN(FO) -> Lin(FO,FO) -> ELU -> BN(FO) -> Lin(FO,FO)
        'm1_g1': jnp.ones((d1,), jnp.float32), 'm1_b1': jnp.zeros((d1,), jnp.float32),
        'm1_W1': _w(ks[4], (FO, d1)), 'm1_c1': jnp.zeros((FO,), jnp.float32),
        'm1_g2': jnp.ones((FO,), jnp.float32), 'm1_b2': jnp.zeros((FO,), jnp.float32),
        'm1_W2': _w(ks[5], (FO, FO)), 'm1_c2': jnp.zeros((FO,), jnp.float32),
        'm1_g3': jnp.ones((FO,), jnp.float32), 'm1_b3': jnp.zeros((FO,), jnp.float32),
        'm1_W3': _w(ks[6], (FO, FO)), 'm1_c3': jnp.zeros((FO,), jnp.float32),
        # node_mlp_2: BN(d2) -> Lin(d2,FO) -> ELU -> BN(FO) -> Lin(FO,FO) -> ELU -> BN(FO) -> Lin(FO,FO)
        'm2_g1': jnp.ones((d2,), jnp.float32), 'm2_b1': jnp.zeros((d2,), jnp.float32),
        'm2_W1': _w(ks[7], (FO, d2)), 'm2_c1': jnp.zeros((FO,), jnp.float32),
        'm2_g2': jnp.ones((FO,), jnp.float32), 'm2_b2': jnp.zeros((FO,), jnp.float32),
        'm2_W2': _w(ks[8], (FO, FO)), 'm2_c2': jnp.zeros((FO,), jnp.float32),
        'm2_g3': jnp.ones((FO,), jnp.float32), 'm2_b3': jnp.zeros((FO,), jnp.float32),
        'm2_W3': _w(ks[9], (FO, FO)), 'm2_c3': jnp.zeros((FO,), jnp.float32),
    }
    return {'x': x, 'edge_index': edge_index, 'edge_attr': edge_attr, 'u': u, 'batch': batch, 'params': params}


def _bn(h, g, b):
    mu = jnp.mean(h, axis=0)
    var = jnp.var(h, axis=0)
    return g * (h - mu) * jax.lax.rsqrt(var + EPS) + b


def _mlp(h, p, pre):
    h = _bn(h, p[pre + 'g1'], p[pre + 'b1'])
    h = h @ p[pre + 'W1'].T + p[pre + 'c1']
    h = jax.nn.elu(h)
    h = _bn(h, p[pre + 'g2'], p[pre + 'b2'])
    h = h @ p[pre + 'W2'].T + p[pre + 'c2']
    h = jax.nn.elu(h)
    h = _bn(h, p[pre + 'g3'], p[pre + 'b3'])
    h = h @ p[pre + 'W3'].T + p[pre + 'c3']
    return h


def reference(x, edge_index, edge_attr, u, batch, params):
    row = edge_index[0]
    col = edge_index[1]
    out = jnp.concatenate([jnp.take(x, row, axis=0), edge_attr], axis=1)
    out = _mlp(out, params, 'm1_')
    sums = jax.ops.segment_sum(out, col, num_segments=x.shape[0])
    cnt = jax.ops.segment_sum(jnp.ones((col.shape[0], 1), jnp.float32), col, num_segments=x.shape[0])
    mean = sums / jnp.maximum(cnt, 1.0)
    out2 = jnp.concatenate([x, mean], axis=1)
    return _mlp(out2, params, 'm2_')

if __name__ == "__main__":
    import jax
    _d = setup_inputs()
    print(jax.jit(kernel)(*tuple(_d.values())))

</pallas_src>

<mosaic_0001>
#map = affine_map<(d0, d1) -> (0)>
#map1 = affine_map<(d0, d1) -> (0, 0)>
#map2 = affine_map<(d0, d1) -> (0, 0, 0)>
module attributes {stable_mosaic.version = 14 : i64} {
  func.func @k(%arg0: i32, %arg1: i32, %arg2: memref<320000xi32, #tpu.memory_space<hbm>>, %arg3: memref<320000xi32, #tpu.memory_space<hbm>>, %arg4: memref<10240x128xf32, #tpu.memory_space<hbm>>, %arg5: memref<128x128xf32, #tpu.memory_space<hbm>>, %arg6: memref<2x10240x128xf32, #tpu.memory_space<hbm>>, %arg7: memref<4x128xi32, #tpu.memory_space<vmem>>, %arg8: memref<128x128xf32, #tpu.memory_space<vmem>>, %arg9: memref<10240x128xf32, #tpu.memory_space<vmem_shared>>, %arg10: memref<!tpu.dma_semaphore, #tpu.memory_space<semaphore_mem>>, %arg11: memref<!tpu.dma_semaphore, #tpu.memory_space<semaphore_mem>>, %arg12: memref<!tpu.dma_semaphore, #tpu.memory_space<semaphore_mem>>, %arg13: memref<!tpu.dma_semaphore, #tpu.memory_space<semaphore_mem>>) attributes {dimension_semantics = [#tpu.dimension_semantics<core_parallel>, #tpu.dimension_semantics<subcore_parallel>], iteration_bounds = array<i64: 2, 16>, scalar_prefetch = 0 : i64, scratch_operands = 7 : i64, tpu.core_type = #tpu.core_type<sc_vector_subcore>, window_params = [{transform_indices = #map}, {transform_indices = #map}, {transform_indices = #map1}, {transform_indices = #map1}, {transform_indices = #map2}]} {
    %mul3A = arith.constant 640 : i32
    %mul3A_0 = arith.muli %arg1, %mul3A : i32
    "tpu.region"() ({
      %run_scoped3A = tpu.sem_alloc : memref<!tpu.dma_semaphore, #tpu.memory_space<semaphore_mem>>
      tpu.enqueue_dma source(%arg5 : memref<128x128xf32, #tpu.memory_space<hbm>>) target(%arg8 : memref<128x128xf32, #tpu.memory_space<vmem>>) target_semaphore(%run_scoped3A : memref<!tpu.dma_semaphore, #tpu.memory_space<semaphore_mem>>)
      tpu.wait_dma2 semaphore(%run_scoped3A : memref<!tpu.dma_semaphore, #tpu.memory_space<semaphore_mem>>) src(%arg5 : memref<128x128xf32, #tpu.memory_space<hbm>>) dst(%arg8 : memref<128x128xf32, #tpu.memory_space<vmem>>)
      tpu.yield
    }) : () -> ()
    "tpu.region"() ({
      %run_scoped3A = tpu.sem_alloc : memref<!tpu.dma_semaphore, #tpu.memory_space<semaphore_mem>>
      %dma_start3A = arith.constant 0 : i32
      %dma_start3A_69 = tpu.memref_slice %arg9[%mul3A_0, %dma_start3A] : memref<10240x128xf32, #tpu.memory_space<vmem_shared>> -> memref<640x128xf32, #tpu.memory_space<vmem_shared>>
      %dma_start3A_70 = arith.constant 0 : i32
      %dma_start3A_71 = tpu.memref_slice %arg4[%mul3A_0, %dma_start3A_70] : memref<10240x128xf32, #tpu.memory_space<hbm>> -> memref<640x128xf32, #tpu.memory_space<hbm>>
      tpu.enqueue_dma source(%dma_start3A_71 : memref<640x128xf32, #tpu.memory_space<hbm>>) target(%dma_start3A_69 : memref<640x128xf32, #tpu.memory_space<vmem_shared>>) target_semaphore(%run_scoped3A : memref<!tpu.dma_semaphore, #tpu.memory_space<semaphore_mem>>)
      %dma_wait3A = arith.constant 0 : i32
      %dma_wait3A_72 = tpu.memref_slice %arg9[%mul3A_0, %dma_wait3A] : memref<10240x128xf32, #tpu.memory_space<vmem_shared>> -> memref<640x128xf32, #tpu.memory_space<vmem_shared>>
      %dma_wait3A_73 = arith.constant 0 : i32
      %dma_wait3A_74 = tpu.memref_slice %arg4[%mul3A_0, %dma_wait3A_73] : memref<10240x128xf32, #tpu.memory_space<hbm>> -> memref<640x128xf32, #tpu.memory_space<hbm>>
      tpu.wait_dma2 semaphore(%run_scoped3A : memref<!tpu.dma_semaphore, #tpu.memory_space<semaphore_mem>>) src(%dma_wait3A_74 : memref<640x128xf32, #tpu.memory_space<hbm>>) dst(%dma_wait3A_72 : memref<640x128xf32, #tpu.memory_space<vmem_shared>>)
      tpu.yield
    }) : () -> ()
    %barrier3A = arith.constant 0 : index
    tpu.barrier barrier_id(%barrier3A)
    %sub3A = arith.constant 2500 : i32
    %sub3A_1 = arith.subi %sub3A, %arg1 : i32
    %add3A = arith.constant 16 : i32
    %add3A_2 = arith.addi %sub3A_1, %add3A : i32
    %sub3A_3 = arith.constant 1 : i32
    %sub3A_4 = arith.subi %add3A_2, %sub3A_3 : i32
    %jit3A = arith.constant 16 : i32
    %div3A = arith.divsi %sub3A_4, %jit3A : i32
    %sign3A = arith.constant 0 : i32
    %sign3A_5 = arith.cmpi sgt, %sub3A_4, %sign3A : i32
    %sign3A_6 = arith.extui %sign3A_5 : i1 to i32
    %sign3A_7 = arith.constant 0 : i32
    %sign3A_8 = arith.cmpi slt, %sub3A_4, %sign3A_7 : i32
    %sign3A_9 = arith.extui %sign3A_8 : i1 to i32
    %sign3A_10 = arith.subi %sign3A_6, %sign3A_9 : i32
    %sign3A_11 = arith.constant 0 : i32
    %sign3A_12 = arith.cmpi sgt, %jit3A, %sign3A_11 : i32
    %sign3A_13 = arith.extui %sign3A_12 : i1 to i32
    %sign3A_14 = arith.constant 0 : i32
    %sign3A_15 = arith.cmpi slt, %jit3A, %sign3A_14 : i32
    %sign3A_16 = arith.extui %sign3A_15 : i1 to i32
    %sign3A_17 = arith.subi %sign3A_13, %sign3A_16 : i32
    %ne3A = arith.cmpi ne, %sign3A_10, %sign3A_17 : i32
    %rem3A = arith.remsi %sub3A_4, %jit3A : i32
    %ne3A_18 = arith.constant 0 : i32
    %ne3A_19 = arith.cmpi ne, %rem3A, %ne3A_18 : i32
    %and3A = arith.andi %ne3A, %ne3A_19 : i1
    %sub3A_20 = arith.constant 1 : i32
    %sub3A_21 = arith.subi %div3A, %sub3A_20 : i32
    %select_n3A = arith.select %and3A, %sub3A_21, %div3A : i32
    %jit3A_22 = arith.constant 4 : i32
    %div3A_23 = arith.divsi %select_n3A, %jit3A_22 : i32
    %sign3A_24 = arith.constant 0 : i32
    %sign3A_25 = arith.cmpi sgt, %select_n3A, %sign3A_24 : i32
    %sign3A_26 = arith.extui %sign3A_25 : i1 to i32
    %sign3A_27 = arith.constant 0 : i32
    %sign3A_28 = arith.cmpi slt, %select_n3A, %sign3A_27 : i32
    %sign3A_29 = arith.extui %sign3A_28 : i1 to i32
    %sign3A_30 = arith.subi %sign3A_26, %sign3A_29 : i32
    %sign3A_31 = arith.constant 0 : i32
    %sign3A_32 = arith.cmpi sgt, %jit3A_22, %sign3A_31 : i32
    %sign3A_33 = arith.extui %sign3A_32 : i1 to i32
    %sign3A_34 = arith.constant 0 : i32
    %sign3A_35 = arith.cmpi slt, %jit3A_22, %sign3A_34 : i32
    %sign3A_36 = arith.extui %sign3A_35 : i1 to i32
    %sign3A_37 = arith.subi %sign3A_33, %sign3A_36 : i32
    %ne3A_38 = arith.cmpi ne, %sign3A_30, %sign3A_37 : i32
    %rem3A_39 = arith.remsi %select_n3A, %jit3A_22 : i32
    %ne3A_40 = arith.constant 0 : i32
    %ne3A_41 = arith.cmpi ne, %rem3A_39, %ne3A_40 : i32
    %and3A_42 = arith.andi %ne3A_38, %ne3A_41 : i1
    %sub3A_43 = arith.constant 1 : i32
    %sub3A_44 = arith.subi %div3A_23, %sub3A_43 : i32
    %select_n3A_45 = arith.select %and3A_42, %sub3A_44, %div3A_23 : i32
    %while3A = arith.constant 0 : i32
    %while3A_46 = arith.constant 0 : i32
    %while3A_47 = arith.subi %select_n3A_45, %while3A_46 : i32
    %while3A_48 = arith.addi %while3A_46, %while3A_47 : i32
    %while3A_49 = arith.constant 1 : i32
    %while3A_50 = arith.divsi %while3A_47, %while3A_49 : i32
    %while3A_51 = arith.muli %while3A_50, %while3A_49 : i32
    %while3A_52 = arith.addi %while3A_46, %while3A_51 : i32
    %while3A_53 = arith.constant 1 : i32
    scf.for %while3A_69 = %while3A_46 to %while3A_52 step %while3A_53  : i32 {
      %mul3A_70 = arith.constant 4 : i32
      %mul3A_71 = arith.muli %mul3A_70, %while3A_69 : i32
      %add3A_72 = arith.constant 0 : i32
      %add3A_73 = arith.addi %mul3A_71, %add3A_72 : i32
      %mul3A_74 = arith.constant 16 : i32
      %mul3A_75 = arith.muli %add3A_73, %mul3A_74 : i32
      %add3A_76 = arith.addi %arg1, %mul3A_75 : i32
      %mul3A_77 = arith.constant 128 : i32
      %mul3A_78 = arith.muli %add3A_76, %mul3A_77 : i32
      %eq3A = arith.constant 0 : i32
      %eq3A_79 = arith.cmpi eq, %arg0, %eq3A : i32
      %convert_element_type3A = arith.extui %eq3A_79 : i1 to i32
      %cond3A = arith.constant 0 : i32
      %cond3A_80 = arith.cmpi ne, %convert_element_type3A, %cond3A : i32
      scf.if %cond3A_80 {
        %run_scoped3A = arith.constant 0 : i32
        "tpu.region"() ({
          %run_scoped3A_197 = tpu.sem_alloc : memref<!tpu.dma_semaphore, #tpu.memory_space<semaphore_mem>>
          %dma_start3A_198 = arith.constant 0 : i32
          %dma_start3A_199 = tpu.memref_slice %arg7[%run_scoped3A, %dma_start3A_198] : memref<4x128xi32, #tpu.memory_space<vmem>> -> memref<1x128xi32, #tpu.memory_space<vmem>>
          %dma_start3A_200 = tpu.memref_squeeze %dma_start3A_199 : memref<1x128xi32, #tpu.memory_space<vmem>> -> memref<128xi32, #tpu.memory_space<vmem>>
          %dma_start3A_201 = tpu.memref_slice %arg2[%mul3A_78] : memref<320000xi32, #tpu.memory_space<hbm>> -> memref<128xi32, #tpu.memory_space<hbm>>
          %dma_start3A_202 = arith.constant 0 : i32
          %dma_start3A_203 = tpu.memref_slice %arg7[%run_scoped3A, %dma_start3A_202] : memref<4x128xi32, #tpu.memory_space<vmem>> -> memref<1x128xi32, #tpu.memory_space<vmem>>
          %dma_start3A_204 = tpu.memref_squeeze %dma_start3A_203 : memref<1x128xi32, #tpu.memory_space<vmem>> -> memref<128xi32, #tpu.memory_space<vmem>>
          %dma_start3A_205 = tpu.memref_slice %arg2[%mul3A_78] : memref<320000xi32, #tpu.memory_space<hbm>> -> memref<128xi32, #tpu.memory_space<hbm>>
          tpu.enqueue_dma source(%dma_start3A_205 : memref<128xi32, #tpu.memory_space<hbm>>) target(%dma_start3A_204 : memref<128xi32, #tpu.memory_space<vmem>>) target_semaphore(%run_scoped3A_197 : memref<!tpu.dma_semaphore, #tpu.memory_space<semaphore_mem>>)
          %dma_wait3A_206 = arith.constant 0 : i32
          %dma_wait3A_207 = tpu.memref_slice %arg7[%run_scoped3A, %dma_wait3A_206] : memref<4x128xi32, #tpu.memory_space<vmem>> -> memref<1x128xi32, #tpu.memory_space<vmem>>
          %dma_wait3A_208 = tpu.memref_squeeze %dma_wait3A_207 : memref<1x128xi32, #tpu.memory_space<vmem>> -> memref<128xi32, #tpu.memory_space<vmem>>
          %dma_wait3A_209 = tpu.memref_slice %arg2[%mul3A_78] : memref<320000xi32, #tpu.memory_space<hbm>> -> memref<128xi32, #tpu.memory_space<hbm>>
          %dma_wait3A_210 = arith.constant 0 : i32
          %dma_wait3A_211 = tpu.memref_slice %arg7[%run_scoped3A, %dma_wait3A_210] : memref<4x128xi32, #tpu.memory_space<vmem>> -> memref<1x128xi32, #tpu.memory_space<vmem>>
          %dma_wait3A_212 = tpu.memref_squeeze %dma_wait3A_211 : memref<1x128xi32, #tpu.memory_space<vmem>> -> memref<128xi32, #tpu.memory_space<vmem>>
          %dma_wait3A_213 = tpu.memref_slice %arg2[%mul3A_78] : memref<320000xi32, #tpu.memory_space<hbm>> -> memref<128xi32, #tpu.memory_space<hbm>>
          tpu.wait_dma2 semaphore(%run_scoped3A_197 : memref<!tpu.dma_semaphore, #tpu.memory_space<semaphore_mem>>) src(%dma_wait3A_213 : memref<128xi32, #tpu.memory_space<hbm>>) dst(%dma_wait3A_212 : memref<128xi32, #tpu.memory_space<vmem>>)
          tpu.yield
        }) : () -> ()
      } else {
      }
      %eq3A_81 = arith.constant 1 : i32
      %eq3A_82 = arith.cmpi eq, %arg0, %eq3A_81 : i32
      %convert_element_type3A_83 = arith.extui %eq3A_82 : i1 to i32
      %cond3A_84 = arith.constant 0 : i32
      %cond3A_85 = arith.cmpi ne, %convert_element_type3A_83, %cond3A_84 : i32
      scf.if %cond3A_85 {
        %run_scoped3A = arith.constant 0 : i32
        "tpu.region"() ({
          %run_scoped3A_197 = tpu.sem_alloc : memref<!tpu.dma_semaphore, #tpu.memory_space<semaphore_mem>>
          %dma_start3A_198 = arith.constant 0 : i32
          %dma_start3A_199 = tpu.memref_slice %arg7[%run_scoped3A, %dma_start3A_198] : memref<4x128xi32, #tpu.memory_space<vmem>> -> memref<1x128xi32, #tpu.memory_space<vmem>>
          %dma_start3A_200 = tpu.memref_squeeze %dma_start3A_199 : memref<1x128xi32, #tpu.memory_space<vmem>> -> memref<128xi32, #tpu.memory_space<vmem>>
          %dma_start3A_201 = tpu.memref_slice %arg3[%mul3A_78] : memref<320000xi32, #tpu.memory_space<hbm>> -> memref<128xi32, #tpu.memory_space<hbm>>
          %dma_start3A_202 = arith.constant 0 : i32
          %dma_start3A_203 = tpu.memref_slice %arg7[%run_scoped3A, %dma_start3A_202] : memref<4x128xi32, #tpu.memory_space<vmem>> -> memref<1x128xi32, #tpu.memory_space<vmem>>
          %dma_start3A_204 = tpu.memref_squeeze %dma_start3A_203 : memref<1x128xi32, #tpu.memory_space<vmem>> -> memref<128xi32, #tpu.memory_space<vmem>>
          %dma_start3A_205 = tpu.memref_slice %arg3[%mul3A_78] : memref<320000xi32, #tpu.memory_space<hbm>> -> memref<128xi32, #tpu.memory_space<hbm>>
          tpu.enqueue_dma source(%dma_start3A_205 : memref<128xi32, #tpu.memory_space<hbm>>) target(%dma_start3A_204 : memref<128xi32, #tpu.memory_space<vmem>>) target_semaphore(%run_scoped3A_197 : memref<!tpu.dma_semaphore, #tpu.memory_space<semaphore_mem>>)
          %dma_wait3A_206 = arith.constant 0 : i32
          %dma_wait3A_207 = tpu.memref_slice %arg7[%run_scoped3A, %dma_wait3A_206] : memref<4x128xi32, #tpu.memory_space<vmem>> -> memref<1x128xi32, #tpu.memory_space<vmem>>
          %dma_wait3A_208 = tpu.memref_squeeze %dma_wait3A_207 : memref<1x128xi32, #tpu.memory_space<vmem>> -> memref<128xi32, #tpu.memory_space<vmem>>
          %dma_wait3A_209 = tpu.memref_slice %arg3[%mul3A_78] : memref<320000xi32, #tpu.memory_space<hbm>> -> memref<128xi32, #tpu.memory_space<hbm>>
          %dma_wait3A_210 = arith.constant 0 : i32
          %dma_wait3A_211 = tpu.memref_slice %arg7[%run_scoped3A, %dma_wait3A_210] : memref<4x128xi32, #tpu.memory_space<vmem>> -> memref<1x128xi32, #tpu.memory_space<vmem>>
          %dma_wait3A_212 = tpu.memref_squeeze %dma_wait3A_211 : memref<1x128xi32, #tpu.memory_space<vmem>> -> memref<128xi32, #tpu.memory_space<vmem>>
          %dma_wait3A_213 = tpu.memref_slice %arg3[%mul3A_78] : memref<320000xi32, #tpu.memory_space<hbm>> -> memref<128xi32, #tpu.memory_space<hbm>>
          tpu.wait_dma2 semaphore(%run_scoped3A_197 : memref<!tpu.dma_semaphore, #tpu.memory_space<semaphore_mem>>) src(%dma_wait3A_213 : memref<128xi32, #tpu.memory_space<hbm>>) dst(%dma_wait3A_212 : memref<128xi32, #tpu.memory_space<vmem>>)
          tpu.yield
        }) : () -> ()
      } else {
      }
      %dma_start3A = arith.constant 0 : i32
      %dma_start3A_86 = arith.constant 0 : i32
      %dma_start3A_87 = tpu.memref_slice %arg7[%dma_start3A, %dma_start3A_86] : memref<4x128xi32, #tpu.memory_space<vmem>> -> memref<1x128xi32, #tpu.memory_space<vmem>>
      %dma_start3A_88 = tpu.memref_squeeze %dma_start3A_87 : memref<1x128xi32, #tpu.memory_space<vmem>> -> memref<128xi32, #tpu.memory_space<vmem>>
      %dma_start3A_89 = arith.constant 0 : i32
      %dma_start3A_90 = arith.constant 0 : i32
      %dma_start3A_91 = tpu.memref_slice %arg9[%dma_start3A_89, %dma_start3A_90] : memref<10240x128xf32, #tpu.memory_space<vmem_shared>> -> memref<10240x128xf32, #tpu.memory_space<vmem_shared>>
      tpu.enqueue_indirect_dma source(%arg8 : memref<128x128xf32, #tpu.memory_space<vmem>>) target(%dma_start3A_91 : memref<10240x128xf32, #tpu.memory_space<vmem_shared>>) offsets(%dma_start3A_88 : memref<128xi32, #tpu.memory_space<vmem>>) semaphore(%arg10 : memref<!tpu.dma_semaphore, #tpu.memory_space<semaphore_mem>>) {add = true}
      %mul3A_92 = arith.constant 4 : i32
      %mul3A_93 = arith.muli %mul3A_92, %while3A_69 : i32
      %add3A_94 = arith.constant 1 : i32
      %add3A_95 = arith.addi %mul3A_93, %add3A_94 : i32
      %mul3A_96 = arith.constant 16 : i32
      %mul3A_97 = arith.muli %add3A_95, %mul3A_96 : i32
      %add3A_98 = arith.addi %arg1, %mul3A_97 : i32
      %mul3A_99 = arith.constant 128 : i32
      %mul3A_100 = arith.muli %add3A_98, %mul3A_99 : i32
      %eq3A_101 = arith.constant 0 : i32
      %eq3A_102 = arith.cmpi eq, %arg0, %eq3A_101 : i32
      %convert_element_type3A_103 = arith.extui %eq3A_102 : i1 to i32
      %cond3A_104 = arith.constant 0 : i32
      %cond3A_105 = arith.cmpi ne, %convert_element_type3A_103, %cond3A_104 : i32
      scf.if %cond3A_105 {
        %run_scoped3A = arith.constant 1 : i32
        "tpu.region"() ({
          %run_scoped3A_197 = tpu.sem_alloc : memref<!tpu.dma_semaphore, #tpu.memory_space<semaphore_mem>>
          %dma_start3A_198 = arith.constant 0 : i32
          %dma_start3A_199 = tpu.memref_slice %arg7[%run_scoped3A, %dma_start3A_198] : memref<4x128xi32, #tpu.memory_space<vmem>> -> memref<1x128xi32, #tpu.memory_space<vmem>>
          %dma_start3A_200 = tpu.memref_squeeze %dma_start3A_199 : memref<1x128xi32, #tpu.memory_space<vmem>> -> memref<128xi32, #tpu.memory_space<vmem>>
          %dma_start3A_201 = tpu.memref_slice %arg2[%mul3A_100] : memref<320000xi32, #tpu.memory_space<hbm>> -> memref<128xi32, #tpu.memory_space<hbm>>
          %dma_start3A_202 = arith.constant 0 : i32
          %dma_start3A_203 = tpu.memref_slice %arg7[%run_scoped3A, %dma_start3A_202] : memref<4x128xi32, #tpu.memory_space<vmem>> -> memref<1x128xi32, #tpu.memory_space<vmem>>
          %dma_start3A_204 = tpu.memref_squeeze %dma_start3A_203 : memref<1x128xi32, #tpu.memory_space<vmem>> -> memref<128xi32, #tpu.memory_space<vmem>>
          %dma_start3A_205 = tpu.memref_slice %arg2[%mul3A_100] : memref<320000xi32, #tpu.memory_space<hbm>> -> memref<128xi32, #tpu.memory_space<hbm>>
          tpu.enqueue_dma source(%dma_start3A_205 : memref<128xi32, #tpu.memory_space<hbm>>) target(%dma_start3A_204 : memref<128xi32, #tpu.memory_space<vmem>>) target_semaphore(%run_scoped3A_197 : memref<!tpu.dma_semaphore, #tpu.memory_space<semaphore_mem>>)
          %dma_wait3A_206 = arith.constant 0 : i32
          %dma_wait3A_207 = tpu.memref_slice %arg7[%run_scoped3A, %dma_wait3A_206] : memref<4x128xi32, #tpu.memory_space<vmem>> -> memref<1x128xi32, #tpu.memory_space<vmem>>
          %dma_wait3A_208 = tpu.memref_squeeze %dma_wait3A_207 : memref<1x128xi32, #tpu.memory_space<vmem>> -> memref<128xi32, #tpu.memory_space<vmem>>
          %dma_wait3A_209 = tpu.memref_slice %arg2[%mul3A_100] : memref<320000xi32, #tpu.memory_space<hbm>> -> memref<128xi32, #tpu.memory_space<hbm>>
          %dma_wait3A_210 = arith.constant 0 : i32
          %dma_wait3A_211 = tpu.memref_slice %arg7[%run_scoped3A, %dma_wait3A_210] : memref<4x128xi32, #tpu.memory_space<vmem>> -> memref<1x128xi32, #tpu.memory_space<vmem>>
          %dma_wait3A_212 = tpu.memref_squeeze %dma_wait3A_211 : memref<1x128xi32, #tpu.memory_space<vmem>> -> memref<128xi32, #tpu.memory_space<vmem>>
          %dma_wait3A_213 = tpu.memref_slice %arg2[%mul3A_100] : memref<320000xi32, #tpu.memory_space<hbm>> -> memref<128xi32, #tpu.memory_space<hbm>>
          tpu.wait_dma2 semaphore(%run_scoped3A_197 : memref<!tpu.dma_semaphore, #tpu.memory_space<semaphore_mem>>) src(%dma_wait3A_213 : memref<128xi32, #tpu.memory_space<hbm>>) dst(%dma_wait3A_212 : memref<128xi32, #tpu.memory_space<vmem>>)
          tpu.yield
        }) : () -> ()
      } else {
      }
      %eq3A_106 = arith.constant 1 : i32
      %eq3A_107 = arith.cmpi eq, %arg0, %eq3A_106 : i32
      %convert_element_type3A_108 = arith.extui %eq3A_107 : i1 to i32
      %cond3A_109 = arith.constant 0 : i32
      %cond3A_110 = arith.cmpi ne, %convert_element_type3A_108, %cond3A_109 : i32
      scf.if %cond3A_110 {
        %run_scoped3A = arith.constant 1 : i32
        "tpu.region"() ({
          %run_scoped3A_197 = tpu.sem_alloc : memref<!tpu.dma_semaphore, #tpu.memory_space<semaphore_mem>>
          %dma_start3A_198 = arith.constant 0 : i32
          %dma_start3A_199 = tpu.memref_slice %arg7[%run_scoped3A, %dma_start3A_198] : memref<4x128xi32, #tpu.memory_space<vmem>> -> memref<1x128xi32, #tpu.memory_space<vmem>>
          %dma_start3A_200 = tpu.memref_squeeze %dma_start3A_199 : memref<1x128xi32, #tpu.memory_space<vmem>> -> memref<128xi32, #tpu.memory_space<vmem>>
          %dma_start3A_201 = tpu.memref_slice %arg3[%mul3A_100] : memref<320000xi32, #tpu.memory_space<hbm>> -> memref<128xi32, #tpu.memory_space<hbm>>
          %dma_start3A_202 = arith.constant 0 : i32
          %dma_start3A_203 = tpu.memref_slice %arg7[%run_scoped3A, %dma_start3A_202] : memref<4x128xi32, #tpu.memory_space<vmem>> -> memref<1x128xi32, #tpu.memory_space<vmem>>
          %dma_start3A_204 = tpu.memref_squeeze %dma_start3A_203 : memref<1x128xi32, #tpu.memory_space<vmem>> -> memref<128xi32, #tpu.memory_space<vmem>>
          %dma_start3A_205 = tpu.memref_slice %arg3[%mul3A_100] : memref<320000xi32, #tpu.memory_space<hbm>> -> memref<128xi32, #tpu.memory_space<hbm>>
          tpu.enqueue_dma source(%dma_start3A_205 : memref<128xi32, #tpu.memory_space<hbm>>) target(%dma_start3A_204 : memref<128xi32, #tpu.memory_space<vmem>>) target_semaphore(%run_scoped3A_197 : memref<!tpu.dma_semaphore, #tpu.memory_space<semaphore_mem>>)
          %dma_wait3A_206 = arith.constant 0 : i32
          %dma_wait3A_207 = tpu.memref_slice %arg7[%run_scoped3A, %dma_wait3A_206] : memref<4x128xi32, #tpu.memory_space<vmem>> -> memref<1x128xi32, #tpu.memory_space<vmem>>
          %dma_wait3A_208 = tpu.memref_squeeze %dma_wait3A_207 : memref<1x128xi32, #tpu.memory_space<vmem>> -> memref<128xi32, #tpu.memory_space<vmem>>
          %dma_wait3A_209 = tpu.memref_slice %arg3[%mul3A_100] : memref<320000xi32, #tpu.memory_space<hbm>> -> memref<128xi32, #tpu.memory_space<hbm>>
          %dma_wait3A_210 = arith.constant 0 : i32
          %dma_wait3A_211 = tpu.memref_slice %arg7[%run_scoped3A, %dma_wait3A_210] : memref<4x128xi32, #tpu.memory_space<vmem>> -> memref<1x128xi32, #tpu.memory_space<vmem>>
          %dma_wait3A_212 = tpu.memref_squeeze %dma_wait3A_211 : memref<1x128xi32, #tpu.memory_space<vmem>> -> memref<128xi32, #tpu.memory_space<vmem>>
          %dma_wait3A_213 = tpu.memref_slice %arg3[%mul3A_100] : memref<320000xi32, #tpu.memory_space<hbm>> -> memref<128xi32, #tpu.memory_space<hbm>>
          tpu.wait_dma2 semaphore(%run_scoped3A_197 : memref<!tpu.dma_semaphore, #tpu.memory_space<semaphore_mem>>) src(%dma_wait3A_213 : memref<128xi32, #tpu.memory_space<hbm>>) dst(%dma_wait3A_212 : memref<128xi32, #tpu.memory_space<vmem>>)
          tpu.yield
        }) : () -> ()
      } else {
      }
      %dma_start3A_111 = arith.constant 1 : i32
      %dma_start3A_112 = arith.constant 0 : i32
      %dma_start3A_113 = tpu.memref_slice %arg7[%dma_start3A_111, %dma_start3A_112] : memref<4x128xi32, #tpu.memory_space<vmem>> -> memref<1x128xi32, #tpu.memory_space<vmem>>
      %dma_start3A_114 = tpu.memref_squeeze %dma_start3A_113 : memref<1x128xi32, #tpu.memory_space<vmem>> -> memref<128xi32, #tpu.memory_space<vmem>>
      %dma_start3A_115 = arith.constant 0 : i32
      %dma_start3A_116 = arith.constant 0 : i32
      %dma_start3A_117 = tpu.memref_slice %arg9[%dma_start3A_115, %dma_start3A_116] : memref<10240x128xf32, #tpu.memory_space<vmem_shared>> -> memref<10240x128xf32, #tpu.memory_space<vmem_shared>>
      tpu.enqueue_indirect_dma source(%arg8 : memref<128x128xf32, #tpu.memory_space<vmem>>) target(%dma_start3A_117 : memref<10240x128xf32, #tpu.memory_space<vmem_shared>>) offsets(%dma_start3A_114 : memref<128xi32, #tpu.memory_space<vmem>>) semaphore(%arg11 : memref<!tpu.dma_semaphore, #tpu.memory_space<semaphore_mem>>) {add = true}
      %mul3A_118 = arith.constant 4 : i32
      %mul3A_119 = arith.muli %mul3A_118, %while3A_69 : i32
      %add3A_120 = arith.constant 2 : i32
      %add3A_121 = arith.addi %mul3A_119, %add3A_120 : i32
      %mul3A_122 = arith.constant 16 : i32
      %mul3A_123 = arith.muli %add3A_121, %mul3A_122 : i32
      %add3A_124 = arith.addi %arg1, %mul3A_123 : i32
      %mul3A_125 = arith.constant 128 : i32
      %mul3A_126 = arith.muli %add3A_124, %mul3A_125 : i32
      %eq3A_127 = arith.constant 0 : i32
      %eq3A_128 = arith.cmpi eq, %arg0, %eq3A_127 : i32
      %convert_element_type3A_129 = arith.extui %eq3A_128 : i1 to i32
      %cond3A_130 = arith.constant 0 : i32
      %cond3A_131 = arith.cmpi ne, %convert_element_type3A_129, %cond3A_130 : i32
      scf.if %cond3A_131 {
        %run_scoped3A = arith.constant 2 : i32
        "tpu.region"() ({
          %run_scoped3A_197 = tpu.sem_alloc : memref<!tpu.dma_semaphore, #tpu.memory_space<semaphore_mem>>
          %dma_start3A_198 = arith.constant 0 : i32
          %dma_start3A_199 = tpu.memref_slice %arg7[%run_scoped3A, %dma_start3A_198] : memref<4x128xi32, #tpu.memory_space<vmem>> -> memref<1x128xi32, #tpu.memory_space<vmem>>
          %dma_start3A_200 = tpu.memref_squeeze %dma_start3A_199 : memref<1x128xi32, #tpu.memory_space<vmem>> -> memref<128xi32, #tpu.memory_space<vmem>>
          %dma_start3A_201 = tpu.memref_slice %arg2[%mul3A_126] : memref<320000xi32, #tpu.memory_space<hbm>> -> memref<128xi32, #tpu.memory_space<hbm>>
          %dma_start3A_202 = arith.constant 0 : i32
          %dma_start3A_203 = tpu.memref_slice %arg7[%run_scoped3A, %dma_start3A_202] : memref<4x128xi32, #tpu.memory_space<vmem>> -> memref<1x128xi32, #tpu.memory_space<vmem>>
          %dma_start3A_204 = tpu.memref_squeeze %dma_start3A_203 : memref<1x128xi32, #tpu.memory_space<vmem>> -> memref<128xi32, #tpu.memory_space<vmem>>
          %dma_start3A_205 = tpu.memref_slice %arg2[%mul3A_126] : memref<320000xi32, #tpu.memory_space<hbm>> -> memref<128xi32, #tpu.memory_space<hbm>>
          tpu.enqueue_dma source(%dma_start3A_205 : memref<128xi32, #tpu.memory_space<hbm>>) target(%dma_start3A_204 : memref<128xi32, #tpu.memory_space<vmem>>) target_semaphore(%run_scoped3A_197 : memref<!tpu.dma_semaphore, #tpu.memory_space<semaphore_mem>>)
          %dma_wait3A_206 = arith.constant 0 : i32
          %dma_wait3A_207 = tpu.memref_slice %arg7[%run_scoped3A, %dma_wait3A_206] : memref<4x128xi32, #tpu.memory_space<vmem>> -> memref<1x128xi32, #tpu.memory_space<vmem>>
          %dma_wait3A_208 = tpu.memref_squeeze %dma_wait3A_207 : memref<1x128xi32, #tpu.memory_space<vmem>> -> memref<128xi32, #tpu.memory_space<vmem>>
          %dma_wait3A_209 = tpu.memref_slice %arg2[%mul3A_126] : memref<320000xi32, #tpu.memory_space<hbm>> -> memref<128xi32, #tpu.memory_space<hbm>>
          %dma_wait3A_210 = arith.constant 0 : i32
          %dma_wait3A_211 = tpu.memref_slice %arg7[%run_scoped3A, %dma_wait3A_210] : memref<4x128xi32, #tpu.memory_space<vmem>> -> memref<1x128xi32, #tpu.memory_space<vmem>>
          %dma_wait3A_212 = tpu.memref_squeeze %dma_wait3A_211 : memref<1x128xi32, #tpu.memory_space<vmem>> -> memref<128xi32, #tpu.memory_space<vmem>>
          %dma_wait3A_213 = tpu.memref_slice %arg2[%mul3A_126] : memref<320000xi32, #tpu.memory_space<hbm>> -> memref<128xi32, #tpu.memory_space<hbm>>
          tpu.wait_dma2 semaphore(%run_scoped3A_197 : memref<!tpu.dma_semaphore, #tpu.memory_space<semaphore_mem>>) src(%dma_wait3A_213 : memref<128xi32, #tpu.memory_space<hbm>>) dst(%dma_wait3A_212 : memref<128xi32, #tpu.memory_space<vmem>>)
          tpu.yield
        }) : () -> ()
      } else {
      }
      %eq3A_132 = arith.constant 1 : i32
      %eq3A_133 = arith.cmpi eq, %arg0, %eq3A_132 : i32
      %convert_element_type3A_134 = arith.extui %eq3A_133 : i1 to i32
      %cond3A_135 = arith.constant 0 : i32
      %cond3A_136 = arith.cmpi ne, %convert_element_type3A_134, %cond3A_135 : i32
      scf.if %cond3A_136 {
        %run_scoped3A = arith.constant 2 : i32
        "tpu.region"() ({
          %run_scoped3A_197 = tpu.sem_alloc : memref<!tpu.dma_semaphore, #tpu.memory_space<semaphore_mem>>
          %dma_start3A_198 = arith.constant 0 : i32
          %dma_start3A_199 = tpu.memref_slice %arg7[%run_scoped3A, %dma_start3A_198] : memref<4x128xi32, #tpu.memory_space<vmem>> -> memref<1x128xi32, #tpu.memory_space<vmem>>
          %dma_start3A_200 = tpu.memref_squeeze %dma_start3A_199 : memref<1x128xi32, #tpu.memory_space<vmem>> -> memref<128xi32, #tpu.memory_space<vmem>>
          %dma_start3A_201 = tpu.memref_slice %arg3[%mul3A_126] : memref<320000xi32, #tpu.memory_space<hbm>> -> memref<128xi32, #tpu.memory_space<hbm>>
          %dma_start3A_202 = arith.constant 0 : i32
          %dma_start3A_203 = tpu.memref_slice %arg7[%run_scoped3A, %dma_start3A_202] : memref<4x128xi32, #tpu.memory_space<vmem>> -> memref<1x128xi32, #tpu.memory_space<vmem>>
          %dma_start3A_204 = tpu.memref_squeeze %dma_start3A_203 : memref<1x128xi32, #tpu.memory_space<vmem>> -> memref<128xi32, #tpu.memory_space<vmem>>
          %dma_start3A_205 = tpu.memref_slice %arg3[%mul3A_126] : memref<320000xi32, #tpu.memory_space<hbm>> -> memref<128xi32, #tpu.memory_space<hbm>>
          tpu.enqueue_dma source(%dma_start3A_205 : memref<128xi32, #tpu.memory_space<hbm>>) target(%dma_start3A_204 : memref<128xi32, #tpu.memory_space<vmem>>) target_semaphore(%run_scoped3A_197 : memref<!tpu.dma_semaphore, #tpu.memory_space<semaphore_mem>>)
          %dma_wait3A_206 = arith.constant 0 : i32
          %dma_wait3A_207 = tpu.memref_slice %arg7[%run_scoped3A, %dma_wait3A_206] : memref<4x128xi32, #tpu.memory_space<vmem>> -> memref<1x128xi32, #tpu.memory_space<vmem>>
          %dma_wait3A_208 = tpu.memref_squeeze %dma_wait3A_207 : memref<1x128xi32, #tpu.memory_space<vmem>> -> memref<128xi32, #tpu.memory_space<vmem>>
          %dma_wait3A_209 = tpu.memref_slice %arg3[%mul3A_126] : memref<320000xi32, #tpu.memory_space<hbm>> -> memref<128xi32, #tpu.memory_space<hbm>>
          %dma_wait3A_210 = arith.constant 0 : i32
          %dma_wait3A_211 = tpu.memref_slice %arg7[%run_scoped3A, %dma_wait3A_210] : memref<4x128xi32, #tpu.memory_space<vmem>> -> memref<1x128xi32, #tpu.memory_space<vmem>>
          %dma_wait3A_212 = tpu.memref_squeeze %dma_wait3A_211 : memref<1x128xi32, #tpu.memory_space<vmem>> -> memref<128xi32, #tpu.memory_space<vmem>>
          %dma_wait3A_213 = tpu.memref_slice %arg3[%mul3A_126] : memref<320000xi32, #tpu.memory_space<hbm>> -> memref<128xi32, #tpu.memory_space<hbm>>
          tpu.wait_dma2 semaphore(%run_scoped3A_197 : memref<!tpu.dma_semaphore, #tpu.memory_space<semaphore_mem>>) src(%dma_wait3A_213 : memref<128xi32, #tpu.memory_space<hbm>>) dst(%dma_wait3A_212 : memref<128xi32, #tpu.memory_space<vmem>>)
          tpu.yield
        }) : () -> ()
      } else {
      }
      %dma_start3A_137 = arith.constant 2 : i32
      %dma_start3A_138 = arith.constant 0 : i32
      %dma_start3A_139 = tpu.memref_slice %arg7[%dma_start3A_137, %dma_start3A_138] : memref<4x128xi32, #tpu.memory_space<vmem>> -> memref<1x128xi32, #tpu.memory_space<vmem>>
      %dma_start3A_140 = tpu.memref_squeeze %dma_start3A_139 : memref<1x128xi32, #tpu.memory_space<vmem>> -> memref<128xi32, #tpu.memory_space<vmem>>
      %dma_start3A_141 = arith.constant 0 : i32
      %dma_start3A_142 = arith.constant 0 : i32
      %dma_start3A_143 = tpu.memref_slice %arg9[%dma_start3A_141, %dma_start3A_142] : memref<10240x128xf32, #tpu.memory_space<vmem_shared>> -> memref<10240x128xf32, #tpu.memory_space<vmem_shared>>
      tpu.enqueue_indirect_dma source(%arg8 : memref<128x128xf32, #tpu.memory_space<vmem>>) target(%dma_start3A_143 : memref<10240x128xf32, #tpu.memory_space<vmem_shared>>) offsets(%dma_start3A_140 : memref<128xi32, #tpu.memory_space<vmem>>) semaphore(%arg12 : memref<!tpu.dma_semaphore, #tpu.memory_space<semaphore_mem>>) {add = true}
      %mul3A_144 = arith.constant 4 : i32
      %mul3A_145 = arith.muli %mul3A_144, %while3A_69 : i32
      %add3A_146 = arith.constant 3 : i32
      %add3A_147 = arith.addi %mul3A_145, %add3A_146 : i32
      %mul3A_148 = arith.constant 16 : i32
      %mul3A_149 = arith.muli %add3A_147, %mul3A_148 : i32
      %add3A_150 = arith.addi %arg1, %mul3A_149 : i32
      %mul3A_151 = arith.constant 128 : i32
      %mul3A_152 = arith.muli %add3A_150, %mul3A_151 : i32
      %eq3A_153 = arith.constant 0 : i32
      %eq3A_154 = arith.cmpi eq, %arg0, %eq3A_153 : i32
      %convert_element_type3A_155 = arith.extui %eq3A_154 : i1 to i32
      %cond3A_156 = arith.constant 0 : i32
      %cond3A_157 = arith.cmpi ne, %convert_element_type3A_155, %cond3A_156 : i32
      scf.if %cond3A_157 {
        %run_scoped3A = arith.constant 3 : i32
        "tpu.region"() ({
          %run_scoped3A_197 = tpu.sem_alloc : memref<!tpu.dma_semaphore, #tpu.memory_space<semaphore_mem>>
          %dma_start3A_198 = arith.constant 0 : i32
          %dma_start3A_199 = tpu.memref_slice %arg7[%run_scoped3A, %dma_start3A_198] : memref<4x128xi32, #tpu.memory_space<vmem>> -> memref<1x128xi32, #tpu.memory_space<vmem>>
          %dma_start3A_200 = tpu.memref_squeeze %dma_start3A_199 : memref<1x128xi32, #tpu.memory_space<vmem>> -> memref<128xi32, #tpu.memory_space<vmem>>
          %dma_start3A_201 = tpu.memref_slice %arg2[%mul3A_152] : memref<320000xi32, #tpu.memory_space<hbm>> -> memref<128xi32, #tpu.memory_space<hbm>>
          %dma_start3A_202 = arith.constant 0 : i32
          %dma_start3A_203 = tpu.memref_slice %arg7[%run_scoped3A, %dma_start3A_202] : memref<4x128xi32, #tpu.memory_space<vmem>> -> memref<1x128xi32, #tpu.memory_space<vmem>>
          %dma_start3A_204 = tpu.memref_squeeze %dma_start3A_203 : memref<1x128xi32, #tpu.memory_space<vmem>> -> memref<128xi32, #tpu.memory_space<vmem>>
          %dma_start3A_205 = tpu.memref_slice %arg2[%mul3A_152] : memref<320000xi32, #tpu.memory_space<hbm>> -> memref<128xi32, #tpu.memory_space<hbm>>
          tpu.enqueue_dma source(%dma_start3A_205 : memref<128xi32, #tpu.memory_space<hbm>>) target(%dma_start3A_204 : memref<128xi32, #tpu.memory_space<vmem>>) target_semaphore(%run_scoped3A_197 : memref<!tpu.dma_semaphore, #tpu.memory_space<semaphore_mem>>)
          %dma_wait3A_206 = arith.constant 0 : i32
          %dma_wait3A_207 = tpu.memref_slice %arg7[%run_scoped3A, %dma_wait3A_206] : memref<4x128xi32, #tpu.memory_space<vmem>> -> memref<1x128xi32, #tpu.memory_space<vmem>>
          %dma_wait3A_208 = tpu.memref_squeeze %dma_wait3A_207 : memref<1x128xi32, #tpu.memory_space<vmem>> -> memref<128xi32, #tpu.memory_space<vmem>>
          %dma_wait3A_209 = tpu.memref_slice %arg2[%mul3A_152] : memref<320000xi32, #tpu.memory_space<hbm>> -> memref<128xi32, #tpu.memory_space<hbm>>
          %dma_wait3A_210 = arith.constant 0 : i32
          %dma_wait3A_211 = tpu.memref_slice %arg7[%run_scoped3A, %dma_wait3A_210] : memref<4x128xi32, #tpu.memory_space<vmem>> -> memref<1x128xi32, #tpu.memory_space<vmem>>
          %dma_wait3A_212 = tpu.memref_squeeze %dma_wait3A_211 : memref<1x128xi32, #tpu.memory_space<vmem>> -> memref<128xi32, #tpu.memory_space<vmem>>
          %dma_wait3A_213 = tpu.memref_slice %arg2[%mul3A_152] : memref<320000xi32, #tpu.memory_space<hbm>> -> memref<128xi32, #tpu.memory_space<hbm>>
          tpu.wait_dma2 semaphore(%run_scoped3A_197 : memref<!tpu.dma_semaphore, #tpu.memory_space<semaphore_mem>>) src(%dma_wait3A_213 : memref<128xi32, #tpu.memory_space<hbm>>) dst(%dma_wait3A_212 : memref<128xi32, #tpu.memory_space<vmem>>)
          tpu.yield
        }) : () -> ()
      } else {
      }
      %eq3A_158 = arith.constant 1 : i32
      %eq3A_159 = arith.cmpi eq, %arg0, %eq3A_158 : i32
      %convert_element_type3A_160 = arith.extui %eq3A_159 : i1 to i32
      %cond3A_161 = arith.constant 0 : i32
      %cond3A_162 = arith.cmpi ne, %convert_element_type3A_160, %cond3A_161 : i32
      scf.if %cond3A_162 {
        %run_scoped3A = arith.constant 3 : i32
        "tpu.region"() ({
          %run_scoped3A_197 = tpu.sem_alloc : memref<!tpu.dma_semaphore, #tpu.memory_space<semaphore_mem>>
          %dma_start3A_198 = arith.constant 0 : i32
          %dma_start3A_199 = tpu.memref_slice %arg7[%run_scoped3A, %dma_start3A_198] : memref<4x128xi32, #tpu.memory_space<vmem>> -> memref<1x128xi32, #tpu.memory_space<vmem>>
          %dma_start3A_200 = tpu.memref_squeeze %dma_start3A_199 : memref<1x128xi32, #tpu.memory_space<vmem>> -> memref<128xi32, #tpu.memory_space<vmem>>
          %dma_start3A_201 = tpu.memref_slice %arg3[%mul3A_152] : memref<320000xi32, #tpu.memory_space<hbm>> -> memref<128xi32, #tpu.memory_space<hbm>>
          %dma_start3A_202 = arith.constant 0 : i32
          %dma_start3A_203 = tpu.memref_slice %arg7[%run_scoped3A, %dma_start3A_202] : memref<4x128xi32, #tpu.memory_space<vmem>> -> memref<1x128xi32, #tpu.memory_space<vmem>>
          %dma_start3A_204 = tpu.memref_squeeze %dma_start3A_203 : memref<1x128xi32, #tpu.memory_space<vmem>> -> memref<128xi32, #tpu.memory_space<vmem>>
          %dma_start3A_205 = tpu.memref_slice %arg3[%mul3A_152] : memref<320000xi32, #tpu.memory_space<hbm>> -> memref<128xi32, #tpu.memory_space<hbm>>
          tpu.enqueue_dma source(%dma_start3A_205 : memref<128xi32, #tpu.memory_space<hbm>>) target(%dma_start3A_204 : memref<128xi32, #tpu.memory_space<vmem>>) target_semaphore(%run_scoped3A_197 : memref<!tpu.dma_semaphore, #tpu.memory_space<semaphore_mem>>)
          %dma_wait3A_206 = arith.constant 0 : i32
          %dma_wait3A_207 = tpu.memref_slice %arg7[%run_scoped3A, %dma_wait3A_206] : memref<4x128xi32, #tpu.memory_space<vmem>> -> memref<1x128xi32, #tpu.memory_space<vmem>>
          %dma_wait3A_208 = tpu.memref_squeeze %dma_wait3A_207 : memref<1x128xi32, #tpu.memory_space<vmem>> -> memref<128xi32, #tpu.memory_space<vmem>>
          %dma_wait3A_209 = tpu.memref_slice %arg3[%mul3A_152] : memref<320000xi32, #tpu.memory_space<hbm>> -> memref<128xi32, #tpu.memory_space<hbm>>
          %dma_wait3A_210 = arith.constant 0 : i32
          %dma_wait3A_211 = tpu.memref_slice %arg7[%run_scoped3A, %dma_wait3A_210] : memref<4x128xi32, #tpu.memory_space<vmem>> -> memref<1x128xi32, #tpu.memory_space<vmem>>
          %dma_wait3A_212 = tpu.memref_squeeze %dma_wait3A_211 : memref<1x128xi32, #tpu.memory_space<vmem>> -> memref<128xi32, #tpu.memory_space<vmem>>
          %dma_wait3A_213 = tpu.memref_slice %arg3[%mul3A_152] : memref<320000xi32, #tpu.memory_space<hbm>> -> memref<128xi32, #tpu.memory_space<hbm>>
          tpu.wait_dma2 semaphore(%run_scoped3A_197 : memref<!tpu.dma_semaphore, #tpu.memory_space<semaphore_mem>>) src(%dma_wait3A_213 : memref<128xi32, #tpu.memory_space<hbm>>) dst(%dma_wait3A_212 : memref<128xi32, #tpu.memory_space<vmem>>)
          tpu.yield
        }) : () -> ()
      } else {
      }
      %dma_start3A_163 = arith.constant 3 : i32
      %dma_start3A_164 = arith.constant 0 : i32
      %dma_start3A_165 = tpu.memref_slice %arg7[%dma_start3A_163, %dma_start3A_164] : memref<4x128xi32, #tpu.memory_space<vmem>> -> memref<1x128xi32, #tpu.memory_space<vmem>>
      %dma_start3A_166 = tpu.memref_squeeze %dma_start3A_165 : memref<1x128xi32, #tpu.memory_space<vmem>> -> memref<128xi32, #tpu.memory_space<vmem>>
      %dma_start3A_167 = arith.constant 0 : i32
      %dma_start3A_168 = arith.constant 0 : i32
      %dma_start3A_169 = tpu.memref_slice %arg9[%dma_start3A_167, %dma_start3A_168] : memref<10240x128xf32, #tpu.memory_space<vmem_shared>> -> memref<10240x128xf32, #tpu.memory_space<vmem_shared>>
      tpu.enqueue_indirect_dma source(%arg8 : memref<128x128xf32, #tpu.memory_space<vmem>>) target(%dma_start3A_169 : memref<10240x128xf32, #tpu.memory_space<vmem_shared>>) offsets(%dma_start3A_166 : memref<128xi32, #tpu.memory_space<vmem>>) semaphore(%arg13 : memref<!tpu.dma_semaphore, #tpu.memory_space<semaphore_mem>>) {add = true}
      %dma_wait3A = arith.constant 0 : i32
      %dma_wait3A_170 = arith.constant 0 : i32
      %dma_wait3A_171 = tpu.memref_slice %arg7[%dma_wait3A, %dma_wait3A_170] : memref<4x128xi32, #tpu.memory_space<vmem>> -> memref<1x128xi32, #tpu.memory_space<vmem>>
      %dma_wait3A_172 = tpu.memref_squeeze %dma_wait3A_171 : memref<1x128xi32, #tpu.memory_space<vmem>> -> memref<128xi32, #tpu.memory_space<vmem>>
      %dma_wait3A_173 = arith.constant 0 : i32
      %dma_wait3A_174 = arith.constant 0 : i32
      %dma_wait3A_175 = tpu.memref_slice %arg9[%dma_wait3A_173, %dma_wait3A_174] : memref<10240x128xf32, #tpu.memory_space<vmem_shared>> -> memref<10240x128xf32, #tpu.memory_space<vmem_shared>>
      tpu.wait_indirect_dma semaphore(%arg10 : memref<!tpu.dma_semaphore, #tpu.memory_space<semaphore_mem>>) src(%arg8 : memref<128x128xf32, #tpu.memory_space<vmem>>) dst(%dma_wait3A_175 : memref<10240x128xf32, #tpu.memory_space<vmem_shared>>)
      %dma_wait3A_176 = arith.constant 1 : i32
      %dma_wait3A_177 = arith.constant 0 : i32
      %dma_wait3A_178 = tpu.memref_slice %arg7[%dma_wait3A_176, %dma_wait3A_177] : memref<4x128xi32, #tpu.memory_space<vmem>> -> memref<1x128xi32, #tpu.memory_space<vmem>>
      %dma_wait3A_179 = tpu.memref_squeeze %dma_wait3A_178 : memref<1x128xi32, #tpu.memory_space<vmem>> -> memref<128xi32, #tpu.memory_space<vmem>>
      %dma_wait3A_180 = arith.constant 0 : i32
      %dma_wait3A_181 = arith.constant 0 : i32
      %dma_wait3A_182 = tpu.memref_slice %arg9[%dma_wait3A_180, %dma_wait3A_181] : memref<10240x128xf32, #tpu.memory_space<vmem_shared>> -> memref<10240x128xf32, #tpu.memory_space<vmem_shared>>
      tpu.wait_indirect_dma semaphore(%arg11 : memref<!tpu.dma_semaphore, #tpu.memory_space<semaphore_mem>>) src(%arg8 : memref<128x128xf32, #tpu.memory_space<vmem>>) dst(%dma_wait3A_182 : memref<10240x128xf32, #tpu.memory_space<vmem_shared>>)
      %dma_wait3A_183 = arith.constant 2 : i32
      %dma_wait3A_184 = arith.constant 0 : i32
      %dma_wait3A_185 = tpu.memref_slice %arg7[%dma_wait3A_183, %dma_wait3A_184] : memref<4x128xi32, #tpu.memory_space<vmem>> -> memref<1x128xi32, #tpu.memory_space<vmem>>
      %dma_wait3A_186 = tpu.memref_squeeze %dma_wait3A_185 : memref<1x128xi32, #tpu.memory_space<vmem>> -> memref<128xi32, #tpu.memory_space<vmem>>
      %dma_wait3A_187 = arith.constant 0 : i32
      %dma_wait3A_188 = arith.constant 0 : i32
      %dma_wait3A_189 = tpu.memref_slice %arg9[%dma_wait3A_187, %dma_wait3A_188] : memref<10240x128xf32, #tpu.memory_space<vmem_shared>> -> memref<10240x128xf32, #tpu.memory_space<vmem_shared>>
      tpu.wait_indirect_dma semaphore(%arg12 : memref<!tpu.dma_semaphore, #tpu.memory_space<semaphore_mem>>) src(%arg8 : memref<128x128xf32, #tpu.memory_space<vmem>>) dst(%dma_wait3A_189 : memref<10240x128xf32, #tpu.memory_space<vmem_shared>>)
      %dma_wait3A_190 = arith.constant 3 : i32
      %dma_wait3A_191 = arith.constant 0 : i32
      %dma_wait3A_192 = tpu.memref_slice %arg7[%dma_wait3A_190, %dma_wait3A_191] : memref<4x128xi32, #tpu.memory_space<vmem>> -> memref<1x128xi32, #tpu.memory_space<vmem>>
      %dma_wait3A_193 = tpu.memref_squeeze %dma_wait3A_192 : memref<1x128xi32, #tpu.memory_space<vmem>> -> memref<128xi32, #tpu.memory_space<vmem>>
      %dma_wait3A_194 = arith.constant 0 : i32
      %dma_wait3A_195 = arith.constant 0 : i32
      %dma_wait3A_196 = tpu.memref_slice %arg9[%dma_wait3A_194, %dma_wait3A_195] : memref<10240x128xf32, #tpu.memory_space<vmem_shared>> -> memref<10240x128xf32, #tpu.memory_space<vmem_shared>>
      tpu.wait_indirect_dma semaphore(%arg13 : memref<!tpu.dma_semaphore, #tpu.memory_space<semaphore_mem>>) src(%arg8 : memref<128x128xf32, #tpu.memory_space<vmem>>) dst(%dma_wait3A_196 : memref<10240x128xf32, #tpu.memory_space<vmem_shared>>)
    }
    %while3A_54 = arith.constant 1 : i32
    scf.for %while3A_69 = %while3A_52 to %while3A_48 step %while3A_54  : i32 {
      %mul3A_70 = arith.constant 4 : i32
      %mul3A_71 = arith.muli %mul3A_70, %while3A_69 : i32
      %add3A_72 = arith.constant 0 : i32
      %add3A_73 = arith.addi %mul3A_71, %add3A_72 : i32
      %mul3A_74 = arith.constant 16 : i32
      %mul3A_75 = arith.muli %add3A_73, %mul3A_74 : i32
      %add3A_76 = arith.addi %arg1, %mul3A_75 : i32
      %mul3A_77 = arith.constant 128 : i32
      %mul3A_78 = arith.muli %add3A_76, %mul3A_77 : i32
      %eq3A = arith.constant 0 : i32
      %eq3A_79 = arith.cmpi eq, %arg0, %eq3A : i32
      %convert_element_type3A = arith.extui %eq3A_79 : i1 to i32
      %cond3A = arith.constant 0 : i32
      %cond3A_80 = arith.cmpi ne, %convert_element_type3A, %cond3A : i32
      scf.if %cond3A_80 {
        %run_scoped3A = arith.constant 0 : i32
        "tpu.region"() ({
          %run_scoped3A_197 = tpu.sem_alloc : memref<!tpu.dma_semaphore, #tpu.memory_space<semaphore_mem>>
          %dma_start3A_198 = arith.constant 0 : i32
          %dma_start3A_199 = tpu.memref_slice %arg7[%run_scoped3A, %dma_start3A_198] : memref<4x128xi32, #tpu.memory_space<vmem>> -> memref<1x128xi32, #tpu.memory_space<vmem>>
          %dma_start3A_200 = tpu.memref_squeeze %dma_start3A_199 : memref<1x128xi32, #tpu.memory_space<vmem>> -> memref<128xi32, #tpu.memory_space<vmem>>
          %dma_start3A_201 = tpu.memref_slice %arg2[%mul3A_78] : memref<320000xi32, #tpu.memory_space<hbm>> -> memref<128xi32, #tpu.memory_space<hbm>>
          %dma_start3A_202 = arith.constant 0 : i32
          %dma_start3A_203 = tpu.memref_slice %arg7[%run_scoped3A, %dma_start3A_202] : memref<4x128xi32, #tpu.memory_space<vmem>> -> memref<1x128xi32, #tpu.memory_space<vmem>>
          %dma_start3A_204 = tpu.memref_squeeze %dma_start3A_203 : memref<1x128xi32, #tpu.memory_space<vmem>> -> memref<128xi32, #tpu.memory_space<vmem>>
          %dma_start3A_205 = tpu.memref_slice %arg2[%mul3A_78] : memref<320000xi32, #tpu.memory_space<hbm>> -> memref<128xi32, #tpu.memory_space<hbm>>
          tpu.enqueue_dma source(%dma_start3A_205 : memref<128xi32, #tpu.memory_space<hbm>>) target(%dma_start3A_204 : memref<128xi32, #tpu.memory_space<vmem>>) target_semaphore(%run_scoped3A_197 : memref<!tpu.dma_semaphore, #tpu.memory_space<semaphore_mem>>)
          %dma_wait3A_206 = arith.constant 0 : i32
          %dma_wait3A_207 = tpu.memref_slice %arg7[%run_scoped3A, %dma_wait3A_206] : memref<4x128xi32, #tpu.memory_space<vmem>> -> memref<1x128xi32, #tpu.memory_space<vmem>>
          %dma_wait3A_208 = tpu.memref_squeeze %dma_wait3A_207 : memref<1x128xi32, #tpu.memory_space<vmem>> -> memref<128xi32, #tpu.memory_space<vmem>>
          %dma_wait3A_209 = tpu.memref_slice %arg2[%mul3A_78] : memref<320000xi32, #tpu.memory_space<hbm>> -> memref<128xi32, #tpu.memory_space<hbm>>
          %dma_wait3A_210 = arith.constant 0 : i32
          %dma_wait3A_211 = tpu.memref_slice %arg7[%run_scoped3A, %dma_wait3A_210] : memref<4x128xi32, #tpu.memory_space<vmem>> -> memref<1x128xi32, #tpu.memory_space<vmem>>
          %dma_wait3A_212 = tpu.memref_squeeze %dma_wait3A_211 : memref<1x128xi32, #tpu.memory_space<vmem>> -> memref<128xi32, #tpu.memory_space<vmem>>
          %dma_wait3A_213 = tpu.memref_slice %arg2[%mul3A_78] : memref<320000xi32, #tpu.memory_space<hbm>> -> memref<128xi32, #tpu.memory_space<hbm>>
          tpu.wait_dma2 semaphore(%run_scoped3A_197 : memref<!tpu.dma_semaphore, #tpu.memory_space<semaphore_mem>>) src(%dma_wait3A_213 : memref<128xi32, #tpu.memory_space<hbm>>) dst(%dma_wait3A_212 : memref<128xi32, #tpu.memory_space<vmem>>)
          tpu.yield
        }) : () -> ()
      } else {
      }
      %eq3A_81 = arith.constant 1 : i32
      %eq3A_82 = arith.cmpi eq, %arg0, %eq3A_81 : i32
      %convert_element_type3A_83 = arith.extui %eq3A_82 : i1 to i32
      %cond3A_84 = arith.constant 0 : i32
      %cond3A_85 = arith.cmpi ne, %convert_element_type3A_83, %cond3A_84 : i32
      scf.if %cond3A_85 {
        %run_scoped3A = arith.constant 0 : i32
        "tpu.region"() ({
          %run_scoped3A_197 = tpu.sem_alloc : memref<!tpu.dma_semaphore, #tpu.memory_space<semaphore_mem>>
          %dma_start3A_198 = arith.constant 0 : i32
          %dma_start3A_199 = tpu.memref_slice %arg7[%run_scoped3A, %dma_start3A_198] : memref<4x128xi32, #tpu.memory_space<vmem>> -> memref<1x128xi32, #tpu.memory_space<vmem>>
          %dma_start3A_200 = tpu.memref_squeeze %dma_start3A_199 : memref<1x128xi32, #tpu.memory_space<vmem>> -> memref<128xi32, #tpu.memory_space<vmem>>
          %dma_start3A_201 = tpu.memref_slice %arg3[%mul3A_78] : memref<320000xi32, #tpu.memory_space<hbm>> -> memref<128xi32, #tpu.memory_space<hbm>>
          %dma_start3A_202 = arith.constant 0 : i32
          %dma_start3A_203 = tpu.memref_slice %arg7[%run_scoped3A, %dma_start3A_202] : memref<4x128xi32, #tpu.memory_space<vmem>> -> memref<1x128xi32, #tpu.memory_space<vmem>>
          %dma_start3A_204 = tpu.memref_squeeze %dma_start3A_203 : memref<1x128xi32, #tpu.memory_space<vmem>> -> memref<128xi32, #tpu.memory_space<vmem>>
          %dma_start3A_205 = tpu.memref_slice %arg3[%mul3A_78] : memref<320000xi32, #tpu.memory_space<hbm>> -> memref<128xi32, #tpu.memory_space<hbm>>
          tpu.enqueue_dma source(%dma_start3A_205 : memref<128xi32, #tpu.memory_space<hbm>>) target(%dma_start3A_204 : memref<128xi32, #tpu.memory_space<vmem>>) target_semaphore(%run_scoped3A_197 : memref<!tpu.dma_semaphore, #tpu.memory_space<semaphore_mem>>)
          %dma_wait3A_206 = arith.constant 0 : i32
          %dma_wait3A_207 = tpu.memref_slice %arg7[%run_scoped3A, %dma_wait3A_206] : memref<4x128xi32, #tpu.memory_space<vmem>> -> memref<1x128xi32, #tpu.memory_space<vmem>>
          %dma_wait3A_208 = tpu.memref_squeeze %dma_wait3A_207 : memref<1x128xi32, #tpu.memory_space<vmem>> -> memref<128xi32, #tpu.memory_space<vmem>>
          %dma_wait3A_209 = tpu.memref_slice %arg3[%mul3A_78] : memref<320000xi32, #tpu.memory_space<hbm>> -> memref<128xi32, #tpu.memory_space<hbm>>
          %dma_wait3A_210 = arith.constant 0 : i32
          %dma_wait3A_211 = tpu.memref_slice %arg7[%run_scoped3A, %dma_wait3A_210] : memref<4x128xi32, #tpu.memory_space<vmem>> -> memref<1x128xi32, #tpu.memory_space<vmem>>
          %dma_wait3A_212 = tpu.memref_squeeze %dma_wait3A_211 : memref<1x128xi32, #tpu.memory_space<vmem>> -> memref<128xi32, #tpu.memory_space<vmem>>
          %dma_wait3A_213 = tpu.memref_slice %arg3[%mul3A_78] : memref<320000xi32, #tpu.memory_space<hbm>> -> memref<128xi32, #tpu.memory_space<hbm>>
          tpu.wait_dma2 semaphore(%run_scoped3A_197 : memref<!tpu.dma_semaphore, #tpu.memory_space<semaphore_mem>>) src(%dma_wait3A_213 : memref<128xi32, #tpu.memory_space<hbm>>) dst(%dma_wait3A_212 : memref<128xi32, #tpu.memory_space<vmem>>)
          tpu.yield
        }) : () -> ()
      } else {
      }
      %dma_start3A = arith.constant 0 : i32
      %dma_start3A_86 = arith.constant 0 : i32
      %dma_start3A_87 = tpu.memref_slice %arg7[%dma_start3A, %dma_start3A_86] : memref<4x128xi32, #tpu.memory_space<vmem>> -> memref<1x128xi32, #tpu.memory_space<vmem>>
      %dma_start3A_88 = tpu.memref_squeeze %dma_start3A_87 : memref<1x128xi32, #tpu.memory_space<vmem>> -> memref<128xi32, #tpu.memory_space<vmem>>
      %dma_start3A_89 = arith.constant 0 : i32
      %dma_start3A_90 = arith.constant 0 : i32
      %dma_start3A_91 = tpu.memref_slice %arg9[%dma_start3A_89, %dma_start3A_90] : memref<10240x128xf32, #tpu.memory_space<vmem_shared>> -> memref<10240x128xf32, #tpu.memory_space<vmem_shared>>
      tpu.enqueue_indirect_dma source(%arg8 : memref<128x128xf32, #tpu.memory_space<vmem>>) target(%dma_start3A_91 : memref<10240x128xf32, #tpu.memory_space<vmem_shared>>) offsets(%dma_start3A_88 : memref<128xi32, #tpu.memory_space<vmem>>) semaphore(%arg10 : memref<!tpu.dma_semaphore, #tpu.memory_space<semaphore_mem>>) {add = true}
      %mul3A_92 = arith.constant 4 : i32
      %mul3A_93 = arith.muli %mul3A_92, %while3A_69 : i32
      %add3A_94 = arith.constant 1 : i32
      %add3A_95 = arith.addi %mul3A_93, %add3A_94 : i32
      %mul3A_96 = arith.constant 16 : i32
      %mul3A_97 = arith.muli %add3A_95, %mul3A_96 : i32
      %add3A_98 = arith.addi %arg1, %mul3A_97 : i32
      %mul3A_99 = arith.constant 128 : i32
      %mul3A_100 = arith.muli %add3A_98, %mul3A_99 : i32
      %eq3A_101 = arith.constant 0 : i32
      %eq3A_102 = arith.cmpi eq, %arg0, %eq3A_101 : i32
      %convert_element_type3A_103 = arith.extui %eq3A_102 : i1 to i32
      %cond3A_104 = arith.constant 0 : i32
      %cond3A_105 = arith.cmpi ne, %convert_element_type3A_103, %cond3A_104 : i32
      scf.if %cond3A_105 {
        %run_scoped3A = arith.constant 1 : i32
        "tpu.region"() ({
          %run_scoped3A_197 = tpu.sem_alloc : memref<!tpu.dma_semaphore, #tpu.memory_space<semaphore_mem>>
          %dma_start3A_198 = arith.constant 0 : i32
          %dma_start3A_199 = tpu.memref_slice %arg7[%run_scoped3A, %dma_start3A_198] : memref<4x128xi32, #tpu.memory_space<vmem>> -> memref<1x128xi32, #tpu.memory_space<vmem>>
          %dma_start3A_200 = tpu.memref_squeeze %dma_start3A_199 : memref<1x128xi32, #tpu.memory_space<vmem>> -> memref<128xi32, #tpu.memory_space<vmem>>
          %dma_start3A_201 = tpu.memref_slice %arg2[%mul3A_100] : memref<320000xi32, #tpu.memory_space<hbm>> -> memref<128xi32, #tpu.memory_space<hbm>>
          %dma_start3A_202 = arith.constant 0 : i32
          %dma_start3A_203 = tpu.memref_slice %arg7[%run_scoped3A, %dma_start3A_202] : memref<4x128xi32, #tpu.memory_space<vmem>> -> memref<1x128xi32, #tpu.memory_space<vmem>>
          %dma_start3A_204 = tpu.memref_squeeze %dma_start3A_203 : memref<1x128xi32, #tpu.memory_space<vmem>> -> memref<128xi32, #tpu.memory_space<vmem>>
          %dma_start3A_205 = tpu.memref_slice %arg2[%mul3A_100] : memref<320000xi32, #tpu.memory_space<hbm>> -> memref<128xi32, #tpu.memory_space<hbm>>
          tpu.enqueue_dma source(%dma_start3A_205 : memref<128xi32, #tpu.memory_space<hbm>>) target(%dma_start3A_204 : memref<128xi32, #tpu.memory_space<vmem>>) target_semaphore(%run_scoped3A_197 : memref<!tpu.dma_semaphore, #tpu.memory_space<semaphore_mem>>)
          %dma_wait3A_206 = arith.constant 0 : i32
          %dma_wait3A_207 = tpu.memref_slice %arg7[%run_scoped3A, %dma_wait3A_206] : memref<4x128xi32, #tpu.memory_space<vmem>> -> memref<1x128xi32, #tpu.memory_space<vmem>>
          %dma_wait3A_208 = tpu.memref_squeeze %dma_wait3A_207 : memref<1x128xi32, #tpu.memory_space<vmem>> -> memref<128xi32, #tpu.memory_space<vmem>>
          %dma_wait3A_209 = tpu.memref_slice %arg2[%mul3A_100] : memref<320000xi32, #tpu.memory_space<hbm>> -> memref<128xi32, #tpu.memory_space<hbm>>
          %dma_wait3A_210 = arith.constant 0 : i32
          %dma_wait3A_211 = tpu.memref_slice %arg7[%run_scoped3A, %dma_wait3A_210] : memref<4x128xi32, #tpu.memory_space<vmem>> -> memref<1x128xi32, #tpu.memory_space<vmem>>
          %dma_wait3A_212 = tpu.memref_squeeze %dma_wait3A_211 : memref<1x128xi32, #tpu.memory_space<vmem>> -> memref<128xi32, #tpu.memory_space<vmem>>
          %dma_wait3A_213 = tpu.memref_slice %arg2[%mul3A_100] : memref<320000xi32, #tpu.memory_space<hbm>> -> memref<128xi32, #tpu.memory_space<hbm>>
          tpu.wait_dma2 semaphore(%run_scoped3A_197 : memref<!tpu.dma_semaphore, #tpu.memory_space<semaphore_mem>>) src(%dma_wait3A_213 : memref<128xi32, #tpu.memory_space<hbm>>) dst(%dma_wait3A_212 : memref<128xi32, #tpu.memory_space<vmem>>)
          tpu.yield
        }) : () -> ()
      } else {
      }
      %eq3A_106 = arith.constant 1 : i32
      %eq3A_107 = arith.cmpi eq, %arg0, %eq3A_106 : i32
      %convert_element_type3A_108 = arith.extui %eq3A_107 : i1 to i32
      %cond3A_109 = arith.constant 0 : i32
      %cond3A_110 = arith.cmpi ne, %convert_element_type3A_108, %cond3A_109 : i32
      scf.if %cond3A_110 {
        %run_scoped3A = arith.constant 1 : i32
        "tpu.region"() ({
          %run_scoped3A_197 = tpu.sem_alloc : memref<!tpu.dma_semaphore, #tpu.memory_space<semaphore_mem>>
          %dma_start3A_198 = arith.constant 0 : i32
          %dma_start3A_199 = tpu.memref_slice %arg7[%run_scoped3A, %dma_start3A_198] : memref<4x128xi32, #tpu.memory_space<vmem>> -> memref<1x128xi32, #tpu.memory_space<vmem>>
          %dma_start3A_200 = tpu.memref_squeeze %dma_start3A_199 : memref<1x128xi32, #tpu.memory_space<vmem>> -> memref<128xi32, #tpu.memory_space<vmem>>
          %dma_start3A_201 = tpu.memref_slice %arg3[%mul3A_100] : memref<320000xi32, #tpu.memory_space<hbm>> -> memref<128xi32, #tpu.memory_space<hbm>>
          %dma_start3A_202 = arith.constant 0 : i32
          %dma_start3A_203 = tpu.memref_slice %arg7[%run_scoped3A, %dma_start3A_202] : memref<4x128xi32, #tpu.memory_space<vmem>> -> memref<1x128xi32, #tpu.memory_space<vmem>>
          %dma_start3A_204 = tpu.memref_squeeze %dma_start3A_203 : memref<1x128xi32, #tpu.memory_space<vmem>> -> memref<128xi32, #tpu.memory_space<vmem>>
          %dma_start3A_205 = tpu.memref_slice %arg3[%mul3A_100] : memref<320000xi32, #tpu.memory_space<hbm>> -> memref<128xi32, #tpu.memory_space<hbm>>
          tpu.enqueue_dma source(%dma_start3A_205 : memref<128xi32, #tpu.memory_space<hbm>>) target(%dma_start3A_204 : memref<128xi32, #tpu.memory_space<vmem>>) target_semaphore(%run_scoped3A_197 : memref<!tpu.dma_semaphore, #tpu.memory_space<semaphore_mem>>)
          %dma_wait3A_206 = arith.constant 0 : i32
          %dma_wait3A_207 = tpu.memref_slice %arg7[%run_scoped3A, %dma_wait3A_206] : memref<4x128xi32, #tpu.memory_space<vmem>> -> memref<1x128xi32, #tpu.memory_space<vmem>>
          %dma_wait3A_208 = tpu.memref_squeeze %dma_wait3A_207 : memref<1x128xi32, #tpu.memory_space<vmem>> -> memref<128xi32, #tpu.memory_space<vmem>>
          %dma_wait3A_209 = tpu.memref_slice %arg3[%mul3A_100] : memref<320000xi32, #tpu.memory_space<hbm>> -> memref<128xi32, #tpu.memory_space<hbm>>
          %dma_wait3A_210 = arith.constant 0 : i32
          %dma_wait3A_211 = tpu.memref_slice %arg7[%run_scoped3A, %dma_wait3A_210] : memref<4x128xi32, #tpu.memory_space<vmem>> -> memref<1x128xi32, #tpu.memory_space<vmem>>
          %dma_wait3A_212 = tpu.memref_squeeze %dma_wait3A_211 : memref<1x128xi32, #tpu.memory_space<vmem>> -> memref<128xi32, #tpu.memory_space<vmem>>
          %dma_wait3A_213 = tpu.memref_slice %arg3[%mul3A_100] : memref<320000xi32, #tpu.memory_space<hbm>> -> memref<128xi32, #tpu.memory_space<hbm>>
          tpu.wait_dma2 semaphore(%run_scoped3A_197 : memref<!tpu.dma_semaphore, #tpu.memory_space<semaphore_mem>>) src(%dma_wait3A_213 : memref<128xi32, #tpu.memory_space<hbm>>) dst(%dma_wait3A_212 : memref<128xi32, #tpu.memory_space<vmem>>)
          tpu.yield
        }) : () -> ()
      } else {
      }
      %dma_start3A_111 = arith.constant 1 : i32
      %dma_start3A_112 = arith.constant 0 : i32
      %dma_start3A_113 = tpu.memref_slice %arg7[%dma_start3A_111, %dma_start3A_112] : memref<4x128xi32, #tpu.memory_space<vmem>> -> memref<1x128xi32, #tpu.memory_space<vmem>>
      %dma_start3A_114 = tpu.memref_squeeze %dma_start3A_113 : memref<1x128xi32, #tpu.memory_space<vmem>> -> memref<128xi32, #tpu.memory_space<vmem>>
      %dma_start3A_115 = arith.constant 0 : i32
      %dma_start3A_116 = arith.constant 0 : i32
      %dma_start3A_117 = tpu.memref_slice %arg9[%dma_start3A_115, %dma_start3A_116] : memref<10240x128xf32, #tpu.memory_space<vmem_shared>> -> memref<10240x128xf32, #tpu.memory_space<vmem_shared>>
      tpu.enqueue_indirect_dma source(%arg8 : memref<128x128xf32, #tpu.memory_space<vmem>>) target(%dma_start3A_117 : memref<10240x128xf32, #tpu.memory_space<vmem_shared>>) offsets(%dma_start3A_114 : memref<128xi32, #tpu.memory_space<vmem>>) semaphore(%arg11 : memref<!tpu.dma_semaphore, #tpu.memory_space<semaphore_mem>>) {add = true}
      %mul3A_118 = arith.constant 4 : i32
      %mul3A_119 = arith.muli %mul3A_118, %while3A_69 : i32
      %add3A_120 = arith.constant 2 : i32
      %add3A_121 = arith.addi %mul3A_119, %add3A_120 : i32
      %mul3A_122 = arith.constant 16 : i32
      %mul3A_123 = arith.muli %add3A_121, %mul3A_122 : i32
      %add3A_124 = arith.addi %arg1, %mul3A_123 : i32
      %mul3A_125 = arith.constant 128 : i32
      %mul3A_126 = arith.muli %add3A_124, %mul3A_125 : i32
      %eq3A_127 = arith.constant 0 : i32
      %eq3A_128 = arith.cmpi eq, %arg0, %eq3A_127 : i32
      %convert_element_type3A_129 = arith.extui %eq3A_128 : i1 to i32
      %cond3A_130 = arith.constant 0 : i32
      %cond3A_131 = arith.cmpi ne, %convert_element_type3A_129, %cond3A_130 : i32
      scf.if %cond3A_131 {
        %run_scoped3A = arith.constant 2 : i32
        "tpu.region"() ({
          %run_scoped3A_197 = tpu.sem_alloc : memref<!tpu.dma_semaphore, #tpu.memory_space<semaphore_mem>>
          %dma_start3A_198 = arith.constant 0 : i32
          %dma_start3A_199 = tpu.memref_slice %arg7[%run_scoped3A, %dma_start3A_198] : memref<4x128xi32, #tpu.memory_space<vmem>> -> memref<1x128xi32, #tpu.memory_space<vmem>>
          %dma_start3A_200 = tpu.memref_squeeze %dma_start3A_199 : memref<1x128xi32, #tpu.memory_space<vmem>> -> memref<128xi32, #tpu.memory_space<vmem>>
          %dma_start3A_201 = tpu.memref_slice %arg2[%mul3A_126] : memref<320000xi32, #tpu.memory_space<hbm>> -> memref<128xi32, #tpu.memory_space<hbm>>
          %dma_start3A_202 = arith.constant 0 : i32
          %dma_start3A_203 = tpu.memref_slice %arg7[%run_scoped3A, %dma_start3A_202] : memref<4x128xi32, #tpu.memory_space<vmem>> -> memref<1x128xi32, #tpu.memory_space<vmem>>
          %dma_start3A_204 = tpu.memref_squeeze %dma_start3A_203 : memref<1x128xi32, #tpu.memory_space<vmem>> -> memref<128xi32, #tpu.memory_space<vmem>>
          %dma_start3A_205 = tpu.memref_slice %arg2[%mul3A_126] : memref<320000xi32, #tpu.memory_space<hbm>> -> memref<128xi32, #tpu.memory_space<hbm>>
          tpu.enqueue_dma source(%dma_start3A_205 : memref<128xi32, #tpu.memory_space<hbm>>) target(%dma_start3A_204 : memref<128xi32, #tpu.memory_space<vmem>>) target_semaphore(%run_scoped3A_197 : memref<!tpu.dma_semaphore, #tpu.memory_space<semaphore_mem>>)
          %dma_wait3A_206 = arith.constant 0 : i32
          %dma_wait3A_207 = tpu.memref_slice %arg7[%run_scoped3A, %dma_wait3A_206] : memref<4x128xi32, #tpu.memory_space<vmem>> -> memref<1x128xi32, #tpu.memory_space<vmem>>
          %dma_wait3A_208 = tpu.memref_squeeze %dma_wait3A_207 : memref<1x128xi32, #tpu.memory_space<vmem>> -> memref<128xi32, #tpu.memory_space<vmem>>
          %dma_wait3A_209 = tpu.memref_slice %arg2[%mul3A_126] : memref<320000xi32, #tpu.memory_space<hbm>> -> memref<128xi32, #tpu.memory_space<hbm>>
          %dma_wait3A_210 = arith.constant 0 : i32
          %dma_wait3A_211 = tpu.memref_slice %arg7[%run_scoped3A, %dma_wait3A_210] : memref<4x128xi32, #tpu.memory_space<vmem>> -> memref<1x128xi32, #tpu.memory_space<vmem>>
          %dma_wait3A_212 = tpu.memref_squeeze %dma_wait3A_211 : memref<1x128xi32, #tpu.memory_space<vmem>> -> memref<128xi32, #tpu.memory_space<vmem>>
          %dma_wait3A_213 = tpu.memref_slice %arg2[%mul3A_126] : memref<320000xi32, #tpu.memory_space<hbm>> -> memref<128xi32, #tpu.memory_space<hbm>>
          tpu.wait_dma2 semaphore(%run_scoped3A_197 : memref<!tpu.dma_semaphore, #tpu.memory_space<semaphore_mem>>) src(%dma_wait3A_213 : memref<128xi32, #tpu.memory_space<hbm>>) dst(%dma_wait3A_212 : memref<128xi32, #tpu.memory_space<vmem>>)
          tpu.yield
        }) : () -> ()
      } else {
      }
      %eq3A_132 = arith.constant 1 : i32
      %eq3A_133 = arith.cmpi eq, %arg0, %eq3A_132 : i32
      %convert_element_type3A_134 = arith.extui %eq3A_133 : i1 to i32
      %cond3A_135 = arith.constant 0 : i32
      %cond3A_136 = arith.cmpi ne, %convert_element_type3A_134, %cond3A_135 : i32
      scf.if %cond3A_136 {
        %run_scoped3A = arith.constant 2 : i32
        "tpu.region"() ({
          %run_scoped3A_197 = tpu.sem_alloc : memref<!tpu.dma_semaphore, #tpu.memory_space<semaphore_mem>>
          %dma_start3A_198 = arith.constant 0 : i32
          %dma_start3A_199 = tpu.memref_slice %arg7[%run_scoped3A, %dma_start3A_198] : memref<4x128xi32, #tpu.memory_space<vmem>> -> memref<1x128xi32, #tpu.memory_space<vmem>>
          %dma_start3A_200 = tpu.memref_squeeze %dma_start3A_199 : memref<1x128xi32, #tpu.memory_space<vmem>> -> memref<128xi32, #tpu.memory_space<vmem>>
          %dma_start3A_201 = tpu.memref_slice %arg3[%mul3A_126] : memref<320000xi32, #tpu.memory_space<hbm>> -> memref<128xi32, #tpu.memory_space<hbm>>
          %dma_start3A_202 = arith.constant 0 : i32
          %dma_start3A_203 = tpu.memref_slice %arg7[%run_scoped3A, %dma_start3A_202] : memref<4x128xi32, #tpu.memory_space<vmem>> -> memref<1x128xi32, #tpu.memory_space<vmem>>
          %dma_start3A_204 = tpu.memref_squeeze %dma_start3A_203 : memref<1x128xi32, #tpu.memory_space<vmem>> -> memref<128xi32, #tpu.memory_space<vmem>>
          %dma_start3A_205 = tpu.memref_slice %arg3[%mul3A_126] : memref<320000xi32, #tpu.memory_space<hbm>> -> memref<128xi32, #tpu.memory_space<hbm>>
          tpu.enqueue_dma source(%dma_start3A_205 : memref<128xi32, #tpu.memory_space<hbm>>) target(%dma_start3A_204 : memref<128xi32, #tpu.memory_space<vmem>>) target_semaphore(%run_scoped3A_197 : memref<!tpu.dma_semaphore, #tpu.memory_space<semaphore_mem>>)
          %dma_wait3A_206 = arith.constant 0 : i32
          %dma_wait3A_207 = tpu.memref_slice %arg7[%run_scoped3A, %dma_wait3A_206] : memref<4x128xi32, #tpu.memory_space<vmem>> -> memref<1x128xi32, #tpu.memory_space<vmem>>
          %dma_wait3A_208 = tpu.memref_squeeze %dma_wait3A_207 : memref<1x128xi32, #tpu.memory_space<vmem>> -> memref<128xi32, #tpu.memory_space<vmem>>
          %dma_wait3A_209 = tpu.memref_slice %arg3[%mul3A_126] : memref<320000xi32, #tpu.memory_space<hbm>> -> memref<128xi32, #tpu.memory_space<hbm>>
          %dma_wait3A_210 = arith.constant 0 : i32
          %dma_wait3A_211 = tpu.memref_slice %arg7[%run_scoped3A, %dma_wait3A_210] : memref<4x128xi32, #tpu.memory_space<vmem>> -> memref<1x128xi32, #tpu.memory_space<vmem>>
          %dma_wait3A_212 = tpu.memref_squeeze %dma_wait3A_211 : memref<1x128xi32, #tpu.memory_space<vmem>> -> memref<128xi32, #tpu.memory_space<vmem>>
          %dma_wait3A_213 = tpu.memref_slice %arg3[%mul3A_126] : memref<320000xi32, #tpu.memory_space<hbm>> -> memref<128xi32, #tpu.memory_space<hbm>>
          tpu.wait_dma2 semaphore(%run_scoped3A_197 : memref<!tpu.dma_semaphore, #tpu.memory_space<semaphore_mem>>) src(%dma_wait3A_213 : memref<128xi32, #tpu.memory_space<hbm>>) dst(%dma_wait3A_212 : memref<128xi32, #tpu.memory_space<vmem>>)
          tpu.yield
        }) : () -> ()
      } else {
      }
      %dma_start3A_137 = arith.constant 2 : i32
      %dma_start3A_138 = arith.constant 0 : i32
      %dma_start3A_139 = tpu.memref_slice %arg7[%dma_start3A_137, %dma_start3A_138] : memref<4x128xi32, #tpu.memory_space<vmem>> -> memref<1x128xi32, #tpu.memory_space<vmem>>
      %dma_start3A_140 = tpu.memref_squeeze %dma_start3A_139 : memref<1x128xi32, #tpu.memory_space<vmem>> -> memref<128xi32, #tpu.memory_space<vmem>>
      %dma_start3A_141 = arith.constant 0 : i32
      %dma_start3A_142 = arith.constant 0 : i32
      %dma_start3A_143 = tpu.memref_slice %arg9[%dma_start3A_141, %dma_start3A_142] : memref<10240x128xf32, #tpu.memory_space<vmem_shared>> -> memref<10240x128xf32, #tpu.memory_space<vmem_shared>>
      tpu.enqueue_indirect_dma source(%arg8 : memref<128x128xf32, #tpu.memory_space<vmem>>) target(%dma_start3A_143 : memref<10240x128xf32, #tpu.memory_space<vmem_shared>>) offsets(%dma_start3A_140 : memref<128xi32, #tpu.memory_space<vmem>>) semaphore(%arg12 : memref<!tpu.dma_semaphore, #tpu.memory_space<semaphore_mem>>) {add = true}
      %mul3A_144 = arith.constant 4 : i32
      %mul3A_145 = arith.muli %mul3A_144, %while3A_69 : i32
      %add3A_146 = arith.constant 3 : i32
      %add3A_147 = arith.addi %mul3A_145, %add3A_146 : i32
      %mul3A_148 = arith.constant 16 : i32
      %mul3A_149 = arith.muli %add3A_147, %mul3A_148 : i32
      %add3A_150 = arith.addi %arg1, %mul3A_149 : i32
      %mul3A_151 = arith.constant 128 : i32
      %mul3A_152 = arith.muli %add3A_150, %mul3A_151 : i32
      %eq3A_153 = arith.constant 0 : i32
      %eq3A_154 = arith.cmpi eq, %arg0, %eq3A_153 : i32
      %convert_element_type3A_155 = arith.extui %eq3A_154 : i1 to i32
      %cond3A_156 = arith.constant 0 : i32
      %cond3A_157 = arith.cmpi ne, %convert_element_type3A_155, %cond3A_156 : i32
      scf.if %cond3A_157 {
        %run_scoped3A = arith.constant 3 : i32
        "tpu.region"() ({
          %run_scoped3A_197 = tpu.sem_alloc : memref<!tpu.dma_semaphore, #tpu.memory_space<semaphore_mem>>
          %dma_start3A_198 = arith.constant 0 : i32
          %dma_start3A_199 = tpu.memref_slice %arg7[%run_scoped3A, %dma_start3A_198] : memref<4x128xi32, #tpu.memory_space<vmem>> -> memref<1x128xi32, #tpu.memory_space<vmem>>
          %dma_start3A_200 = tpu.memref_squeeze %dma_start3A_199 : memref<1x128xi32, #tpu.memory_space<vmem>> -> memref<128xi32, #tpu.memory_space<vmem>>
          %dma_start3A_201 = tpu.memref_slice %arg2[%mul3A_152] : memref<320000xi32, #tpu.memory_space<hbm>> -> memref<128xi32, #tpu.memory_space<hbm>>
          %dma_start3A_202 = arith.constant 0 : i32
          %dma_start3A_203 = tpu.memref_slice %arg7[%run_scoped3A, %dma_start3A_202] : memref<4x128xi32, #tpu.memory_space<vmem>> -> memref<1x128xi32, #tpu.memory_space<vmem>>
          %dma_start3A_204 = tpu.memref_squeeze %dma_start3A_203 : memref<1x128xi32, #tpu.memory_space<vmem>> -> memref<128xi32, #tpu.memory_space<vmem>>
          %dma_start3A_205 = tpu.memref_slice %arg2[%mul3A_152] : memref<320000xi32, #tpu.memory_space<hbm>> -> memref<128xi32, #tpu.memory_space<hbm>>
          tpu.enqueue_dma source(%dma_start3A_205 : memref<128xi32, #tpu.memory_space<hbm>>) target(%dma_start3A_204 : memref<128xi32, #tpu.memory_space<vmem>>) target_semaphore(%run_scoped3A_197 : memref<!tpu.dma_semaphore, #tpu.memory_space<semaphore_mem>>)
          %dma_wait3A_206 = arith.constant 0 : i32
          %dma_wait3A_207 = tpu.memref_slice %arg7[%run_scoped3A, %dma_wait3A_206] : memref<4x128xi32, #tpu.memory_space<vmem>> -> memref<1x128xi32, #tpu.memory_space<vmem>>
          %dma_wait3A_208 = tpu.memref_squeeze %dma_wait3A_207 : memref<1x128xi32, #tpu.memory_space<vmem>> -> memref<128xi32, #tpu.memory_space<vmem>>
          %dma_wait3A_209 = tpu.memref_slice %arg2[%mul3A_152] : memref<320000xi32, #tpu.memory_space<hbm>> -> memref<128xi32, #tpu.memory_space<hbm>>
          %dma_wait3A_210 = arith.constant 0 : i32
          %dma_wait3A_211 = tpu.memref_slice %arg7[%run_scoped3A, %dma_wait3A_210] : memref<4x128xi32, #tpu.memory_space<vmem>> -> memref<1x128xi32, #tpu.memory_space<vmem>>
          %dma_wait3A_212 = tpu.memref_squeeze %dma_wait3A_211 : memref<1x128xi32, #tpu.memory_space<vmem>> -> memref<128xi32, #tpu.memory_space<vmem>>
          %dma_wait3A_213 = tpu.memref_slice %arg2[%mul3A_152] : memref<320000xi32, #tpu.memory_space<hbm>> -> memref<128xi32, #tpu.memory_space<hbm>>
          tpu.wait_dma2 semaphore(%run_scoped3A_197 : memref<!tpu.dma_semaphore, #tpu.memory_space<semaphore_mem>>) src(%dma_wait3A_213 : memref<128xi32, #tpu.memory_space<hbm>>) dst(%dma_wait3A_212 : memref<128xi32, #tpu.memory_space<vmem>>)
          tpu.yield
        }) : () -> ()
      } else {
      }
      %eq3A_158 = arith.constant 1 : i32
      %eq3A_159 = arith.cmpi eq, %arg0, %eq3A_158 : i32
      %convert_element_type3A_160 = arith.extui %eq3A_159 : i1 to i32
      %cond3A_161 = arith.constant 0 : i32
      %cond3A_162 = arith.cmpi ne, %convert_element_type3A_160, %cond3A_161 : i32
      scf.if %cond3A_162 {
        %run_scoped3A = arith.constant 3 : i32
        "tpu.region"() ({
          %run_scoped3A_197 = tpu.sem_alloc : memref<!tpu.dma_semaphore, #tpu.memory_space<semaphore_mem>>
          %dma_start3A_198 = arith.constant 0 : i32
          %dma_start3A_199 = tpu.memref_slice %arg7[%run_scoped3A, %dma_start3A_198] : memref<4x128xi32, #tpu.memory_space<vmem>> -> memref<1x128xi32, #tpu.memory_space<vmem>>
          %dma_start3A_200 = tpu.memref_squeeze %dma_start3A_199 : memref<1x128xi32, #tpu.memory_space<vmem>> -> memref<128xi32, #tpu.memory_space<vmem>>
          %dma_start3A_201 = tpu.memref_slice %arg3[%mul3A_152] : memref<320000xi32, #tpu.memory_space<hbm>> -> memref<128xi32, #tpu.memory_space<hbm>>
          %dma_start3A_202 = arith.constant 0 : i32
          %dma_start3A_203 = tpu.memref_slice %arg7[%run_scoped3A, %dma_start3A_202] : memref<4x128xi32, #tpu.memory_space<vmem>> -> memref<1x128xi32, #tpu.memory_space<vmem>>
          %dma_start3A_204 = tpu.memref_squeeze %dma_start3A_203 : memref<1x128xi32, #tpu.memory_space<vmem>> -> memref<128xi32, #tpu.memory_space<vmem>>
          %dma_start3A_205 = tpu.memref_slice %arg3[%mul3A_152] : memref<320000xi32, #tpu.memory_space<hbm>> -> memref<128xi32, #tpu.memory_space<hbm>>
          tpu.enqueue_dma source(%dma_start3A_205 : memref<128xi32, #tpu.memory_space<hbm>>) target(%dma_start3A_204 : memref<128xi32, #tpu.memory_space<vmem>>) target_semaphore(%run_scoped3A_197 : memref<!tpu.dma_semaphore, #tpu.memory_space<semaphore_mem>>)
          %dma_wait3A_206 = arith.constant 0 : i32
          %dma_wait3A_207 = tpu.memref_slice %arg7[%run_scoped3A, %dma_wait3A_206] : memref<4x128xi32, #tpu.memory_space<vmem>> -> memref<1x128xi32, #tpu.memory_space<vmem>>
          %dma_wait3A_208 = tpu.memref_squeeze %dma_wait3A_207 : memref<1x128xi32, #tpu.memory_space<vmem>> -> memref<128xi32, #tpu.memory_space<vmem>>
          %dma_wait3A_209 = tpu.memref_slice %arg3[%mul3A_152] : memref<320000xi32, #tpu.memory_space<hbm>> -> memref<128xi32, #tpu.memory_space<hbm>>
          %dma_wait3A_210 = arith.constant 0 : i32
          %dma_wait3A_211 = tpu.memref_slice %arg7[%run_scoped3A, %dma_wait3A_210] : memref<4x128xi32, #tpu.memory_space<vmem>> -> memref<1x128xi32, #tpu.memory_space<vmem>>
          %dma_wait3A_212 = tpu.memref_squeeze %dma_wait3A_211 : memref<1x128xi32, #tpu.memory_space<vmem>> -> memref<128xi32, #tpu.memory_space<vmem>>
          %dma_wait3A_213 = tpu.memref_slice %arg3[%mul3A_152] : memref<320000xi32, #tpu.memory_space<hbm>> -> memref<128xi32, #tpu.memory_space<hbm>>
          tpu.wait_dma2 semaphore(%run_scoped3A_197 : memref<!tpu.dma_semaphore, #tpu.memory_space<semaphore_mem>>) src(%dma_wait3A_213 : memref<128xi32, #tpu.memory_space<hbm>>) dst(%dma_wait3A_212 : memref<128xi32, #tpu.memory_space<vmem>>)
          tpu.yield
        }) : () -> ()
      } else {
      }
      %dma_start3A_163 = arith.constant 3 : i32
      %dma_start3A_164 = arith.constant 0 : i32
      %dma_start3A_165 = tpu.memref_slice %arg7[%dma_start3A_163, %dma_start3A_164] : memref<4x128xi32, #tpu.memory_space<vmem>> -> memref<1x128xi32, #tpu.memory_space<vmem>>
      %dma_start3A_166 = tpu.memref_squeeze %dma_start3A_165 : memref<1x128xi32, #tpu.memory_space<vmem>> -> memref<128xi32, #tpu.memory_space<vmem>>
      %dma_start3A_167 = arith.constant 0 : i32
      %dma_start3A_168 = arith.constant 0 : i32
      %dma_start3A_169 = tpu.memref_slice %arg9[%dma_start3A_167, %dma_start3A_168] : memref<10240x128xf32, #tpu.memory_space<vmem_shared>> -> memref<10240x128xf32, #tpu.memory_space<vmem_shared>>
      tpu.enqueue_indirect_dma source(%arg8 : memref<128x128xf32, #tpu.memory_space<vmem>>) target(%dma_start3A_169 : memref<10240x128xf32, #tpu.memory_space<vmem_shared>>) offsets(%dma_start3A_166 : memref<128xi32, #tpu.memory_space<vmem>>) semaphore(%arg13 : memref<!tpu.dma_semaphore, #tpu.memory_space<semaphore_mem>>) {add = true}
      %dma_wait3A = arith.constant 0 : i32
      %dma_wait3A_170 = arith.constant 0 : i32
      %dma_wait3A_171 = tpu.memref_slice %arg7[%dma_wait3A, %dma_wait3A_170] : memref<4x128xi32, #tpu.memory_space<vmem>> -> memref<1x128xi32, #tpu.memory_space<vmem>>
      %dma_wait3A_172 = tpu.memref_squeeze %dma_wait3A_171 : memref<1x128xi32, #tpu.memory_space<vmem>> -> memref<128xi32, #tpu.memory_space<vmem>>
      %dma_wait3A_173 = arith.constant 0 : i32
      %dma_wait3A_174 = arith.constant 0 : i32
      %dma_wait3A_175 = tpu.memref_slice %arg9[%dma_wait3A_173, %dma_wait3A_174] : memref<10240x128xf32, #tpu.memory_space<vmem_shared>> -> memref<10240x128xf32, #tpu.memory_space<vmem_shared>>
      tpu.wait_indirect_dma semaphore(%arg10 : memref<!tpu.dma_semaphore, #tpu.memory_space<semaphore_mem>>) src(%arg8 : memref<128x128xf32, #tpu.memory_space<vmem>>) dst(%dma_wait3A_175 : memref<10240x128xf32, #tpu.memory_space<vmem_shared>>)
      %dma_wait3A_176 = arith.constant 1 : i32
      %dma_wait3A_177 = arith.constant 0 : i32
      %dma_wait3A_178 = tpu.memref_slice %arg7[%dma_wait3A_176, %dma_wait3A_177] : memref<4x128xi32, #tpu.memory_space<vmem>> -> memref<1x128xi32, #tpu.memory_space<vmem>>
      %dma_wait3A_179 = tpu.memref_squeeze %dma_wait3A_178 : memref<1x128xi32, #tpu.memory_space<vmem>> -> memref<128xi32, #tpu.memory_space<vmem>>
      %dma_wait3A_180 = arith.constant 0 : i32
      %dma_wait3A_181 = arith.constant 0 : i32
      %dma_wait3A_182 = tpu.memref_slice %arg9[%dma_wait3A_180, %dma_wait3A_181] : memref<10240x128xf32, #tpu.memory_space<vmem_shared>> -> memref<10240x128xf32, #tpu.memory_space<vmem_shared>>
      tpu.wait_indirect_dma semaphore(%arg11 : memref<!tpu.dma_semaphore, #tpu.memory_space<semaphore_mem>>) src(%arg8 : memref<128x128xf32, #tpu.memory_space<vmem>>) dst(%dma_wait3A_182 : memref<10240x128xf32, #tpu.memory_space<vmem_shared>>)
      %dma_wait3A_183 = arith.constant 2 : i32
      %dma_wait3A_184 = arith.constant 0 : i32
      %dma_wait3A_185 = tpu.memref_slice %arg7[%dma_wait3A_183, %dma_wait3A_184] : memref<4x128xi32, #tpu.memory_space<vmem>> -> memref<1x128xi32, #tpu.memory_space<vmem>>
      %dma_wait3A_186 = tpu.memref_squeeze %dma_wait3A_185 : memref<1x128xi32, #tpu.memory_space<vmem>> -> memref<128xi32, #tpu.memory_space<vmem>>
      %dma_wait3A_187 = arith.constant 0 : i32
      %dma_wait3A_188 = arith.constant 0 : i32
      %dma_wait3A_189 = tpu.memref_slice %arg9[%dma_wait3A_187, %dma_wait3A_188] : memref<10240x128xf32, #tpu.memory_space<vmem_shared>> -> memref<10240x128xf32, #tpu.memory_space<vmem_shared>>
      tpu.wait_indirect_dma semaphore(%arg12 : memref<!tpu.dma_semaphore, #tpu.memory_space<semaphore_mem>>) src(%arg8 : memref<128x128xf32, #tpu.memory_space<vmem>>) dst(%dma_wait3A_189 : memref<10240x128xf32, #tpu.memory_space<vmem_shared>>)
      %dma_wait3A_190 = arith.constant 3 : i32
      %dma_wait3A_191 = arith.constant 0 : i32
      %dma_wait3A_192 = tpu.memref_slice %arg7[%dma_wait3A_190, %dma_wait3A_191] : memref<4x128xi32, #tpu.memory_space<vmem>> -> memref<1x128xi32, #tpu.memory_space<vmem>>
      %dma_wait3A_193 = tpu.memref_squeeze %dma_wait3A_192 : memref<1x128xi32, #tpu.memory_space<vmem>> -> memref<128xi32, #tpu.memory_space<vmem>>
      %dma_wait3A_194 = arith.constant 0 : i32
      %dma_wait3A_195 = arith.constant 0 : i32
      %dma_wait3A_196 = tpu.memref_slice %arg9[%dma_wait3A_194, %dma_wait3A_195] : memref<10240x128xf32, #tpu.memory_space<vmem_shared>> -> memref<10240x128xf32, #tpu.memory_space<vmem_shared>>
      tpu.wait_indirect_dma semaphore(%arg13 : memref<!tpu.dma_semaphore, #tpu.memory_space<semaphore_mem>>) src(%arg8 : memref<128x128xf32, #tpu.memory_space<vmem>>) dst(%dma_wait3A_196 : memref<10240x128xf32, #tpu.memory_space<vmem_shared>>)
    }
    %mul3A_55 = arith.constant 4 : i32
    %mul3A_56 = arith.muli %select_n3A_45, %mul3A_55 : i32
    %sub3A_57 = arith.subi %select_n3A, %mul3A_56 : i32
    %while3A_58 = arith.constant 0 : i32
    %while3A_59 = arith.constant 0 : i32
    %while3A_60 = arith.subi %sub3A_57, %while3A_59 : i32
    %while3A_61 = arith.addi %while3A_59, %while3A_60 : i32
    %while3A_62 = arith.constant 1 : i32
    %while3A_63 = arith.divsi %while3A_60, %while3A_62 : i32
    %while3A_64 = arith.muli %while3A_63, %while3A_62 : i32
    %while3A_65 = arith.addi %while3A_59, %while3A_64 : i32
    %while3A_66 = arith.constant 1 : i32
    scf.for %while3A_69 = %while3A_59 to %while3A_65 step %while3A_66  : i32 {
      %mul3A_70 = arith.constant 4 : i32
      %mul3A_71 = arith.muli %select_n3A_45, %mul3A_70 : i32
      %add3A_72 = arith.addi %mul3A_71, %while3A_69 : i32
      %mul3A_73 = arith.constant 16 : i32
      %mul3A_74 = arith.muli %add3A_72, %mul3A_73 : i32
      %add3A_75 = arith.addi %arg1, %mul3A_74 : i32
      %mul3A_76 = arith.constant 128 : i32
      %mul3A_77 = arith.muli %add3A_75, %mul3A_76 : i32
      %eq3A = arith.constant 0 : i32
      %eq3A_78 = arith.cmpi eq, %arg0, %eq3A : i32
      %convert_element_type3A = arith.extui %eq3A_78 : i1 to i32
      %cond3A = arith.constant 0 : i32
      %cond3A_79 = arith.cmpi ne, %convert_element_type3A, %cond3A : i32
      scf.if %cond3A_79 {
        %run_scoped3A_85 = arith.constant 0 : i32
        "tpu.region"() ({
          %run_scoped3A_86 = tpu.sem_alloc : memref<!tpu.dma_semaphore, #tpu.memory_space<semaphore_mem>>
          %dma_start3A = arith.constant 0 : i32
          %dma_start3A_87 = tpu.memref_slice %arg7[%run_scoped3A_85, %dma_start3A] : memref<4x128xi32, #tpu.memory_space<vmem>> -> memref<1x128xi32, #tpu.memory_space<vmem>>
          %dma_start3A_88 = tpu.memref_squeeze %dma_start3A_87 : memref<1x128xi32, #tpu.memory_space<vmem>> -> memref<128xi32, #tpu.memory_space<vmem>>
          %dma_start3A_89 = tpu.memref_slice %arg2[%mul3A_77] : memref<320000xi32, #tpu.memory_space<hbm>> -> memref<128xi32, #tpu.memory_space<hbm>>
          %dma_start3A_90 = arith.constant 0 : i32
          %dma_start3A_91 = tpu.memref_slice %arg7[%run_scoped3A_85, %dma_start3A_90] : memref<4x128xi32, #tpu.memory_space<vmem>> -> memref<1x128xi32, #tpu.memory_space<vmem>>
          %dma_start3A_92 = tpu.memref_squeeze %dma_start3A_91 : memref<1x128xi32, #tpu.memory_space<vmem>> -> memref<128xi32, #tpu.memory_space<vmem>>
          %dma_start3A_93 = tpu.memref_slice %arg2[%mul3A_77] : memref<320000xi32, #tpu.memory_space<hbm>> -> memref<128xi32, #tpu.memory_space<hbm>>
          tpu.enqueue_dma source(%dma_start3A_93 : memref<128xi32, #tpu.memory_space<hbm>>) target(%dma_start3A_92 : memref<128xi32, #tpu.memory_space<vmem>>) target_semaphore(%run_scoped3A_86 : memref<!tpu.dma_semaphore, #tpu.memory_space<semaphore_mem>>)
          %dma_wait3A = arith.constant 0 : i32
          %dma_wait3A_94 = tpu.memref_slice %arg7[%run_scoped3A_85, %dma_wait3A] : memref<4x128xi32, #tpu.memory_space<vmem>> -> memref<1x128xi32, #tpu.memory_space<vmem>>
          %dma_wait3A_95 = tpu.memref_squeeze %dma_wait3A_94 : memref<1x128xi32, #tpu.memory_space<vmem>> -> memref<128xi32, #tpu.memory_space<vmem>>
          %dma_wait3A_96 = tpu.memref_slice %arg2[%mul3A_77] : memref<320000xi32, #tpu.memory_space<hbm>> -> memref<128xi32, #tpu.memory_space<hbm>>
          %dma_wait3A_97 = arith.constant 0 : i32
          %dma_wait3A_98 = tpu.memref_slice %arg7[%run_scoped3A_85, %dma_wait3A_97] : memref<4x128xi32, #tpu.memory_space<vmem>> -> memref<1x128xi32, #tpu.memory_space<vmem>>
          %dma_wait3A_99 = tpu.memref_squeeze %dma_wait3A_98 : memref<1x128xi32, #tpu.memory_space<vmem>> -> memref<128xi32, #tpu.memory_space<vmem>>
          %dma_wait3A_100 = tpu.memref_slice %arg2[%mul3A_77] : memref<320000xi32, #tpu.memory_space<hbm>> -> memref<128xi32, #tpu.memory_space<hbm>>
          tpu.wait_dma2 semaphore(%run_scoped3A_86 : memref<!tpu.dma_semaphore, #tpu.memory_space<semaphore_mem>>) src(%dma_wait3A_100 : memref<128xi32, #tpu.memory_space<hbm>>) dst(%dma_wait3A_99 : memref<128xi32, #tpu.memory_space<vmem>>)
          tpu.yield
        }) : () -> ()
      } else {
      }
      %eq3A_80 = arith.constant 1 : i32
      %eq3A_81 = arith.cmpi eq, %arg0, %eq3A_80 : i32
      %convert_element_type3A_82 = arith.extui %eq3A_81 : i1 to i32
      %cond3A_83 = arith.constant 0 : i32
      %cond3A_84 = arith.cmpi ne, %convert_element_type3A_82, %cond3A_83 : i32
      scf.if %cond3A_84 {
        %run_scoped3A_85 = arith.constant 0 : i32
        "tpu.region"() ({
          %run_scoped3A_86 = tpu.sem_alloc : memref<!tpu.dma_semaphore, #tpu.memory_space<semaphore_mem>>
          %dma_start3A = arith.constant 0 : i32
          %dma_start3A_87 = tpu.memref_slice %arg7[%run_scoped3A_85, %dma_start3A] : memref<4x128xi32, #tpu.memory_space<vmem>> -> memref<1x128xi32, #tpu.memory_space<vmem>>
          %dma_start3A_88 = tpu.memref_squeeze %dma_start3A_87 : memref<1x128xi32, #tpu.memory_space<vmem>> -> memref<128xi32, #tpu.memory_space<vmem>>
          %dma_start3A_89 = tpu.memref_slice %arg3[%mul3A_77] : memref<320000xi32, #tpu.memory_space<hbm>> -> memref<128xi32, #tpu.memory_space<hbm>>
          %dma_start3A_90 = arith.constant 0 : i32
          %dma_start3A_91 = tpu.memref_slice %arg7[%run_scoped3A_85, %dma_start3A_90] : memref<4x128xi32, #tpu.memory_space<vmem>> -> memref<1x128xi32, #tpu.memory_space<vmem>>
          %dma_start3A_92 = tpu.memref_squeeze %dma_start3A_91 : memref<1x128xi32, #tpu.memory_space<vmem>> -> memref<128xi32, #tpu.memory_space<vmem>>
          %dma_start3A_93 = tpu.memref_slice %arg3[%mul3A_77] : memref<320000xi32, #tpu.memory_space<hbm>> -> memref<128xi32, #tpu.memory_space<hbm>>
          tpu.enqueue_dma source(%dma_start3A_93 : memref<128xi32, #tpu.memory_space<hbm>>) target(%dma_start3A_92 : memref<128xi32, #tpu.memory_space<vmem>>) target_semaphore(%run_scoped3A_86 : memref<!tpu.dma_semaphore, #tpu.memory_space<semaphore_mem>>)
          %dma_wait3A = arith.constant 0 : i32
          %dma_wait3A_94 = tpu.memref_slice %arg7[%run_scoped3A_85, %dma_wait3A] : memref<4x128xi32, #tpu.memory_space<vmem>> -> memref<1x128xi32, #tpu.memory_space<vmem>>
          %dma_wait3A_95 = tpu.memref_squeeze %dma_wait3A_94 : memref<1x128xi32, #tpu.memory_space<vmem>> -> memref<128xi32, #tpu.memory_space<vmem>>
          %dma_wait3A_96 = tpu.memref_slice %arg3[%mul3A_77] : memref<320000xi32, #tpu.memory_space<hbm>> -> memref<128xi32, #tpu.memory_space<hbm>>
          %dma_wait3A_97 = arith.constant 0 : i32
          %dma_wait3A_98 = tpu.memref_slice %arg7[%run_scoped3A_85, %dma_wait3A_97] : memref<4x128xi32, #tpu.memory_space<vmem>> -> memref<1x128xi32, #tpu.memory_space<vmem>>
          %dma_wait3A_99 = tpu.memref_squeeze %dma_wait3A_98 : memref<1x128xi32, #tpu.memory_space<vmem>> -> memref<128xi32, #tpu.memory_space<vmem>>
          %dma_wait3A_100 = tpu.memref_slice %arg3[%mul3A_77] : memref<320000xi32, #tpu.memory_space<hbm>> -> memref<128xi32, #tpu.memory_space<hbm>>
          tpu.wait_dma2 semaphore(%run_scoped3A_86 : memref<!tpu.dma_semaphore, #tpu.memory_space<semaphore_mem>>) src(%dma_wait3A_100 : memref<128xi32, #tpu.memory_space<hbm>>) dst(%dma_wait3A_99 : memref<128xi32, #tpu.memory_space<vmem>>)
          tpu.yield
        }) : () -> ()
      } else {
      }
      %run_scoped3A = arith.constant 0 : i32
      "tpu.region"() ({
        %run_scoped3A_85 = tpu.sem_alloc : memref<!tpu.dma_semaphore, #tpu.memory_space<semaphore_mem>>
        %dma_start3A = arith.constant 0 : i32
        %dma_start3A_86 = tpu.memref_slice %arg7[%run_scoped3A, %dma_start3A] : memref<4x128xi32, #tpu.memory_space<vmem>> -> memref<1x128xi32, #tpu.memory_space<vmem>>
        %dma_start3A_87 = tpu.memref_squeeze %dma_start3A_86 : memref<1x128xi32, #tpu.memory_space<vmem>> -> memref<128xi32, #tpu.memory_space<vmem>>
        %dma_start3A_88 = arith.constant 0 : i32
        %dma_start3A_89 = arith.constant 0 : i32
        %dma_start3A_90 = tpu.memref_slice %arg9[%dma_start3A_88, %dma_start3A_89] : memref<10240x128xf32, #tpu.memory_space<vmem_shared>> -> memref<10240x128xf32, #tpu.memory_space<vmem_shared>>
        tpu.enqueue_indirect_dma source(%arg8 : memref<128x128xf32, #tpu.memory_space<vmem>>) target(%dma_start3A_90 : memref<10240x128xf32, #tpu.memory_space<vmem_shared>>) offsets(%dma_start3A_87 : memref<128xi32, #tpu.memory_space<vmem>>) semaphore(%run_scoped3A_85 : memref<!tpu.dma_semaphore, #tpu.memory_space<semaphore_mem>>) {add = true}
        %dma_wait3A = arith.constant 0 : i32
        %dma_wait3A_91 = tpu.memref_slice %arg7[%run_scoped3A, %dma_wait3A] : memref<4x128xi32, #tpu.memory_space<vmem>> -> memref<1x128xi32, #tpu.memory_space<vmem>>
        %dma_wait3A_92 = tpu.memref_squeeze %dma_wait3A_91 : memref<1x128xi32, #tpu.memory_space<vmem>> -> memref<128xi32, #tpu.memory_space<vmem>>
        %dma_wait3A_93 = arith.constant 0 : i32
        %dma_wait3A_94 = arith.constant 0 : i32
        %dma_wait3A_95 = tpu.memref_slice %arg9[%dma_wait3A_93, %dma_wait3A_94] : memref<10240x128xf32, #tpu.memory_space<vmem_shared>> -> memref<10240x128xf32, #tpu.memory_space<vmem_shared>>
        tpu.wait_indirect_dma semaphore(%run_scoped3A_85 : memref<!tpu.dma_semaphore, #tpu.memory_space<semaphore_mem>>) src(%arg8 : memref<128x128xf32, #tpu.memory_space<vmem>>) dst(%dma_wait3A_95 : memref<10240x128xf32, #tpu.memory_space<vmem_shared>>)
        tpu.yield
      }) : () -> ()
    }
    %while3A_67 = arith.constant 1 : i32
    scf.for %while3A_69 = %while3A_65 to %while3A_61 step %while3A_67  : i32 {
      %mul3A_70 = arith.constant 4 : i32
      %mul3A_71 = arith.muli %select_n3A_45, %mul3A_70 : i32
      %add3A_72 = arith.addi %mul3A_71, %while3A_69 : i32
      %mul3A_73 = arith.constant 16 : i32
      %mul3A_74 = arith.muli %add3A_72, %mul3A_73 : i32
      %add3A_75 = arith.addi %arg1, %mul3A_74 : i32
      %mul3A_76 = arith.constant 128 : i32
      %mul3A_77 = arith.muli %add3A_75, %mul3A_76 : i32
      %eq3A = arith.constant 0 : i32
      %eq3A_78 = arith.cmpi eq, %arg0, %eq3A : i32
      %convert_element_type3A = arith.extui %eq3A_78 : i1 to i32
      %cond3A = arith.constant 0 : i32
      %cond3A_79 = arith.cmpi ne, %convert_element_type3A, %cond3A : i32
      scf.if %cond3A_79 {
        %run_scoped3A_85 = arith.constant 0 : i32
        "tpu.region"() ({
          %run_scoped3A_86 = tpu.sem_alloc : memref<!tpu.dma_semaphore, #tpu.memory_space<semaphore_mem>>
          %dma_start3A = arith.constant 0 : i32
          %dma_start3A_87 = tpu.memref_slice %arg7[%run_scoped3A_85, %dma_start3A] : memref<4x128xi32, #tpu.memory_space<vmem>> -> memref<1x128xi32, #tpu.memory_space<vmem>>
          %dma_start3A_88 = tpu.memref_squeeze %dma_start3A_87 : memref<1x128xi32, #tpu.memory_space<vmem>> -> memref<128xi32, #tpu.memory_space<vmem>>
          %dma_start3A_89 = tpu.memref_slice %arg2[%mul3A_77] : memref<320000xi32, #tpu.memory_space<hbm>> -> memref<128xi32, #tpu.memory_space<hbm>>
          %dma_start3A_90 = arith.constant 0 : i32
          %dma_start3A_91 = tpu.memref_slice %arg7[%run_scoped3A_85, %dma_start3A_90] : memref<4x128xi32, #tpu.memory_space<vmem>> -> memref<1x128xi32, #tpu.memory_space<vmem>>
          %dma_start3A_92 = tpu.memref_squeeze %dma_start3A_91 : memref<1x128xi32, #tpu.memory_space<vmem>> -> memref<128xi32, #tpu.memory_space<vmem>>
          %dma_start3A_93 = tpu.memref_slice %arg2[%mul3A_77] : memref<320000xi32, #tpu.memory_space<hbm>> -> memref<128xi32, #tpu.memory_space<hbm>>
          tpu.enqueue_dma source(%dma_start3A_93 : memref<128xi32, #tpu.memory_space<hbm>>) target(%dma_start3A_92 : memref<128xi32, #tpu.memory_space<vmem>>) target_semaphore(%run_scoped3A_86 : memref<!tpu.dma_semaphore, #tpu.memory_space<semaphore_mem>>)
          %dma_wait3A = arith.constant 0 : i32
          %dma_wait3A_94 = tpu.memref_slice %arg7[%run_scoped3A_85, %dma_wait3A] : memref<4x128xi32, #tpu.memory_space<vmem>> -> memref<1x128xi32, #tpu.memory_space<vmem>>
          %dma_wait3A_95 = tpu.memref_squeeze %dma_wait3A_94 : memref<1x128xi32, #tpu.memory_space<vmem>> -> memref<128xi32, #tpu.memory_space<vmem>>
          %dma_wait3A_96 = tpu.memref_slice %arg2[%mul3A_77] : memref<320000xi32, #tpu.memory_space<hbm>> -> memref<128xi32, #tpu.memory_space<hbm>>
          %dma_wait3A_97 = arith.constant 0 : i32
          %dma_wait3A_98 = tpu.memref_slice %arg7[%run_scoped3A_85, %dma_wait3A_97] : memref<4x128xi32, #tpu.memory_space<vmem>> -> memref<1x128xi32, #tpu.memory_space<vmem>>
          %dma_wait3A_99 = tpu.memref_squeeze %dma_wait3A_98 : memref<1x128xi32, #tpu.memory_space<vmem>> -> memref<128xi32, #tpu.memory_space<vmem>>
          %dma_wait3A_100 = tpu.memref_slice %arg2[%mul3A_77] : memref<320000xi32, #tpu.memory_space<hbm>> -> memref<128xi32, #tpu.memory_space<hbm>>
          tpu.wait_dma2 semaphore(%run_scoped3A_86 : memref<!tpu.dma_semaphore, #tpu.memory_space<semaphore_mem>>) src(%dma_wait3A_100 : memref<128xi32, #tpu.memory_space<hbm>>) dst(%dma_wait3A_99 : memref<128xi32, #tpu.memory_space<vmem>>)
          tpu.yield
        }) : () -> ()
      } else {
      }
      %eq3A_80 = arith.constant 1 : i32
      %eq3A_81 = arith.cmpi eq, %arg0, %eq3A_80 : i32
      %convert_element_type3A_82 = arith.extui %eq3A_81 : i1 to i32
      %cond3A_83 = arith.constant 0 : i32
      %cond3A_84 = arith.cmpi ne, %convert_element_type3A_82, %cond3A_83 : i32
      scf.if %cond3A_84 {
        %run_scoped3A_85 = arith.constant 0 : i32
        "tpu.region"() ({
          %run_scoped3A_86 = tpu.sem_alloc : memref<!tpu.dma_semaphore, #tpu.memory_space<semaphore_mem>>
          %dma_start3A = arith.constant 0 : i32
          %dma_start3A_87 = tpu.memref_slice %arg7[%run_scoped3A_85, %dma_start3A] : memref<4x128xi32, #tpu.memory_space<vmem>> -> memref<1x128xi32, #tpu.memory_space<vmem>>
          %dma_start3A_88 = tpu.memref_squeeze %dma_start3A_87 : memref<1x128xi32, #tpu.memory_space<vmem>> -> memref<128xi32, #tpu.memory_space<vmem>>
          %dma_start3A_89 = tpu.memref_slice %arg3[%mul3A_77] : memref<320000xi32, #tpu.memory_space<hbm>> -> memref<128xi32, #tpu.memory_space<hbm>>
          %dma_start3A_90 = arith.constant 0 : i32
          %dma_start3A_91 = tpu.memref_slice %arg7[%run_scoped3A_85, %dma_start3A_90] : memref<4x128xi32, #tpu.memory_space<vmem>> -> memref<1x128xi32, #tpu.memory_space<vmem>>
          %dma_start3A_92 = tpu.memref_squeeze %dma_start3A_91 : memref<1x128xi32, #tpu.memory_space<vmem>> -> memref<128xi32, #tpu.memory_space<vmem>>
          %dma_start3A_93 = tpu.memref_slice %arg3[%mul3A_77] : memref<320000xi32, #tpu.memory_space<hbm>> -> memref<128xi32, #tpu.memory_space<hbm>>
          tpu.enqueue_dma source(%dma_start3A_93 : memref<128xi32, #tpu.memory_space<hbm>>) target(%dma_start3A_92 : memref<128xi32, #tpu.memory_space<vmem>>) target_semaphore(%run_scoped3A_86 : memref<!tpu.dma_semaphore, #tpu.memory_space<semaphore_mem>>)
          %dma_wait3A = arith.constant 0 : i32
          %dma_wait3A_94 = tpu.memref_slice %arg7[%run_scoped3A_85, %dma_wait3A] : memref<4x128xi32, #tpu.memory_space<vmem>> -> memref<1x128xi32, #tpu.memory_space<vmem>>
          %dma_wait3A_95 = tpu.memref_squeeze %dma_wait3A_94 : memref<1x128xi32, #tpu.memory_space<vmem>> -> memref<128xi32, #tpu.memory_space<vmem>>
          %dma_wait3A_96 = tpu.memref_slice %arg3[%mul3A_77] : memref<320000xi32, #tpu.memory_space<hbm>> -> memref<128xi32, #tpu.memory_space<hbm>>
          %dma_wait3A_97 = arith.constant 0 : i32
          %dma_wait3A_98 = tpu.memref_slice %arg7[%run_scoped3A_85, %dma_wait3A_97] : memref<4x128xi32, #tpu.memory_space<vmem>> -> memref<1x128xi32, #tpu.memory_space<vmem>>
          %dma_wait3A_99 = tpu.memref_squeeze %dma_wait3A_98 : memref<1x128xi32, #tpu.memory_space<vmem>> -> memref<128xi32, #tpu.memory_space<vmem>>
          %dma_wait3A_100 = tpu.memref_slice %arg3[%mul3A_77] : memref<320000xi32, #tpu.memory_space<hbm>> -> memref<128xi32, #tpu.memory_space<hbm>>
          tpu.wait_dma2 semaphore(%run_scoped3A_86 : memref<!tpu.dma_semaphore, #tpu.memory_space<semaphore_mem>>) src(%dma_wait3A_100 : memref<128xi32, #tpu.memory_space<hbm>>) dst(%dma_wait3A_99 : memref<128xi32, #tpu.memory_space<vmem>>)
          tpu.yield
        }) : () -> ()
      } else {
      }
      %run_scoped3A = arith.constant 0 : i32
      "tpu.region"() ({
        %run_scoped3A_85 = tpu.sem_alloc : memref<!tpu.dma_semaphore, #tpu.memory_space<semaphore_mem>>
        %dma_start3A = arith.constant 0 : i32
        %dma_start3A_86 = tpu.memref_slice %arg7[%run_scoped3A, %dma_start3A] : memref<4x128xi32, #tpu.memory_space<vmem>> -> memref<1x128xi32, #tpu.memory_space<vmem>>
        %dma_start3A_87 = tpu.memref_squeeze %dma_start3A_86 : memref<1x128xi32, #tpu.memory_space<vmem>> -> memref<128xi32, #tpu.memory_space<vmem>>
        %dma_start3A_88 = arith.constant 0 : i32
        %dma_start3A_89 = arith.constant 0 : i32
        %dma_start3A_90 = tpu.memref_slice %arg9[%dma_start3A_88, %dma_start3A_89] : memref<10240x128xf32, #tpu.memory_space<vmem_shared>> -> memref<10240x128xf32, #tpu.memory_space<vmem_shared>>
        tpu.enqueue_indirect_dma source(%arg8 : memref<128x128xf32, #tpu.memory_space<vmem>>) target(%dma_start3A_90 : memref<10240x128xf32, #tpu.memory_space<vmem_shared>>) offsets(%dma_start3A_87 : memref<128xi32, #tpu.memory_space<vmem>>) semaphore(%run_scoped3A_85 : memref<!tpu.dma_semaphore, #tpu.memory_space<semaphore_mem>>) {add = true}
        %dma_wait3A = arith.constant 0 : i32
        %dma_wait3A_91 = tpu.memref_slice %arg7[%run_scoped3A, %dma_wait3A] : memref<4x128xi32, #tpu.memory_space<vmem>> -> memref<1x128xi32, #tpu.memory_space<vmem>>
        %dma_wait3A_92 = tpu.memref_squeeze %dma_wait3A_91 : memref<1x128xi32, #tpu.memory_space<vmem>> -> memref<128xi32, #tpu.memory_space<vmem>>
        %dma_wait3A_93 = arith.constant 0 : i32
        %dma_wait3A_94 = arith.constant 0 : i32
        %dma_wait3A_95 = tpu.memref_slice %arg9[%dma_wait3A_93, %dma_wait3A_94] : memref<10240x128xf32, #tpu.memory_space<vmem_shared>> -> memref<10240x128xf32, #tpu.memory_space<vmem_shared>>
        tpu.wait_indirect_dma semaphore(%run_scoped3A_85 : memref<!tpu.dma_semaphore, #tpu.memory_space<semaphore_mem>>) src(%arg8 : memref<128x128xf32, #tpu.memory_space<vmem>>) dst(%dma_wait3A_95 : memref<10240x128xf32, #tpu.memory_space<vmem_shared>>)
        tpu.yield
      }) : () -> ()
    }
    %barrier3A_68 = arith.constant 0 : index
    tpu.barrier barrier_id(%barrier3A_68)
    "tpu.region"() ({
      %run_scoped3A = tpu.sem_alloc : memref<!tpu.dma_semaphore, #tpu.memory_space<semaphore_mem>>
      %dma_start3A = arith.constant 0 : i32
      %dma_start3A_69 = tpu.memref_slice %arg6[%arg0, %mul3A_0, %dma_start3A] : memref<2x10240x128xf32, #tpu.memory_space<hbm>> -> memref<1x640x128xf32, #tpu.memory_space<hbm>>
      %dma_start3A_70 = tpu.memref_squeeze %dma_start3A_69 : memref<1x640x128xf32, #tpu.memory_space<hbm>> -> memref<640x128xf32, #tpu.memory_space<hbm>>
      %dma_start3A_71 = arith.constant 0 : i32
      %dma_start3A_72 = tpu.memref_slice %arg9[%mul3A_0, %dma_start3A_71] : memref<10240x128xf32, #tpu.memory_space<vmem_shared>> -> memref<640x128xf32, #tpu.memory_space<vmem_shared>>
      tpu.enqueue_dma source(%dma_start3A_72 : memref<640x128xf32, #tpu.memory_space<vmem_shared>>) target(%dma_start3A_70 : memref<640x128xf32, #tpu.memory_space<hbm>>) target_semaphore(%run_scoped3A : memref<!tpu.dma_semaphore, #tpu.memory_space<semaphore_mem>>)
      %dma_wait3A = arith.constant 0 : i32
      %dma_wait3A_73 = tpu.memref_slice %arg6[%arg0, %mul3A_0, %dma_wait3A] : memref<2x10240x128xf32, #tpu.memory_space<hbm>> -> memref<1x640x128xf32, #tpu.memory_space<hbm>>
      %dma_wait3A_74 = tpu.memref_squeeze %dma_wait3A_73 : memref<1x640x128xf32, #tpu.memory_space<hbm>> -> memref<640x128xf32, #tpu.memory_space<hbm>>
      %dma_wait3A_75 = arith.constant 0 : i32
      %dma_wait3A_76 = tpu.memref_slice %arg9[%mul3A_0, %dma_wait3A_75] : memref<10240x128xf32, #tpu.memory_space<vmem_shared>> -> memref<640x128xf32, #tpu.memory_space<vmem_shared>>
      tpu.wait_dma2 semaphore(%run_scoped3A : memref<!tpu.dma_semaphore, #tpu.memory_space<semaphore_mem>>) src(%dma_wait3A_76 : memref<640x128xf32, #tpu.memory_space<vmem_shared>>) dst(%dma_wait3A_74 : memref<640x128xf32, #tpu.memory_space<hbm>>)
      tpu.yield
    }) : () -> ()
    return
  }
}

#map = affine_map<(d0, d1) -> (0, 0)>
#map1 = affine_map<(d0, d1) -> (0)>
module attributes {stable_mosaic.version = 14 : i64} {
  func.func @k(%arg0: i32, %arg1: i32, %arg2: memref<10000x128xf32, #tpu.memory_space<hbm>>, %arg3: memref<320000xi32, #tpu.memory_space<hbm>>, %arg4: memref<320000x128xf32, #tpu.memory_space<hbm>>, %arg5: memref<4x128xi32, #tpu.memory_space<vmem>>, %arg6: memref<128x128xf32, #tpu.memory_space<vmem>>, %arg7: memref<128x128xf32, #tpu.memory_space<vmem>>, %arg8: memref<128x128xf32, #tpu.memory_space<vmem>>, %arg9: memref<128x128xf32, #tpu.memory_space<vmem>>, %arg10: memref<!tpu.dma_semaphore, #tpu.memory_space<semaphore_mem>>, %arg11: memref<!tpu.dma_semaphore, #tpu.memory_space<semaphore_mem>>, %arg12: memref<!tpu.dma_semaphore, #tpu.memory_space<semaphore_mem>>, %arg13: memref<!tpu.dma_semaphore, #tpu.memory_space<semaphore_mem>>, %arg14: memref<!tpu.dma_semaphore, #tpu.memory_space<semaphore_mem>>, %arg15: memref<!tpu.dma_semaphore, #tpu.memory_space<semaphore_mem>>, %arg16: memref<!tpu.dma_semaphore, #tpu.memory_space<semaphore_mem>>, %arg17: memref<!tpu.dma_semaphore, #tpu.memory_space<semaphore_mem>>) attributes {dimension_semantics = [#tpu.dimension_semantics<core_parallel>, #tpu.dimension_semantics<subcore_parallel>], iteration_bounds = array<i64: 2, 16>, scalar_prefetch = 0 : i64, scratch_operands = 13 : i64, tpu.core_type = #tpu.core_type<sc_vector_subcore>, window_params = [{transform_indices = #map}, {transform_indices = #map1}, {transform_indices = #map}]} {
    %mul3A = arith.constant 2 : i32
    %mul3A_0 = arith.muli %arg1, %mul3A : i32
    %add3A = arith.addi %mul3A_0, %arg0 : i32
    %sub3A = arith.constant 2500 : i32
    %sub3A_1 = arith.subi %sub3A, %add3A : i32
    %add3A_2 = arith.constant 32 : i32
    %add3A_3 = arith.addi %sub3A_1, %add3A_2 : i32
    %sub3A_4 = arith.constant 1 : i32
    %sub3A_5 = arith.subi %add3A_3, %sub3A_4 : i32
    %jit3A = arith.constant 32 : i32
    %div3A = arith.divsi %sub3A_5, %jit3A : i32
    %sign3A = arith.constant 0 : i32
    %sign3A_6 = arith.cmpi sgt, %sub3A_5, %sign3A : i32
    %sign3A_7 = arith.extui %sign3A_6 : i1 to i32
    %sign3A_8 = arith.constant 0 : i32
    %sign3A_9 = arith.cmpi slt, %sub3A_5, %sign3A_8 : i32
    %sign3A_10 = arith.extui %sign3A_9 : i1 to i32
    %sign3A_11 = arith.subi %sign3A_7, %sign3A_10 : i32
    %sign3A_12 = arith.constant 0 : i32
    %sign3A_13 = arith.cmpi sgt, %jit3A, %sign3A_12 : i32
    %sign3A_14 = arith.extui %sign3A_13 : i1 to i32
    %sign3A_15 = arith.constant 0 : i32
    %sign3A_16 = arith.cmpi slt, %jit3A, %sign3A_15 : i32
    %sign3A_17 = arith.extui %sign3A_16 : i1 to i32
    %sign3A_18 = arith.subi %sign3A_14, %sign3A_17 : i32
    %ne3A = arith.cmpi ne, %sign3A_11, %sign3A_18 : i32
    %rem3A = arith.remsi %sub3A_5, %jit3A : i32
    %ne3A_19 = arith.constant 0 : i32
    %ne3A_20 = arith.cmpi ne, %rem3A, %ne3A_19 : i32
    %and3A = arith.andi %ne3A, %ne3A_20 : i1
    %sub3A_21 = arith.constant 1 : i32
    %sub3A_22 = arith.subi %div3A, %sub3A_21 : i32
    %select_n3A = arith.select %and3A, %sub3A_22, %div3A : i32
    %jit3A_23 = arith.constant 4 : i32
    %div3A_24 = arith.divsi %select_n3A, %jit3A_23 : i32
    %sign3A_25 = arith.constant 0 : i32
    %sign3A_26 = arith.cmpi sgt, %select_n3A, %sign3A_25 : i32
    %sign3A_27 = arith.extui %sign3A_26 : i1 to i32
    %sign3A_28 = arith.constant 0 : i32
    %sign3A_29 = arith.cmpi slt, %select_n3A, %sign3A_28 : i32
    %sign3A_30 = arith.extui %sign3A_29 : i1 to i32
    %sign3A_31 = arith.subi %sign3A_27, %sign3A_30 : i32
    %sign3A_32 = arith.constant 0 : i32
    %sign3A_33 = arith.cmpi sgt, %jit3A_23, %sign3A_32 : i32
    %sign3A_34 = arith.extui %sign3A_33 : i1 to i32
    %sign3A_35 = arith.constant 0 : i32
    %sign3A_36 = arith.cmpi slt, %jit3A_23, %sign3A_35 : i32
    %sign3A_37 = arith.extui %sign3A_36 : i1 to i32
    %sign3A_38 = arith.subi %sign3A_34, %sign3A_37 : i32
    %ne3A_39 = arith.cmpi ne, %sign3A_31, %sign3A_38 : i32
    %rem3A_40 = arith.remsi %select_n3A, %jit3A_23 : i32
    %ne3A_41 = arith.constant 0 : i32
    %ne3A_42 = arith.cmpi ne, %rem3A_40, %ne3A_41 : i32
    %and3A_43 = arith.andi %ne3A_39, %ne3A_42 : i1
    %sub3A_44 = arith.constant 1 : i32
    %sub3A_45 = arith.subi %div3A_24, %sub3A_44 : i32
    %select_n3A_46 = arith.select %and3A_43, %sub3A_45, %div3A_24 : i32
    %while3A = arith.constant 0 : i32
    %while3A_47 = arith.constant 0 : i32
    %while3A_48 = arith.subi %select_n3A_46, %while3A_47 : i32
    %while3A_49 = arith.addi %while3A_47, %while3A_48 : i32
    %while3A_50 = arith.constant 1 : i32
    %while3A_51 = arith.divsi %while3A_48, %while3A_50 : i32
    %while3A_52 = arith.muli %while3A_51, %while3A_50 : i32
    %while3A_53 = arith.addi %while3A_47, %while3A_52 : i32
    %while3A_54 = arith.constant 1 : i32
    scf.for %while3A_69 = %while3A_47 to %while3A_53 step %while3A_54  : i32 {
      %mul3A_70 = arith.constant 4 : i32
      %mul3A_71 = arith.muli %mul3A_70, %while3A_69 : i32
      %add3A_72 = arith.constant 0 : i32
      %add3A_73 = arith.addi %mul3A_71, %add3A_72 : i32
      %mul3A_74 = arith.constant 32 : i32
      %mul3A_75 = arith.muli %add3A_73, %mul3A_74 : i32
      %add3A_76 = arith.addi %add3A, %mul3A_75 : i32
      %mul3A_77 = arith.constant 128 : i32
      %mul3A_78 = arith.muli %add3A_76, %mul3A_77 : i32
      %mul3A_79 = arith.constant 4 : i32
      %mul3A_80 = arith.muli %mul3A_79, %while3A_69 : i32
      %add3A_81 = arith.constant 1 : i32
      %add3A_82 = arith.addi %mul3A_80, %add3A_81 : i32
      %mul3A_83 = arith.constant 32 : i32
      %mul3A_84 = arith.muli %add3A_82, %mul3A_83 : i32
      %add3A_85 = arith.addi %add3A, %mul3A_84 : i32
      %mul3A_86 = arith.constant 128 : i32
      %mul3A_87 = arith.muli %add3A_85, %mul3A_86 : i32
      %mul3A_88 = arith.constant 4 : i32
      %mul3A_89 = arith.muli %mul3A_88, %while3A_69 : i32
      %add3A_90 = arith.constant 2 : i32
      %add3A_91 = arith.addi %mul3A_89, %add3A_90 : i32
      %mul3A_92 = arith.constant 32 : i32
      %mul3A_93 = arith.muli %add3A_91, %mul3A_92 : i32
      %add3A_94 = arith.addi %add3A, %mul3A_93 : i32
      %mul3A_95 = arith.constant 128 : i32
      %mul3A_96 = arith.muli %add3A_94, %mul3A_95 : i32
      %mul3A_97 = arith.constant 4 : i32
      %mul3A_98 = arith.muli %mul3A_97, %while3A_69 : i32
      %add3A_99 = arith.constant 3 : i32
      %add3A_100 = arith.addi %mul3A_98, %add3A_99 : i32
      %mul3A_101 = arith.constant 32 : i32
      %mul3A_102 = arith.muli %add3A_100, %mul3A_101 : i32
      %add3A_103 = arith.addi %add3A, %mul3A_102 : i32
      %mul3A_104 = arith.constant 128 : i32
      %mul3A_105 = arith.muli %add3A_103, %mul3A_104 : i32
      %run_scoped3A = arith.constant 0 : i32
      "tpu.region"() ({
        %run_scoped3A_195 = tpu.sem_alloc : memref<!tpu.dma_semaphore, #tpu.memory_space<semaphore_mem>>
        %dma_start3A_196 = arith.constant 0 : i32
        %dma_start3A_197 = tpu.memref_slice %arg5[%run_scoped3A, %dma_start3A_196] : memref<4x128xi32, #tpu.memory_space<vmem>> -> memref<1x128xi32, #tpu.memory_space<vmem>>
        %dma_start3A_198 = tpu.memref_squeeze %dma_start3A_197 : memref<1x128xi32, #tpu.memory_space<vmem>> -> memref<128xi32, #tpu.memory_space<vmem>>
        %dma_start3A_199 = tpu.memref_slice %arg3[%mul3A_78] : memref<320000xi32, #tpu.memory_space<hbm>> -> memref<128xi32, #tpu.memory_space<hbm>>
        %dma_start3A_200 = arith.constant 0 : i32
        %dma_start3A_201 = tpu.memref_slice %arg5[%run_scoped3A, %dma_start3A_200] : memref<4x128xi32, #tpu.memory_space<vmem>> -> memref<1x128xi32, #tpu.memory_space<vmem>>
        %dma_start3A_202 = tpu.memref_squeeze %dma_start3A_201 : memref<1x128xi32, #tpu.memory_space<vmem>> -> memref<128xi32, #tpu.memory_space<vmem>>
        %dma_start3A_203 = tpu.memref_slice %arg3[%mul3A_78] : memref<320000xi32, #tpu.memory_space<hbm>> -> memref<128xi32, #tpu.memory_space<hbm>>
        tpu.enqueue_dma source(%dma_start3A_203 : memref<128xi32, #tpu.memory_space<hbm>>) target(%dma_start3A_202 : memref<128xi32, #tpu.memory_space<vmem>>) target_semaphore(%run_scoped3A_195 : memref<!tpu.dma_semaphore, #tpu.memory_space<semaphore_mem>>)
        %dma_wait3A_204 = arith.constant 0 : i32
        %dma_wait3A_205 = tpu.memref_slice %arg5[%run_scoped3A, %dma_wait3A_204] : memref<4x128xi32, #tpu.memory_space<vmem>> -> memref<1x128xi32, #tpu.memory_space<vmem>>
        %dma_wait3A_206 = tpu.memref_squeeze %dma_wait3A_205 : memref<1x128xi32, #tpu.memory_space<vmem>> -> memref<128xi32, #tpu.memory_space<vmem>>
        %dma_wait3A_207 = tpu.memref_slice %arg3[%mul3A_78] : memref<320000xi32, #tpu.memory_space<hbm>> -> memref<128xi32, #tpu.memory_space<hbm>>
        %dma_wait3A_208 = arith.constant 0 : i32
        %dma_wait3A_209 = tpu.memref_slice %arg5[%run_scoped3A, %dma_wait3A_208] : memref<4x128xi32, #tpu.memory_space<vmem>> -> memref<1x128xi32, #tpu.memory_space<vmem>>
        %dma_wait3A_210 = tpu.memref_squeeze %dma_wait3A_209 : memref<1x128xi32, #tpu.memory_space<vmem>> -> memref<128xi32, #tpu.memory_space<vmem>>
        %dma_wait3A_211 = tpu.memref_slice %arg3[%mul3A_78] : memref<320000xi32, #tpu.memory_space<hbm>> -> memref<128xi32, #tpu.memory_space<hbm>>
        tpu.wait_dma2 semaphore(%run_scoped3A_195 : memref<!tpu.dma_semaphore, #tpu.memory_space<semaphore_mem>>) src(%dma_wait3A_211 : memref<128xi32, #tpu.memory_space<hbm>>) dst(%dma_wait3A_210 : memref<128xi32, #tpu.memory_space<vmem>>)
        tpu.yield
      }) : () -> ()
      %dma_start3A = arith.constant 0 : i32
      %dma_start3A_106 = arith.constant 0 : i32
      %dma_start3A_107 = tpu.memref_slice %arg5[%dma_start3A, %dma_start3A_106] : memref<4x128xi32, #tpu.memory_space<vmem>> -> memref<1x128xi32, #tpu.memory_space<vmem>>
      %dma_start3A_108 = tpu.memref_squeeze %dma_start3A_107 : memref<1x128xi32, #tpu.memory_space<vmem>> -> memref<128xi32, #tpu.memory_space<vmem>>
      %dma_start3A_109 = arith.constant 0 : i32
      %dma_start3A_110 = arith.constant 0 : i32
      %dma_start3A_111 = tpu.memref_slice %arg2[%dma_start3A_109, %dma_start3A_110] : memref<10000x128xf32, #tpu.memory_space<hbm>> -> memref<10000x128xf32, #tpu.memory_space<hbm>>
      tpu.enqueue_indirect_dma source(%dma_start3A_111 : memref<10000x128xf32, #tpu.memory_space<hbm>>) target(%arg6 : memref<128x128xf32, #tpu.memory_space<vmem>>) offsets(%dma_start3A_108 : memref<128xi32, #tpu.memory_space<vmem>>) semaphore(%arg10 : memref<!tpu.dma_semaphore, #tpu.memory_space<semaphore_mem>>)
      %run_scoped3A_112 = arith.constant 1 : i32
      "tpu.region"() ({
        %run_scoped3A_195 = tpu.sem_alloc : memref<!tpu.dma_semaphore, #tpu.memory_space<semaphore_mem>>
        %dma_start3A_196 = arith.constant 0 : i32
        %dma_start3A_197 = tpu.memref_slice %arg5[%run_scoped3A_112, %dma_start3A_196] : memref<4x128xi32, #tpu.memory_space<vmem>> -> memref<1x128xi32, #tpu.memory_space<vmem>>
        %dma_start3A_198 = tpu.memref_squeeze %dma_start3A_197 : memref<1x128xi32, #tpu.memory_space<vmem>> -> memref<128xi32, #tpu.memory_space<vmem>>
        %dma_start3A_199 = tpu.memref_slice %arg3[%mul3A_87] : memref<320000xi32, #tpu.memory_space<hbm>> -> memref<128xi32, #tpu.memory_space<hbm>>
        %dma_start3A_200 = arith.constant 0 : i32
        %dma_start3A_201 = tpu.memref_slice %arg5[%run_scoped3A_112, %dma_start3A_200] : memref<4x128xi32, #tpu.memory_space<vmem>> -> memref<1x128xi32, #tpu.memory_space<vmem>>
        %dma_start3A_202 = tpu.memref_squeeze %dma_start3A_201 : memref<1x128xi32, #tpu.memory_space<vmem>> -> memref<128xi32, #tpu.memory_space<vmem>>
        %dma_start3A_203 = tpu.memref_slice %arg3[%mul3A_87] : memref<320000xi32, #tpu.memory_space<hbm>> -> memref<128xi32, #tpu.memory_space<hbm>>
        tpu.enqueue_dma source(%dma_start3A_203 : memref<128xi32, #tpu.memory_space<hbm>>) target(%dma_start3A_202 : memref<128xi32, #tpu.memory_space<vmem>>) target_semaphore(%run_scoped3A_195 : memref<!tpu.dma_semaphore, #tpu.memory_space<semaphore_mem>>)
        %dma_wait3A_204 = arith.constant 0 : i32
        %dma_wait3A_205 = tpu.memref_slice %arg5[%run_scoped3A_112, %dma_wait3A_204] : memref<4x128xi32, #tpu.memory_space<vmem>> -> memref<1x128xi32, #tpu.memory_space<vmem>>
        %dma_wait3A_206 = tpu.memref_squeeze %dma_wait3A_205 : memref<1x128xi32, #tpu.memory_space<vmem>> -> memref<128xi32, #tpu.memory_space<vmem>>
        %dma_wait3A_207 = tpu.memref_slice %arg3[%mul3A_87] : memref<320000xi32, #tpu.memory_space<hbm>> -> memref<128xi32, #tpu.memory_space<hbm>>
        %dma_wait3A_208 = arith.constant 0 : i32
        %dma_wait3A_209 = tpu.memref_slice %arg5[%run_scoped3A_112, %dma_wait3A_208] : memref<4x128xi32, #tpu.memory_space<vmem>> -> memref<1x128xi32, #tpu.memory_space<vmem>>
        %dma_wait3A_210 = tpu.memref_squeeze %dma_wait3A_209 : memref<1x128xi32, #tpu.memory_space<vmem>> -> memref<128xi32, #tpu.memory_space<vmem>>
        %dma_wait3A_211 = tpu.memref_slice %arg3[%mul3A_87] : memref<320000xi32, #tpu.memory_space<hbm>> -> memref<128xi32, #tpu.memory_space<hbm>>
        tpu.wait_dma2 semaphore(%run_scoped3A_195 : memref<!tpu.dma_semaphore, #tpu.memory_space<semaphore_mem>>) src(%dma_wait3A_211 : memref<128xi32, #tpu.memory_space<hbm>>) dst(%dma_wait3A_210 : memref<128xi32, #tpu.memory_space<vmem>>)
        tpu.yield
      }) : () -> ()
      %dma_start3A_113 = arith.constant 1 : i32
      %dma_start3A_114 = arith.constant 0 : i32
      %dma_start3A_115 = tpu.memref_slice %arg5[%dma_start3A_113, %dma_start3A_114] : memref<4x128xi32, #tpu.memory_space<vmem>> -> memref<1x128xi32, #tpu.memory_space<vmem>>
      %dma_start3A_116 = tpu.memref_squeeze %dma_start3A_115 : memref<1x128xi32, #tpu.memory_space<vmem>> -> memref<128xi32, #tpu.memory_space<vmem>>
      %dma_start3A_117 = arith.constant 0 : i32
      %dma_start3A_118 = arith.constant 0 : i32
      %dma_start3A_119 = tpu.memref_slice %arg2[%dma_start3A_117, %dma_start3A_118] : memref<10000x128xf32, #tpu.memory_space<hbm>> -> memref<10000x128xf32, #tpu.memory_space<hbm>>
      tpu.enqueue_indirect_dma source(%dma_start3A_119 : memref<10000x128xf32, #tpu.memory_space<hbm>>) target(%arg7 : memref<128x128xf32, #tpu.memory_space<vmem>>) offsets(%dma_start3A_116 : memref<128xi32, #tpu.memory_space<vmem>>) semaphore(%arg11 : memref<!tpu.dma_semaphore, #tpu.memory_space<semaphore_mem>>)
      %run_scoped3A_120 = arith.constant 2 : i32
      "tpu.region"() ({
        %run_scoped3A_195 = tpu.sem_alloc : memref<!tpu.dma_semaphore, #tpu.memory_space<semaphore_mem>>
        %dma_start3A_196 = arith.constant 0 : i32
        %dma_start3A_197 = tpu.memref_slice %arg5[%run_scoped3A_120, %dma_start3A_196] : memref<4x128xi32, #tpu.memory_space<vmem>> -> memref<1x128xi32, #tpu.memory_space<vmem>>
        %dma_start3A_198 = tpu.memref_squeeze %dma_start3A_197 : memref<1x128xi32, #tpu.memory_space<vmem>> -> memref<128xi32, #tpu.memory_space<vmem>>
        %dma_start3A_199 = tpu.memref_slice %arg3[%mul3A_96] : memref<320000xi32, #tpu.memory_space<hbm>> -> memref<128xi32, #tpu.memory_space<hbm>>
        %dma_start3A_200 = arith.constant 0 : i32
        %dma_start3A_201 = tpu.memref_slice %arg5[%run_scoped3A_120, %dma_start3A_200] : memref<4x128xi32, #tpu.memory_space<vmem>> -> memref<1x128xi32, #tpu.memory_space<vmem>>
        %dma_start3A_202 = tpu.memref_squeeze %dma_start3A_201 : memref<1x128xi32, #tpu.memory_space<vmem>> -> memref<128xi32, #tpu.memory_space<vmem>>
        %dma_start3A_203 = tpu.memref_slice %arg3[%mul3A_96] : memref<320000xi32, #tpu.memory_space<hbm>> -> memref<128xi32, #tpu.memory_space<hbm>>
        tpu.enqueue_dma source(%dma_start3A_203 : memref<128xi32, #tpu.memory_space<hbm>>) target(%dma_start3A_202 : memref<128xi32, #tpu.memory_space<vmem>>) target_semaphore(%run_scoped3A_195 : memref<!tpu.dma_semaphore, #tpu.memory_space<semaphore_mem>>)
        %dma_wait3A_204 = arith.constant 0 : i32
        %dma_wait3A_205 = tpu.memref_slice %arg5[%run_scoped3A_120, %dma_wait3A_204] : memref<4x128xi32, #tpu.memory_space<vmem>> -> memref<1x128xi32, #tpu.memory_space<vmem>>
        %dma_wait3A_206 = tpu.memref_squeeze %dma_wait3A_205 : memref<1x128xi32, #tpu.memory_space<vmem>> -> memref<128xi32, #tpu.memory_space<vmem>>
        %dma_wait3A_207 = tpu.memref_slice %arg3[%mul3A_96] : memref<320000xi32, #tpu.memory_space<hbm>> -> memref<128xi32, #tpu.memory_space<hbm>>
        %dma_wait3A_208 = arith.constant 0 : i32
        %dma_wait3A_209 = tpu.memref_slice %arg5[%run_scoped3A_120, %dma_wait3A_208] : memref<4x128xi32, #tpu.memory_space<vmem>> -> memref<1x128xi32, #tpu.memory_space<vmem>>
        %dma_wait3A_210 = tpu.memref_squeeze %dma_wait3A_209 : memref<1x128xi32, #tpu.memory_space<vmem>> -> memref<128xi32, #tpu.memory_space<vmem>>
        %dma_wait3A_211 = tpu.memref_slice %arg3[%mul3A_96] : memref<320000xi32, #tpu.memory_space<hbm>> -> memref<128xi32, #tpu.memory_space<hbm>>
        tpu.wait_dma2 semaphore(%run_scoped3A_195 : memref<!tpu.dma_semaphore, #tpu.memory_space<semaphore_mem>>) src(%dma_wait3A_211 : memref<128xi32, #tpu.memory_space<hbm>>) dst(%dma_wait3A_210 : memref<128xi32, #tpu.memory_space<vmem>>)
        tpu.yield
      }) : () -> ()
      %dma_start3A_121 = arith.constant 2 : i32
      %dma_start3A_122 = arith.constant 0 : i32
      %dma_start3A_123 = tpu.memref_slice %arg5[%dma_start3A_121, %dma_start3A_122] : memref<4x128xi32, #tpu.memory_space<vmem>> -> memref<1x128xi32, #tpu.memory_space<vmem>>
      %dma_start3A_124 = tpu.memref_squeeze %dma_start3A_123 : memref<1x128xi32, #tpu.memory_space<vmem>> -> memref<128xi32, #tpu.memory_space<vmem>>
      %dma_start3A_125 = arith.constant 0 : i32
      %dma_start3A_126 = arith.constant 0 : i32
      %dma_start3A_127 = tpu.memref_slice %arg2[%dma_start3A_125, %dma_start3A_126] : memref<10000x128xf32, #tpu.memory_space<hbm>> -> memref<10000x128xf32, #tpu.memory_space<hbm>>
      tpu.enqueue_indirect_dma source(%dma_start3A_127 : memref<10000x128xf32, #tpu.memory_space<hbm>>) target(%arg8 : memref<128x128xf32, #tpu.memory_space<vmem>>) offsets(%dma_start3A_124 : memref<128xi32, #tpu.memory_space<vmem>>) semaphore(%arg12 : memref<!tpu.dma_semaphore, #tpu.memory_space<semaphore_mem>>)
      %run_scoped3A_128 = arith.constant 3 : i32
      "tpu.region"() ({
        %run_scoped3A_195 = tpu.sem_alloc : memref<!tpu.dma_semaphore, #tpu.memory_space<semaphore_mem>>
        %dma_start3A_196 = arith.constant 0 : i32
        %dma_start3A_197 = tpu.memref_slice %arg5[%run_scoped3A_128, %dma_start3A_196] : memref<4x128xi32, #tpu.memory_space<vmem>> -> memref<1x128xi32, #tpu.memory_space<vmem>>
        %dma_start3A_198 = tpu.memref_squeeze %dma_start3A_197 : memref<1x128xi32, #tpu.memory_space<vmem>> -> memref<128xi32, #tpu.memory_space<vmem>>
        %dma_start3A_199 = tpu.memref_slice %arg3[%mul3A_105] : memref<320000xi32, #tpu.memory_space<hbm>> -> memref<128xi32, #tpu.memory_space<hbm>>
        %dma_start3A_200 = arith.constant 0 : i32
        %dma_start3A_201 = tpu.memref_slice %arg5[%run_scoped3A_128, %dma_start3A_200] : memref<4x128xi32, #tpu.memory_space<vmem>> -> memref<1x128xi32, #tpu.memory_space<vmem>>
        %dma_start3A_202 = tpu.memref_squeeze %dma_start3A_201 : memref<1x128xi32, #tpu.memory_space<vmem>> -> memref<128xi32, #tpu.memory_space<vmem>>
        %dma_start3A_203 = tpu.memref_slice %arg3[%mul3A_105] : memref<320000xi32, #tpu.memory_space<hbm>> -> memref<128xi32, #tpu.memory_space<hbm>>
        tpu.enqueue_dma source(%dma_start3A_203 : memref<128xi32, #tpu.memory_space<hbm>>) target(%dma_start3A_202 : memref<128xi32, #tpu.memory_space<vmem>>) target_semaphore(%run_scoped3A_195 : memref<!tpu.dma_semaphore, #tpu.memory_space<semaphore_mem>>)
        %dma_wait3A_204 = arith.constant 0 : i32
        %dma_wait3A_205 = tpu.memref_slice %arg5[%run_scoped3A_128, %dma_wait3A_204] : memref<4x128xi32, #tpu.memory_space<vmem>> -> memref<1x128xi32, #tpu.memory_space<vmem>>
        %dma_wait3A_206 = tpu.memref_squeeze %dma_wait3A_205 : memref<1x128xi32, #tpu.memory_space<vmem>> -> memref<128xi32, #tpu.memory_space<vmem>>
        %dma_wait3A_207 = tpu.memref_slice %arg3[%mul3A_105] : memref<320000xi32, #tpu.memory_space<hbm>> -> memref<128xi32, #tpu.memory_space<hbm>>
        %dma_wait3A_208 = arith.constant 0 : i32
        %dma_wait3A_209 = tpu.memref_slice %arg5[%run_scoped3A_128, %dma_wait3A_208] : memref<4x128xi32, #tpu.memory_space<vmem>> -> memref<1x128xi32, #tpu.memory_space<vmem>>
        %dma_wait3A_210 = tpu.memref_squeeze %dma_wait3A_209 : memref<1x128xi32, #tpu.memory_space<vmem>> -> memref<128xi32, #tpu.memory_space<vmem>>
        %dma_wait3A_211 = tpu.memref_slice %arg3[%mul3A_105] : memref<320000xi32, #tpu.memory_space<hbm>> -> memref<128xi32, #tpu.memory_space<hbm>>
        tpu.wait_dma2 semaphore(%run_scoped3A_195 : memref<!tpu.dma_semaphore, #tpu.memory_space<semaphore_mem>>) src(%dma_wait3A_211 : memref<128xi32, #tpu.memory_space<hbm>>) dst(%dma_wait3A_210 : memref<128xi32, #tpu.memory_space<vmem>>)
        tpu.yield
      }) : () -> ()
      %dma_start3A_129 = arith.constant 3 : i32
      %dma_start3A_130 = arith.constant 0 : i32
      %dma_start3A_131 = tpu.memref_slice %arg5[%dma_start3A_129, %dma_start3A_130] : memref<4x128xi32, #tpu.memory_space<vmem>> -> memref<1x128xi32, #tpu.memory_space<vmem>>
      %dma_start3A_132 = tpu.memref_squeeze %dma_start3A_131 : memref<1x128xi32, #tpu.memory_space<vmem>> -> memref<128xi32, #tpu.memory_space<vmem>>
      %dma_start3A_133 = arith.constant 0 : i32
      %dma_start3A_134 = arith.constant 0 : i32
      %dma_start3A_135 = tpu.memref_slice %arg2[%dma_start3A_133, %dma_start3A_134] : memref<10000x128xf32, #tpu.memory_space<hbm>> -> memref<10000x128xf32, #tpu.memory_space<hbm>>
      tpu.enqueue_indirect_dma source(%dma_start3A_135 : memref<10000x128xf32, #tpu.memory_space<hbm>>) target(%arg9 : memref<128x128xf32, #tpu.memory_space<vmem>>) offsets(%dma_start3A_132 : memref<128xi32, #tpu.memory_space<vmem>>) semaphore(%arg13 : memref<!tpu.dma_semaphore, #tpu.memory_space<semaphore_mem>>)
      %dma_wait3A = arith.constant 0 : i32
      %dma_wait3A_136 = arith.constant 0 : i32
      %dma_wait3A_137 = tpu.memref_slice %arg5[%dma_wait3A, %dma_wait3A_136] : memref<4x128xi32, #tpu.memory_space<vmem>> -> memref<1x128xi32, #tpu.memory_space<vmem>>
      %dma_wait3A_138 = tpu.memref_squeeze %dma_wait3A_137 : memref<1x128xi32, #tpu.memory_space<vmem>> -> memref<128xi32, #tpu.memory_space<vmem>>
      %dma_wait3A_139 = arith.constant 0 : i32
      %dma_wait3A_140 = arith.constant 0 : i32
      %dma_wait3A_141 = tpu.memref_slice %arg2[%dma_wait3A_139, %dma_wait3A_140] : memref<10000x128xf32, #tpu.memory_space<hbm>> -> memref<10000x128xf32, #tpu.memory_space<hbm>>
      tpu.wait_indirect_dma semaphore(%arg10 : memref<!tpu.dma_semaphore, #tpu.memory_space<semaphore_mem>>) src(%dma_wait3A_141 : memref<10000x128xf32, #tpu.memory_space<hbm>>) dst(%arg6 : memref<128x128xf32, #tpu.memory_space<vmem>>)
      %dma_start3A_142 = arith.constant 0 : i32
      %dma_start3A_143 = tpu.memref_slice %arg4[%mul3A_78, %dma_start3A_142] : memref<320000x128xf32, #tpu.memory_space<hbm>> -> memref<128x128xf32, #tpu.memory_space<hbm>>
      %dma_start3A_144 = arith.constant 0 : i32
      %dma_start3A_145 = tpu.memref_slice %arg4[%mul3A_78, %dma_start3A_144] : memref<320000x128xf32, #tpu.memory_space<hbm>> -> memref<128x128xf32, #tpu.memory_space<hbm>>
      tpu.enqueue_dma source(%arg6 : memref<128x128xf32, #tpu.memory_space<vmem>>) target(%dma_start3A_145 : memref<128x128xf32, #tpu.memory_space<hbm>>) target_semaphore(%arg14 : memref<!tpu.dma_semaphore, #tpu.memory_space<semaphore_mem>>)
      %dma_wait3A_146 = arith.constant 1 : i32
      %dma_wait3A_147 = arith.constant 0 : i32
      %dma_wait3A_148 = tpu.memref_slice %arg5[%dma_wait3A_146, %dma_wait3A_147] : memref<4x128xi32, #tpu.memory_space<vmem>> -> memref<1x128xi32, #tpu.memory_space<vmem>>
      %dma_wait3A_149 = tpu.memref_squeeze %dma_wait3A_148 : memref<1x128xi32, #tpu.memory_space<vmem>> -> memref<128xi32, #tpu.memory_space<vmem>>
      %dma_wait3A_150 = arith.constant 0 : i32
      %dma_wait3A_151 = arith.constant 0 : i32
      %dma_wait3A_152 = tpu.memref_slice %arg2[%dma_wait3A_150, %dma_wait3A_151] : memref<10000x128xf32, #tpu.memory_space<hbm>> -> memref<10000x128xf32, #tpu.memory_space<hbm>>
      tpu.wait_indirect_dma semaphore(%arg11 : memref<!tpu.dma_semaphore, #tpu.memory_space<semaphore_mem>>) src(%dma_wait3A_152 : memref<10000x128xf32, #tpu.memory_space<hbm>>) dst(%arg7 : memref<128x128xf32, #tpu.memory_space<vmem>>)
      %dma_start3A_153 = arith.constant 0 : i32
      %dma_start3A_154 = tpu.memref_slice %arg4[%mul3A_87, %dma_start3A_153] : memref<320000x128xf32, #tpu.memory_space<hbm>> -> memref<128x128xf32, #tpu.memory_space<hbm>>
      %dma_start3A_155 = arith.constant 0 : i32
      %dma_start3A_156 = tpu.memref_slice %arg4[%mul3A_87, %dma_start3A_155] : memref<320000x128xf32, #tpu.memory_space<hbm>> -> memref<128x128xf32, #tpu.memory_space<hbm>>
      tpu.enqueue_dma source(%arg7 : memref<128x128xf32, #tpu.memory_space<vmem>>) target(%dma_start3A_156 : memref<128x128xf32, #tpu.memory_space<hbm>>) target_semaphore(%arg15 : memref<!tpu.dma_semaphore, #tpu.memory_space<semaphore_mem>>)
      %dma_wait3A_157 = arith.constant 2 : i32
      %dma_wait3A_158 = arith.constant 0 : i32
      %dma_wait3A_159 = tpu.memref_slice %arg5[%dma_wait3A_157, %dma_wait3A_158] : memref<4x128xi32, #tpu.memory_space<vmem>> -> memref<1x128xi32, #tpu.memory_space<vmem>>
      %dma_wait3A_160 = tpu.memref_squeeze %dma_wait3A_159 : memref<1x128xi32, #tpu.memory_space<vmem>> -> memref<128xi32, #tpu.memory_space<vmem>>
      %dma_wait3A_161 = arith.constant 0 : i32
      %dma_wait3A_162 = arith.constant 0 : i32
      %dma_wait3A_163 = tpu.memref_slice %arg2[%dma_wait3A_161, %dma_wait3A_162] : memref<10000x128xf32, #tpu.memory_space<hbm>> -> memref<10000x128xf32, #tpu.memory_space<hbm>>
      tpu.wait_indirect_dma semaphore(%arg12 : memref<!tpu.dma_semaphore, #tpu.memory_space<semaphore_mem>>) src(%dma_wait3A_163 : memref<10000x128xf32, #tpu.memory_space<hbm>>) dst(%arg8 : memref<128x128xf32, #tpu.memory_space<vmem>>)
      %dma_start3A_164 = arith.constant 0 : i32
      %dma_start3A_165 = tpu.memref_slice %arg4[%mul3A_96, %dma_start3A_164] : memref<320000x128xf32, #tpu.memory_space<hbm>> -> memref<128x128xf32, #tpu.memory_space<hbm>>
      %dma_start3A_166 = arith.constant 0 : i32
      %dma_start3A_167 = tpu.memref_slice %arg4[%mul3A_96, %dma_start3A_166] : memref<320000x128xf32, #tpu.memory_space<hbm>> -> memref<128x128xf32, #tpu.memory_space<hbm>>
      tpu.enqueue_dma source(%arg8 : memref<128x128xf32, #tpu.memory_space<vmem>>) target(%dma_start3A_167 : memref<128x128xf32, #tpu.memory_space<hbm>>) target_semaphore(%arg16 : memref<!tpu.dma_semaphore, #tpu.memory_space<semaphore_mem>>)
      %dma_wait3A_168 = arith.constant 3 : i32
      %dma_wait3A_169 = arith.constant 0 : i32
      %dma_wait3A_170 = tpu.memref_slice %arg5[%dma_wait3A_168, %dma_wait3A_169] : memref<4x128xi32, #tpu.memory_space<vmem>> -> memref<1x128xi32, #tpu.memory_space<vmem>>
      %dma_wait3A_171 = tpu.memref_squeeze %dma_wait3A_170 : memref<1x128xi32, #tpu.memory_space<vmem>> -> memref<128xi32, #tpu.memory_space<vmem>>
      %dma_wait3A_172 = arith.constant 0 : i32
      %dma_wait3A_173 = arith.constant 0 : i32
      %dma_wait3A_174 = tpu.memref_slice %arg2[%dma_wait3A_172, %dma_wait3A_173] : memref<10000x128xf32, #tpu.memory_space<hbm>> -> memref<10000x128xf32, #tpu.memory_space<hbm>>
      tpu.wait_indirect_dma semaphore(%arg13 : memref<!tpu.dma_semaphore, #tpu.memory_space<semaphore_mem>>) src(%dma_wait3A_174 : memref<10000x128xf32, #tpu.memory_space<hbm>>) dst(%arg9 : memref<128x128xf32, #tpu.memory_space<vmem>>)
      %dma_start3A_175 = arith.constant 0 : i32
      %dma_start3A_176 = tpu.memref_slice %arg4[%mul3A_105, %dma_start3A_175] : memref<320000x128xf32, #tpu.memory_space<hbm>> -> memref<128x128xf32, #tpu.memory_space<hbm>>
      %dma_start3A_177 = arith.constant 0 : i32
      %dma_start3A_178 = tpu.memref_slice %arg4[%mul3A_105, %dma_start3A_177] : memref<320000x128xf32, #tpu.memory_space<hbm>> -> memref<128x128xf32, #tpu.memory_space<hbm>>
      tpu.enqueue_dma source(%arg9 : memref<128x128xf32, #tpu.memory_space<vmem>>) target(%dma_start3A_178 : memref<128x128xf32, #tpu.memory_space<hbm>>) target_semaphore(%arg17 : memref<!tpu.dma_semaphore, #tpu.memory_space<semaphore_mem>>)
      %dma_wait3A_179 = arith.constant 0 : i32
      %dma_wait3A_180 = tpu.memref_slice %arg4[%mul3A_78, %dma_wait3A_179] : memref<320000x128xf32, #tpu.memory_space<hbm>> -> memref<128x128xf32, #tpu.memory_space<hbm>>
      %dma_wait3A_181 = arith.constant 0 : i32
      %dma_wait3A_182 = tpu.memref_slice %arg4[%mul3A_78, %dma_wait3A_181] : memref<320000x128xf32, #tpu.memory_space<hbm>> -> memref<128x128xf32, #tpu.memory_space<hbm>>
      tpu.wait_dma2 semaphore(%arg14 : memref<!tpu.dma_semaphore, #tpu.memory_space<semaphore_mem>>) src(%arg6 : memref<128x128xf32, #tpu.memory_space<vmem>>) dst(%dma_wait3A_182 : memref<128x128xf32, #tpu.memory_space<hbm>>)
      %dma_wait3A_183 = arith.constant 0 : i32
      %dma_wait3A_184 = tpu.memref_slice %arg4[%mul3A_87, %dma_wait3A_183] : memref<320000x128xf32, #tpu.memory_space<hbm>> -> memref<128x128xf32, #tpu.memory_space<hbm>>
      %dma_wait3A_185 = arith.constant 0 : i32
      %dma_wait3A_186 = tpu.memref_slice %arg4[%mul3A_87, %dma_wait3A_185] : memref<320000x128xf32, #tpu.memory_space<hbm>> -> memref<128x128xf32, #tpu.memory_space<hbm>>
      tpu.wait_dma2 semaphore(%arg15 : memref<!tpu.dma_semaphore, #tpu.memory_space<semaphore_mem>>) src(%arg7 : memref<128x128xf32, #tpu.memory_space<vmem>>) dst(%dma_wait3A_186 : memref<128x128xf32, #tpu.memory_space<hbm>>)
      %dma_wait3A_187 = arith.constant 0 : i32
      %dma_wait3A_188 = tpu.memref_slice %arg4[%mul3A_96, %dma_wait3A_187] : memref<320000x128xf32, #tpu.memory_space<hbm>> -> memref<128x128xf32, #tpu.memory_space<hbm>>
      %dma_wait3A_189 = arith.constant 0 : i32
      %dma_wait3A_190 = tpu.memref_slice %arg4[%mul3A_96, %dma_wait3A_189] : memref<320000x128xf32, #tpu.memory_space<hbm>> -> memref<128x128xf32, #tpu.memory_space<hbm>>
      tpu.wait_dma2 semaphore(%arg16 : memref<!tpu.dma_semaphore, #tpu.memory_space<semaphore_mem>>) src(%arg8 : memref<128x128xf32, #tpu.memory_space<vmem>>) dst(%dma_wait3A_190 : memref<128x128xf32, #tpu.memory_space<hbm>>)
      %dma_wait3A_191 = arith.constant 0 : i32
      %dma_wait3A_192 = tpu.memref_slice %arg4[%mul3A_105, %dma_wait3A_191] : memref<320000x128xf32, #tpu.memory_space<hbm>> -> memref<128x128xf32, #tpu.memory_space<hbm>>
      %dma_wait3A_193 = arith.constant 0 : i32
      %dma_wait3A_194 = tpu.memref_slice %arg4[%mul3A_105, %dma_wait3A_193] : memref<320000x128xf32, #tpu.memory_space<hbm>> -> memref<128x128xf32, #tpu.memory_space<hbm>>
      tpu.wait_dma2 semaphore(%arg17 : memref<!tpu.dma_semaphore, #tpu.memory_space<semaphore_mem>>) src(%arg9 : memref<128x128xf32, #tpu.memory_space<vmem>>) dst(%dma_wait3A_194 : memref<128x128xf32, #tpu.memory_space<hbm>>)
    }
    %while3A_55 = arith.constant 1 : i32
    scf.for %while3A_69 = %while3A_53 to %while3A_49 step %while3A_55  : i32 {
      %mul3A_70 = arith.constant 4 : i32
      %mul3A_71 = arith.muli %mul3A_70, %while3A_69 : i32
      %add3A_72 = arith.constant 0 : i32
      %add3A_73 = arith.addi %mul3A_71, %add3A_72 : i32
      %mul3A_74 = arith.constant 32 : i32
      %mul3A_75 = arith.muli %add3A_73, %mul3A_74 : i32
      %add3A_76 = arith.addi %add3A, %mul3A_75 : i32
      %mul3A_77 = arith.constant 128 : i32
      %mul3A_78 = arith.muli %add3A_76, %mul3A_77 : i32
      %mul3A_79 = arith.constant 4 : i32
      %mul3A_80 = arith.muli %mul3A_79, %while3A_69 : i32
      %add3A_81 = arith.constant 1 : i32
      %add3A_82 = arith.addi %mul3A_80, %add3A_81 : i32
      %mul3A_83 = arith.constant 32 : i32
      %mul3A_84 = arith.muli %add3A_82, %mul3A_83 : i32
      %add3A_85 = arith.addi %add3A, %mul3A_84 : i32
      %mul3A_86 = arith.constant 128 : i32
      %mul3A_87 = arith.muli %add3A_85, %mul3A_86 : i32
      %mul3A_88 = arith.constant 4 : i32
      %mul3A_89 = arith.muli %mul3A_88, %while3A_69 : i32
      %add3A_90 = arith.constant 2 : i32
      %add3A_91 = arith.addi %mul3A_89, %add3A_90 : i32
      %mul3A_92 = arith.constant 32 : i32
      %mul3A_93 = arith.muli %add3A_91, %mul3A_92 : i32
      %add3A_94 = arith.addi %add3A, %mul3A_93 : i32
      %mul3A_95 = arith.constant 128 : i32
      %mul3A_96 = arith.muli %add3A_94, %mul3A_95 : i32
      %mul3A_97 = arith.constant 4 : i32
      %mul3A_98 = arith.muli %mul3A_97, %while3A_69 : i32
      %add3A_99 = arith.constant 3 : i32
      %add3A_100 = arith.addi %mul3A_98, %add3A_99 : i32
      %mul3A_101 = arith.constant 32 : i32
      %mul3A_102 = arith.muli %add3A_100, %mul3A_101 : i32
      %add3A_103 = arith.addi %add3A, %mul3A_102 : i32
      %mul3A_104 = arith.constant 128 : i32
      %mul3A_105 = arith.muli %add3A_103, %mul3A_104 : i32
      %run_scoped3A = arith.constant 0 : i32
      "tpu.region"() ({
        %run_scoped3A_195 = tpu.sem_alloc : memref<!tpu.dma_semaphore, #tpu.memory_space<semaphore_mem>>
        %dma_start3A_196 = arith.constant 0 : i32
        %dma_start3A_197 = tpu.memref_slice %arg5[%run_scoped3A, %dma_start3A_196] : memref<4x128xi32, #tpu.memory_space<vmem>> -> memref<1x128xi32, #tpu.memory_space<vmem>>
        %dma_start3A_198 = tpu.memref_squeeze %dma_start3A_197 : memref<1x128xi32, #tpu.memory_space<vmem>> -> memref<128xi32, #tpu.memory_space<vmem>>
        %dma_start3A_199 = tpu.memref_slice %arg3[%mul3A_78] : memref<320000xi32, #tpu.memory_space<hbm>> -> memref<128xi32, #tpu.memory_space<hbm>>
        %dma_start3A_200 = arith.constant 0 : i32
        %dma_start3A_201 = tpu.memref_slice %arg5[%run_scoped3A, %dma_start3A_200] : memref<4x128xi32, #tpu.memory_space<vmem>> -> memref<1x128xi32, #tpu.memory_space<vmem>>
        %dma_start3A_202 = tpu.memref_squeeze %dma_start3A_201 : memref<1x128xi32, #tpu.memory_space<vmem>> -> memref<128xi32, #tpu.memory_space<vmem>>
        %dma_start3A_203 = tpu.memref_slice %arg3[%mul3A_78] : memref<320000xi32, #tpu.memory_space<hbm>> -> memref<128xi32, #tpu.memory_space<hbm>>
        tpu.enqueue_dma source(%dma_start3A_203 : memref<128xi32, #tpu.memory_space<hbm>>) target(%dma_start3A_202 : memref<128xi32, #tpu.memory_space<vmem>>) target_semaphore(%run_scoped3A_195 : memref<!tpu.dma_semaphore, #tpu.memory_space<semaphore_mem>>)
        %dma_wait3A_204 = arith.constant 0 : i32
        %dma_wait3A_205 = tpu.memref_slice %arg5[%run_scoped3A, %dma_wait3A_204] : memref<4x128xi32, #tpu.memory_space<vmem>> -> memref<1x128xi32, #tpu.memory_space<vmem>>
        %dma_wait3A_206 = tpu.memref_squeeze %dma_wait3A_205 : memref<1x128xi32, #tpu.memory_space<vmem>> -> memref<128xi32, #tpu.memory_space<vmem>>
        %dma_wait3A_207 = tpu.memref_slice %arg3[%mul3A_78] : memref<320000xi32, #tpu.memory_space<hbm>> -> memref<128xi32, #tpu.memory_space<hbm>>
        %dma_wait3A_208 = arith.constant 0 : i32
        %dma_wait3A_209 = tpu.memref_slice %arg5[%run_scoped3A, %dma_wait3A_208] : memref<4x128xi32, #tpu.memory_space<vmem>> -> memref<1x128xi32, #tpu.memory_space<vmem>>
        %dma_wait3A_210 = tpu.memref_squeeze %dma_wait3A_209 : memref<1x128xi32, #tpu.memory_space<vmem>> -> memref<128xi32, #tpu.memory_space<vmem>>
        %dma_wait3A_211 = tpu.memref_slice %arg3[%mul3A_78] : memref<320000xi32, #tpu.memory_space<hbm>> -> memref<128xi32, #tpu.memory_space<hbm>>
        tpu.wait_dma2 semaphore(%run_scoped3A_195 : memref<!tpu.dma_semaphore, #tpu.memory_space<semaphore_mem>>) src(%dma_wait3A_211 : memref<128xi32, #tpu.memory_space<hbm>>) dst(%dma_wait3A_210 : memref<128xi32, #tpu.memory_space<vmem>>)
        tpu.yield
      }) : () -> ()
      %dma_start3A = arith.constant 0 : i32
      %dma_start3A_106 = arith.constant 0 : i32
      %dma_start3A_107 = tpu.memref_slice %arg5[%dma_start3A, %dma_start3A_106] : memref<4x128xi32, #tpu.memory_space<vmem>> -> memref<1x128xi32, #tpu.memory_space<vmem>>
      %dma_start3A_108 = tpu.memref_squeeze %dma_start3A_107 : memref<1x128xi32, #tpu.memory_space<vmem>> -> memref<128xi32, #tpu.memory_space<vmem>>
      %dma_start3A_109 = arith.constant 0 : i32
      %dma_start3A_110 = arith.constant 0 : i32
      %dma_start3A_111 = tpu.memref_slice %arg2[%dma_start3A_109, %dma_start3A_110] : memref<10000x128xf32, #tpu.memory_space<hbm>> -> memref<10000x128xf32, #tpu.memory_space<hbm>>
      tpu.enqueue_indirect_dma source(%dma_start3A_111 : memref<10000x128xf32, #tpu.memory_space<hbm>>) target(%arg6 : memref<128x128xf32, #tpu.memory_space<vmem>>) offsets(%dma_start3A_108 : memref<128xi32, #tpu.memory_space<vmem>>) semaphore(%arg10 : memref<!tpu.dma_semaphore, #tpu.memory_space<semaphore_mem>>)
      %run_scoped3A_112 = arith.constant 1 : i32
      "tpu.region"() ({
        %run_scoped3A_195 = tpu.sem_alloc : memref<!tpu.dma_semaphore, #tpu.memory_space<semaphore_mem>>
        %dma_start3A_196 = arith.constant 0 : i32
        %dma_start3A_197 = tpu.memref_slice %arg5[%run_scoped3A_112, %dma_start3A_196] : memref<4x128xi32, #tpu.memory_space<vmem>> -> memref<1x128xi32, #tpu.memory_space<vmem>>
        %dma_start3A_198 = tpu.memref_squeeze %dma_start3A_197 : memref<1x128xi32, #tpu.memory_space<vmem>> -> memref<128xi32, #tpu.memory_space<vmem>>
        %dma_start3A_199 = tpu.memref_slice %arg3[%mul3A_87] : memref<320000xi32, #tpu.memory_space<hbm>> -> memref<128xi32, #tpu.memory_space<hbm>>
        %dma_start3A_200 = arith.constant 0 : i32
        %dma_start3A_201 = tpu.memref_slice %arg5[%run_scoped3A_112, %dma_start3A_200] : memref<4x128xi32, #tpu.memory_space<vmem>> -> memref<1x128xi32, #tpu.memory_space<vmem>>
        %dma_start3A_202 = tpu.memref_squeeze %dma_start3A_201 : memref<1x128xi32, #tpu.memory_space<vmem>> -> memref<128xi32, #tpu.memory_space<vmem>>
        %dma_start3A_203 = tpu.memref_slice %arg3[%mul3A_87] : memref<320000xi32, #tpu.memory_space<hbm>> -> memref<128xi32, #tpu.memory_space<hbm>>
        tpu.enqueue_dma source(%dma_start3A_203 : memref<128xi32, #tpu.memory_space<hbm>>) target(%dma_start3A_202 : memref<128xi32, #tpu.memory_space<vmem>>) target_semaphore(%run_scoped3A_195 : memref<!tpu.dma_semaphore, #tpu.memory_space<semaphore_mem>>)
        %dma_wait3A_204 = arith.constant 0 : i32
        %dma_wait3A_205 = tpu.memref_slice %arg5[%run_scoped3A_112, %dma_wait3A_204] : memref<4x128xi32, #tpu.memory_space<vmem>> -> memref<1x128xi32, #tpu.memory_space<vmem>>
        %dma_wait3A_206 = tpu.memref_squeeze %dma_wait3A_205 : memref<1x128xi32, #tpu.memory_space<vmem>> -> memref<128xi32, #tpu.memory_space<vmem>>
        %dma_wait3A_207 = tpu.memref_slice %arg3[%mul3A_87] : memref<320000xi32, #tpu.memory_space<hbm>> -> memref<128xi32, #tpu.memory_space<hbm>>
        %dma_wait3A_208 = arith.constant 0 : i32
        %dma_wait3A_209 = tpu.memref_slice %arg5[%run_scoped3A_112, %dma_wait3A_208] : memref<4x128xi32, #tpu.memory_space<vmem>> -> memref<1x128xi32, #tpu.memory_space<vmem>>
        %dma_wait3A_210 = tpu.memref_squeeze %dma_wait3A_209 : memref<1x128xi32, #tpu.memory_space<vmem>> -> memref<128xi32, #tpu.memory_space<vmem>>
        %dma_wait3A_211 = tpu.memref_slice %arg3[%mul3A_87] : memref<320000xi32, #tpu.memory_space<hbm>> -> memref<128xi32, #tpu.memory_space<hbm>>
        tpu.wait_dma2 semaphore(%run_scoped3A_195 : memref<!tpu.dma_semaphore, #tpu.memory_space<semaphore_mem>>) src(%dma_wait3A_211 : memref<128xi32, #tpu.memory_space<hbm>>) dst(%dma_wait3A_210 : memref<128xi32, #tpu.memory_space<vmem>>)
        tpu.yield
      }) : () -> ()
      %dma_start3A_113 = arith.constant 1 : i32
      %dma_start3A_114 = arith.constant 0 : i32
      %dma_start3A_115 = tpu.memref_slice %arg5[%dma_start3A_113, %dma_start3A_114] : memref<4x128xi32, #tpu.memory_space<vmem>> -> memref<1x128xi32, #tpu.memory_space<vmem>>
      %dma_start3A_116 = tpu.memref_squeeze %dma_start3A_115 : memref<1x128xi32, #tpu.memory_space<vmem>> -> memref<128xi32, #tpu.memory_space<vmem>>
      %dma_start3A_117 = arith.constant 0 : i32
      %dma_start3A_118 = arith.constant 0 : i32
      %dma_start3A_119 = tpu.memref_slice %arg2[%dma_start3A_117, %dma_start3A_118] : memref<10000x128xf32, #tpu.memory_space<hbm>> -> memref<10000x128xf32, #tpu.memory_space<hbm>>
      tpu.enqueue_indirect_dma source(%dma_start3A_119 : memref<10000x128xf32, #tpu.memory_space<hbm>>) target(%arg7 : memref<128x128xf32, #tpu.memory_space<vmem>>) offsets(%dma_start3A_116 : memref<128xi32, #tpu.memory_space<vmem>>) semaphore(%arg11 : memref<!tpu.dma_semaphore, #tpu.memory_space<semaphore_mem>>)
      %run_scoped3A_120 = arith.constant 2 : i32
      "tpu.region"() ({
        %run_scoped3A_195 = tpu.sem_alloc : memref<!tpu.dma_semaphore, #tpu.memory_space<semaphore_mem>>
        %dma_start3A_196 = arith.constant 0 : i32
        %dma_start3A_197 = tpu.memref_slice %arg5[%run_scoped3A_120, %dma_start3A_196] : memref<4x128xi32, #tpu.memory_space<vmem>> -> memref<1x128xi32, #tpu.memory_space<vmem>>
        %dma_start3A_198 = tpu.memref_squeeze %dma_start3A_197 : memref<1x128xi32, #tpu.memory_space<vmem>> -> memref<128xi32, #tpu.memory_space<vmem>>
        %dma_start3A_199 = tpu.memref_slice %arg3[%mul3A_96] : memref<320000xi32, #tpu.memory_space<hbm>> -> memref<128xi32, #tpu.memory_space<hbm>>
        %dma_start3A_200 = arith.constant 0 : i32
        %dma_start3A_201 = tpu.memref_slice %arg5[%run_scoped3A_120, %dma_start3A_200] : memref<4x128xi32, #tpu.memory_space<vmem>> -> memref<1x128xi32, #tpu.memory_space<vmem>>
        %dma_start3A_202 = tpu.memref_squeeze %dma_start3A_201 : memref<1x128xi32, #tpu.memory_space<vmem>> -> memref<128xi32, #tpu.memory_space<vmem>>
        %dma_start3A_203 = tpu.memref_slice %arg3[%mul3A_96] : memref<320000xi32, #tpu.memory_space<hbm>> -> memref<128xi32, #tpu.memory_space<hbm>>
        tpu.enqueue_dma source(%dma_start3A_203 : memref<128xi32, #tpu.memory_space<hbm>>) target(%dma_start3A_202 : memref<128xi32, #tpu.memory_space<vmem>>) target_semaphore(%run_scoped3A_195 : memref<!tpu.dma_semaphore, #tpu.memory_space<semaphore_mem>>)
        %dma_wait3A_204 = arith.constant 0 : i32
        %dma_wait3A_205 = tpu.memref_slice %arg5[%run_scoped3A_120, %dma_wait3A_204] : memref<4x128xi32, #tpu.memory_space<vmem>> -> memref<1x128xi32, #tpu.memory_space<vmem>>
        %dma_wait3A_206 = tpu.memref_squeeze %dma_wait3A_205 : memref<1x128xi32, #tpu.memory_space<vmem>> -> memref<128xi32, #tpu.memory_space<vmem>>
        %dma_wait3A_207 = tpu.memref_slice %arg3[%mul3A_96] : memref<320000xi32, #tpu.memory_space<hbm>> -> memref<128xi32, #tpu.memory_space<hbm>>
        %dma_wait3A_208 = arith.constant 0 : i32
        %dma_wait3A_209 = tpu.memref_slice %arg5[%run_scoped3A_120, %dma_wait3A_208] : memref<4x128xi32, #tpu.memory_space<vmem>> -> memref<1x128xi32, #tpu.memory_space<vmem>>
        %dma_wait3A_210 = tpu.memref_squeeze %dma_wait3A_209 : memref<1x128xi32, #tpu.memory_space<vmem>> -> memref<128xi32, #tpu.memory_space<vmem>>
        %dma_wait3A_211 = tpu.memref_slice %arg3[%mul3A_96] : memref<320000xi32, #tpu.memory_space<hbm>> -> memref<128xi32, #tpu.memory_space<hbm>>
        tpu.wait_dma2 semaphore(%run_scoped3A_195 : memref<!tpu.dma_semaphore, #tpu.memory_space<semaphore_mem>>) src(%dma_wait3A_211 : memref<128xi32, #tpu.memory_space<hbm>>) dst(%dma_wait3A_210 : memref<128xi32, #tpu.memory_space<vmem>>)
        tpu.yield
      }) : () -> ()
      %dma_start3A_121 = arith.constant 2 : i32
      %dma_start3A_122 = arith.constant 0 : i32
      %dma_start3A_123 = tpu.memref_slice %arg5[%dma_start3A_121, %dma_start3A_122] : memref<4x128xi32, #tpu.memory_space<vmem>> -> memref<1x128xi32, #tpu.memory_space<vmem>>
      %dma_start3A_124 = tpu.memref_squeeze %dma_start3A_123 : memref<1x128xi32, #tpu.memory_space<vmem>> -> memref<128xi32, #tpu.memory_space<vmem>>
      %dma_start3A_125 = arith.constant 0 : i32
      %dma_start3A_126 = arith.constant 0 : i32
      %dma_start3A_127 = tpu.memref_slice %arg2[%dma_start3A_125, %dma_start3A_126] : memref<10000x128xf32, #tpu.memory_space<hbm>> -> memref<10000x128xf32, #tpu.memory_space<hbm>>
      tpu.enqueue_indirect_dma source(%dma_start3A_127 : memref<10000x128xf32, #tpu.memory_space<hbm>>) target(%arg8 : memref<128x128xf32, #tpu.memory_space<vmem>>) offsets(%dma_start3A_124 : memref<128xi32, #tpu.memory_space<vmem>>) semaphore(%arg12 : memref<!tpu.dma_semaphore, #tpu.memory_space<semaphore_mem>>)
      %run_scoped3A_128 = arith.constant 3 : i32
      "tpu.region"() ({
        %run_scoped3A_195 = tpu.sem_alloc : memref<!tpu.dma_semaphore, #tpu.memory_space<semaphore_mem>>
        %dma_start3A_196 = arith.constant 0 : i32
        %dma_start3A_197 = tpu.memref_slice %arg5[%run_scoped3A_128, %dma_start3A_196] : memref<4x128xi32, #tpu.memory_space<vmem>> -> memref<1x128xi32, #tpu.memory_space<vmem>>
        %dma_start3A_198 = tpu.memref_squeeze %dma_start3A_197 : memref<1x128xi32, #tpu.memory_space<vmem>> -> memref<128xi32, #tpu.memory_space<vmem>>
        %dma_start3A_199 = tpu.memref_slice %arg3[%mul3A_105] : memref<320000xi32, #tpu.memory_space<hbm>> -> memref<128xi32, #tpu.memory_space<hbm>>
        %dma_start3A_200 = arith.constant 0 : i32
        %dma_start3A_201 = tpu.memref_slice %arg5[%run_scoped3A_128, %dma_start3A_200] : memref<4x128xi32, #tpu.memory_space<vmem>> -> memref<1x128xi32, #tpu.memory_space<vmem>>
        %dma_start3A_202 = tpu.memref_squeeze %dma_start3A_201 : memref<1x128xi32, #tpu.memory_space<vmem>> -> memref<128xi32, #tpu.memory_space<vmem>>
        %dma_start3A_203 = tpu.memref_slice %arg3[%mul3A_105] : memref<320000xi32, #tpu.memory_space<hbm>> -> memref<128xi32, #tpu.memory_space<hbm>>
        tpu.enqueue_dma source(%dma_start3A_203 : memref<128xi32, #tpu.memory_space<hbm>>) target(%dma_start3A_202 : memref<128xi32, #tpu.memory_space<vmem>>) target_semaphore(%run_scoped3A_195 : memref<!tpu.dma_semaphore, #tpu.memory_space<semaphore_mem>>)
        %dma_wait3A_204 = arith.constant 0 : i32
        %dma_wait3A_205 = tpu.memref_slice %arg5[%run_scoped3A_128, %dma_wait3A_204] : memref<4x128xi32, #tpu.memory_space<vmem>> -> memref<1x128xi32, #tpu.memory_space<vmem>>
        %dma_wait3A_206 = tpu.memref_squeeze %dma_wait3A_205 : memref<1x128xi32, #tpu.memory_space<vmem>> -> memref<128xi32, #tpu.memory_space<vmem>>
        %dma_wait3A_207 = tpu.memref_slice %arg3[%mul3A_105] : memref<320000xi32, #tpu.memory_space<hbm>> -> memref<128xi32, #tpu.memory_space<hbm>>
        %dma_wait3A_208 = arith.constant 0 : i32
        %dma_wait3A_209 = tpu.memref_slice %arg5[%run_scoped3A_128, %dma_wait3A_208] : memref<4x128xi32, #tpu.memory_space<vmem>> -> memref<1x128xi32, #tpu.memory_space<vmem>>
        %dma_wait3A_210 = tpu.memref_squeeze %dma_wait3A_209 : memref<1x128xi32, #tpu.memory_space<vmem>> -> memref<128xi32, #tpu.memory_space<vmem>>
        %dma_wait3A_211 = tpu.memref_slice %arg3[%mul3A_105] : memref<320000xi32, #tpu.memory_space<hbm>> -> memref<128xi32, #tpu.memory_space<hbm>>
        tpu.wait_dma2 semaphore(%run_scoped3A_195 : memref<!tpu.dma_semaphore, #tpu.memory_space<semaphore_mem>>) src(%dma_wait3A_211 : memref<128xi32, #tpu.memory_space<hbm>>) dst(%dma_wait3A_210 : memref<128xi32, #tpu.memory_space<vmem>>)
        tpu.yield
      }) : () -> ()
      %dma_start3A_129 = arith.constant 3 : i32
      %dma_start3A_130 = arith.constant 0 : i32
      %dma_start3A_131 = tpu.memref_slice %arg5[%dma_start3A_129, %dma_start3A_130] : memref<4x128xi32, #tpu.memory_space<vmem>> -> memref<1x128xi32, #tpu.memory_space<vmem>>
      %dma_start3A_132 = tpu.memref_squeeze %dma_start3A_131 : memref<1x128xi32, #tpu.memory_space<vmem>> -> memref<128xi32, #tpu.memory_space<vmem>>
      %dma_start3A_133 = arith.constant 0 : i32
      %dma_start3A_134 = arith.constant 0 : i32
      %dma_start3A_135 = tpu.memref_slice %arg2[%dma_start3A_133, %dma_start3A_134] : memref<10000x128xf32, #tpu.memory_space<hbm>> -> memref<10000x128xf32, #tpu.memory_space<hbm>>
      tpu.enqueue_indirect_dma source(%dma_start3A_135 : memref<10000x128xf32, #tpu.memory_space<hbm>>) target(%arg9 : memref<128x128xf32, #tpu.memory_space<vmem>>) offsets(%dma_start3A_132 : memref<128xi32, #tpu.memory_space<vmem>>) semaphore(%arg13 : memref<!tpu.dma_semaphore, #tpu.memory_space<semaphore_mem>>)
      %dma_wait3A = arith.constant 0 : i32
      %dma_wait3A_136 = arith.constant 0 : i32
      %dma_wait3A_137 = tpu.memref_slice %arg5[%dma_wait3A, %dma_wait3A_136] : memref<4x128xi32, #tpu.memory_space<vmem>> -> memref<1x128xi32, #tpu.memory_space<vmem>>
      %dma_wait3A_138 = tpu.memref_squeeze %dma_wait3A_137 : memref<1x128xi32, #tpu.memory_space<vmem>> -> memref<128xi32, #tpu.memory_space<vmem>>
      %dma_wait3A_139 = arith.constant 0 : i32
      %dma_wait3A_140 = arith.constant 0 : i32
      %dma_wait3A_141 = tpu.memref_slice %arg2[%dma_wait3A_139, %dma_wait3A_140] : memref<10000x128xf32, #tpu.memory_space<hbm>> -> memref<10000x128xf32, #tpu.memory_space<hbm>>
      tpu.wait_indirect_dma semaphore(%arg10 : memref<!tpu.dma_semaphore, #tpu.memory_space<semaphore_mem>>) src(%dma_wait3A_141 : memref<10000x128xf32, #tpu.memory_space<hbm>>) dst(%arg6 : memref<128x128xf32, #tpu.memory_space<vmem>>)
      %dma_start3A_142 = arith.constant 0 : i32
      %dma_start3A_143 = tpu.memref_slice %arg4[%mul3A_78, %dma_start3A_142] : memref<320000x128xf32, #tpu.memory_space<hbm>> -> memref<128x128xf32, #tpu.memory_space<hbm>>
      %dma_start3A_144 = arith.constant 0 : i32
      %dma_start3A_145 = tpu.memref_slice %arg4[%mul3A_78, %dma_start3A_144] : memref<320000x128xf32, #tpu.memory_space<hbm>> -> memref<128x128xf32, #tpu.memory_space<hbm>>
      tpu.enqueue_dma source(%arg6 : memref<128x128xf32, #tpu.memory_space<vmem>>) target(%dma_start3A_145 : memref<128x128xf32, #tpu.memory_space<hbm>>) target_semaphore(%arg14 : memref<!tpu.dma_semaphore, #tpu.memory_space<semaphore_mem>>)
      %dma_wait3A_146 = arith.constant 1 : i32
      %dma_wait3A_147 = arith.constant 0 : i32
      %dma_wait3A_148 = tpu.memref_slice %arg5[%dma_wait3A_146, %dma_wait3A_147] : memref<4x128xi32, #tpu.memory_space<vmem>> -> memref<1x128xi32, #tpu.memory_space<vmem>>
      %dma_wait3A_149 = tpu.memref_squeeze %dma_wait3A_148 : memref<1x128xi32, #tpu.memory_space<vmem>> -> memref<128xi32, #tpu.memory_space<vmem>>
      %dma_wait3A_150 = arith.constant 0 : i32
      %dma_wait3A_151 = arith.constant 0 : i32
      %dma_wait3A_152 = tpu.memref_slice %arg2[%dma_wait3A_150, %dma_wait3A_151] : memref<10000x128xf32, #tpu.memory_space<hbm>> -> memref<10000x128xf32, #tpu.memory_space<hbm>>
      tpu.wait_indirect_dma semaphore(%arg11 : memref<!tpu.dma_semaphore, #tpu.memory_space<semaphore_mem>>) src(%dma_wait3A_152 : memref<10000x128xf32, #tpu.memory_space<hbm>>) dst(%arg7 : memref<128x128xf32, #tpu.memory_space<vmem>>)
      %dma_start3A_153 = arith.constant 0 : i32
      %dma_start3A_154 = tpu.memref_slice %arg4[%mul3A_87, %dma_start3A_153] : memref<320000x128xf32, #tpu.memory_space<hbm>> -> memref<128x128xf32, #tpu.memory_space<hbm>>
      %dma_start3A_155 = arith.constant 0 : i32
      %dma_start3A_156 = tpu.memref_slice %arg4[%mul3A_87, %dma_start3A_155] : memref<320000x128xf32, #tpu.memory_space<hbm>> -> memref<128x128xf32, #tpu.memory_space<hbm>>
      tpu.enqueue_dma source(%arg7 : memref<128x128xf32, #tpu.memory_space<vmem>>) target(%dma_start3A_156 : memref<128x128xf32, #tpu.memory_space<hbm>>) target_semaphore(%arg15 : memref<!tpu.dma_semaphore, #tpu.memory_space<semaphore_mem>>)
      %dma_wait3A_157 = arith.constant 2 : i32
      %dma_wait3A_158 = arith.constant 0 : i32
      %dma_wait3A_159 = tpu.memref_slice %arg5[%dma_wait3A_157, %dma_wait3A_158] : memref<4x128xi32, #tpu.memory_space<vmem>> -> memref<1x128xi32, #tpu.memory_space<vmem>>
      %dma_wait3A_160 = tpu.memref_squeeze %dma_wait3A_159 : memref<1x128xi32, #tpu.memory_space<vmem>> -> memref<128xi32, #tpu.memory_space<vmem>>
      %dma_wait3A_161 = arith.constant 0 : i32
      %dma_wait3A_162 = arith.constant 0 : i32
      %dma_wait3A_163 = tpu.memref_slice %arg2[%dma_wait3A_161, %dma_wait3A_162] : memref<10000x128xf32, #tpu.memory_space<hbm>> -> memref<10000x128xf32, #tpu.memory_space<hbm>>
      tpu.wait_indirect_dma semaphore(%arg12 : memref<!tpu.dma_semaphore, #tpu.memory_space<semaphore_mem>>) src(%dma_wait3A_163 : memref<10000x128xf32, #tpu.memory_space<hbm>>) dst(%arg8 : memref<128x128xf32, #tpu.memory_space<vmem>>)
      %dma_start3A_164 = arith.constant 0 : i32
      %dma_start3A_165 = tpu.memref_slice %arg4[%mul3A_96, %dma_start3A_164] : memref<320000x128xf32, #tpu.memory_space<hbm>> -> memref<128x128xf32, #tpu.memory_space<hbm>>
      %dma_start3A_166 = arith.constant 0 : i32
      %dma_start3A_167 = tpu.memref_slice %arg4[%mul3A_96, %dma_start3A_166] : memref<320000x128xf32, #tpu.memory_space<hbm>> -> memref<128x128xf32, #tpu.memory_space<hbm>>
      tpu.enqueue_dma source(%arg8 : memref<128x128xf32, #tpu.memory_space<vmem>>) target(%dma_start3A_167 : memref<128x128xf32, #tpu.memory_space<hbm>>) target_semaphore(%arg16 : memref<!tpu.dma_semaphore, #tpu.memory_space<semaphore_mem>>)
      %dma_wait3A_168 = arith.constant 3 : i32
      %dma_wait3A_169 = arith.constant 0 : i32
      %dma_wait3A_170 = tpu.memref_slice %arg5[%dma_wait3A_168, %dma_wait3A_169] : memref<4x128xi32, #tpu.memory_space<vmem>> -> memref<1x128xi32, #tpu.memory_space<vmem>>
      %dma_wait3A_171 = tpu.memref_squeeze %dma_wait3A_170 : memref<1x128xi32, #tpu.memory_space<vmem>> -> memref<128xi32, #tpu.memory_space<vmem>>
      %dma_wait3A_172 = arith.constant 0 : i32
      %dma_wait3A_173 = arith.constant 0 : i32
      %dma_wait3A_174 = tpu.memref_slice %arg2[%dma_wait3A_172, %dma_wait3A_173] : memref<10000x128xf32, #tpu.memory_space<hbm>> -> memref<10000x128xf32, #tpu.memory_space<hbm>>
      tpu.wait_indirect_dma semaphore(%arg13 : memref<!tpu.dma_semaphore, #tpu.memory_space<semaphore_mem>>) src(%dma_wait3A_174 : memref<10000x128xf32, #tpu.memory_space<hbm>>) dst(%arg9 : memref<128x128xf32, #tpu.memory_space<vmem>>)
      %dma_start3A_175 = arith.constant 0 : i32
      %dma_start3A_176 = tpu.memref_slice %arg4[%mul3A_105, %dma_start3A_175] : memref<320000x128xf32, #tpu.memory_space<hbm>> -> memref<128x128xf32, #tpu.memory_space<hbm>>
      %dma_start3A_177 = arith.constant 0 : i32
      %dma_start3A_178 = tpu.memref_slice %arg4[%mul3A_105, %dma_start3A_177] : memref<320000x128xf32, #tpu.memory_space<hbm>> -> memref<128x128xf32, #tpu.memory_space<hbm>>
      tpu.enqueue_dma source(%arg9 : memref<128x128xf32, #tpu.memory_space<vmem>>) target(%dma_start3A_178 : memref<128x128xf32, #tpu.memory_space<hbm>>) target_semaphore(%arg17 : memref<!tpu.dma_semaphore, #tpu.memory_space<semaphore_mem>>)
      %dma_wait3A_179 = arith.constant 0 : i32
      %dma_wait3A_180 = tpu.memref_slice %arg4[%mul3A_78, %dma_wait3A_179] : memref<320000x128xf32, #tpu.memory_space<hbm>> -> memref<128x128xf32, #tpu.memory_space<hbm>>
      %dma_wait3A_181 = arith.constant 0 : i32
      %dma_wait3A_182 = tpu.memref_slice %arg4[%mul3A_78, %dma_wait3A_181] : memref<320000x128xf32, #tpu.memory_space<hbm>> -> memref<128x128xf32, #tpu.memory_space<hbm>>
      tpu.wait_dma2 semaphore(%arg14 : memref<!tpu.dma_semaphore, #tpu.memory_space<semaphore_mem>>) src(%arg6 : memref<128x128xf32, #tpu.memory_space<vmem>>) dst(%dma_wait3A_182 : memref<128x128xf32, #tpu.memory_space<hbm>>)
      %dma_wait3A_183 = arith.constant 0 : i32
      %dma_wait3A_184 = tpu.memref_slice %arg4[%mul3A_87, %dma_wait3A_183] : memref<320000x128xf32, #tpu.memory_space<hbm>> -> memref<128x128xf32, #tpu.memory_space<hbm>>
      %dma_wait3A_185 = arith.constant 0 : i32
      %dma_wait3A_186 = tpu.memref_slice %arg4[%mul3A_87, %dma_wait3A_185] : memref<320000x128xf32, #tpu.memory_space<hbm>> -> memref<128x128xf32, #tpu.memory_space<hbm>>
      tpu.wait_dma2 semaphore(%arg15 : memref<!tpu.dma_semaphore, #tpu.memory_space<semaphore_mem>>) src(%arg7 : memref<128x128xf32, #tpu.memory_space<vmem>>) dst(%dma_wait3A_186 : memref<128x128xf32, #tpu.memory_space<hbm>>)
      %dma_wait3A_187 = arith.constant 0 : i32
      %dma_wait3A_188 = tpu.memref_slice %arg4[%mul3A_96, %dma_wait3A_187] : memref<320000x128xf32, #tpu.memory_space<hbm>> -> memref<128x128xf32, #tpu.memory_space<hbm>>
      %dma_wait3A_189 = arith.constant 0 : i32
      %dma_wait3A_190 = tpu.memref_slice %arg4[%mul3A_96, %dma_wait3A_189] : memref<320000x128xf32, #tpu.memory_space<hbm>> -> memref<128x128xf32, #tpu.memory_space<hbm>>
      tpu.wait_dma2 semaphore(%arg16 : memref<!tpu.dma_semaphore, #tpu.memory_space<semaphore_mem>>) src(%arg8 : memref<128x128xf32, #tpu.memory_space<vmem>>) dst(%dma_wait3A_190 : memref<128x128xf32, #tpu.memory_space<hbm>>)
      %dma_wait3A_191 = arith.constant 0 : i32
      %dma_wait3A_192 = tpu.memref_slice %arg4[%mul3A_105, %dma_wait3A_191] : memref<320000x128xf32, #tpu.memory_space<hbm>> -> memref<128x128xf32, #tpu.memory_space<hbm>>
      %dma_wait3A_193 = arith.constant 0 : i32
      %dma_wait3A_194 = tpu.memref_slice %arg4[%mul3A_105, %dma_wait3A_193] : memref<320000x128xf32, #tpu.memory_space<hbm>> -> memref<128x128xf32, #tpu.memory_space<hbm>>
      tpu.wait_dma2 semaphore(%arg17 : memref<!tpu.dma_semaphore, #tpu.memory_space<semaphore_mem>>) src(%arg9 : memref<128x128xf32, #tpu.memory_space<vmem>>) dst(%dma_wait3A_194 : memref<128x128xf32, #tpu.memory_space<hbm>>)
    }
    %mul3A_56 = arith.constant 4 : i32
    %mul3A_57 = arith.muli %select_n3A_46, %mul3A_56 : i32
    %sub3A_58 = arith.subi %select_n3A, %mul3A_57 : i32
    %while3A_59 = arith.constant 0 : i32
    %while3A_60 = arith.constant 0 : i32
    %while3A_61 = arith.subi %sub3A_58, %while3A_60 : i32
    %while3A_62 = arith.addi %while3A_60, %while3A_61 : i32
    %while3A_63 = arith.constant 1 : i32
    %while3A_64 = arith.divsi %while3A_61, %while3A_63 : i32
    %while3A_65 = arith.muli %while3A_64, %while3A_63 : i32
    %while3A_66 = arith.addi %while3A_60, %while3A_65 : i32
    %while3A_67 = arith.constant 1 : i32
    scf.for %while3A_69 = %while3A_60 to %while3A_66 step %while3A_67  : i32 {
      %mul3A_70 = arith.constant 4 : i32
      %mul3A_71 = arith.muli %select_n3A_46, %mul3A_70 : i32
      %add3A_72 = arith.addi %mul3A_71, %while3A_69 : i32
      %mul3A_73 = arith.constant 32 : i32
      %mul3A_74 = arith.muli %add3A_72, %mul3A_73 : i32
      %add3A_75 = arith.addi %add3A, %mul3A_74 : i32
      %mul3A_76 = arith.constant 128 : i32
      %mul3A_77 = arith.muli %add3A_75, %mul3A_76 : i32
      %run_scoped3A = arith.constant 0 : i32
      "tpu.region"() ({
        %run_scoped3A_90 = tpu.sem_alloc : memref<!tpu.dma_semaphore, #tpu.memory_space<semaphore_mem>>
        %dma_start3A_91 = arith.constant 0 : i32
        %dma_start3A_92 = tpu.memref_slice %arg5[%run_scoped3A, %dma_start3A_91] : memref<4x128xi32, #tpu.memory_space<vmem>> -> memref<1x128xi32, #tpu.memory_space<vmem>>
        %dma_start3A_93 = tpu.memref_squeeze %dma_start3A_92 : memref<1x128xi32, #tpu.memory_space<vmem>> -> memref<128xi32, #tpu.memory_space<vmem>>
        %dma_start3A_94 = tpu.memref_slice %arg3[%mul3A_77] : memref<320000xi32, #tpu.memory_space<hbm>> -> memref<128xi32, #tpu.memory_space<hbm>>
        %dma_start3A_95 = arith.constant 0 : i32
        %dma_start3A_96 = tpu.memref_slice %arg5[%run_scoped3A, %dma_start3A_95] : memref<4x128xi32, #tpu.memory_space<vmem>> -> memref<1x128xi32, #tpu.memory_space<vmem>>
        %dma_start3A_97 = tpu.memref_squeeze %dma_start3A_96 : memref<1x128xi32, #tpu.memory_space<vmem>> -> memref<128xi32, #tpu.memory_space<vmem>>
        %dma_start3A_98 = tpu.memref_slice %arg3[%mul3A_77] : memref<320000xi32, #tpu.memory_space<hbm>> -> memref<128xi32, #tpu.memory_space<hbm>>
        tpu.enqueue_dma source(%dma_start3A_98 : memref<128xi32, #tpu.memory_space<hbm>>) target(%dma_start3A_97 : memref<128xi32, #tpu.memory_space<vmem>>) target_semaphore(%run_scoped3A_90 : memref<!tpu.dma_semaphore, #tpu.memory_space<semaphore_mem>>)
        %dma_wait3A_99 = arith.constant 0 : i32
        %dma_wait3A_100 = tpu.memref_slice %arg5[%run_scoped3A, %dma_wait3A_99] : memref<4x128xi32, #tpu.memory_space<vmem>> -> memref<1x128xi32, #tpu.memory_space<vmem>>
        %dma_wait3A_101 = tpu.memref_squeeze %dma_wait3A_100 : memref<1x128xi32, #tpu.memory_space<vmem>> -> memref<128xi32, #tpu.memory_space<vmem>>
        %dma_wait3A_102 = tpu.memref_slice %arg3[%mul3A_77] : memref<320000xi32, #tpu.memory_space<hbm>> -> memref<128xi32, #tpu.memory_space<hbm>>
        %dma_wait3A_103 = arith.constant 0 : i32
        %dma_wait3A_104 = tpu.memref_slice %arg5[%run_scoped3A, %dma_wait3A_103] : memref<4x128xi32, #tpu.memory_space<vmem>> -> memref<1x128xi32, #tpu.memory_space<vmem>>
        %dma_wait3A_105 = tpu.memref_squeeze %dma_wait3A_104 : memref<1x128xi32, #tpu.memory_space<vmem>> -> memref<128xi32, #tpu.memory_space<vmem>>
        %dma_wait3A_106 = tpu.memref_slice %arg3[%mul3A_77] : memref<320000xi32, #tpu.memory_space<hbm>> -> memref<128xi32, #tpu.memory_space<hbm>>
        tpu.wait_dma2 semaphore(%run_scoped3A_90 : memref<!tpu.dma_semaphore, #tpu.memory_space<semaphore_mem>>) src(%dma_wait3A_106 : memref<128xi32, #tpu.memory_space<hbm>>) dst(%dma_wait3A_105 : memref<128xi32, #tpu.memory_space<vmem>>)
        tpu.yield
      }) : () -> ()
      %dma_start3A = arith.constant 0 : i32
      %dma_start3A_78 = arith.constant 0 : i32
      %dma_start3A_79 = tpu.memref_slice %arg5[%dma_start3A, %dma_start3A_78] : memref<4x128xi32, #tpu.memory_space<vmem>> -> memref<1x128xi32, #tpu.memory_space<vmem>>
      %dma_start3A_80 = tpu.memref_squeeze %dma_start3A_79 : memref<1x128xi32, #tpu.memory_space<vmem>> -> memref<128xi32, #tpu.memory_space<vmem>>
      %dma_start3A_81 = arith.constant 0 : i32
      %dma_start3A_82 = arith.constant 0 : i32
      %dma_start3A_83 = tpu.memref_slice %arg2[%dma_start3A_81, %dma_start3A_82] : memref<10000x128xf32, #tpu.memory_space<hbm>> -> memref<10000x128xf32, #tpu.memory_space<hbm>>
      tpu.enqueue_indirect_dma source(%dma_start3A_83 : memref<10000x128xf32, #tpu.memory_space<hbm>>) target(%arg6 : memref<128x128xf32, #tpu.memory_space<vmem>>) offsets(%dma_start3A_80 : memref<128xi32, #tpu.memory_space<vmem>>) semaphore(%arg10 : memref<!tpu.dma_semaphore, #tpu.memory_space<semaphore_mem>>)
      %dma_wait3A = arith.constant 0 : i32
      %dma_wait3A_84 = arith.constant 0 : i32
      %dma_wait3A_85 = tpu.memref_slice %arg5[%dma_wait3A, %dma_wait3A_84] : memref<4x128xi32, #tpu.memory_space<vmem>> -> memref<1x128xi32, #tpu.memory_space<vmem>>
      %dma_wait3A_86 = tpu.memref_squeeze %dma_wait3A_85 : memref<1x128xi32, #tpu.memory_space<vmem>> -> memref<128xi32, #tpu.memory_space<vmem>>
      %dma_wait3A_87 = arith.constant 0 : i32
      %dma_wait3A_88 = arith.constant 0 : i32
      %dma_wait3A_89 = tpu.memref_slice %arg2[%dma_wait3A_87, %dma_wait3A_88] : memref<10000x128xf32, #tpu.memory_space<hbm>> -> memref<10000x128xf32, #tpu.memory_space<hbm>>
      tpu.wait_indirect_dma semaphore(%arg10 : memref<!tpu.dma_semaphore, #tpu.memory_space<semaphore_mem>>) src(%dma_wait3A_89 : memref<10000x128xf32, #tpu.memory_space<hbm>>) dst(%arg6 : memref<128x128xf32, #tpu.memory_space<vmem>>)
      "tpu.region"() ({
        %run_scoped3A_90 = tpu.sem_alloc : memref<!tpu.dma_semaphore, #tpu.memory_space<semaphore_mem>>
        %dma_start3A_91 = arith.constant 0 : i32
        %dma_start3A_92 = tpu.memref_slice %arg4[%mul3A_77, %dma_start3A_91] : memref<320000x128xf32, #tpu.memory_space<hbm>> -> memref<128x128xf32, #tpu.memory_space<hbm>>
        %dma_start3A_93 = arith.constant 0 : i32
        %dma_start3A_94 = tpu.memref_slice %arg4[%mul3A_77, %dma_start3A_93] : memref<320000x128xf32, #tpu.memory_space<hbm>> -> memref<128x128xf32, #tpu.memory_space<hbm>>
        tpu.enqueue_dma source(%arg6 : memref<128x128xf32, #tpu.memory_space<vmem>>) target(%dma_start3A_94 : memref<128x128xf32, #tpu.memory_space<hbm>>) target_semaphore(%run_scoped3A_90 : memref<!tpu.dma_semaphore, #tpu.memory_space<semaphore_mem>>)
        %dma_wait3A_95 = arith.constant 0 : i32
        %dma_wait3A_96 = tpu.memref_slice %arg4[%mul3A_77, %dma_wait3A_95] : memref<320000x128xf32, #tpu.memory_space<hbm>> -> memref<128x128xf32, #tpu.memory_space<hbm>>
        %dma_wait3A_97 = arith.constant 0 : i32
        %dma_wait3A_98 = tpu.memref_slice %arg4[%mul3A_77, %dma_wait3A_97] : memref<320000x128xf32, #tpu.memory_space<hbm>> -> memref<128x128xf32, #tpu.memory_space<hbm>>
        tpu.wait_dma2 semaphore(%run_scoped3A_90 : memref<!tpu.dma_semaphore, #tpu.memory_space<semaphore_mem>>) src(%arg6 : memref<128x128xf32, #tpu.memory_space<vmem>>) dst(%dma_wait3A_98 : memref<128x128xf32, #tpu.memory_space<hbm>>)
        tpu.yield
      }) : () -> ()
    }
    %while3A_68 = arith.constant 1 : i32
    scf.for %while3A_69 = %while3A_66 to %while3A_62 step %while3A_68  : i32 {
      %mul3A_70 = arith.constant 4 : i32
      %mul3A_71 = arith.muli %select_n3A_46, %mul3A_70 : i32
      %add3A_72 = arith.addi %mul3A_71, %while3A_69 : i32
      %mul3A_73 = arith.constant 32 : i32
      %mul3A_74 = arith.muli %add3A_72, %mul3A_73 : i32
      %add3A_75 = arith.addi %add3A, %mul3A_74 : i32
      %mul3A_76 = arith.constant 128 : i32
      %mul3A_77 = arith.muli %add3A_75, %mul3A_76 : i32
      %run_scoped3A = arith.constant 0 : i32
      "tpu.region"() ({
        %run_scoped3A_90 = tpu.sem_alloc : memref<!tpu.dma_semaphore, #tpu.memory_space<semaphore_mem>>
        %dma_start3A_91 = arith.constant 0 : i32
        %dma_start3A_92 = tpu.memref_slice %arg5[%run_scoped3A, %dma_start3A_91] : memref<4x128xi32, #tpu.memory_space<vmem>> -> memref<1x128xi32, #tpu.memory_space<vmem>>
        %dma_start3A_93 = tpu.memref_squeeze %dma_start3A_92 : memref<1x128xi32, #tpu.memory_space<vmem>> -> memref<128xi32, #tpu.memory_space<vmem>>
        %dma_start3A_94 = tpu.memref_slice %arg3[%mul3A_77] : memref<320000xi32, #tpu.memory_space<hbm>> -> memref<128xi32, #tpu.memory_space<hbm>>
        %dma_start3A_95 = arith.constant 0 : i32
        %dma_start3A_96 = tpu.memref_slice %arg5[%run_scoped3A, %dma_start3A_95] : memref<4x128xi32, #tpu.memory_space<vmem>> -> memref<1x128xi32, #tpu.memory_space<vmem>>
        %dma_start3A_97 = tpu.memref_squeeze %dma_start3A_96 : memref<1x128xi32, #tpu.memory_space<vmem>> -> memref<128xi32, #tpu.memory_space<vmem>>
        %dma_start3A_98 = tpu.memref_slice %arg3[%mul3A_77] : memref<320000xi32, #tpu.memory_space<hbm>> -> memref<128xi32, #tpu.memory_space<hbm>>
        tpu.enqueue_dma source(%dma_start3A_98 : memref<128xi32, #tpu.memory_space<hbm>>) target(%dma_start3A_97 : memref<128xi32, #tpu.memory_space<vmem>>) target_semaphore(%run_scoped3A_90 : memref<!tpu.dma_semaphore, #tpu.memory_space<semaphore_mem>>)
        %dma_wait3A_99 = arith.constant 0 : i32
        %dma_wait3A_100 = tpu.memref_slice %arg5[%run_scoped3A, %dma_wait3A_99] : memref<4x128xi32, #tpu.memory_space<vmem>> -> memref<1x128xi32, #tpu.memory_space<vmem>>
        %dma_wait3A_101 = tpu.memref_squeeze %dma_wait3A_100 : memref<1x128xi32, #tpu.memory_space<vmem>> -> memref<128xi32, #tpu.memory_space<vmem>>
        %dma_wait3A_102 = tpu.memref_slice %arg3[%mul3A_77] : memref<320000xi32, #tpu.memory_space<hbm>> -> memref<128xi32, #tpu.memory_space<hbm>>
        %dma_wait3A_103 = arith.constant 0 : i32
        %dma_wait3A_104 = tpu.memref_slice %arg5[%run_scoped3A, %dma_wait3A_103] : memref<4x128xi32, #tpu.memory_space<vmem>> -> memref<1x128xi32, #tpu.memory_space<vmem>>
        %dma_wait3A_105 = tpu.memref_squeeze %dma_wait3A_104 : memref<1x128xi32, #tpu.memory_space<vmem>> -> memref<128xi32, #tpu.memory_space<vmem>>
        %dma_wait3A_106 = tpu.memref_slice %arg3[%mul3A_77] : memref<320000xi32, #tpu.memory_space<hbm>> -> memref<128xi32, #tpu.memory_space<hbm>>
        tpu.wait_dma2 semaphore(%run_scoped3A_90 : memref<!tpu.dma_semaphore, #tpu.memory_space<semaphore_mem>>) src(%dma_wait3A_106 : memref<128xi32, #tpu.memory_space<hbm>>) dst(%dma_wait3A_105 : memref<128xi32, #tpu.memory_space<vmem>>)
        tpu.yield
      }) : () -> ()
      %dma_start3A = arith.constant 0 : i32
      %dma_start3A_78 = arith.constant 0 : i32
      %dma_start3A_79 = tpu.memref_slice %arg5[%dma_start3A, %dma_start3A_78] : memref<4x128xi32, #tpu.memory_space<vmem>> -> memref<1x128xi32, #tpu.memory_space<vmem>>
      %dma_start3A_80 = tpu.memref_squeeze %dma_start3A_79 : memref<1x128xi32, #tpu.memory_space<vmem>> -> memref<128xi32, #tpu.memory_space<vmem>>
      %dma_start3A_81 = arith.constant 0 : i32
      %dma_start3A_82 = arith.constant 0 : i32
      %dma_start3A_83 = tpu.memref_slice %arg2[%dma_start3A_81, %dma_start3A_82] : memref<10000x128xf32, #tpu.memory_space<hbm>> -> memref<10000x128xf32, #tpu.memory_space<hbm>>
      tpu.enqueue_indirect_dma source(%dma_start3A_83 : memref<10000x128xf32, #tpu.memory_space<hbm>>) target(%arg6 : memref<128x128xf32, #tpu.memory_space<vmem>>) offsets(%dma_start3A_80 : memref<128xi32, #tpu.memory_space<vmem>>) semaphore(%arg10 : memref<!tpu.dma_semaphore, #tpu.memory_space<semaphore_mem>>)
      %dma_wait3A = arith.constant 0 : i32
      %dma_wait3A_84 = arith.constant 0 : i32
      %dma_wait3A_85 = tpu.memref_slice %arg5[%dma_wait3A, %dma_wait3A_84] : memref<4x128xi32, #tpu.memory_space<vmem>> -> memref<1x128xi32, #tpu.memory_space<vmem>>
      %dma_wait3A_86 = tpu.memref_squeeze %dma_wait3A_85 : memref<1x128xi32, #tpu.memory_space<vmem>> -> memref<128xi32, #tpu.memory_space<vmem>>
      %dma_wait3A_87 = arith.constant 0 : i32
      %dma_wait3A_88 = arith.constant 0 : i32
      %dma_wait3A_89 = tpu.memref_slice %arg2[%dma_wait3A_87, %dma_wait3A_88] : memref<10000x128xf32, #tpu.memory_space<hbm>> -> memref<10000x128xf32, #tpu.memory_space<hbm>>
      tpu.wait_indirect_dma semaphore(%arg10 : memref<!tpu.dma_semaphore, #tpu.memory_space<semaphore_mem>>) src(%dma_wait3A_89 : memref<10000x128xf32, #tpu.memory_space<hbm>>) dst(%arg6 : memref<128x128xf32, #tpu.memory_space<vmem>>)
      "tpu.region"() ({
        %run_scoped3A_90 = tpu.sem_alloc : memref<!tpu.dma_semaphore, #tpu.memory_space<semaphore_mem>>
        %dma_start3A_91 = arith.constant 0 : i32
        %dma_start3A_92 = tpu.memref_slice %arg4[%mul3A_77, %dma_start3A_91] : memref<320000x128xf32, #tpu.memory_space<hbm>> -> memref<128x128xf32, #tpu.memory_space<hbm>>
        %dma_start3A_93 = arith.constant 0 : i32
        %dma_start3A_94 = tpu.memref_slice %arg4[%mul3A_77, %dma_start3A_93] : memref<320000x128xf32, #tpu.memory_space<hbm>> -> memref<128x128xf32, #tpu.memory_space<hbm>>
        tpu.enqueue_dma source(%arg6 : memref<128x128xf32, #tpu.memory_space<vmem>>) target(%dma_start3A_94 : memref<128x128xf32, #tpu.memory_space<hbm>>) target_semaphore(%run_scoped3A_90 : memref<!tpu.dma_semaphore, #tpu.memory_space<semaphore_mem>>)
        %dma_wait3A_95 = arith.constant 0 : i32
        %dma_wait3A_96 = tpu.memref_slice %arg4[%mul3A_77, %dma_wait3A_95] : memref<320000x128xf32, #tpu.memory_space<hbm>> -> memref<128x128xf32, #tpu.memory_space<hbm>>
        %dma_wait3A_97 = arith.constant 0 : i32
        %dma_wait3A_98 = tpu.memref_slice %arg4[%mul3A_77, %dma_wait3A_97] : memref<320000x128xf32, #tpu.memory_space<hbm>> -> memref<128x128xf32, #tpu.memory_space<hbm>>
        tpu.wait_dma2 semaphore(%run_scoped3A_90 : memref<!tpu.dma_semaphore, #tpu.memory_space<semaphore_mem>>) src(%arg6 : memref<128x128xf32, #tpu.memory_space<vmem>>) dst(%dma_wait3A_98 : memref<128x128xf32, #tpu.memory_space<hbm>>)
        tpu.yield
      }) : () -> ()
    }
    return
  }
}

#map = affine_map<(d0, d1) -> (0, 0)>
#map1 = affine_map<(d0, d1) -> (0)>
#map2 = affine_map<(d0, d1) -> (0, 0, 0)>
module attributes {stable_mosaic.version = 14 : i64} {
  func.func @k(%arg0: i32, %arg1: i32, %arg2: memref<320000x128xf32, #tpu.memory_space<hbm>>, %arg3: memref<320000xi32, #tpu.memory_space<hbm>>, %arg4: memref<10240x128xf32, #tpu.memory_space<hbm>>, %arg5: memref<2x10240x128xf32, #tpu.memory_space<hbm>>, %arg6: memref<2x128xi32, #tpu.memory_space<vmem>>, %arg7: memref<128x128xf32, #tpu.memory_space<vmem>>, %arg8: memref<128x128xf32, #tpu.memory_space<vmem>>, %arg9: memref<10240x128xf32, #tpu.memory_space<vmem_shared>>, %arg10: memref<!tpu.dma_semaphore, #tpu.memory_space<semaphore_mem>>, %arg11: memref<!tpu.dma_semaphore, #tpu.memory_space<semaphore_mem>>, %arg12: memref<!tpu.dma_semaphore, #tpu.memory_space<semaphore_mem>>, %arg13: memref<!tpu.dma_semaphore, #tpu.memory_space<semaphore_mem>>) attributes {dimension_semantics = [#tpu.dimension_semantics<core_parallel>, #tpu.dimension_semantics<subcore_parallel>], iteration_bounds = array<i64: 2, 16>, scalar_prefetch = 0 : i64, scratch_operands = 8 : i64, tpu.core_type = #tpu.core_type<sc_vector_subcore>, window_params = [{transform_indices = #map}, {transform_indices = #map1}, {transform_indices = #map}, {transform_indices = #map2}]} {
    %mul3A = arith.constant 2 : i32
    %mul3A_0 = arith.muli %arg1, %mul3A : i32
    %add3A = arith.addi %mul3A_0, %arg0 : i32
    %mul3A_1 = arith.constant 640 : i32
    %mul3A_2 = arith.muli %arg1, %mul3A_1 : i32
    "tpu.region"() ({
      %run_scoped3A = tpu.sem_alloc : memref<!tpu.dma_semaphore, #tpu.memory_space<semaphore_mem>>
      %dma_start3A = arith.constant 0 : i32
      %dma_start3A_76 = tpu.memref_slice %arg9[%mul3A_2, %dma_start3A] : memref<10240x128xf32, #tpu.memory_space<vmem_shared>> -> memref<640x128xf32, #tpu.memory_space<vmem_shared>>
      %dma_start3A_77 = arith.constant 0 : i32
      %dma_start3A_78 = tpu.memref_slice %arg4[%mul3A_2, %dma_start3A_77] : memref<10240x128xf32, #tpu.memory_space<hbm>> -> memref<640x128xf32, #tpu.memory_space<hbm>>
      tpu.enqueue_dma source(%dma_start3A_78 : memref<640x128xf32, #tpu.memory_space<hbm>>) target(%dma_start3A_76 : memref<640x128xf32, #tpu.memory_space<vmem_shared>>) target_semaphore(%run_scoped3A : memref<!tpu.dma_semaphore, #tpu.memory_space<semaphore_mem>>)
      %dma_wait3A = arith.constant 0 : i32
      %dma_wait3A_79 = tpu.memref_slice %arg9[%mul3A_2, %dma_wait3A] : memref<10240x128xf32, #tpu.memory_space<vmem_shared>> -> memref<640x128xf32, #tpu.memory_space<vmem_shared>>
      %dma_wait3A_80 = arith.constant 0 : i32
      %dma_wait3A_81 = tpu.memref_slice %arg4[%mul3A_2, %dma_wait3A_80] : memref<10240x128xf32, #tpu.memory_space<hbm>> -> memref<640x128xf32, #tpu.memory_space<hbm>>
      tpu.wait_dma2 semaphore(%run_scoped3A : memref<!tpu.dma_semaphore, #tpu.memory_space<semaphore_mem>>) src(%dma_wait3A_81 : memref<640x128xf32, #tpu.memory_space<hbm>>) dst(%dma_wait3A_79 : memref<640x128xf32, #tpu.memory_space<vmem_shared>>)
      tpu.yield
    }) : () -> ()
    %barrier3A = arith.constant 0 : index
    tpu.barrier barrier_id(%barrier3A)
    %sub3A = arith.constant 2500 : i32
    %sub3A_3 = arith.subi %sub3A, %add3A : i32
    %add3A_4 = arith.constant 32 : i32
    %add3A_5 = arith.addi %sub3A_3, %add3A_4 : i32
    %sub3A_6 = arith.constant 1 : i32
    %sub3A_7 = arith.subi %add3A_5, %sub3A_6 : i32
    %jit3A = arith.constant 32 : i32
    %div3A = arith.divsi %sub3A_7, %jit3A : i32
    %sign3A = arith.constant 0 : i32
    %sign3A_8 = arith.cmpi sgt, %sub3A_7, %sign3A : i32
    %sign3A_9 = arith.extui %sign3A_8 : i1 to i32
    %sign3A_10 = arith.constant 0 : i32
    %sign3A_11 = arith.cmpi slt, %sub3A_7, %sign3A_10 : i32
    %sign3A_12 = arith.extui %sign3A_11 : i1 to i32
    %sign3A_13 = arith.subi %sign3A_9, %sign3A_12 : i32
    %sign3A_14 = arith.constant 0 : i32
    %sign3A_15 = arith.cmpi sgt, %jit3A, %sign3A_14 : i32
    %sign3A_16 = arith.extui %sign3A_15 : i1 to i32
    %sign3A_17 = arith.constant 0 : i32
    %sign3A_18 = arith.cmpi slt, %jit3A, %sign3A_17 : i32
    %sign3A_19 = arith.extui %sign3A_18 : i1 to i32
    %sign3A_20 = arith.subi %sign3A_16, %sign3A_19 : i32
    %ne3A = arith.cmpi ne, %sign3A_13, %sign3A_20 : i32
    %rem3A = arith.remsi %sub3A_7, %jit3A : i32
    %ne3A_21 = arith.constant 0 : i32
    %ne3A_22 = arith.cmpi ne, %rem3A, %ne3A_21 : i32
    %and3A = arith.andi %ne3A, %ne3A_22 : i1
    %sub3A_23 = arith.constant 1 : i32
    %sub3A_24 = arith.subi %div3A, %sub3A_23 : i32
    %select_n3A = arith.select %and3A, %sub3A_24, %div3A : i32
    %jit3A_25 = arith.constant 2 : i32
    %div3A_26 = arith.divsi %select_n3A, %jit3A_25 : i32
    %sign3A_27 = arith.constant 0 : i32
    %sign3A_28 = arith.cmpi sgt, %select_n3A, %sign3A_27 : i32
    %sign3A_29 = arith.extui %sign3A_28 : i1 to i32
    %sign3A_30 = arith.constant 0 : i32
    %sign3A_31 = arith.cmpi slt, %select_n3A, %sign3A_30 : i32
    %sign3A_32 = arith.extui %sign3A_31 : i1 to i32
    %sign3A_33 = arith.subi %sign3A_29, %sign3A_32 : i32
    %sign3A_34 = arith.constant 0 : i32
    %sign3A_35 = arith.cmpi sgt, %jit3A_25, %sign3A_34 : i32
    %sign3A_36 = arith.extui %sign3A_35 : i1 to i32
    %sign3A_37 = arith.constant 0 : i32
    %sign3A_38 = arith.cmpi slt, %jit3A_25, %sign3A_37 : i32
    %sign3A_39 = arith.extui %sign3A_38 : i1 to i32
    %sign3A_40 = arith.subi %sign3A_36, %sign3A_39 : i32
    %ne3A_41 = arith.cmpi ne, %sign3A_33, %sign3A_40 : i32
    %rem3A_42 = arith.remsi %select_n3A, %jit3A_25 : i32
    %ne3A_43 = arith.constant 0 : i32
    %ne3A_44 = arith.cmpi ne, %rem3A_42, %ne3A_43 : i32
    %and3A_45 = arith.andi %ne3A_41, %ne3A_44 : i1
    %sub3A_46 = arith.constant 1 : i32
    %sub3A_47 = arith.subi %div3A_26, %sub3A_46 : i32
    %select_n3A_48 = arith.select %and3A_45, %sub3A_47, %div3A_26 : i32
    %while3A = arith.constant 0 : i32
    %while3A_49 = arith.constant 0 : i32
    %while3A_50 = arith.subi %select_n3A_48, %while3A_49 : i32
    %while3A_51 = arith.addi %while3A_49, %while3A_50 : i32
    %while3A_52 = arith.constant 1 : i32
    %while3A_53 = arith.divsi %while3A_50, %while3A_52 : i32
    %while3A_54 = arith.muli %while3A_53, %while3A_52 : i32
    %while3A_55 = arith.addi %while3A_49, %while3A_54 : i32
    %while3A_56 = arith.constant 1 : i32
    scf.for %while3A_76 = %while3A_49 to %while3A_55 step %while3A_56  : i32 {
      %mul3A_77 = arith.constant 2 : i32
      %mul3A_78 = arith.muli %mul3A_77, %while3A_76 : i32
      %mul3A_79 = arith.constant 32 : i32
      %mul3A_80 = arith.muli %mul3A_78, %mul3A_79 : i32
      %add3A_81 = arith.addi %add3A, %mul3A_80 : i32
      %mul3A_82 = arith.constant 128 : i32
      %mul3A_83 = arith.muli %add3A_81, %mul3A_82 : i32
      %mul3A_84 = arith.constant 2 : i32
      %mul3A_85 = arith.muli %mul3A_84, %while3A_76 : i32
      %add3A_86 = arith.constant 1 : i32
      %add3A_87 = arith.addi %mul3A_85, %add3A_86 : i32
      %mul3A_88 = arith.constant 32 : i32
      %mul3A_89 = arith.muli %add3A_87, %mul3A_88 : i32
      %add3A_90 = arith.addi %add3A, %mul3A_89 : i32
      %mul3A_91 = arith.constant 128 : i32
      %mul3A_92 = arith.muli %add3A_90, %mul3A_91 : i32
      %run_scoped3A = arith.constant 0 : i32
      "tpu.region"() ({
        %run_scoped3A_136 = tpu.sem_alloc : memref<!tpu.dma_semaphore, #tpu.memory_space<semaphore_mem>>
        %dma_start3A_137 = arith.constant 0 : i32
        %dma_start3A_138 = tpu.memref_slice %arg6[%run_scoped3A, %dma_start3A_137] : memref<2x128xi32, #tpu.memory_space<vmem>> -> memref<1x128xi32, #tpu.memory_space<vmem>>
        %dma_start3A_139 = tpu.memref_squeeze %dma_start3A_138 : memref<1x128xi32, #tpu.memory_space<vmem>> -> memref<128xi32, #tpu.memory_space<vmem>>
        %dma_start3A_140 = tpu.memref_slice %arg3[%mul3A_83] : memref<320000xi32, #tpu.memory_space<hbm>> -> memref<128xi32, #tpu.memory_space<hbm>>
        %dma_start3A_141 = arith.constant 0 : i32
        %dma_start3A_142 = tpu.memref_slice %arg6[%run_scoped3A, %dma_start3A_141] : memref<2x128xi32, #tpu.memory_space<vmem>> -> memref<1x128xi32, #tpu.memory_space<vmem>>
        %dma_start3A_143 = tpu.memref_squeeze %dma_start3A_142 : memref<1x128xi32, #tpu.memory_space<vmem>> -> memref<128xi32, #tpu.memory_space<vmem>>
        %dma_start3A_144 = tpu.memref_slice %arg3[%mul3A_83] : memref<320000xi32, #tpu.memory_space<hbm>> -> memref<128xi32, #tpu.memory_space<hbm>>
        tpu.enqueue_dma source(%dma_start3A_144 : memref<128xi32, #tpu.memory_space<hbm>>) target(%dma_start3A_143 : memref<128xi32, #tpu.memory_space<vmem>>) target_semaphore(%run_scoped3A_136 : memref<!tpu.dma_semaphore, #tpu.memory_space<semaphore_mem>>)
        %dma_wait3A_145 = arith.constant 0 : i32
        %dma_wait3A_146 = tpu.memref_slice %arg6[%run_scoped3A, %dma_wait3A_145] : memref<2x128xi32, #tpu.memory_space<vmem>> -> memref<1x128xi32, #tpu.memory_space<vmem>>
        %dma_wait3A_147 = tpu.memref_squeeze %dma_wait3A_146 : memref<1x128xi32, #tpu.memory_space<vmem>> -> memref<128xi32, #tpu.memory_space<vmem>>
        %dma_wait3A_148 = tpu.memref_slice %arg3[%mul3A_83] : memref<320000xi32, #tpu.memory_space<hbm>> -> memref<128xi32, #tpu.memory_space<hbm>>
        %dma_wait3A_149 = arith.constant 0 : i32
        %dma_wait3A_150 = tpu.memref_slice %arg6[%run_scoped3A, %dma_wait3A_149] : memref<2x128xi32, #tpu.memory_space<vmem>> -> memref<1x128xi32, #tpu.memory_space<vmem>>
        %dma_wait3A_151 = tpu.memref_squeeze %dma_wait3A_150 : memref<1x128xi32, #tpu.memory_space<vmem>> -> memref<128xi32, #tpu.memory_space<vmem>>
        %dma_wait3A_152 = tpu.memref_slice %arg3[%mul3A_83] : memref<320000xi32, #tpu.memory_space<hbm>> -> memref<128xi32, #tpu.memory_space<hbm>>
        tpu.wait_dma2 semaphore(%run_scoped3A_136 : memref<!tpu.dma_semaphore, #tpu.memory_space<semaphore_mem>>) src(%dma_wait3A_152 : memref<128xi32, #tpu.memory_space<hbm>>) dst(%dma_wait3A_151 : memref<128xi32, #tpu.memory_space<vmem>>)
        tpu.yield
      }) : () -> ()
      %dma_start3A = arith.constant 0 : i32
      %dma_start3A_93 = tpu.memref_slice %arg2[%mul3A_83, %dma_start3A] : memref<320000x128xf32, #tpu.memory_space<hbm>> -> memref<128x128xf32, #tpu.memory_space<hbm>>
      %dma_start3A_94 = arith.constant 0 : i32
      %dma_start3A_95 = tpu.memref_slice %arg2[%mul3A_83, %dma_start3A_94] : memref<320000x128xf32, #tpu.memory_space<hbm>> -> memref<128x128xf32, #tpu.memory_space<hbm>>
      tpu.enqueue_dma source(%dma_start3A_95 : memref<128x128xf32, #tpu.memory_space<hbm>>) target(%arg7 : memref<128x128xf32, #tpu.memory_space<vmem>>) target_semaphore(%arg10 : memref<!tpu.dma_semaphore, #tpu.memory_space<semaphore_mem>>)
      %run_scoped3A_96 = arith.constant 1 : i32
      "tpu.region"() ({
        %run_scoped3A_136 = tpu.sem_alloc : memref<!tpu.dma_semaphore, #tpu.memory_space<semaphore_mem>>
        %dma_start3A_137 = arith.constant 0 : i32
        %dma_start3A_138 = tpu.memref_slice %arg6[%run_scoped3A_96, %dma_start3A_137] : memref<2x128xi32, #tpu.memory_space<vmem>> -> memref<1x128xi32, #tpu.memory_space<vmem>>
        %dma_start3A_139 = tpu.memref_squeeze %dma_start3A_138 : memref<1x128xi32, #tpu.memory_space<vmem>> -> memref<128xi32, #tpu.memory_space<vmem>>
        %dma_start3A_140 = tpu.memref_slice %arg3[%mul3A_92] : memref<320000xi32, #tpu.memory_space<hbm>> -> memref<128xi32, #tpu.memory_space<hbm>>
        %dma_start3A_141 = arith.constant 0 : i32
        %dma_start3A_142 = tpu.memref_slice %arg6[%run_scoped3A_96, %dma_start3A_141] : memref<2x128xi32, #tpu.memory_space<vmem>> -> memref<1x128xi32, #tpu.memory_space<vmem>>
        %dma_start3A_143 = tpu.memref_squeeze %dma_start3A_142 : memref<1x128xi32, #tpu.memory_space<vmem>> -> memref<128xi32, #tpu.memory_space<vmem>>
        %dma_start3A_144 = tpu.memref_slice %arg3[%mul3A_92] : memref<320000xi32, #tpu.memory_space<hbm>> -> memref<128xi32, #tpu.memory_space<hbm>>
        tpu.enqueue_dma source(%dma_start3A_144 : memref<128xi32, #tpu.memory_space<hbm>>) target(%dma_start3A_143 : memref<128xi32, #tpu.memory_space<vmem>>) target_semaphore(%run_scoped3A_136 : memref<!tpu.dma_semaphore, #tpu.memory_space<semaphore_mem>>)
        %dma_wait3A_145 = arith.constant 0 : i32
        %dma_wait3A_146 = tpu.memref_slice %arg6[%run_scoped3A_96, %dma_wait3A_145] : memref<2x128xi32, #tpu.memory_space<vmem>> -> memref<1x128xi32, #tpu.memory_space<vmem>>
        %dma_wait3A_147 = tpu.memref_squeeze %dma_wait3A_146 : memref<1x128xi32, #tpu.memory_space<vmem>> -> memref<128xi32, #tpu.memory_space<vmem>>
        %dma_wait3A_148 = tpu.memref_slice %arg3[%mul3A_92] : memref<320000xi32, #tpu.memory_space<hbm>> -> memref<128xi32, #tpu.memory_space<hbm>>
        %dma_wait3A_149 = arith.constant 0 : i32
        %dma_wait3A_150 = tpu.memref_slice %arg6[%run_scoped3A_96, %dma_wait3A_149] : memref<2x128xi32, #tpu.memory_space<vmem>> -> memref<1x128xi32, #tpu.memory_space<vmem>>
        %dma_wait3A_151 = tpu.memref_squeeze %dma_wait3A_150 : memref<1x128xi32, #tpu.memory_space<vmem>> -> memref<128xi32, #tpu.memory_space<vmem>>
        %dma_wait3A_152 = tpu.memref_slice %arg3[%mul3A_92] : memref<320000xi32, #tpu.memory_space<hbm>> -> memref<128xi32, #tpu.memory_space<hbm>>
        tpu.wait_dma2 semaphore(%run_scoped3A_136 : memref<!tpu.dma_semaphore, #tpu.memory_space<semaphore_mem>>) src(%dma_wait3A_152 : memref<128xi32, #tpu.memory_space<hbm>>) dst(%dma_wait3A_151 : memref<128xi32, #tpu.memory_space<vmem>>)
        tpu.yield
      }) : () -> ()
      %dma_start3A_97 = arith.constant 0 : i32
      %dma_start3A_98 = tpu.memref_slice %arg2[%mul3A_92, %dma_start3A_97] : memref<320000x128xf32, #tpu.memory_space<hbm>> -> memref<128x128xf32, #tpu.memory_space<hbm>>
      %dma_start3A_99 = arith.constant 0 : i32
      %dma_start3A_100 = tpu.memref_slice %arg2[%mul3A_92, %dma_start3A_99] : memref<320000x128xf32, #tpu.memory_space<hbm>> -> memref<128x128xf32, #tpu.memory_space<hbm>>
      tpu.enqueue_dma source(%dma_start3A_100 : memref<128x128xf32, #tpu.memory_space<hbm>>) target(%arg8 : memref<128x128xf32, #tpu.memory_space<vmem>>) target_semaphore(%arg11 : memref<!tpu.dma_semaphore, #tpu.memory_space<semaphore_mem>>)
      %dma_wait3A = arith.constant 0 : i32
      %dma_wait3A_101 = tpu.memref_slice %arg2[%mul3A_83, %dma_wait3A] : memref<320000x128xf32, #tpu.memory_space<hbm>> -> memref<128x128xf32, #tpu.memory_space<hbm>>
      %dma_wait3A_102 = arith.constant 0 : i32
      %dma_wait3A_103 = tpu.memref_slice %arg2[%mul3A_83, %dma_wait3A_102] : memref<320000x128xf32, #tpu.memory_space<hbm>> -> memref<128x128xf32, #tpu.memory_space<hbm>>
      tpu.wait_dma2 semaphore(%arg10 : memref<!tpu.dma_semaphore, #tpu.memory_space<semaphore_mem>>) src(%dma_wait3A_103 : memref<128x128xf32, #tpu.memory_space<hbm>>) dst(%arg7 : memref<128x128xf32, #tpu.memory_space<vmem>>)
      %dma_start3A_104 = arith.constant 0 : i32
      %dma_start3A_105 = arith.constant 0 : i32
      %dma_start3A_106 = tpu.memref_slice %arg6[%dma_start3A_104, %dma_start3A_105] : memref<2x128xi32, #tpu.memory_space<vmem>> -> memref<1x128xi32, #tpu.memory_space<vmem>>
      %dma_start3A_107 = tpu.memref_squeeze %dma_start3A_106 : memref<1x128xi32, #tpu.memory_space<vmem>> -> memref<128xi32, #tpu.memory_space<vmem>>
      %dma_start3A_108 = arith.constant 0 : i32
      %dma_start3A_109 = arith.constant 0 : i32
      %dma_start3A_110 = tpu.memref_slice %arg9[%dma_start3A_108, %dma_start3A_109] : memref<10240x128xf32, #tpu.memory_space<vmem_shared>> -> memref<10240x128xf32, #tpu.memory_space<vmem_shared>>
      tpu.enqueue_indirect_dma source(%arg7 : memref<128x128xf32, #tpu.memory_space<vmem>>) target(%dma_start3A_110 : memref<10240x128xf32, #tpu.memory_space<vmem_shared>>) offsets(%dma_start3A_107 : memref<128xi32, #tpu.memory_space<vmem>>) semaphore(%arg12 : memref<!tpu.dma_semaphore, #tpu.memory_space<semaphore_mem>>) {add = true}
      %dma_wait3A_111 = arith.constant 0 : i32
      %dma_wait3A_112 = tpu.memref_slice %arg2[%mul3A_92, %dma_wait3A_111] : memref<320000x128xf32, #tpu.memory_space<hbm>> -> memref<128x128xf32, #tpu.memory_space<hbm>>
      %dma_wait3A_113 = arith.constant 0 : i32
      %dma_wait3A_114 = tpu.memref_slice %arg2[%mul3A_92, %dma_wait3A_113] : memref<320000x128xf32, #tpu.memory_space<hbm>> -> memref<128x128xf32, #tpu.memory_space<hbm>>
      tpu.wait_dma2 semaphore(%arg11 : memref<!tpu.dma_semaphore, #tpu.memory_space<semaphore_mem>>) src(%dma_wait3A_114 : memref<128x128xf32, #tpu.memory_space<hbm>>) dst(%arg8 : memref<128x128xf32, #tpu.memory_space<vmem>>)
      %dma_start3A_115 = arith.constant 1 : i32
      %dma_start3A_116 = arith.constant 0 : i32
      %dma_start3A_117 = tpu.memref_slice %arg6[%dma_start3A_115, %dma_start3A_116] : memref<2x128xi32, #tpu.memory_space<vmem>> -> memref<1x128xi32, #tpu.memory_space<vmem>>
      %dma_start3A_118 = tpu.memref_squeeze %dma_start3A_117 : memref<1x128xi32, #tpu.memory_space<vmem>> -> memref<128xi32, #tpu.memory_space<vmem>>
      %dma_start3A_119 = arith.constant 0 : i32
      %dma_start3A_120 = arith.constant 0 : i32
      %dma_start3A_121 = tpu.memref_slice %arg9[%dma_start3A_119, %dma_start3A_120] : memref<10240x128xf32, #tpu.memory_space<vmem_shared>> -> memref<10240x128xf32, #tpu.memory_space<vmem_shared>>
      tpu.enqueue_indirect_dma source(%arg8 : memref<128x128xf32, #tpu.memory_space<vmem>>) target(%dma_start3A_121 : memref<10240x128xf32, #tpu.memory_space<vmem_shared>>) offsets(%dma_start3A_118 : memref<128xi32, #tpu.memory_space<vmem>>) semaphore(%arg13 : memref<!tpu.dma_semaphore, #tpu.memory_space<semaphore_mem>>) {add = true}
      %dma_wait3A_122 = arith.constant 0 : i32
      %dma_wait3A_123 = arith.constant 0 : i32
      %dma_wait3A_124 = tpu.memref_slice %arg6[%dma_wait3A_122, %dma_wait3A_123] : memref<2x128xi32, #tpu.memory_space<vmem>> -> memref<1x128xi32, #tpu.memory_space<vmem>>
      %dma_wait3A_125 = tpu.memref_squeeze %dma_wait3A_124 : memref<1x128xi32, #tpu.memory_space<vmem>> -> memref<128xi32, #tpu.memory_space<vmem>>
      %dma_wait3A_126 = arith.constant 0 : i32
      %dma_wait3A_127 = arith.constant 0 : i32
      %dma_wait3A_128 = tpu.memref_slice %arg9[%dma_wait3A_126, %dma_wait3A_127] : memref<10240x128xf32, #tpu.memory_space<vmem_shared>> -> memref<10240x128xf32, #tpu.memory_space<vmem_shared>>
      tpu.wait_indirect_dma semaphore(%arg12 : memref<!tpu.dma_semaphore, #tpu.memory_space<semaphore_mem>>) src(%arg7 : memref<128x128xf32, #tpu.memory_space<vmem>>) dst(%dma_wait3A_128 : memref<10240x128xf32, #tpu.memory_space<vmem_shared>>)
      %dma_wait3A_129 = arith.constant 1 : i32
      %dma_wait3A_130 = arith.constant 0 : i32
      %dma_wait3A_131 = tpu.memref_slice %arg6[%dma_wait3A_129, %dma_wait3A_130] : memref<2x128xi32, #tpu.memory_space<vmem>> -> memref<1x128xi32, #tpu.memory_space<vmem>>
      %dma_wait3A_132 = tpu.memref_squeeze %dma_wait3A_131 : memref<1x128xi32, #tpu.memory_space<vmem>> -> memref<128xi32, #tpu.memory_space<vmem>>
      %dma_wait3A_133 = arith.constant 0 : i32
      %dma_wait3A_134 = arith.constant 0 : i32
      %dma_wait3A_135 = tpu.memref_slice %arg9[%dma_wait3A_133, %dma_wait3A_134] : memref<10240x128xf32, #tpu.memory_space<vmem_shared>> -> memref<10240x128xf32, #tpu.memory_space<vmem_shared>>
      tpu.wait_indirect_dma semaphore(%arg13 : memref<!tpu.dma_semaphore, #tpu.memory_space<semaphore_mem>>) src(%arg8 : memref<128x128xf32, #tpu.memory_space<vmem>>) dst(%dma_wait3A_135 : memref<10240x128xf32, #tpu.memory_space<vmem_shared>>)
    }
    %while3A_57 = arith.constant 1 : i32
    scf.for %while3A_76 = %while3A_55 to %while3A_51 step %while3A_57  : i32 {
      %mul3A_77 = arith.constant 2 : i32
      %mul3A_78 = arith.muli %mul3A_77, %while3A_76 : i32
      %mul3A_79 = arith.constant 32 : i32
      %mul3A_80 = arith.muli %mul3A_78, %mul3A_79 : i32
      %add3A_81 = arith.addi %add3A, %mul3A_80 : i32
      %mul3A_82 = arith.constant 128 : i32
      %mul3A_83 = arith.muli %add3A_81, %mul3A_82 : i32
      %mul3A_84 = arith.constant 2 : i32
      %mul3A_85 = arith.muli %mul3A_84, %while3A_76 : i32
      %add3A_86 = arith.constant 1 : i32
      %add3A_87 = arith.addi %mul3A_85, %add3A_86 : i32
      %mul3A_88 = arith.constant 32 : i32
      %mul3A_89 = arith.muli %add3A_87, %mul3A_88 : i32
      %add3A_90 = arith.addi %add3A, %mul3A_89 : i32
      %mul3A_91 = arith.constant 128 : i32
      %mul3A_92 = arith.muli %add3A_90, %mul3A_91 : i32
      %run_scoped3A = arith.constant 0 : i32
      "tpu.region"() ({
        %run_scoped3A_136 = tpu.sem_alloc : memref<!tpu.dma_semaphore, #tpu.memory_space<semaphore_mem>>
        %dma_start3A_137 = arith.constant 0 : i32
        %dma_start3A_138 = tpu.memref_slice %arg6[%run_scoped3A, %dma_start3A_137] : memref<2x128xi32, #tpu.memory_space<vmem>> -> memref<1x128xi32, #tpu.memory_space<vmem>>
        %dma_start3A_139 = tpu.memref_squeeze %dma_start3A_138 : memref<1x128xi32, #tpu.memory_space<vmem>> -> memref<128xi32, #tpu.memory_space<vmem>>
        %dma_start3A_140 = tpu.memref_slice %arg3[%mul3A_83] : memref<320000xi32, #tpu.memory_space<hbm>> -> memref<128xi32, #tpu.memory_space<hbm>>
        %dma_start3A_141 = arith.constant 0 : i32
        %dma_start3A_142 = tpu.memref_slice %arg6[%run_scoped3A, %dma_start3A_141] : memref<2x128xi32, #tpu.memory_space<vmem>> -> memref<1x128xi32, #tpu.memory_space<vmem>>
        %dma_start3A_143 = tpu.memref_squeeze %dma_start3A_142 : memref<1x128xi32, #tpu.memory_space<vmem>> -> memref<128xi32, #tpu.memory_space<vmem>>
        %dma_start3A_144 = tpu.memref_slice %arg3[%mul3A_83] : memref<320000xi32, #tpu.memory_space<hbm>> -> memref<128xi32, #tpu.memory_space<hbm>>
        tpu.enqueue_dma source(%dma_start3A_144 : memref<128xi32, #tpu.memory_space<hbm>>) target(%dma_start3A_143 : memref<128xi32, #tpu.memory_space<vmem>>) target_semaphore(%run_scoped3A_136 : memref<!tpu.dma_semaphore, #tpu.memory_space<semaphore_mem>>)
        %dma_wait3A_145 = arith.constant 0 : i32
        %dma_wait3A_146 = tpu.memref_slice %arg6[%run_scoped3A, %dma_wait3A_145] : memref<2x128xi32, #tpu.memory_space<vmem>> -> memref<1x128xi32, #tpu.memory_space<vmem>>
        %dma_wait3A_147 = tpu.memref_squeeze %dma_wait3A_146 : memref<1x128xi32, #tpu.memory_space<vmem>> -> memref<128xi32, #tpu.memory_space<vmem>>
        %dma_wait3A_148 = tpu.memref_slice %arg3[%mul3A_83] : memref<320000xi32, #tpu.memory_space<hbm>> -> memref<128xi32, #tpu.memory_space<hbm>>
        %dma_wait3A_149 = arith.constant 0 : i32
        %dma_wait3A_150 = tpu.memref_slice %arg6[%run_scoped3A, %dma_wait3A_149] : memref<2x128xi32, #tpu.memory_space<vmem>> -> memref<1x128xi32, #tpu.memory_space<vmem>>
        %dma_wait3A_151 = tpu.memref_squeeze %dma_wait3A_150 : memref<1x128xi32, #tpu.memory_space<vmem>> -> memref<128xi32, #tpu.memory_space<vmem>>
        %dma_wait3A_152 = tpu.memref_slice %arg3[%mul3A_83] : memref<320000xi32, #tpu.memory_space<hbm>> -> memref<128xi32, #tpu.memory_space<hbm>>
        tpu.wait_dma2 semaphore(%run_scoped3A_136 : memref<!tpu.dma_semaphore, #tpu.memory_space<semaphore_mem>>) src(%dma_wait3A_152 : memref<128xi32, #tpu.memory_space<hbm>>) dst(%dma_wait3A_151 : memref<128xi32, #tpu.memory_space<vmem>>)
        tpu.yield
      }) : () -> ()
      %dma_start3A = arith.constant 0 : i32
      %dma_start3A_93 = tpu.memref_slice %arg2[%mul3A_83, %dma_start3A] : memref<320000x128xf32, #tpu.memory_space<hbm>> -> memref<128x128xf32, #tpu.memory_space<hbm>>
      %dma_start3A_94 = arith.constant 0 : i32
      %dma_start3A_95 = tpu.memref_slice %arg2[%mul3A_83, %dma_start3A_94] : memref<320000x128xf32, #tpu.memory_space<hbm>> -> memref<128x128xf32, #tpu.memory_space<hbm>>
      tpu.enqueue_dma source(%dma_start3A_95 : memref<128x128xf32, #tpu.memory_space<hbm>>) target(%arg7 : memref<128x128xf32, #tpu.memory_space<vmem>>) target_semaphore(%arg10 : memref<!tpu.dma_semaphore, #tpu.memory_space<semaphore_mem>>)
      %run_scoped3A_96 = arith.constant 1 : i32
      "tpu.region"() ({
        %run_scoped3A_136 = tpu.sem_alloc : memref<!tpu.dma_semaphore, #tpu.memory_space<semaphore_mem>>
        %dma_start3A_137 = arith.constant 0 : i32
        %dma_start3A_138 = tpu.memref_slice %arg6[%run_scoped3A_96, %dma_start3A_137] : memref<2x128xi32, #tpu.memory_space<vmem>> -> memref<1x128xi32, #tpu.memory_space<vmem>>
        %dma_start3A_139 = tpu.memref_squeeze %dma_start3A_138 : memref<1x128xi32, #tpu.memory_space<vmem>> -> memref<128xi32, #tpu.memory_space<vmem>>
        %dma_start3A_140 = tpu.memref_slice %arg3[%mul3A_92] : memref<320000xi32, #tpu.memory_space<hbm>> -> memref<128xi32, #tpu.memory_space<hbm>>
        %dma_start3A_141 = arith.constant 0 : i32
        %dma_start3A_142 = tpu.memref_slice %arg6[%run_scoped3A_96, %dma_start3A_141] : memref<2x128xi32, #tpu.memory_space<vmem>> -> memref<1x128xi32, #tpu.memory_space<vmem>>
        %dma_start3A_143 = tpu.memref_squeeze %dma_start3A_142 : memref<1x128xi32, #tpu.memory_space<vmem>> -> memref<128xi32, #tpu.memory_space<vmem>>
        %dma_start3A_144 = tpu.memref_slice %arg3[%mul3A_92] : memref<320000xi32, #tpu.memory_space<hbm>> -> memref<128xi32, #tpu.memory_space<hbm>>
        tpu.enqueue_dma source(%dma_start3A_144 : memref<128xi32, #tpu.memory_space<hbm>>) target(%dma_start3A_143 : memref<128xi32, #tpu.memory_space<vmem>>) target_semaphore(%run_scoped3A_136 : memref<!tpu.dma_semaphore, #tpu.memory_space<semaphore_mem>>)
        %dma_wait3A_145 = arith.constant 0 : i32
        %dma_wait3A_146 = tpu.memref_slice %arg6[%run_scoped3A_96, %dma_wait3A_145] : memref<2x128xi32, #tpu.memory_space<vmem>> -> memref<1x128xi32, #tpu.memory_space<vmem>>
        %dma_wait3A_147 = tpu.memref_squeeze %dma_wait3A_146 : memref<1x128xi32, #tpu.memory_space<vmem>> -> memref<128xi32, #tpu.memory_space<vmem>>
        %dma_wait3A_148 = tpu.memref_slice %arg3[%mul3A_92] : memref<320000xi32, #tpu.memory_space<hbm>> -> memref<128xi32, #tpu.memory_space<hbm>>
        %dma_wait3A_149 = arith.constant 0 : i32
        %dma_wait3A_150 = tpu.memref_slice %arg6[%run_scoped3A_96, %dma_wait3A_149] : memref<2x128xi32, #tpu.memory_space<vmem>> -> memref<1x128xi32, #tpu.memory_space<vmem>>
        %dma_wait3A_151 = tpu.memref_squeeze %dma_wait3A_150 : memref<1x128xi32, #tpu.memory_space<vmem>> -> memref<128xi32, #tpu.memory_space<vmem>>
        %dma_wait3A_152 = tpu.memref_slice %arg3[%mul3A_92] : memref<320000xi32, #tpu.memory_space<hbm>> -> memref<128xi32, #tpu.memory_space<hbm>>
        tpu.wait_dma2 semaphore(%run_scoped3A_136 : memref<!tpu.dma_semaphore, #tpu.memory_space<semaphore_mem>>) src(%dma_wait3A_152 : memref<128xi32, #tpu.memory_space<hbm>>) dst(%dma_wait3A_151 : memref<128xi32, #tpu.memory_space<vmem>>)
        tpu.yield
      }) : () -> ()
      %dma_start3A_97 = arith.constant 0 : i32
      %dma_start3A_98 = tpu.memref_slice %arg2[%mul3A_92, %dma_start3A_97] : memref<320000x128xf32, #tpu.memory_space<hbm>> -> memref<128x128xf32, #tpu.memory_space<hbm>>
      %dma_start3A_99 = arith.constant 0 : i32
      %dma_start3A_100 = tpu.memref_slice %arg2[%mul3A_92, %dma_start3A_99] : memref<320000x128xf32, #tpu.memory_space<hbm>> -> memref<128x128xf32, #tpu.memory_space<hbm>>
      tpu.enqueue_dma source(%dma_start3A_100 : memref<128x128xf32, #tpu.memory_space<hbm>>) target(%arg8 : memref<128x128xf32, #tpu.memory_space<vmem>>) target_semaphore(%arg11 : memref<!tpu.dma_semaphore, #tpu.memory_space<semaphore_mem>>)
      %dma_wait3A = arith.constant 0 : i32
      %dma_wait3A_101 = tpu.memref_slice %arg2[%mul3A_83, %dma_wait3A] : memref<320000x128xf32, #tpu.memory_space<hbm>> -> memref<128x128xf32, #tpu.memory_space<hbm>>
      %dma_wait3A_102 = arith.constant 0 : i32
      %dma_wait3A_103 = tpu.memref_slice %arg2[%mul3A_83, %dma_wait3A_102] : memref<320000x128xf32, #tpu.memory_space<hbm>> -> memref<128x128xf32, #tpu.memory_space<hbm>>
      tpu.wait_dma2 semaphore(%arg10 : memref<!tpu.dma_semaphore, #tpu.memory_space<semaphore_mem>>) src(%dma_wait3A_103 : memref<128x128xf32, #tpu.memory_space<hbm>>) dst(%arg7 : memref<128x128xf32, #tpu.memory_space<vmem>>)
      %dma_start3A_104 = arith.constant 0 : i32
      %dma_start3A_105 = arith.constant 0 : i32
      %dma_start3A_106 = tpu.memref_slice %arg6[%dma_start3A_104, %dma_start3A_105] : memref<2x128xi32, #tpu.memory_space<vmem>> -> memref<1x128xi32, #tpu.memory_space<vmem>>
      %dma_start3A_107 = tpu.memref_squeeze %dma_start3A_106 : memref<1x128xi32, #tpu.memory_space<vmem>> -> memref<128xi32, #tpu.memory_space<vmem>>
      %dma_start3A_108 = arith.constant 0 : i32
      %dma_start3A_109 = arith.constant 0 : i32
      %dma_start3A_110 = tpu.memref_slice %arg9[%dma_start3A_108, %dma_start3A_109] : memref<10240x128xf32, #tpu.memory_space<vmem_shared>> -> memref<10240x128xf32, #tpu.memory_space<vmem_shared>>
      tpu.enqueue_indirect_dma source(%arg7 : memref<128x128xf32, #tpu.memory_space<vmem>>) target(%dma_start3A_110 : memref<10240x128xf32, #tpu.memory_space<vmem_shared>>) offsets(%dma_start3A_107 : memref<128xi32, #tpu.memory_space<vmem>>) semaphore(%arg12 : memref<!tpu.dma_semaphore, #tpu.memory_space<semaphore_mem>>) {add = true}
      %dma_wait3A_111 = arith.constant 0 : i32
      %dma_wait3A_112 = tpu.memref_slice %arg2[%mul3A_92, %dma_wait3A_111] : memref<320000x128xf32, #tpu.memory_space<hbm>> -> memref<128x128xf32, #tpu.memory_space<hbm>>
      %dma_wait3A_113 = arith.constant 0 : i32
      %dma_wait3A_114 = tpu.memref_slice %arg2[%mul3A_92, %dma_wait3A_113] : memref<320000x128xf32, #tpu.memory_space<hbm>> -> memref<128x128xf32, #tpu.memory_space<hbm>>
      tpu.wait_dma2 semaphore(%arg11 : memref<!tpu.dma_semaphore, #tpu.memory_space<semaphore_mem>>) src(%dma_wait3A_114 : memref<128x128xf32, #tpu.memory_space<hbm>>) dst(%arg8 : memref<128x128xf32, #tpu.memory_space<vmem>>)
      %dma_start3A_115 = arith.constant 1 : i32
      %dma_start3A_116 = arith.constant 0 : i32
      %dma_start3A_117 = tpu.memref_slice %arg6[%dma_start3A_115, %dma_start3A_116] : memref<2x128xi32, #tpu.memory_space<vmem>> -> memref<1x128xi32, #tpu.memory_space<vmem>>
      %dma_start3A_118 = tpu.memref_squeeze %dma_start3A_117 : memref<1x128xi32, #tpu.memory_space<vmem>> -> memref<128xi32, #tpu.memory_space<vmem>>
      %dma_start3A_119 = arith.constant 0 : i32
      %dma_start3A_120 = arith.constant 0 : i32
      %dma_start3A_121 = tpu.memref_slice %arg9[%dma_start3A_119, %dma_start3A_120] : memref<10240x128xf32, #tpu.memory_space<vmem_shared>> -> memref<10240x128xf32, #tpu.memory_space<vmem_shared>>
      tpu.enqueue_indirect_dma source(%arg8 : memref<128x128xf32, #tpu.memory_space<vmem>>) target(%dma_start3A_121 : memref<10240x128xf32, #tpu.memory_space<vmem_shared>>) offsets(%dma_start3A_118 : memref<128xi32, #tpu.memory_space<vmem>>) semaphore(%arg13 : memref<!tpu.dma_semaphore, #tpu.memory_space<semaphore_mem>>) {add = true}
      %dma_wait3A_122 = arith.constant 0 : i32
      %dma_wait3A_123 = arith.constant 0 : i32
      %dma_wait3A_124 = tpu.memref_slice %arg6[%dma_wait3A_122, %dma_wait3A_123] : memref<2x128xi32, #tpu.memory_space<vmem>> -> memref<1x128xi32, #tpu.memory_space<vmem>>
      %dma_wait3A_125 = tpu.memref_squeeze %dma_wait3A_124 : memref<1x128xi32, #tpu.memory_space<vmem>> -> memref<128xi32, #tpu.memory_space<vmem>>
      %dma_wait3A_126 = arith.constant 0 : i32
      %dma_wait3A_127 = arith.constant 0 : i32
      %dma_wait3A_128 = tpu.memref_slice %arg9[%dma_wait3A_126, %dma_wait3A_127] : memref<10240x128xf32, #tpu.memory_space<vmem_shared>> -> memref<10240x128xf32, #tpu.memory_space<vmem_shared>>
      tpu.wait_indirect_dma semaphore(%arg12 : memref<!tpu.dma_semaphore, #tpu.memory_space<semaphore_mem>>) src(%arg7 : memref<128x128xf32, #tpu.memory_space<vmem>>) dst(%dma_wait3A_128 : memref<10240x128xf32, #tpu.memory_space<vmem_shared>>)
      %dma_wait3A_129 = arith.constant 1 : i32
      %dma_wait3A_130 = arith.constant 0 : i32
      %dma_wait3A_131 = tpu.memref_slice %arg6[%dma_wait3A_129, %dma_wait3A_130] : memref<2x128xi32, #tpu.memory_space<vmem>> -> memref<1x128xi32, #tpu.memory_space<vmem>>
      %dma_wait3A_132 = tpu.memref_squeeze %dma_wait3A_131 : memref<1x128xi32, #tpu.memory_space<vmem>> -> memref<128xi32, #tpu.memory_space<vmem>>
      %dma_wait3A_133 = arith.constant 0 : i32
      %dma_wait3A_134 = arith.constant 0 : i32
      %dma_wait3A_135 = tpu.memref_slice %arg9[%dma_wait3A_133, %dma_wait3A_134] : memref<10240x128xf32, #tpu.memory_space<vmem_shared>> -> memref<10240x128xf32, #tpu.memory_space<vmem_shared>>
      tpu.wait_indirect_dma semaphore(%arg13 : memref<!tpu.dma_semaphore, #tpu.memory_space<semaphore_mem>>) src(%arg8 : memref<128x128xf32, #tpu.memory_space<vmem>>) dst(%dma_wait3A_135 : memref<10240x128xf32, #tpu.memory_space<vmem_shared>>)
    }
    %jit3A_58 = arith.constant 2 : i32
    %eq3A = arith.constant 0 : i32
    %eq3A_59 = arith.cmpi eq, %jit3A_58, %eq3A : i32
    %jit3A_60 = arith.constant 1 : i32
    %select_n3A_61 = arith.select %eq3A_59, %jit3A_60, %jit3A_58 : i32
    %rem3A_62 = arith.remsi %select_n3A, %select_n3A_61 : i32
    %ne3A_63 = arith.constant 0 : i32
    %ne3A_64 = arith.cmpi ne, %rem3A_62, %ne3A_63 : i32
    %lt3A = arith.constant 0 : i32
    %lt3A_65 = arith.cmpi slt, %rem3A_62, %lt3A : i32
    %lt3A_66 = arith.constant 0 : i32
    %lt3A_67 = arith.cmpi slt, %select_n3A_61, %lt3A_66 : i32
    %ne3A_68 = arith.xori %lt3A_65, %lt3A_67 : i1
    %and3A_69 = arith.andi %ne3A_68, %ne3A_64 : i1
    %add3A_70 = arith.addi %rem3A_62, %select_n3A_61 : i32
    %select_n3A_71 = arith.select %and3A_69, %add3A_70, %rem3A_62 : i32
    %eq3A_72 = arith.constant 1 : i32
    %eq3A_73 = arith.cmpi eq, %select_n3A_71, %eq3A_72 : i32
    %convert_element_type3A = arith.extui %eq3A_73 : i1 to i32
    %cond3A = arith.constant 0 : i32
    %cond3A_74 = arith.cmpi ne, %convert_element_type3A, %cond3A : i32
    scf.if %cond3A_74 {
      %sub3A_76 = arith.constant 1 : i32
      %sub3A_77 = arith.subi %select_n3A, %sub3A_76 : i32
      %mul3A_78 = arith.constant 32 : i32
      %mul3A_79 = arith.muli %sub3A_77, %mul3A_78 : i32
      %add3A_80 = arith.addi %add3A, %mul3A_79 : i32
      %mul3A_81 = arith.constant 128 : i32
      %mul3A_82 = arith.muli %add3A_80, %mul3A_81 : i32
      %run_scoped3A = arith.constant 0 : i32
      "tpu.region"() ({
        %run_scoped3A_84 = tpu.sem_alloc : memref<!tpu.dma_semaphore, #tpu.memory_space<semaphore_mem>>
        %dma_start3A = arith.constant 0 : i32
        %dma_start3A_85 = tpu.memref_slice %arg6[%run_scoped3A, %dma_start3A] : memref<2x128xi32, #tpu.memory_space<vmem>> -> memref<1x128xi32, #tpu.memory_space<vmem>>
        %dma_start3A_86 = tpu.memref_squeeze %dma_start3A_85 : memref<1x128xi32, #tpu.memory_space<vmem>> -> memref<128xi32, #tpu.memory_space<vmem>>
        %dma_start3A_87 = tpu.memref_slice %arg3[%mul3A_82] : memref<320000xi32, #tpu.memory_space<hbm>> -> memref<128xi32, #tpu.memory_space<hbm>>
        %dma_start3A_88 = arith.constant 0 : i32
        %dma_start3A_89 = tpu.memref_slice %arg6[%run_scoped3A, %dma_start3A_88] : memref<2x128xi32, #tpu.memory_space<vmem>> -> memref<1x128xi32, #tpu.memory_space<vmem>>
        %dma_start3A_90 = tpu.memref_squeeze %dma_start3A_89 : memref<1x128xi32, #tpu.memory_space<vmem>> -> memref<128xi32, #tpu.memory_space<vmem>>
        %dma_start3A_91 = tpu.memref_slice %arg3[%mul3A_82] : memref<320000xi32, #tpu.memory_space<hbm>> -> memref<128xi32, #tpu.memory_space<hbm>>
        tpu.enqueue_dma source(%dma_start3A_91 : memref<128xi32, #tpu.memory_space<hbm>>) target(%dma_start3A_90 : memref<128xi32, #tpu.memory_space<vmem>>) target_semaphore(%run_scoped3A_84 : memref<!tpu.dma_semaphore, #tpu.memory_space<semaphore_mem>>)
        %dma_wait3A = arith.constant 0 : i32
        %dma_wait3A_92 = tpu.memref_slice %arg6[%run_scoped3A, %dma_wait3A] : memref<2x128xi32, #tpu.memory_space<vmem>> -> memref<1x128xi32, #tpu.memory_space<vmem>>
        %dma_wait3A_93 = tpu.memref_squeeze %dma_wait3A_92 : memref<1x128xi32, #tpu.memory_space<vmem>> -> memref<128xi32, #tpu.memory_space<vmem>>
        %dma_wait3A_94 = tpu.memref_slice %arg3[%mul3A_82] : memref<320000xi32, #tpu.memory_space<hbm>> -> memref<128xi32, #tpu.memory_space<hbm>>
        %dma_wait3A_95 = arith.constant 0 : i32
        %dma_wait3A_96 = tpu.memref_slice %arg6[%run_scoped3A, %dma_wait3A_95] : memref<2x128xi32, #tpu.memory_space<vmem>> -> memref<1x128xi32, #tpu.memory_space<vmem>>
        %dma_wait3A_97 = tpu.memref_squeeze %dma_wait3A_96 : memref<1x128xi32, #tpu.memory_space<vmem>> -> memref<128xi32, #tpu.memory_space<vmem>>
        %dma_wait3A_98 = tpu.memref_slice %arg3[%mul3A_82] : memref<320000xi32, #tpu.memory_space<hbm>> -> memref<128xi32, #tpu.memory_space<hbm>>
        tpu.wait_dma2 semaphore(%run_scoped3A_84 : memref<!tpu.dma_semaphore, #tpu.memory_space<semaphore_mem>>) src(%dma_wait3A_98 : memref<128xi32, #tpu.memory_space<hbm>>) dst(%dma_wait3A_97 : memref<128xi32, #tpu.memory_space<vmem>>)
        tpu.yield
      }) : () -> ()
      "tpu.region"() ({
        %run_scoped3A_84 = tpu.sem_alloc : memref<!tpu.dma_semaphore, #tpu.memory_space<semaphore_mem>>
        %dma_start3A = arith.constant 0 : i32
        %dma_start3A_85 = tpu.memref_slice %arg2[%mul3A_82, %dma_start3A] : memref<320000x128xf32, #tpu.memory_space<hbm>> -> memref<128x128xf32, #tpu.memory_space<hbm>>
        %dma_start3A_86 = arith.constant 0 : i32
        %dma_start3A_87 = tpu.memref_slice %arg2[%mul3A_82, %dma_start3A_86] : memref<320000x128xf32, #tpu.memory_space<hbm>> -> memref<128x128xf32, #tpu.memory_space<hbm>>
        tpu.enqueue_dma source(%dma_start3A_87 : memref<128x128xf32, #tpu.memory_space<hbm>>) target(%arg7 : memref<128x128xf32, #tpu.memory_space<vmem>>) target_semaphore(%run_scoped3A_84 : memref<!tpu.dma_semaphore, #tpu.memory_space<semaphore_mem>>)
        %dma_wait3A = arith.constant 0 : i32
        %dma_wait3A_88 = tpu.memref_slice %arg2[%mul3A_82, %dma_wait3A] : memref<320000x128xf32, #tpu.memory_space<hbm>> -> memref<128x128xf32, #tpu.memory_space<hbm>>
        %dma_wait3A_89 = arith.constant 0 : i32
        %dma_wait3A_90 = tpu.memref_slice %arg2[%mul3A_82, %dma_wait3A_89] : memref<320000x128xf32, #tpu.memory_space<hbm>> -> memref<128x128xf32, #tpu.memory_space<hbm>>
        tpu.wait_dma2 semaphore(%run_scoped3A_84 : memref<!tpu.dma_semaphore, #tpu.memory_space<semaphore_mem>>) src(%dma_wait3A_90 : memref<128x128xf32, #tpu.memory_space<hbm>>) dst(%arg7 : memref<128x128xf32, #tpu.memory_space<vmem>>)
        tpu.yield
      }) : () -> ()
      %run_scoped3A_83 = arith.constant 0 : i32
      "tpu.region"() ({
        %run_scoped3A_84 = tpu.sem_alloc : memref<!tpu.dma_semaphore, #tpu.memory_space<semaphore_mem>>
        %dma_start3A = arith.constant 0 : i32
        %dma_start3A_85 = tpu.memref_slice %arg6[%run_scoped3A_83, %dma_start3A] : memref<2x128xi32, #tpu.memory_space<vmem>> -> memref<1x128xi32, #tpu.memory_space<vmem>>
        %dma_start3A_86 = tpu.memref_squeeze %dma_start3A_85 : memref<1x128xi32, #tpu.memory_space<vmem>> -> memref<128xi32, #tpu.memory_space<vmem>>
        %dma_start3A_87 = arith.constant 0 : i32
        %dma_start3A_88 = arith.constant 0 : i32
        %dma_start3A_89 = tpu.memref_slice %arg9[%dma_start3A_87, %dma_start3A_88] : memref<10240x128xf32, #tpu.memory_space<vmem_shared>> -> memref<10240x128xf32, #tpu.memory_space<vmem_shared>>
        tpu.enqueue_indirect_dma source(%arg7 : memref<128x128xf32, #tpu.memory_space<vmem>>) target(%dma_start3A_89 : memref<10240x128xf32, #tpu.memory_space<vmem_shared>>) offsets(%dma_start3A_86 : memref<128xi32, #tpu.memory_space<vmem>>) semaphore(%run_scoped3A_84 : memref<!tpu.dma_semaphore, #tpu.memory_space<semaphore_mem>>) {add = true}
        %dma_wait3A = arith.constant 0 : i32
        %dma_wait3A_90 = tpu.memref_slice %arg6[%run_scoped3A_83, %dma_wait3A] : memref<2x128xi32, #tpu.memory_space<vmem>> -> memref<1x128xi32, #tpu.memory_space<vmem>>
        %dma_wait3A_91 = tpu.memref_squeeze %dma_wait3A_90 : memref<1x128xi32, #tpu.memory_space<vmem>> -> memref<128xi32, #tpu.memory_space<vmem>>
        %dma_wait3A_92 = arith.constant 0 : i32
        %dma_wait3A_93 = arith.constant 0 : i32
        %dma_wait3A_94 = tpu.memref_slice %arg9[%dma_wait3A_92, %dma_wait3A_93] : memref<10240x128xf32, #tpu.memory_space<vmem_shared>> -> memref<10240x128xf32, #tpu.memory_space<vmem_shared>>
        tpu.wait_indirect_dma semaphore(%run_scoped3A_84 : memref<!tpu.dma_semaphore, #tpu.memory_space<semaphore_mem>>) src(%arg7 : memref<128x128xf32, #tpu.memory_space<vmem>>) dst(%dma_wait3A_94 : memref<10240x128xf32, #tpu.memory_space<vmem_shared>>)
        tpu.yield
      }) : () -> ()
    } else {
    }
    %barrier3A_75 = arith.constant 0 : index
    tpu.barrier barrier_id(%barrier3A_75)
    "tpu.region"() ({
      %run_scoped3A = tpu.sem_alloc : memref<!tpu.dma_semaphore, #tpu.memory_space<semaphore_mem>>
      %dma_start3A = arith.constant 0 : i32
      %dma_start3A_76 = tpu.memref_slice %arg5[%arg0, %mul3A_2, %dma_start3A] : memref<2x10240x128xf32, #tpu.memory_space<hbm>> -> memref<1x640x128xf32, #tpu.memory_space<hbm>>
      %dma_start3A_77 = tpu.memref_squeeze %dma_start3A_76 : memref<1x640x128xf32, #tpu.memory_space<hbm>> -> memref<640x128xf32, #tpu.memory_space<hbm>>
      %dma_start3A_78 = arith.constant 0 : i32
      %dma_start3A_79 = tpu.memref_slice %arg9[%mul3A_2, %dma_start3A_78] : memref<10240x128xf32, #tpu.memory_space<vmem_shared>> -> memref<640x128xf32, #tpu.memory_space<vmem_shared>>
      tpu.enqueue_dma source(%dma_start3A_79 : memref<640x128xf32, #tpu.memory_space<vmem_shared>>) target(%dma_start3A_77 : memref<640x128xf32, #tpu.memory_space<hbm>>) target_semaphore(%run_scoped3A : memref<!tpu.dma_semaphore, #tpu.memory_space<semaphore_mem>>)
      %dma_wait3A = arith.constant 0 : i32
      %dma_wait3A_80 = tpu.memref_slice %arg5[%arg0, %mul3A_2, %dma_wait3A] : memref<2x10240x128xf32, #tpu.memory_space<hbm>> -> memref<1x640x128xf32, #tpu.memory_space<hbm>>
      %dma_wait3A_81 = tpu.memref_squeeze %dma_wait3A_80 : memref<1x640x128xf32, #tpu.memory_space<hbm>> -> memref<640x128xf32, #tpu.memory_space<hbm>>
      %dma_wait3A_82 = arith.constant 0 : i32
      %dma_wait3A_83 = tpu.memref_slice %arg9[%mul3A_2, %dma_wait3A_82] : memref<10240x128xf32, #tpu.memory_space<vmem_shared>> -> memref<640x128xf32, #tpu.memory_space<vmem_shared>>
      tpu.wait_dma2 semaphore(%run_scoped3A : memref<!tpu.dma_semaphore, #tpu.memory_space<semaphore_mem>>) src(%dma_wait3A_83 : memref<640x128xf32, #tpu.memory_space<vmem_shared>>) dst(%dma_wait3A_81 : memref<640x128xf32, #tpu.memory_space<hbm>>)
      tpu.yield
    }) : () -> ()
    return
  }
}

module attributes {stable_mosaic.version = 14 : i64} {
  func.func @body(%arg0: i32, %arg1: memref<2560x16xf32, #tpu.memory_space<vmem>>, %arg2: memref<8x16xf32, #tpu.memory_space<vmem>>, %arg3: memref<8x16xf32, #tpu.memory_space<vmem>>) attributes {dimension_semantics = [#tpu.dimension_semantics<arbitrary>], iteration_bounds = array<i64: 125>, scalar_prefetch = 0 : i64, scratch_operands = 1 : i64, tpu.core_type = #tpu.core_type<tc>, window_params = [{transform_indices = @transform_0, window_bounds = array<i64: 2560, 16>}, {pipeline_mode = #tpu.pipeline_mode<synchronous>, transform_indices = @transform_1, window_bounds = array<i64: 8, 16>}]} {
    %eq3A = arith.constant 0 : i32
    %eq3A_0 = arith.cmpi eq, %arg0, %eq3A : i32
    %convert_element_type3A = arith.extui %eq3A_0 : i1 to i32
    %cond3A = arith.constant 0 : i32
    %cond3A_1 = arith.cmpi ne, %convert_element_type3A, %cond3A : i32
    scf.if %cond3A_1 {
      %broadcast_in_dim3A_25 = arith.constant 0.000000e+00 : f32
      %broadcast_in_dim3A_26 = vector.broadcast %broadcast_in_dim3A_25 : f32 to vector<8x16xf32>
      %swap3A_27 = arith.constant 0 : index
      %swap3A_28 = arith.constant 0 : index
      %swap3A_29 = vector.load %arg3[%swap3A_27, %swap3A_28] : memref<8x16xf32, #tpu.memory_space<vmem>>, vector<8x16xf32>
      tpu.vector_store %arg3[%swap3A_27, %swap3A_28], %broadcast_in_dim3A_26 {strides = array<i32>} : memref<8x16xf32, #tpu.memory_space<vmem>>, vector<8x16xf32>,
    } else {
    }
    %get3A = arith.constant 0 : index
    %get3A_2 = arith.constant 0 : index
    %get3A_3 = vector.load %arg1[%get3A, %get3A_2] : memref<2560x16xf32, #tpu.memory_space<vmem>>, vector<2560x16xf32>
    %get3A_4 = arith.constant 0 : index
    %get3A_5 = arith.constant 0 : index
    %get3A_6 = vector.load %arg3[%get3A_4, %get3A_5] : memref<8x16xf32, #tpu.memory_space<vmem>>, vector<1x16xf32>
    %reduce_sum3A = arith.constant dense<0.000000e+00> : vector<16xf32>
    %reduce_sum3A_7 = vector.multi_reduction <add>, %get3A_3, %reduce_sum3A [0] : vector<2560x16xf32> to vector<16xf32>
    %broadcast_in_dim3A = vector.shape_cast %reduce_sum3A_7 : vector<16xf32> to vector<1x16xf32>
    %add3A = arith.addf %get3A_6, %broadcast_in_dim3A : vector<1x16xf32>
    %swap3A = arith.constant 0 : index
    %swap3A_8 = arith.constant 0 : index
    %swap3A_9 = vector.load %arg3[%swap3A, %swap3A_8] : memref<8x16xf32, #tpu.memory_space<vmem>>, vector<1x16xf32>
    tpu.vector_store %arg3[%swap3A, %swap3A_8], %add3A {strides = array<i32>} : memref<8x16xf32, #tpu.memory_space<vmem>>, vector<1x16xf32>,
    %get3A_10 = arith.constant 1 : index
    %get3A_11 = arith.constant 0 : index
    %get3A_12 = vector.load %arg3[%get3A_10, %get3A_11] : memref<8x16xf32, #tpu.memory_space<vmem>>, vector<1x16xf32>
    %mul3A = arith.mulf %get3A_3, %get3A_3 : vector<2560x16xf32>
    %reduce_sum3A_13 = arith.constant dense<0.000000e+00> : vector<16xf32>
    %reduce_sum3A_14 = vector.multi_reduction <add>, %mul3A, %reduce_sum3A_13 [0] : vector<2560x16xf32> to vector<16xf32>
    %broadcast_in_dim3A_15 = vector.shape_cast %reduce_sum3A_14 : vector<16xf32> to vector<1x16xf32>
    %add3A_16 = arith.addf %get3A_12, %broadcast_in_dim3A_15 : vector<1x16xf32>
    %swap3A_17 = arith.constant 1 : index
    %swap3A_18 = arith.constant 0 : index
    %swap3A_19 = vector.load %arg3[%swap3A_17, %swap3A_18] : memref<8x16xf32, #tpu.memory_space<vmem>>, vector<1x16xf32>
    tpu.vector_store %arg3[%swap3A_17, %swap3A_18], %add3A_16 {strides = array<i32>} : memref<8x16xf32, #tpu.memory_space<vmem>>, vector<1x16xf32>,
    %eq3A_20 = arith.constant 124 : i32
    %eq3A_21 = arith.cmpi eq, %arg0, %eq3A_20 : i32
    %convert_element_type3A_22 = arith.extui %eq3A_21 : i1 to i32
    %cond3A_23 = arith.constant 0 : i32
    %cond3A_24 = arith.cmpi ne, %convert_element_type3A_22, %cond3A_23 : i32
    scf.if %cond3A_24 {
      %get3A_25 = arith.constant 0 : index
      %get3A_26 = arith.constant 0 : index
      %get3A_27 = vector.load %arg3[%get3A_25, %get3A_26] : memref<8x16xf32, #tpu.memory_space<vmem>>, vector<8x16xf32>
      %swap3A_28 = arith.constant 0 : index
      %swap3A_29 = arith.constant 0 : index
      %swap3A_30 = vector.load %arg2[%swap3A_28, %swap3A_29] : memref<8x16xf32, #tpu.memory_space<vmem>>, vector<8x16xf32>
      tpu.vector_store %arg2[%swap3A_28, %swap3A_29], %get3A_27 {strides = array<i32>} : memref<8x16xf32, #tpu.memory_space<vmem>>, vector<8x16xf32>,
    } else {
    }
    return
  }
  func.func @transform_0(%arg0: i32) -> (i32, i32) {
    %c0_i32 = arith.constant 0 : i32
    %c0_i32_0 = arith.constant 0 : i32
    return %arg0, %c0_i32 : i32, i32
  }
  func.func @transform_1(%arg0: i32) -> (i32, i32) {
    %c0_i32 = arith.constant 0 : i32
    %c0_i32_0 = arith.constant 0 : i32
    %c0_i32_1 = arith.constant 0 : i32
    return %c0_i32, %c0_i32_0 : i32, i32
  }
}

module attributes {stable_mosaic.version = 14 : i64} {
  func.func @body(%arg0: memref<10000x128xf32, #tpu.memory_space<vmem>>, %arg1: memref<2x10240x128xf32, #tpu.memory_space<vmem>>, %arg2: memref<8x16xf32, #tpu.memory_space<vmem>>, %arg3: memref<128x144xf32, #tpu.memory_space<vmem>>, %arg4: memref<1x144xf32, #tpu.memory_space<vmem>>, %arg5: memref<1x144xf32, #tpu.memory_space<vmem>>, %arg6: memref<1x128xf32, #tpu.memory_space<vmem>>, %arg7: memref<10000x128xf32, #tpu.memory_space<vmem>>, %arg8: memref<128x16xf32, #tpu.memory_space<vmem>>, %arg9: memref<1x128xf32, #tpu.memory_space<vmem>>) attributes {dimension_semantics = [], scalar_prefetch = 0 : i64, scratch_operands = 0 : i64, tpu.core_type = #tpu.core_type<tc>} {
    %get3A = arith.constant 0 : index
    %get3A_0 = arith.constant 0 : index
    %get3A_1 = arith.constant 0 : index
    %get3A_2 = vector.load %arg1[%get3A, %get3A_0, %get3A_1] : memref<2x10240x128xf32, #tpu.memory_space<vmem>>, vector<1x10000x1xf32>
    %get3A_3 = vector.shape_cast %get3A_2 : vector<1x10000x1xf32> to vector<10000x1xf32>
    %get3A_4 = arith.constant 0 : index
    %get3A_5 = arith.constant 0 : index
    %get3A_6 = vector.load %arg0[%get3A_4, %get3A_5] : memref<10000x128xf32, #tpu.memory_space<vmem>>, vector<10000x128xf32>
    %mul3A = vector.broadcast %get3A_3 : vector<10000x1xf32> to vector<10000x128xf32>
    %mul3A_7 = arith.mulf %get3A_6, %mul3A : vector<10000x128xf32>
    %reduce_sum3A = arith.constant dense<0.000000e+00> : vector<128xf32>
    %reduce_sum3A_8 = vector.multi_reduction <add>, %mul3A_7, %reduce_sum3A [0] : vector<10000x128xf32> to vector<128xf32>
    %broadcast_in_dim3A = vector.shape_cast %reduce_sum3A_8 : vector<128xf32> to vector<1x128xf32>
    %mul3A_9 = arith.mulf %get3A_6, %get3A_6 : vector<10000x128xf32>
    %mul3A_10 = vector.broadcast %get3A_3 : vector<10000x1xf32> to vector<10000x128xf32>
    %mul3A_11 = arith.mulf %mul3A_9, %mul3A_10 : vector<10000x128xf32>
    %reduce_sum3A_12 = arith.constant dense<0.000000e+00> : vector<128xf32>
    %reduce_sum3A_13 = vector.multi_reduction <add>, %mul3A_11, %reduce_sum3A_12 [0] : vector<10000x128xf32> to vector<128xf32>
    %broadcast_in_dim3A_14 = vector.shape_cast %reduce_sum3A_13 : vector<128xf32> to vector<1x128xf32>
    %mul3A_15 = arith.constant 3.125000e-06 : f32
    %mul3A_16 = vector.broadcast %mul3A_15 : f32 to vector<1x128xf32>
    %mul3A_17 = arith.mulf %broadcast_in_dim3A, %mul3A_16 : vector<1x128xf32>
    %mul3A_18 = arith.constant 3.125000e-06 : f32
    %mul3A_19 = vector.broadcast %mul3A_18 : f32 to vector<1x128xf32>
    %mul3A_20 = arith.mulf %broadcast_in_dim3A_14, %mul3A_19 : vector<1x128xf32>
    %mul3A_21 = arith.mulf %mul3A_17, %mul3A_17 : vector<1x128xf32>
    %sub3A = arith.subf %mul3A_20, %mul3A_21 : vector<1x128xf32>
    %get3A_22 = arith.constant 0 : index
    %get3A_23 = arith.constant 0 : index
    %get3A_24 = vector.load %arg4[%get3A_22, %get3A_23] : memref<1x144xf32, #tpu.memory_space<vmem>>, vector<1x128xf32>
    %add3A = arith.constant 9.99999974E-6 : f32
    %add3A_25 = vector.broadcast %add3A : f32 to vector<1x128xf32>
    %add3A_26 = arith.addf %sub3A, %add3A_25 : vector<1x128xf32>
    %rsqrt3A = math.rsqrt %add3A_26 : vector<1x128xf32>
    %mul3A_27 = arith.mulf %get3A_24, %rsqrt3A : vector<1x128xf32>
    %get3A_28 = arith.constant 0 : index
    %get3A_29 = arith.constant 0 : index
    %get3A_30 = vector.load %arg5[%get3A_28, %get3A_29] : memref<1x144xf32, #tpu.memory_space<vmem>>, vector<1x128xf32>
    %mul3A_31 = arith.mulf %mul3A_17, %mul3A_27 : vector<1x128xf32>
    %sub3A_32 = arith.subf %get3A_30, %mul3A_31 : vector<1x128xf32>
    %get3A_33 = arith.constant 0 : index
    %get3A_34 = arith.constant 0 : index
    %get3A_35 = vector.load %arg2[%get3A_33, %get3A_34] : memref<8x16xf32, #tpu.memory_space<vmem>>, vector<1x16xf32>
    %mul3A_36 = arith.constant 3.125000e-06 : f32
    %mul3A_37 = vector.broadcast %mul3A_36 : f32 to vector<1x16xf32>
    %mul3A_38 = arith.mulf %get3A_35, %mul3A_37 : vector<1x16xf32>
    %get3A_39 = arith.constant 1 : index
    %get3A_40 = arith.constant 0 : index
    %get3A_41 = vector.load %arg2[%get3A_39, %get3A_40] : memref<8x16xf32, #tpu.memory_space<vmem>>, vector<1x16xf32>
    %mul3A_42 = arith.constant 3.125000e-06 : f32
    %mul3A_43 = vector.broadcast %mul3A_42 : f32 to vector<1x16xf32>
    %mul3A_44 = arith.mulf %get3A_41, %mul3A_43 : vector<1x16xf32>
    %mul3A_45 = arith.mulf %mul3A_38, %mul3A_38 : vector<1x16xf32>
    %sub3A_46 = arith.subf %mul3A_44, %mul3A_45 : vector<1x16xf32>
    %get3A_47 = arith.constant 0 : index
    %get3A_48 = arith.constant 128 : index
    %get3A_49 = vector.load %arg4[%get3A_47, %get3A_48] : memref<1x144xf32, #tpu.memory_space<vmem>>, vector<1x16xf32>
    %add3A_50 = arith.constant 9.99999974E-6 : f32
    %add3A_51 = vector.broadcast %add3A_50 : f32 to vector<1x16xf32>
    %add3A_52 = arith.addf %sub3A_46, %add3A_51 : vector<1x16xf32>
    %rsqrt3A_53 = math.rsqrt %add3A_52 : vector<1x16xf32>
    %mul3A_54 = arith.mulf %get3A_49, %rsqrt3A_53 : vector<1x16xf32>
    %get3A_55 = arith.constant 0 : index
    %get3A_56 = arith.constant 128 : index
    %get3A_57 = vector.load %arg5[%get3A_55, %get3A_56] : memref<1x144xf32, #tpu.memory_space<vmem>>, vector<1x16xf32>
    %mul3A_58 = arith.mulf %mul3A_38, %mul3A_54 : vector<1x16xf32>
    %sub3A_59 = arith.subf %get3A_57, %mul3A_58 : vector<1x16xf32>
    %get3A_60 = arith.constant 0 : index
    %get3A_61 = arith.constant 0 : index
    %get3A_62 = vector.load %arg3[%get3A_60, %get3A_61] : memref<128x144xf32, #tpu.memory_space<vmem>>, vector<128x144xf32>
    %slice3A = vector.extract_strided_slice %get3A_62 {offsets = [0, 0], sizes = [128, 128], strides = [1, 1]} : vector<128x144xf32> to vector<128x128xf32>
    %slice3A_63 = vector.extract_strided_slice %get3A_62 {offsets = [0, 128], sizes = [128, 16], strides = [1, 1]} : vector<128x144xf32> to vector<128x16xf32>
    %mul3A_64 = vector.broadcast %mul3A_27 : vector<1x128xf32> to vector<128x128xf32>
    %mul3A_65 = arith.mulf %slice3A, %mul3A_64 : vector<128x128xf32>
    %dot_general3A = arith.constant dense<0.000000e+00> : vector<10000x128xf32>
    %dot_general3A_66 = tpu.matmul %get3A_6, %mul3A_65, %dot_general3A {dimension_numbers = #tpu.dot_dimension_numbers<[1], [1], [0], [0], [0, 0, 1, 0], [], []>, transpose_lhs_hint = false} : vector<10000x128xf32>, vector<128x128xf32>, vector<10000x128xf32> -> vector<10000x128xf32>
    %swap3A = arith.constant 0 : index
    %swap3A_67 = arith.constant 0 : index
    %swap3A_68 = vector.load %arg7[%swap3A, %swap3A_67] : memref<10000x128xf32, #tpu.memory_space<vmem>>, vector<10000x128xf32>
    tpu.vector_store %arg7[%swap3A, %swap3A_67], %dot_general3A_66 {strides = array<i32>} : memref<10000x128xf32, #tpu.memory_space<vmem>>, vector<10000x128xf32>,
    %mul3A_69 = vector.broadcast %mul3A_54 : vector<1x16xf32> to vector<128x16xf32>
    %mul3A_70 = arith.mulf %slice3A_63, %mul3A_69 : vector<128x16xf32>
    %swap3A_71 = arith.constant 0 : index
    %swap3A_72 = arith.constant 0 : index
    %swap3A_73 = vector.load %arg8[%swap3A_71, %swap3A_72] : memref<128x16xf32, #tpu.memory_space<vmem>>, vector<128x16xf32>
    tpu.vector_store %arg8[%swap3A_71, %swap3A_72], %mul3A_70 {strides = array<i32>} : memref<128x16xf32, #tpu.memory_space<vmem>>, vector<128x16xf32>,
    %dot_general3A_74 = arith.constant dense<0.000000e+00> : vector<1x128xf32>
    %dot_general3A_75 = tpu.matmul %sub3A_32, %slice3A, %dot_general3A_74 {dimension_numbers = #tpu.dot_dimension_numbers<[1], [1], [0], [0], [0, 0, 1, 0], [], []>, transpose_lhs_hint = false} : vector<1x128xf32>, vector<128x128xf32>, vector<1x128xf32> -> vector<1x128xf32>
    %dot_general3A_76 = arith.constant dense<0.000000e+00> : vector<1x128xf32>
    %dot_general3A_77 = tpu.matmul %sub3A_59, %slice3A_63, %dot_general3A_76 {dimension_numbers = #tpu.dot_dimension_numbers<[1], [1], [0], [0], [0, 0, 1, 0], [], []>, transpose_lhs_hint = false} : vector<1x16xf32>, vector<128x16xf32>, vector<1x128xf32> -> vector<1x128xf32>
    %add3A_78 = arith.addf %dot_general3A_75, %dot_general3A_77 : vector<1x128xf32>
    %get3A_79 = arith.constant 0 : index
    %get3A_80 = arith.constant 0 : index
    %get3A_81 = vector.load %arg6[%get3A_79, %get3A_80] : memref<1x128xf32, #tpu.memory_space<vmem>>, vector<1x128xf32>
    %add3A_82 = arith.addf %add3A_78, %get3A_81 : vector<1x128xf32>
    %swap3A_83 = arith.constant 0 : index
    %swap3A_84 = arith.constant 0 : index
    %swap3A_85 = vector.load %arg9[%swap3A_83, %swap3A_84] : memref<1x128xf32, #tpu.memory_space<vmem>>, vector<1x128xf32>
    tpu.vector_store %arg9[%swap3A_83, %swap3A_84], %add3A_82 {strides = array<i32>} : memref<1x128xf32, #tpu.memory_space<vmem>>, vector<1x128xf32>,
    return
  }
}

module attributes {stable_mosaic.version = 14 : i64} {
  func.func @body(%arg0: i32, %arg1: memref<2560x128xf32, #tpu.memory_space<vmem>>, %arg2: memref<2560x16xf32, #tpu.memory_space<vmem>>, %arg3: memref<128x16xf32, #tpu.memory_space<vmem>>, %arg4: memref<1x128xf32, #tpu.memory_space<vmem>>, %arg5: memref<8x128xf32, #tpu.memory_space<vmem>>, %arg6: memref<8x128xf32, #tpu.memory_space<vmem>>) attributes {dimension_semantics = [#tpu.dimension_semantics<arbitrary>], iteration_bounds = array<i64: 125>, scalar_prefetch = 0 : i64, scratch_operands = 1 : i64, tpu.core_type = #tpu.core_type<tc>, window_params = [{transform_indices = @transform_0, window_bounds = array<i64: 2560, 128>}, {transform_indices = @transform_1, window_bounds = array<i64: 2560, 16>}, {pipeline_mode = #tpu.pipeline_mode<synchronous>, transform_indices = @transform_2, window_bounds = array<i64: 128, 16>}, {pipeline_mode = #tpu.pipeline_mode<synchronous>, transform_indices = @transform_3, window_bounds = array<i64: 1, 128>}, {pipeline_mode = #tpu.pipeline_mode<synchronous>, transform_indices = @transform_4, window_bounds = array<i64: 8, 128>}]} {
    %eq3A = arith.constant 0 : i32
    %eq3A_0 = arith.cmpi eq, %arg0, %eq3A : i32
    %convert_element_type3A = arith.extui %eq3A_0 : i1 to i32
    %cond3A = arith.constant 0 : i32
    %cond3A_1 = arith.cmpi ne, %convert_element_type3A, %cond3A : i32
    scf.if %cond3A_1 {
      %broadcast_in_dim3A_42 = arith.constant 0.000000e+00 : f32
      %broadcast_in_dim3A_43 = vector.broadcast %broadcast_in_dim3A_42 : f32 to vector<8x128xf32>
      %swap3A_44 = arith.constant 0 : index
      %swap3A_45 = arith.constant 0 : index
      %swap3A_46 = vector.load %arg6[%swap3A_44, %swap3A_45] : memref<8x128xf32, #tpu.memory_space<vmem>>, vector<8x128xf32>
      tpu.vector_store %arg6[%swap3A_44, %swap3A_45], %broadcast_in_dim3A_43 {strides = array<i32>} : memref<8x128xf32, #tpu.memory_space<vmem>>, vector<8x128xf32>,
    } else {
    }
    %get3A = arith.constant 0 : index
    %get3A_2 = arith.constant 0 : index
    %get3A_3 = vector.load %arg1[%get3A, %get3A_2] : memref<2560x128xf32, #tpu.memory_space<vmem>>, vector<2560x128xf32>
    %get3A_4 = arith.constant 0 : index
    %get3A_5 = arith.constant 0 : index
    %get3A_6 = vector.load %arg2[%get3A_4, %get3A_5] : memref<2560x16xf32, #tpu.memory_space<vmem>>, vector<2560x16xf32>
    %get3A_7 = arith.constant 0 : index
    %get3A_8 = arith.constant 0 : index
    %get3A_9 = vector.load %arg3[%get3A_7, %get3A_8] : memref<128x16xf32, #tpu.memory_space<vmem>>, vector<128x16xf32>
    %dot_general3A = arith.constant dense<0.000000e+00> : vector<2560x128xf32>
    %dot_general3A_10 = tpu.matmul %get3A_6, %get3A_9, %dot_general3A {dimension_numbers = #tpu.dot_dimension_numbers<[1], [1], [0], [0], [0, 0, 1, 0], [], []>, transpose_lhs_hint = false} : vector<2560x16xf32>, vector<128x16xf32>, vector<2560x128xf32> -> vector<2560x128xf32>
    %add3A = arith.addf %get3A_3, %dot_general3A_10 : vector<2560x128xf32>
    %get3A_11 = arith.constant 0 : index
    %get3A_12 = arith.constant 0 : index
    %get3A_13 = vector.load %arg4[%get3A_11, %get3A_12] : memref<1x128xf32, #tpu.memory_space<vmem>>, vector<1x128xf32>
    %add3A_14 = vector.broadcast %get3A_13 : vector<1x128xf32> to vector<2560x128xf32>
    %add3A_15 = arith.addf %add3A, %add3A_14 : vector<2560x128xf32>
    %gt3A = arith.constant 0.000000e+00 : f32
    %gt3A_16 = vector.broadcast %gt3A : f32 to vector<2560x128xf32>
    %gt3A_17 = arith.cmpf ogt, %add3A_15, %gt3A_16 : vector<2560x128xf32>
    %exp3A = math.exp %add3A_15 : vector<2560x128xf32>
    %sub3A = arith.constant 1.000000e+00 : f32
    %sub3A_18 = vector.broadcast %sub3A : f32 to vector<2560x128xf32>
    %sub3A_19 = arith.subf %exp3A, %sub3A_18 : vector<2560x128xf32>
    %select_n3A = arith.select %gt3A_17, %add3A_15, %sub3A_19 : vector<2560x128xi1>, vector<2560x128xf32>
    %get3A_20 = arith.constant 0 : index
    %get3A_21 = arith.constant 0 : index
    %get3A_22 = vector.load %arg6[%get3A_20, %get3A_21] : memref<8x128xf32, #tpu.memory_space<vmem>>, vector<1x128xf32>
    %reduce_sum3A = arith.constant dense<0.000000e+00> : vector<128xf32>
    %reduce_sum3A_23 = vector.multi_reduction <add>, %select_n3A, %reduce_sum3A [0] : vector<2560x128xf32> to vector<128xf32>
    %broadcast_in_dim3A = vector.shape_cast %reduce_sum3A_23 : vector<128xf32> to vector<1x128xf32>
    %add3A_24 = arith.addf %get3A_22, %broadcast_in_dim3A : vector<1x128xf32>
    %swap3A = arith.constant 0 : index
    %swap3A_25 = arith.constant 0 : index
    %swap3A_26 = vector.load %arg6[%swap3A, %swap3A_25] : memref<8x128xf32, #tpu.memory_space<vmem>>, vector<1x128xf32>
    tpu.vector_store %arg6[%swap3A, %swap3A_25], %add3A_24 {strides = array<i32>} : memref<8x128xf32, #tpu.memory_space<vmem>>, vector<1x128xf32>,
    %get3A_27 = arith.constant 1 : index
    %get3A_28 = arith.constant 0 : index
    %get3A_29 = vector.load %arg6[%get3A_27, %get3A_28] : memref<8x128xf32, #tpu.memory_space<vmem>>, vector<1x128xf32>
    %mul3A = arith.mulf %select_n3A, %select_n3A : vector<2560x128xf32>
    %reduce_sum3A_30 = arith.constant dense<0.000000e+00> : vector<128xf32>
    %reduce_sum3A_31 = vector.multi_reduction <add>, %mul3A, %reduce_sum3A_30 [0] : vector<2560x128xf32> to vector<128xf32>
    %broadcast_in_dim3A_32 = vector.shape_cast %reduce_sum3A_31 : vector<128xf32> to vector<1x128xf32>
    %add3A_33 = arith.addf %get3A_29, %broadcast_in_dim3A_32 : vector<1x128xf32>
    %swap3A_34 = arith.constant 1 : index
    %swap3A_35 = arith.constant 0 : index
    %swap3A_36 = vector.load %arg6[%swap3A_34, %swap3A_35] : memref<8x128xf32, #tpu.memory_space<vmem>>, vector<1x128xf32>
    tpu.vector_store %arg6[%swap3A_34, %swap3A_35], %add3A_33 {strides = array<i32>} : memref<8x128xf32, #tpu.memory_space<vmem>>, vector<1x128xf32>,
    %eq3A_37 = arith.constant 124 : i32
    %eq3A_38 = arith.cmpi eq, %arg0, %eq3A_37 : i32
    %convert_element_type3A_39 = arith.extui %eq3A_38 : i1 to i32
    %cond3A_40 = arith.constant 0 : i32
    %cond3A_41 = arith.cmpi ne, %convert_element_type3A_39, %cond3A_40 : i32
    scf.if %cond3A_41 {
      %get3A_42 = arith.constant 0 : index
      %get3A_43 = arith.constant 0 : index
      %get3A_44 = vector.load %arg6[%get3A_42, %get3A_43] : memref<8x128xf32, #tpu.memory_space<vmem>>, vector<8x128xf32>
      %swap3A_45 = arith.constant 0 : index
      %swap3A_46 = arith.constant 0 : index
      %swap3A_47 = vector.load %arg5[%swap3A_45, %swap3A_46] : memref<8x128xf32, #tpu.memory_space<vmem>>, vector<8x128xf32>
      tpu.vector_store %arg5[%swap3A_45, %swap3A_46], %get3A_44 {strides = array<i32>} : memref<8x128xf32, #tpu.memory_space<vmem>>, vector<8x128xf32>,
    } else {
    }
    return
  }
  func.func @transform_0(%arg0: i32) -> (i32, i32) {
    %c0_i32 = arith.constant 0 : i32
    %c0_i32_0 = arith.constant 0 : i32
    return %arg0, %c0_i32 : i32, i32
  }
  func.func @transform_1(%arg0: i32) -> (i32, i32) {
    %c0_i32 = arith.constant 0 : i32
    %c0_i32_0 = arith.constant 0 : i32
    return %arg0, %c0_i32 : i32, i32
  }
  func.func @transform_2(%arg0: i32) -> (i32, i32) {
    %c0_i32 = arith.constant 0 : i32
    %c0_i32_0 = arith.constant 0 : i32
    %c0_i32_1 = arith.constant 0 : i32
    return %c0_i32, %c0_i32_0 : i32, i32
  }
  func.func @transform_3(%arg0: i32) -> (i32, i32) {
    %c0_i32 = arith.constant 0 : i32
    %c0_i32_0 = arith.constant 0 : i32
    %c0_i32_1 = arith.constant 0 : i32
    return %c0_i32, %c0_i32_0 : i32, i32
  }
  func.func @transform_4(%arg0: i32) -> (i32, i32) {
    %c0_i32 = arith.constant 0 : i32
    %c0_i32_0 = arith.constant 0 : i32
    %c0_i32_1 = arith.constant 0 : i32
    return %c0_i32, %c0_i32_0 : i32, i32
  }
}

module attributes {stable_mosaic.version = 14 : i64} {
  func.func @body(%arg0: i32, %arg1: memref<2560x128xf32, #tpu.memory_space<vmem>>, %arg2: memref<2560x16xf32, #tpu.memory_space<vmem>>, %arg3: memref<128x16xf32, #tpu.memory_space<vmem>>, %arg4: memref<1x128xf32, #tpu.memory_space<vmem>>, %arg5: memref<128x128xf32, #tpu.memory_space<vmem>>, %arg6: memref<1x128xf32, #tpu.memory_space<vmem>>, %arg7: memref<2560x128xf32, #tpu.memory_space<vmem>>, %arg8: memref<8x128xf32, #tpu.memory_space<vmem>>, %arg9: memref<8x128xf32, #tpu.memory_space<vmem>>) attributes {dimension_semantics = [#tpu.dimension_semantics<arbitrary>], iteration_bounds = array<i64: 125>, scalar_prefetch = 0 : i64, scratch_operands = 1 : i64, tpu.core_type = #tpu.core_type<tc>, window_params = [{transform_indices = @transform_0, window_bounds = array<i64: 2560, 128>}, {transform_indices = @transform_1, window_bounds = array<i64: 2560, 16>}, {pipeline_mode = #tpu.pipeline_mode<synchronous>, transform_indices = @transform_2, window_bounds = array<i64: 128, 16>}, {pipeline_mode = #tpu.pipeline_mode<synchronous>, transform_indices = @transform_3, window_bounds = array<i64: 1, 128>}, {pipeline_mode = #tpu.pipeline_mode<synchronous>, transform_indices = @transform_4, window_bounds = array<i64: 128, 128>}, {pipeline_mode = #tpu.pipeline_mode<synchronous>, transform_indices = @transform_5, window_bounds = array<i64: 1, 128>}, {transform_indices = @transform_6, window_bounds = array<i64: 2560, 128>}, {pipeline_mode = #tpu.pipeline_mode<synchronous>, transform_indices = @transform_7, window_bounds = array<i64: 8, 128>}]} {
    %eq3A = arith.constant 0 : i32
    %eq3A_0 = arith.cmpi eq, %arg0, %eq3A : i32
    %convert_element_type3A = arith.extui %eq3A_0 : i1 to i32
    %cond3A = arith.constant 0 : i32
    %cond3A_1 = arith.cmpi ne, %convert_element_type3A, %cond3A : i32
    scf.if %cond3A_1 {
      %broadcast_in_dim3A_63 = arith.constant 0.000000e+00 : f32
      %broadcast_in_dim3A_64 = vector.broadcast %broadcast_in_dim3A_63 : f32 to vector<8x128xf32>
      %swap3A_65 = arith.constant 0 : index
      %swap3A_66 = arith.constant 0 : index
      %swap3A_67 = vector.load %arg9[%swap3A_65, %swap3A_66] : memref<8x128xf32, #tpu.memory_space<vmem>>, vector<8x128xf32>
      tpu.vector_store %arg9[%swap3A_65, %swap3A_66], %broadcast_in_dim3A_64 {strides = array<i32>} : memref<8x128xf32, #tpu.memory_space<vmem>>, vector<8x128xf32>,
    } else {
    }
    %get3A = arith.constant 0 : index
    %get3A_2 = arith.constant 0 : index
    %get3A_3 = vector.load %arg1[%get3A, %get3A_2] : memref<2560x128xf32, #tpu.memory_space<vmem>>, vector<2560x128xf32>
    %get3A_4 = arith.constant 0 : index
    %get3A_5 = arith.constant 0 : index
    %get3A_6 = vector.load %arg2[%get3A_4, %get3A_5] : memref<2560x16xf32, #tpu.memory_space<vmem>>, vector<2560x16xf32>
    %get3A_7 = arith.constant 0 : index
    %get3A_8 = arith.constant 0 : index
    %get3A_9 = vector.load %arg3[%get3A_7, %get3A_8] : memref<128x16xf32, #tpu.memory_space<vmem>>, vector<128x16xf32>
    %dot_general3A = arith.constant dense<0.000000e+00> : vector<2560x128xf32>
    %dot_general3A_10 = tpu.matmul %get3A_6, %get3A_9, %dot_general3A {dimension_numbers = #tpu.dot_dimension_numbers<[1], [1], [0], [0], [0, 0, 1, 0], [], []>, transpose_lhs_hint = false} : vector<2560x16xf32>, vector<128x16xf32>, vector<2560x128xf32> -> vector<2560x128xf32>
    %add3A = arith.addf %get3A_3, %dot_general3A_10 : vector<2560x128xf32>
    %get3A_11 = arith.constant 0 : index
    %get3A_12 = arith.constant 0 : index
    %get3A_13 = vector.load %arg4[%get3A_11, %get3A_12] : memref<1x128xf32, #tpu.memory_space<vmem>>, vector<1x128xf32>
    %add3A_14 = vector.broadcast %get3A_13 : vector<1x128xf32> to vector<2560x128xf32>
    %add3A_15 = arith.addf %add3A, %add3A_14 : vector<2560x128xf32>
    %gt3A = arith.constant 0.000000e+00 : f32
    %gt3A_16 = vector.broadcast %gt3A : f32 to vector<2560x128xf32>
    %gt3A_17 = arith.cmpf ogt, %add3A_15, %gt3A_16 : vector<2560x128xf32>
    %exp3A = math.exp %add3A_15 : vector<2560x128xf32>
    %sub3A = arith.constant 1.000000e+00 : f32
    %sub3A_18 = vector.broadcast %sub3A : f32 to vector<2560x128xf32>
    %sub3A_19 = arith.subf %exp3A, %sub3A_18 : vector<2560x128xf32>
    %select_n3A = arith.select %gt3A_17, %add3A_15, %sub3A_19 : vector<2560x128xi1>, vector<2560x128xf32>
    %get3A_20 = arith.constant 0 : index
    %get3A_21 = arith.constant 0 : index
    %get3A_22 = vector.load %arg5[%get3A_20, %get3A_21] : memref<128x128xf32, #tpu.memory_space<vmem>>, vector<128x128xf32>
    %dot_general3A_23 = arith.constant dense<0.000000e+00> : vector<2560x128xf32>
    %dot_general3A_24 = tpu.matmul %select_n3A, %get3A_22, %dot_general3A_23 {dimension_numbers = #tpu.dot_dimension_numbers<[1], [1], [0], [0], [0, 0, 1, 0], [], []>, transpose_lhs_hint = false} : vector<2560x128xf32>, vector<128x128xf32>, vector<2560x128xf32> -> vector<2560x128xf32>
    %get3A_25 = arith.constant 0 : index
    %get3A_26 = arith.constant 0 : index
    %get3A_27 = vector.load %arg6[%get3A_25, %get3A_26] : memref<1x128xf32, #tpu.memory_space<vmem>>, vector<1x128xf32>
    %add3A_28 = vector.broadcast %get3A_27 : vector<1x128xf32> to vector<2560x128xf32>
    %add3A_29 = arith.addf %dot_general3A_24, %add3A_28 : vector<2560x128xf32>
    %gt3A_30 = arith.constant 0.000000e+00 : f32
    %gt3A_31 = vector.broadcast %gt3A_30 : f32 to vector<2560x128xf32>
    %gt3A_32 = arith.cmpf ogt, %add3A_29, %gt3A_31 : vector<2560x128xf32>
    %exp3A_33 = math.exp %add3A_29 : vector<2560x128xf32>
    %sub3A_34 = arith.constant 1.000000e+00 : f32
    %sub3A_35 = vector.broadcast %sub3A_34 : f32 to vector<2560x128xf32>
    %sub3A_36 = arith.subf %exp3A_33, %sub3A_35 : vector<2560x128xf32>
    %select_n3A_37 = arith.select %gt3A_32, %add3A_29, %sub3A_36 : vector<2560x128xi1>, vector<2560x128xf32>
    %swap3A = arith.constant 0 : index
    %swap3A_38 = arith.constant 0 : index
    %swap3A_39 = vector.load %arg7[%swap3A, %swap3A_38] : memref<2560x128xf32, #tpu.memory_space<vmem>>, vector<2560x128xf32>
    tpu.vector_store %arg7[%swap3A, %swap3A_38], %select_n3A_37 {strides = array<i32>} : memref<2560x128xf32, #tpu.memory_space<vmem>>, vector<2560x128xf32>,
    %get3A_40 = arith.constant 0 : index
    %get3A_41 = arith.constant 0 : index
    %get3A_42 = vector.load %arg9[%get3A_40, %get3A_41] : memref<8x128xf32, #tpu.memory_space<vmem>>, vector<1x128xf32>
    %reduce_sum3A = arith.constant dense<0.000000e+00> : vector<128xf32>
    %reduce_sum3A_43 = vector.multi_reduction <add>, %select_n3A_37, %reduce_sum3A [0] : vector<2560x128xf32> to vector<128xf32>
    %broadcast_in_dim3A = vector.shape_cast %reduce_sum3A_43 : vector<128xf32> to vector<1x128xf32>
    %add3A_44 = arith.addf %get3A_42, %broadcast_in_dim3A : vector<1x128xf32>
    %swap3A_45 = arith.constant 0 : index
    %swap3A_46 = arith.constant 0 : index
    %swap3A_47 = vector.load %arg9[%swap3A_45, %swap3A_46] : memref<8x128xf32, #tpu.memory_space<vmem>>, vector<1x128xf32>
    tpu.vector_store %arg9[%swap3A_45, %swap3A_46], %add3A_44 {strides = array<i32>} : memref<8x128xf32, #tpu.memory_space<vmem>>, vector<1x128xf32>,
    %get3A_48 = arith.constant 1 : index
    %get3A_49 = arith.constant 0 : index
    %get3A_50 = vector.load %arg9[%get3A_48, %get3A_49] : memref<8x128xf32, #tpu.memory_space<vmem>>, vector<1x128xf32>
    %mul3A = arith.mulf %select_n3A_37, %select_n3A_37 : vector<2560x128xf32>
    %reduce_sum3A_51 = arith.constant dense<0.000000e+00> : vector<128xf32>
    %reduce_sum3A_52 = vector.multi_reduction <add>, %mul3A, %reduce_sum3A_51 [0] : vector<2560x128xf32> to vector<128xf32>
    %broadcast_in_dim3A_53 = vector.shape_cast %reduce_sum3A_52 : vector<128xf32> to vector<1x128xf32>
    %add3A_54 = arith.addf %get3A_50, %broadcast_in_dim3A_53 : vector<1x128xf32>
    %swap3A_55 = arith.constant 1 : index
    %swap3A_56 = arith.constant 0 : index
    %swap3A_57 = vector.load %arg9[%swap3A_55, %swap3A_56] : memref<8x128xf32, #tpu.memory_space<vmem>>, vector<1x128xf32>
    tpu.vector_store %arg9[%swap3A_55, %swap3A_56], %add3A_54 {strides = array<i32>} : memref<8x128xf32, #tpu.memory_space<vmem>>, vector<1x128xf32>,
    %eq3A_58 = arith.constant 124 : i32
    %eq3A_59 = arith.cmpi eq, %arg0, %eq3A_58 : i32
    %convert_element_type3A_60 = arith.extui %eq3A_59 : i1 to i32
    %cond3A_61 = arith.constant 0 : i32
    %cond3A_62 = arith.cmpi ne, %convert_element_type3A_60, %cond3A_61 : i32
    scf.if %cond3A_62 {
      %get3A_63 = arith.constant 0 : index
      %get3A_64 = arith.constant 0 : index
      %get3A_65 = vector.load %arg9[%get3A_63, %get3A_64] : memref<8x128xf32, #tpu.memory_space<vmem>>, vector<8x128xf32>
      %swap3A_66 = arith.constant 0 : index
      %swap3A_67 = arith.constant 0 : index
      %swap3A_68 = vector.load %arg8[%swap3A_66, %swap3A_67] : memref<8x128xf32, #tpu.memory_space<vmem>>, vector<8x128xf32>
      tpu.vector_store %arg8[%swap3A_66, %swap3A_67], %get3A_65 {strides = array<i32>} : memref<8x128xf32, #tpu.memory_space<vmem>>, vector<8x128xf32>,
    } else {
    }
    return
  }
  func.func @transform_0(%arg0: i32) -> (i32, i32) {
    %c0_i32 = arith.constant 0 : i32
    %c0_i32_0 = arith.constant 0 : i32
    return %arg0, %c0_i32 : i32, i32
  }
  func.func @transform_1(%arg0: i32) -> (i32, i32) {
    %c0_i32 = arith.constant 0 : i32
    %c0_i32_0 = arith.constant 0 : i32
    return %arg0, %c0_i32 : i32, i32
  }
  func.func @transform_2(%arg0: i32) -> (i32, i32) {
    %c0_i32 = arith.constant 0 : i32
    %c0_i32_0 = arith.constant 0 : i32
    %c0_i32_1 = arith.constant 0 : i32
    return %c0_i32, %c0_i32_0 : i32, i32
  }
  func.func @transform_3(%arg0: i32) -> (i32, i32) {
    %c0_i32 = arith.constant 0 : i32
    %c0_i32_0 = arith.constant 0 : i32
    %c0_i32_1 = arith.constant 0 : i32
    return %c0_i32, %c0_i32_0 : i32, i32
  }
  func.func @transform_4(%arg0: i32) -> (i32, i32) {
    %c0_i32 = arith.constant 0 : i32
    %c0_i32_0 = arith.constant 0 : i32
    %c0_i32_1 = arith.constant 0 : i32
    return %c0_i32, %c0_i32_0 : i32, i32
  }
  func.func @transform_5(%arg0: i32) -> (i32, i32) {
    %c0_i32 = arith.constant 0 : i32
    %c0_i32_0 = arith.constant 0 : i32
    %c0_i32_1 = arith.constant 0 : i32
    return %c0_i32, %c0_i32_0 : i32, i32
  }
  func.func @transform_6(%arg0: i32) -> (i32, i32) {
    %c0_i32 = arith.constant 0 : i32
    %c0_i32_0 = arith.constant 0 : i32
    return %arg0, %c0_i32 : i32, i32
  }
  func.func @transform_7(%arg0: i32) -> (i32, i32) {
    %c0_i32 = arith.constant 0 : i32
    %c0_i32_0 = arith.constant 0 : i32
    %c0_i32_1 = arith.constant 0 : i32
    return %c0_i32, %c0_i32_0 : i32, i32
  }
}

module attributes {stable_mosaic.version = 14 : i64} {
  func.func @body(%arg0: memref<2x10240x128xf32, #tpu.memory_space<vmem>>, %arg1: memref<2x10240x128xf32, #tpu.memory_space<vmem>>, %arg2: memref<10000x128xf32, #tpu.memory_space<vmem>>, %arg3: memref<128x128xf32, #tpu.memory_space<vmem>>, %arg4: memref<1x128xf32, #tpu.memory_space<vmem>>, %arg5: memref<1x256xf32, #tpu.memory_space<vmem>>, %arg6: memref<1x256xf32, #tpu.memory_space<vmem>>, %arg7: memref<128x256xf32, #tpu.memory_space<vmem>>, %arg8: memref<1x128xf32, #tpu.memory_space<vmem>>, %arg9: memref<1x128xf32, #tpu.memory_space<vmem>>, %arg10: memref<1x128xf32, #tpu.memory_space<vmem>>, %arg11: memref<128x128xf32, #tpu.memory_space<vmem>>, %arg12: memref<1x128xf32, #tpu.memory_space<vmem>>, %arg13: memref<1x128xf32, #tpu.memory_space<vmem>>, %arg14: memref<1x128xf32, #tpu.memory_space<vmem>>, %arg15: memref<128x128xf32, #tpu.memory_space<vmem>>, %arg16: memref<1x128xf32, #tpu.memory_space<vmem>>, %arg17: memref<10000x128xf32, #tpu.memory_space<vmem>>) attributes {dimension_semantics = [], scalar_prefetch = 0 : i64, scratch_operands = 0 : i64, tpu.core_type = #tpu.core_type<tc>} {
    %get3A = arith.constant 0 : index
    %get3A_0 = arith.constant 0 : index
    %get3A_1 = arith.constant 0 : index
    %get3A_2 = vector.load %arg0[%get3A, %get3A_0, %get3A_1] : memref<2x10240x128xf32, #tpu.memory_space<vmem>>, vector<1x10000x128xf32>
    %get3A_3 = vector.shape_cast %get3A_2 : vector<1x10000x128xf32> to vector<10000x128xf32>
    %get3A_4 = arith.constant 1 : index
    %get3A_5 = arith.constant 0 : index
    %get3A_6 = arith.constant 0 : index
    %get3A_7 = vector.load %arg0[%get3A_4, %get3A_5, %get3A_6] : memref<2x10240x128xf32, #tpu.memory_space<vmem>>, vector<1x10000x128xf32>
    %get3A_8 = vector.shape_cast %get3A_7 : vector<1x10000x128xf32> to vector<10000x128xf32>
    %add3A = arith.addf %get3A_3, %get3A_8 : vector<10000x128xf32>
    %get3A_9 = arith.constant 1 : index
    %get3A_10 = arith.constant 0 : index
    %get3A_11 = arith.constant 0 : index
    %get3A_12 = vector.load %arg1[%get3A_9, %get3A_10, %get3A_11] : memref<2x10240x128xf32, #tpu.memory_space<vmem>>, vector<1x10000x1xf32>
    %get3A_13 = vector.shape_cast %get3A_12 : vector<1x10000x1xf32> to vector<10000x1xf32>
    %get3A_14 = arith.constant 0 : index
    %get3A_15 = arith.constant 0 : index
    %get3A_16 = vector.load %arg3[%get3A_14, %get3A_15] : memref<128x128xf32, #tpu.memory_space<vmem>>, vector<128x128xf32>
    %dot_general3A = arith.constant dense<0.000000e+00> : vector<10000x128xf32>
    %dot_general3A_17 = tpu.matmul %add3A, %get3A_16, %dot_general3A {dimension_numbers = #tpu.dot_dimension_numbers<[1], [1], [0], [0], [0, 0, 1, 0], [], []>, transpose_lhs_hint = false} : vector<10000x128xf32>, vector<128x128xf32>, vector<10000x128xf32> -> vector<10000x128xf32>
    %get3A_18 = arith.constant 0 : index
    %get3A_19 = arith.constant 0 : index
    %get3A_20 = vector.load %arg4[%get3A_18, %get3A_19] : memref<1x128xf32, #tpu.memory_space<vmem>>, vector<1x128xf32>
    %mul3A = vector.broadcast %get3A_13 : vector<10000x1xf32> to vector<10000x128xf32>
    %mul3A_21 = vector.broadcast %get3A_20 : vector<1x128xf32> to vector<10000x128xf32>
    %mul3A_22 = arith.mulf %mul3A, %mul3A_21 : vector<10000x128xf32>
    %add3A_23 = arith.addf %dot_general3A_17, %mul3A_22 : vector<10000x128xf32>
    %max3A = arith.constant 1.000000e+00 : f32
    %max3A_24 = vector.broadcast %max3A : f32 to vector<10000x1xf32>
    %max3A_25 = arith.maximumf %get3A_13, %max3A_24 : vector<10000x1xf32>
    %div3A = vector.broadcast %max3A_25 : vector<10000x1xf32> to vector<10000x128xf32>
    %div3A_26 = arith.divf %add3A_23, %div3A : vector<10000x128xf32>
    %get3A_27 = arith.constant 0 : index
    %get3A_28 = arith.constant 0 : index
    %get3A_29 = vector.load %arg2[%get3A_27, %get3A_28] : memref<10000x128xf32, #tpu.memory_space<vmem>>, vector<10000x128xf32>
    %concatenate3A = tpu.concatenate %get3A_29, %div3A_26 in 1 : vector<10000x128xf32>, vector<10000x128xf32> -> vector<10000x256xf32>
    %get3A_30 = arith.constant 0 : index
    %get3A_31 = arith.constant 0 : index
    %get3A_32 = vector.load %arg5[%get3A_30, %get3A_31] : memref<1x256xf32, #tpu.memory_space<vmem>>, vector<1x256xf32>
    %get3A_33 = arith.constant 0 : index
    %get3A_34 = arith.constant 0 : index
    %get3A_35 = vector.load %arg6[%get3A_33, %get3A_34] : memref<1x256xf32, #tpu.memory_space<vmem>>, vector<1x256xf32>
    %reduce_sum3A = arith.constant dense<0.000000e+00> : vector<256xf32>
    %reduce_sum3A_36 = vector.multi_reduction <add>, %concatenate3A, %reduce_sum3A [0] : vector<10000x256xf32> to vector<256xf32>
    %broadcast_in_dim3A = vector.shape_cast %reduce_sum3A_36 : vector<256xf32> to vector<1x256xf32>
    %div3A_37 = arith.constant 1.000000e+04 : f32
    %div3A_38 = vector.broadcast %div3A_37 : f32 to vector<1x256xf32>
    %div3A_39 = arith.divf %broadcast_in_dim3A, %div3A_38 : vector<1x256xf32>
    %mul3A_40 = arith.mulf %concatenate3A, %concatenate3A : vector<10000x256xf32>
    %reduce_sum3A_41 = arith.constant dense<0.000000e+00> : vector<256xf32>
    %reduce_sum3A_42 = vector.multi_reduction <add>, %mul3A_40, %reduce_sum3A_41 [0] : vector<10000x256xf32> to vector<256xf32>
    %broadcast_in_dim3A_43 = vector.shape_cast %reduce_sum3A_42 : vector<256xf32> to vector<1x256xf32>
    %div3A_44 = arith.constant 1.000000e+04 : f32
    %div3A_45 = vector.broadcast %div3A_44 : f32 to vector<1x256xf32>
    %div3A_46 = arith.divf %broadcast_in_dim3A_43, %div3A_45 : vector<1x256xf32>
    %mul3A_47 = arith.mulf %div3A_39, %div3A_39 : vector<1x256xf32>
    %sub3A = arith.subf %div3A_46, %mul3A_47 : vector<1x256xf32>
    %add3A_48 = arith.constant 9.99999974E-6 : f32
    %add3A_49 = vector.broadcast %add3A_48 : f32 to vector<1x256xf32>
    %add3A_50 = arith.addf %sub3A, %add3A_49 : vector<1x256xf32>
    %rsqrt3A = math.rsqrt %add3A_50 : vector<1x256xf32>
    %mul3A_51 = arith.mulf %get3A_32, %rsqrt3A : vector<1x256xf32>
    %mul3A_52 = vector.broadcast %mul3A_51 : vector<1x256xf32> to vector<10000x256xf32>
    %mul3A_53 = arith.mulf %concatenate3A, %mul3A_52 : vector<10000x256xf32>
    %mul3A_54 = arith.mulf %div3A_39, %mul3A_51 : vector<1x256xf32>
    %sub3A_55 = arith.subf %get3A_35, %mul3A_54 : vector<1x256xf32>
    %add3A_56 = vector.broadcast %sub3A_55 : vector<1x256xf32> to vector<10000x256xf32>
    %add3A_57 = arith.addf %mul3A_53, %add3A_56 : vector<10000x256xf32>
    %get3A_58 = arith.constant 0 : index
    %get3A_59 = arith.constant 0 : index
    %get3A_60 = vector.load %arg7[%get3A_58, %get3A_59] : memref<128x256xf32, #tpu.memory_space<vmem>>, vector<128x256xf32>
    %dot_general3A_61 = arith.constant dense<0.000000e+00> : vector<10000x128xf32>
    %dot_general3A_62 = tpu.matmul %add3A_57, %get3A_60, %dot_general3A_61 {dimension_numbers = #tpu.dot_dimension_numbers<[1], [1], [0], [0], [0, 0, 1, 0], [], []>, transpose_lhs_hint = false} : vector<10000x256xf32>, vector<128x256xf32>, vector<10000x128xf32> -> vector<10000x128xf32>
    %get3A_63 = arith.constant 0 : index
    %get3A_64 = arith.constant 0 : index
    %get3A_65 = vector.load %arg8[%get3A_63, %get3A_64] : memref<1x128xf32, #tpu.memory_space<vmem>>, vector<1x128xf32>
    %add3A_66 = vector.broadcast %get3A_65 : vector<1x128xf32> to vector<10000x128xf32>
    %add3A_67 = arith.addf %dot_general3A_62, %add3A_66 : vector<10000x128xf32>
    %gt3A = arith.constant 0.000000e+00 : f32
    %gt3A_68 = vector.broadcast %gt3A : f32 to vector<10000x128xf32>
    %gt3A_69 = arith.cmpf ogt, %add3A_67, %gt3A_68 : vector<10000x128xf32>
    %exp3A = math.exp %add3A_67 : vector<10000x128xf32>
    %sub3A_70 = arith.constant 1.000000e+00 : f32
    %sub3A_71 = vector.broadcast %sub3A_70 : f32 to vector<10000x128xf32>
    %sub3A_72 = arith.subf %exp3A, %sub3A_71 : vector<10000x128xf32>
    %select_n3A = arith.select %gt3A_69, %add3A_67, %sub3A_72 : vector<10000x128xi1>, vector<10000x128xf32>
    %get3A_73 = arith.constant 0 : index
    %get3A_74 = arith.constant 0 : index
    %get3A_75 = vector.load %arg9[%get3A_73, %get3A_74] : memref<1x128xf32, #tpu.memory_space<vmem>>, vector<1x128xf32>
    %get3A_76 = arith.constant 0 : index
    %get3A_77 = arith.constant 0 : index
    %get3A_78 = vector.load %arg10[%get3A_76, %get3A_77] : memref<1x128xf32, #tpu.memory_space<vmem>>, vector<1x128xf32>
    %reduce_sum3A_79 = arith.constant dense<0.000000e+00> : vector<128xf32>
    %reduce_sum3A_80 = vector.multi_reduction <add>, %select_n3A, %reduce_sum3A_79 [0] : vector<10000x128xf32> to vector<128xf32>
    %broadcast_in_dim3A_81 = vector.shape_cast %reduce_sum3A_80 : vector<128xf32> to vector<1x128xf32>
    %div3A_82 = arith.constant 1.000000e+04 : f32
    %div3A_83 = vector.broadcast %div3A_82 : f32 to vector<1x128xf32>
    %div3A_84 = arith.divf %broadcast_in_dim3A_81, %div3A_83 : vector<1x128xf32>
    %mul3A_85 = arith.mulf %select_n3A, %select_n3A : vector<10000x128xf32>
    %reduce_sum3A_86 = arith.constant dense<0.000000e+00> : vector<128xf32>
    %reduce_sum3A_87 = vector.multi_reduction <add>, %mul3A_85, %reduce_sum3A_86 [0] : vector<10000x128xf32> to vector<128xf32>
    %broadcast_in_dim3A_88 = vector.shape_cast %reduce_sum3A_87 : vector<128xf32> to vector<1x128xf32>
    %div3A_89 = arith.constant 1.000000e+04 : f32
    %div3A_90 = vector.broadcast %div3A_89 : f32 to vector<1x128xf32>
    %div3A_91 = arith.divf %broadcast_in_dim3A_88, %div3A_90 : vector<1x128xf32>
    %mul3A_92 = arith.mulf %div3A_84, %div3A_84 : vector<1x128xf32>
    %sub3A_93 = arith.subf %div3A_91, %mul3A_92 : vector<1x128xf32>
    %add3A_94 = arith.constant 9.99999974E-6 : f32
    %add3A_95 = vector.broadcast %add3A_94 : f32 to vector<1x128xf32>
    %add3A_96 = arith.addf %sub3A_93, %add3A_95 : vector<1x128xf32>
    %rsqrt3A_97 = math.rsqrt %add3A_96 : vector<1x128xf32>
    %mul3A_98 = arith.mulf %get3A_75, %rsqrt3A_97 : vector<1x128xf32>
    %mul3A_99 = vector.broadcast %mul3A_98 : vector<1x128xf32> to vector<10000x128xf32>
    %mul3A_100 = arith.mulf %select_n3A, %mul3A_99 : vector<10000x128xf32>
    %mul3A_101 = arith.mulf %div3A_84, %mul3A_98 : vector<1x128xf32>
    %sub3A_102 = arith.subf %get3A_78, %mul3A_101 : vector<1x128xf32>
    %add3A_103 = vector.broadcast %sub3A_102 : vector<1x128xf32> to vector<10000x128xf32>
    %add3A_104 = arith.addf %mul3A_100, %add3A_103 : vector<10000x128xf32>
    %get3A_105 = arith.constant 0 : index
    %get3A_106 = arith.constant 0 : index
    %get3A_107 = vector.load %arg11[%get3A_105, %get3A_106] : memref<128x128xf32, #tpu.memory_space<vmem>>, vector<128x128xf32>
    %dot_general3A_108 = arith.constant dense<0.000000e+00> : vector<10000x128xf32>
    %dot_general3A_109 = tpu.matmul %add3A_104, %get3A_107, %dot_general3A_108 {dimension_numbers = #tpu.dot_dimension_numbers<[1], [1], [0], [0], [0, 0, 1, 0], [], []>, transpose_lhs_hint = false} : vector<10000x128xf32>, vector<128x128xf32>, vector<10000x128xf32> -> vector<10000x128xf32>
    %get3A_110 = arith.constant 0 : index
    %get3A_111 = arith.constant 0 : index
    %get3A_112 = vector.load %arg12[%get3A_110, %get3A_111] : memref<1x128xf32, #tpu.memory_space<vmem>>, vector<1x128xf32>
    %add3A_113 = vector.broadcast %get3A_112 : vector<1x128xf32> to vector<10000x128xf32>
    %add3A_114 = arith.addf %dot_general3A_109, %add3A_113 : vector<10000x128xf32>
    %gt3A_115 = arith.constant 0.000000e+00 : f32
    %gt3A_116 = vector.broadcast %gt3A_115 : f32 to vector<10000x128xf32>
    %gt3A_117 = arith.cmpf ogt, %add3A_114, %gt3A_116 : vector<10000x128xf32>
    %exp3A_118 = math.exp %add3A_114 : vector<10000x128xf32>
    %sub3A_119 = arith.constant 1.000000e+00 : f32
    %sub3A_120 = vector.broadcast %sub3A_119 : f32 to vector<10000x128xf32>
    %sub3A_121 = arith.subf %exp3A_118, %sub3A_120 : vector<10000x128xf32>
    %select_n3A_122 = arith.select %gt3A_117, %add3A_114, %sub3A_121 : vector<10000x128xi1>, vector<10000x128xf32>
    %get3A_123 = arith.constant 0 : index
    %get3A_124 = arith.constant 0 : index
    %get3A_125 = vector.load %arg13[%get3A_123, %get3A_124] : memref<1x128xf32, #tpu.memory_space<vmem>>, vector<1x128xf32>
    %get3A_126 = arith.constant 0 : index
    %get3A_127 = arith.constant 0 : index
    %get3A_128 = vector.load %arg14[%get3A_126, %get3A_127] : memref<1x128xf32, #tpu.memory_space<vmem>>, vector<1x128xf32>
    %reduce_sum3A_129 = arith.constant dense<0.000000e+00> : vector<128xf32>
    %reduce_sum3A_130 = vector.multi_reduction <add>, %select_n3A_122, %reduce_sum3A_129 [0] : vector<10000x128xf32> to vector<128xf32>
    %broadcast_in_dim3A_131 = vector.shape_cast %reduce_sum3A_130 : vector<128xf32> to vector<1x128xf32>
    %div3A_132 = arith.constant 1.000000e+04 : f32
    %div3A_133 = vector.broadcast %div3A_132 : f32 to vector<1x128xf32>
    %div3A_134 = arith.divf %broadcast_in_dim3A_131, %div3A_133 : vector<1x128xf32>
    %mul3A_135 = arith.mulf %select_n3A_122, %select_n3A_122 : vector<10000x128xf32>
    %reduce_sum3A_136 = arith.constant dense<0.000000e+00> : vector<128xf32>
    %reduce_sum3A_137 = vector.multi_reduction <add>, %mul3A_135, %reduce_sum3A_136 [0] : vector<10000x128xf32> to vector<128xf32>
    %broadcast_in_dim3A_138 = vector.shape_cast %reduce_sum3A_137 : vector<128xf32> to vector<1x128xf32>
    %div3A_139 = arith.constant 1.000000e+04 : f32
    %div3A_140 = vector.broadcast %div3A_139 : f32 to vector<1x128xf32>
    %div3A_141 = arith.divf %broadcast_in_dim3A_138, %div3A_140 : vector<1x128xf32>
    %mul3A_142 = arith.mulf %div3A_134, %div3A_134 : vector<1x128xf32>
    %sub3A_143 = arith.subf %div3A_141, %mul3A_142 : vector<1x128xf32>
    %add3A_144 = arith.constant 9.99999974E-6 : f32
    %add3A_145 = vector.broadcast %add3A_144 : f32 to vector<1x128xf32>
    %add3A_146 = arith.addf %sub3A_143, %add3A_145 : vector<1x128xf32>
    %rsqrt3A_147 = math.rsqrt %add3A_146 : vector<1x128xf32>
    %mul3A_148 = arith.mulf %get3A_125, %rsqrt3A_147 : vector<1x128xf32>
    %mul3A_149 = vector.broadcast %mul3A_148 : vector<1x128xf32> to vector<10000x128xf32>
    %mul3A_150 = arith.mulf %select_n3A_122, %mul3A_149 : vector<10000x128xf32>
    %mul3A_151 = arith.mulf %div3A_134, %mul3A_148 : vector<1x128xf32>
    %sub3A_152 = arith.subf %get3A_128, %mul3A_151 : vector<1x128xf32>
    %add3A_153 = vector.broadcast %sub3A_152 : vector<1x128xf32> to vector<10000x128xf32>
    %add3A_154 = arith.addf %mul3A_150, %add3A_153 : vector<10000x128xf32>
    %get3A_155 = arith.constant 0 : index
    %get3A_156 = arith.constant 0 : index
    %get3A_157 = vector.load %arg15[%get3A_155, %get3A_156] : memref<128x128xf32, #tpu.memory_space<vmem>>, vector<128x128xf32>
    %dot_general3A_158 = arith.constant dense<0.000000e+00> : vector<10000x128xf32>
    %dot_general3A_159 = tpu.matmul %add3A_154, %get3A_157, %dot_general3A_158 {dimension_numbers = #tpu.dot_dimension_numbers<[1], [1], [0], [0], [0, 0, 1, 0], [], []>, transpose_lhs_hint = false} : vector<10000x128xf32>, vector<128x128xf32>, vector<10000x128xf32> -> vector<10000x128xf32>
    %get3A_160 = arith.constant 0 : index
    %get3A_161 = arith.constant 0 : index
    %get3A_162 = vector.load %arg16[%get3A_160, %get3A_161] : memref<1x128xf32, #tpu.memory_space<vmem>>, vector<1x128xf32>
    %add3A_163 = vector.broadcast %get3A_162 : vector<1x128xf32> to vector<10000x128xf32>
    %add3A_164 = arith.addf %dot_general3A_159, %add3A_163 : vector<10000x128xf32>
    %swap3A = arith.constant 0 : index
    %swap3A_165 = arith.constant 0 : index
    %swap3A_166 = vector.load %arg17[%swap3A, %swap3A_165] : memref<10000x128xf32, #tpu.memory_space<vmem>>, vector<10000x128xf32>
    tpu.vector_store %arg17[%swap3A, %swap3A_165], %add3A_164 {strides = array<i32>} : memref<10000x128xf32, #tpu.memory_space<vmem>>, vector<10000x128xf32>,
    return
  }
}

</mosaic_0001>

<sc_bundles>
// kernel: kernel.10.cloned.1.call-start
scs
__scs_entry_jumppad:
0x0: {  	(pc) =	sbr.rel $0x88, $3  }
0x1: {  	(tag) =	ssettag $0x0;
	lr =	simm.s32 $0x1  }
0x2: {  	[smem:$0x3F86] =	sst lr;
	_ =	strace $0xD0000000  }
0x3: {  	_ = 	snop  }
0x4: {  	_ = 	snop  }
0x5: {  	_ = 	snop  }
0x6: {  	_ = 	snop  }
0x7: {  	_ = 	snop  }
__scs_overlays_trampoline_lowered:
0x8: {  	[smem:$0x3F95] =	sst s0  }
0x9: {  	[smem:$0x3F96] =	sst s1  }
0xa: {  	[smem:$0x3F97] =	sst s2  }
0xb: {  	[smem:$0x3F98] =	sst s3  }
0xc: {  	[smem:$0x3F99] =	sst s4  }
0xd: {  	[smem:$0x3F9A] =	sst s5  }
0xe: {  	[smem:$0x3F9B] =	sst s6  }
0xf: {  	[smem:$0x3F9C] =	sst s7  }
0x10: {  	[smem:$0x3F9D] =	sst s8  }
0x11: {  	[smem:$0x3F9E] =	sst s9;
	s0 =	simm.s32 @!p0 $0x0  }
0x12: {  	s1 =	sld [smem:$0x3F84];
	s0 =	simm.s32 @p0 $0x1  }
0x13: {  	[smem:$0x3F9F] =	sst s0;
	s0 =	simm.s32 @!p1 $0x0  }
0x14: {  	s2 =	sld [smem:$0x3F83];
	s0 =	simm.s32 @p1 $0x1  }
0x15: {  	[smem:$0x3FA0] =	sst s0;
	s0 =	simm.s32 @!p2 $0x0  }
0x16: {  	s3 =	sld [smem:$0x3FDB];
	s0 =	simm.s32 @p2 $0x1  }
0x17: {  	s4 =	simm.s32 $0x1BF5;
	[smem:$0x3FA2] =	sst s0  }
0x18: {  	s0 =	sld [smem:$0x3F85];
	_ =	swait.ge [sflag:s4], $0x0  }
0x19: {  	s7 =	sld [smem:$0x3F86]  }
0x1a: {  	s8 =	sadd.s32 $0xFFFFE003, lr  }
0x1b: {  	s9 =	sadd.s32 $0xFFFFFEF7, lr;
	s5 =	simm.s32 $0xFFFFFFFF;
	p2 =	slt.u32 s8, $0xFFFFF086  }
0x1c: {  	p1 =	slt.u32 s9, $0xF7A;
	s5 =	simm.s32 @!p2 $0x0  }
0x1d: {  	s5 =	simm.s32 @p1 $0x1;
	p0 =	seq.s32 s7, s2  }
0x1e: {  	s7 =	smul.u32 @!p0 $0xF7A, s2;
	p2 =	seq.s32 @!p0 s5, $0x0  }
0x1f: {  	s9 =	smul.u32 $0xF7A, s1;
	s8 =	simm.s32 @!p0 $0x1BF5;
	p2 =	por !p2, p0  }
0x20: {  	[sflag:s8] =	ssyncset.s32 @!p0 $0xFFFFF086;
	s6 =	sadd.s32 @!p0 s3, s7;
	s7 =	simm.s32 @!p0 $0x108  }
0x21: {  	s3 =	sadd.s32 s3, s9;
	s6 =	sadd.s32 @!p0 $0x88, s6;
	s7 =	simm.s32 @p2 $0x1082  }
0x22: {  	[simem:s7], [sflag:s8] =	dma.local @!p0 [hbm:s6], $0xF7A  }
0x23: {  	s9 =	sor.u32 $0xD0000000, s2;
	s6 =	simm.s32 $0x108;
	_ =	swait.ge @!p0 [sflag:s8], $0x0  }
0x24: {  	s3 =	sadd.s32 $0x88, s3;
	s6 =	simm.s32 @!p1 $0x1082;
	[sflag:s4] =	ssyncset.s32 $0xFFFFF086  }
0x25: {  	[simem:s6], [sflag:s4] =	dma.local [hbm:s3], $0xF7A  }
0x26: {  	[smem:$0x3F86] =	sst s1;
	(tag) =	ssettag s2;
	_ =	strace s9  }
0x27: {  	s1 =	sld [smem:$0x3F96]  }
0x28: {  	s2 =	sld [smem:$0x3F97]  }
0x29: {  	s4 =	sld [smem:$0x3F99]  }
0x2a: {  	p0 =	seq.s32 s5, $0x0;
	s5 =	sld [smem:$0x3F9A]  }
0x2b: {  	s6 =	sld [smem:$0x3F9B]  }
0x2c: {  	s7 =	sld [smem:$0x3F9C]  }
0x2d: {  	s3 =	simm.s32 $0x108;
	s8 =	sld [smem:$0x3F9D]  }
0x2e: {  	s3 =	simm.s32 @!p0 $0x1082;
	s9 =	sld [smem:$0x3F9E]  }
0x2f: {  	lr =	sadd.s32 s0, s3;
	s0 =	sld [smem:$0x3F95]  }
0x30: {  	s3 =	sld [smem:$0x3F98]  }
0x31: {  	[smem:$0x3FA1] =	sst s10  }
0x32: {  	s10 =	sld [smem:$0x3F9F];
	_ =	sdelay $0x3  }
0x33: {  	p0 =	seq.s32 s10, $0x1;
	s10 =	sld [smem:$0x3FA1];
	_ =	sdelay $0x3  }
0x34: {  	[smem:$0x3FA1] =	sst s10  }
0x35: {  	s10 =	sld [smem:$0x3FA0];
	_ =	sdelay $0x3  }
0x36: {  	p1 =	seq.s32 s10, $0x1;
	s10 =	sld [smem:$0x3FA1];
	_ =	sdelay $0x3  }
0x37: {  	[smem:$0x3FA1] =	sst s10  }
0x38: {  	s10 =	sld [smem:$0x3FA2]  }
0x39: {  	_ = 	snop;
	(pc) =	sbr.ind lr, $3  }
0x3a: {  	_ = 	snop  }
0x3b: {  	_ = 	snop  }
0x3c: {  	p2 =	seq.s32 s10, $0x1;
	s10 =	sld [smem:$0x3FA1]  }
0x3d: {  	_ =	shalt  }
0x3e: {  	_ =	shalt  }
0x3f: {  	_ =	shalt  }
0x40: {  	_ =	shalt  }
0x41: {  	_ =	shalt  }
0x42: {  	_ =	shalt  }
0x43: {  	_ =	shalt  }
0x44: {  	_ =	shalt  }
0x45: {  	_ =	shalt  }
0x46: {  	_ =	shalt  }
0x47: {  	_ =	shalt  }
0x48: {  	_ =	shalt  }
0x49: {  	_ =	shalt  }
0x4a: {  	_ =	shalt  }
0x4b: {  	_ =	shalt  }
0x4c: {  	_ =	shalt  }
0x4d: {  	_ =	shalt  }
0x4e: {  	_ =	shalt  }
0x4f: {  	_ =	shalt  }
0x50: {  	_ =	shalt  }
0x51: {  	_ =	shalt  }
0x52: {  	_ =	shalt  }
0x53: {  	_ =	shalt  }
0x54: {  	_ =	shalt  }
0x55: {  	_ =	shalt  }
0x56: {  	_ =	shalt  }
0x57: {  	_ =	shalt  }
0x58: {  	_ =	shalt  }
0x59: {  	_ =	shalt  }
0x5a: {  	_ =	shalt  }
0x5b: {  	_ =	shalt  }
0x5c: {  	_ =	shalt  }
0x5d: {  	_ =	shalt  }
0x5e: {  	_ =	shalt  }
0x5f: {  	_ =	shalt  }
0x60: {  	_ =	shalt  }
0x61: {  	_ =	shalt  }
0x62: {  	_ =	shalt  }
0x63: {  	_ =	shalt  }
0x64: {  	_ =	shalt  }
0x65: {  	_ =	shalt  }
0x66: {  	_ =	shalt  }
0x67: {  	_ =	shalt  }
0x68: {  	_ =	shalt  }
0x69: {  	_ =	shalt  }
0x6a: {  	_ =	shalt  }
0x6b: {  	_ =	shalt  }
0x6c: {  	_ =	shalt  }
0x6d: {  	_ =	shalt  }
0x6e: {  	_ =	shalt  }
0x6f: {  	_ =	shalt  }
0x70: {  	_ =	shalt  }
0x71: {  	_ =	shalt  }
0x72: {  	_ =	shalt  }
0x73: {  	_ =	shalt  }
0x74: {  	_ =	shalt  }
0x75: {  	_ =	shalt  }
0x76: {  	_ =	shalt  }
0x77: {  	_ =	shalt  }
0x78: {  	_ =	shalt  }
0x79: {  	_ =	shalt  }
0x7a: {  	_ =	shalt  }
0x7b: {  	_ =	shalt  }
0x7c: {  	_ =	shalt  }
0x7d: {  	_ =	shalt  }
0x7e: {  	_ =	shalt  }
0x7f: {  	_ =	shalt  }
0x80: {  	_ =	shalt  }
0x81: {  	_ =	shalt  }
0x82: {  	_ =	shalt  }
0x83: {  	_ =	shalt  }
0x84: {  	_ =	shalt  }
0x85: {  	_ =	shalt  }
0x86: {  	_ =	shalt  }
0x87: {  	_ =	shalt  }
.Lfunc_end0:
.L_simem_size_0:
called_computation_lowered:
.L_overlay_start_0:
0x88: {  	s2 =	sld [smem:$0x3FD9]  }
0x89: {  	s3 =	sld [smem:$0x3FFE];
	_ =	sdelay $0x1  }
0x8a: {  	s1 =	srdreg.scid  }
0x8b: {  	s0 =	sand.u32 $0x1, s1  }
0x8c: {  	s17 =	sshll.u32 s0, $0xA;
	s2 =	sadd.s32 s3, s2  }
0x8d: {  	s2 =	sadd.s32 s2, s17  }
0x8e: {  	[smem:$0x3FAD] =	sst s2  }
0x8f: {  	_ = 	snop  }
0x90: {  	s2 =	sld [smem:$0x3FD0];
	(tm) =	ssettm $0x1  }
0x91: {  	s18 =	sld [smem:$0x3FFB];
	_ =	sdelay $0x3  }
0x92: {  	_ =	strace s18  }
0x93: {  	s3 =	sld [smem:$0x3FFC];
	_ =	sdelay $0x3  }
0x94: {  	_ =	strace s3  }
0x95: {  	s3 =	sld [smem:$0x3FFD];
	_ =	sdelay $0x3  }
0x96: {  	_ =	strace s3  }
0x97: {  	_ =	strace $0x8FFFFFFF  }
0x98: {  	s19 =	sld [smem:$0x3FDB];
	_ =	sdelay $0x1  }
0x99: {  	s4 =	simm.s32 $_scs_section_size  }
0x9a: {  	s5 =	simm.s32 $_size__tile_overlayer_lowered;
	s6 =	simm.s32 $_tile_overlayer_lowered  }
0x9b: {  	s22 =	simm.s32 $0x1BFF;
	s21 =	sshll.u32 s6, $0x1;
	s3 =	sadd.s32 s4, s19  }
0x9c: {  	s7 =	simm.s32 $0x0;
	s20 =	sshll.u32 s5, $0x1;
	s5 =	sadd.s32 s21, s3  }
0x9d: {  	[timem:s7], [sflag:s22] =	dma.local [hbm:s5], s20  }
0x9e: {  	_ =	swait.ge [sflag:s22], s20  }
0x9f: {  	s4 =	ssub.s32 $0x0, s20;
	[sflag:s22] =	ssyncset.done $0x0  }
0xa0: {  	[sflag:s22] =	ssyncadd.s32 s4;
	_ =	sdelay $0x1  }
0xa1: {  	s23 =	simm.s32 $0x1B8B  }
0xa2: {  	_ =	swait.ge [sflag:s23], $0x1  }
0xa3: {  	[sflag:s23] =	ssyncset.done $0x0  }
0xa4: {  	s25 =	simm.s32 $0x1B8E;
	s24 =	sld [smem:$0x3FFE];
	[sflag:s23] =	ssyncadd.s32 $0xFFFFFFFF  }
0xa5: {  	s26 =	simm.s32 $execute0_lowered;
	[smem:$0x3FD2] =	sst s25  }
0xa6: {  	s5 =	sshll.u32 s26, $0x1;
	_ =	strace $0x80000046;
	[dreg:$0x1] =	wrdreg $0xFFFFFFFF  }
0xa7: {  	s28 =	simm.s32 $_size_execute0_lowered;
	s3 =	sadd.s32 s3, s5;
	[dreg:$0x0] =	wrdreg $0x0  }
0xa8: {  	s5 =	sshll.u32 s28, $0x1;
	[dreg:$0x2] =	wrdreg s3  }
0xa9: {  	[dreg:$0x3] =	wrdreg s5  }
0xaa: {  	[dreg:$0x4] =	wrdreg $0xC0  }
0xab: {  	_ =	task [dreg:s7], $0x5FFFF  }
0xac: {  	[dreg:$0x1] =	wrdreg $0xFFFFFFFF  }
0xad: {  	[dreg:$0x0] =	wrdreg $0x60  }
0xae: {  	[dreg:$0x2] =	wrdreg s24  }
0xaf: {  	[dreg:$0x3] =	wrdreg s2  }
0xb0: {  	[dreg:$0x4] =	wrdreg $0x42000  }
0xb1: {  	[dreg:$0x5] =	wrdreg $0x9  }
0xb2: {  	_ =	task.clear_ibuf [dreg:s7], $0x6FFFF;
	_ =	strace $0x90000046  }
0xb3: {  	s29 =	simm.s32 $0x9;
	_ =	strace $0x80000048  }
0xb4: {  	_ =	swait.ge [sflag:s29], $0x1  }
0xb5: {  	[sflag:s29] =	ssyncadd.s32 $0xFFFFFFFF  }
0xb6: {  	_ =	strace $0x90000048  }
0xb7: {  	_ =	sfence  }
0xb8: {  	s30 =	sld [smem:$0x0];
	_ =	sdelay $0x2  }
0xb9: {  	s31 =	sshll.u32 s1, $0xD;
	s1 =	sshrl.u32 s1, $0x2  }
0xba: {  	s3 =	sand.u32 $0x4000, s31;
	s1 =	sadd.s32 s1, s30  }
0xbb: {  	s0 =	sor.u32 s3, s0;
	s1 =	sshll.u32 s1, $0x11  }
0xbc: {  	s0 =	sor.u32 s1, s0  }
0xbd: {  	s0 =	sadd.s32 $0x8F2B, s0  }
0xbe: {  	[sflag:s0] =	ssyncadd.remote.s32 $0x1  }
0xbf: {  	_ =	sfence.sel $0xFFFF  }
0xc0: {  	[dreg:$0x0] =	wrdreg $0xFFFFFFFF;
	(pc) =	sbr.abs _section_cstart, $3  }
0xc1: {  	[dreg:$0x1] =	wrdreg $0xFFFFFFFF  }
0xc2: {  	_ =	task.clear_ibuf [dreg:s7], $0x2FFFF;
	_ =	strace $0x9FFFFFFF  }
0xc3: {  	(tm) =	ssettm $0x7FFFFFFF  }
tec
execute0_lowered:
.L_overlay_start_1:
0x0: {  	(tag) =	ssettag $0x1  }
0x1: {  	s5 =	rddreg [dreg:$0x0]  }
0x2: {  	s2 =	rddreg [dreg:$0x1]  }
0x3: {  	s3 =	rddreg [dreg:$0x2]  }
0x4: {  	s0 =	rddreg [dreg:$0x3];
	s1 =	stileid.u32  }
0x5: {  	s6 =	srdreg.scid;
	s4 =	simm.s32 $0x0;
	s15 =	simm.s32 $0x100  }
0x6: {  	s16 =	simm.s32 $0x180;
	s17 =	simm.s32 $0x1;
	s18 =	simm.s32 $0x2  }
0x7: {  	s19 =	simm.s32 $0x3;
	s20 =	simm.s32 $0x4;
	s7 =	smul.u32 $0x14000, s1  }
0x8: {  	s6 =	sand.u32 $0x1, s6;
	[smem:$0x7FF] =	sst s4;
	s9 =	sadd.s32 $0x6600, s5  }
0x9: {  	s10 =	sadd.s32 $0x10400, s5;
	s12 =	smul.u32 $0x50000, s1;
	s30 =	ssub.s32 $0x9D3, s1  }
0xa: {  	s14 =	sshll.u32 s1, $0x4;
	s31 =	sshll.u32 s1, $0x6;
	s8 =	smul.u32 $0x140000, s6  }
0xb: {  	_ =	strace $0x80000047;
	s26 =	ssub.s32 $0x2, s6;
	p0 =	seq.s32 s6, $0x0  }
0xc: {  	p1 =	seq.s32 s6, $0x1;
	s21 =	sand.u32 $0x9D0, s30;
	s11 =	sshrl.u32 s7, $0x3  }
0xd: {  	s28 =	sshrl.u32 s26, $0x1;
	s29 =	sshrl.u32 s12, $0x2;
	s12 =	smov.u32 s10  }
0xe: {  	s7 =	sadd.s32 s7, s8;
	s11 =	sadd.s32 s11, s5;
	s8 =	ssub.s32 s26, s28  }
0xf: {  	s13 =	sadd.s32 s29, s3;
	s12 =	smov.u32 @p0 s9;
	s9 =	smov.u32 @p1 s10  }
0x10: {  	s10 =	simm.s32 $0x200;
	p0 =	seq.s32 s21, $0x9C0;
	s21 =	simm.s32 $0x0  }
0x11: {  	s7 =	sshrl.u32 s7, $0x3;
	s9 =	sadd.s32 s14, s9;
	s13 =	sshrl.u32 s13, $0x3  }
0x12: {  	s7 =	sadd.s32 s7, s5;
	s5 =	sadd.s32 $0x1A200, s11;
	s11 =	simm.s32 $0x5  }
0x13: {  	s6 =	sadd.s32 $0x42200, s7;
	s7 =	smax.u32 s8, $0x1;
	s8 =	sadd.s32 $0x9C00, s9  }
0x14: {  	s9 =	sadd.s32 s14, s12;
	s12 =	sor.u32 $0x1C05, s31;
	s14 =	simm.s32 $0x80  }
.LBB2_1:
0x15: {  	[tilespmem:s10], [sflag:$0x5] =	stream.linear.gather [hbm4b:s2+s4], $0x4000, $0x38;
	[tilespmem:$0x18200] =	vst v63  }
0x16: {  	_ =	swait.ge [sflag:s11], $0x4000  }
0x17: {  	[sflag:s11] =	ssyncset.done $0x0  }
0x18: {  	[sflag:s11] =	ssyncadd.s32 $0xFFFFC000  }
0x19: {  	[spmem:s13], [sflag:s12] =	dma.local [hbm:s5], $0x2800  }
0x1a: {  	_ =	swait.ge [sflag:s11], $0x2800  }
0x1b: {  	[sflag:s11] =	ssyncset.done $0x0  }
0x1c: {  	[sflag:s11] =	ssyncadd.s32 $0xFFFFD800  }
0x1d: {  	s22 =	sadd.s32 $0x0, s9;
	[bflag:$0x0] =	sbarrier.arrive $0xFFFF  }
0x1e: {  	[tilespmem:s4], [sflag:$0x5] =	stream.linear.gather [hbm4b:s22+s4], $0x80, $0x38;
	[tilespmem:$0x18200] =	vst v63  }
0x1f: {  	_ =	swait.ge [sflag:s11], $0x80  }
0x20: {  	[sflag:s11] =	ssyncset.done $0x0  }
0x21: {  	[sflag:s11] =	ssyncadd.s32 $0xFFFFFF80  }
0x22: {  	[spmem:s3] =	stream.indirect.scatter.add.f32 [tilespmem:s10], [sflag:$0x1], $0x80, s4, s14, $0xb8;
	[tilespmem:$0x18200] =	vst v63  }
0x23: {  	s23 =	sadd.s32 $0x100, s22  }
0x24: {  	[tilespmem:s14], [sflag:$0x5] =	stream.linear.gather [hbm4b:s23+s4], $0x80, $0x38;
	[tilespmem:$0x18200] =	vst v63  }
0x25: {  	_ =	swait.ge [sflag:s11], $0x80  }
0x26: {  	[sflag:s11] =	ssyncset.done $0x0  }
0x27: {  	[sflag:s11] =	ssyncadd.s32 $0xFFFFFF80  }
0x28: {  	[spmem:s3] =	stream.indirect.scatter.add.f32 [tilespmem:s10], [sflag:$0x2], $0x80, s14, s14, $0xb8;
	[tilespmem:$0x18200] =	vst v63  }
0x29: {  	s31 =	sadd.s32 $0x200, s22  }
0x2a: {  	[tilespmem:s15], [sflag:$0x5] =	stream.linear.gather [hbm4b:s31+s4], $0x80, $0x38;
	[tilespmem:$0x18200] =	vst v63  }
0x2b: {  	_ =	swait.ge [sflag:s11], $0x80  }
0x2c: {  	[sflag:s11] =	ssyncset.done $0x0  }
0x2d: {  	[sflag:s11] =	ssyncadd.s32 $0xFFFFFF80  }
0x2e: {  	[spmem:s3] =	stream.indirect.scatter.add.f32 [tilespmem:s10], [sflag:$0x3], $0x80, s15, s14, $0xb8;
	[tilespmem:$0x18200] =	vst v63  }
0x2f: {  	s22 =	sadd.s32 $0x300, s22  }
0x30: {  	[tilespmem:s16], [sflag:$0x5] =	stream.linear.gather [hbm4b:s22+s4], $0x80, $0x38;
	[tilespmem:$0x18200] =	vst v63  }
0x31: {  	_ =	swait.ge [sflag:s11], $0x80  }
0x32: {  	[sflag:s11] =	ssyncset.done $0x0  }
0x33: {  	[sflag:s11] =	ssyncadd.s32 $0xFFFFFF80  }
0x34: {  	[spmem:s3] =	stream.indirect.scatter.add.f32 [tilespmem:s10], [sflag:$0x4], $0x80, s16, s14, $0xb8;
	[tilespmem:$0x18200] =	vst v63  }
0x35: {  	_ =	swait.ge [sflag:s17], $0x4000  }
0x36: {  	[sflag:s17] =	ssyncset.done $0x0  }
0x37: {  	[sflag:s17] =	ssyncadd.s32 $0xFFFFC000  }
0x38: {  	_ =	swait.ge [sflag:s18], $0x4000  }
0x39: {  	[sflag:s18] =	ssyncset.done $0x0  }
0x3a: {  	[sflag:s18] =	ssyncadd.s32 $0xFFFFC000  }
0x3b: {  	_ =	swait.ge [sflag:s19], $0x4000  }
0x3c: {  	[sflag:s19] =	ssyncset.done $0x0  }
0x3d: {  	[sflag:s19] =	ssyncadd.s32 $0xFFFFC000  }
0x3e: {  	_ =	swait.ge [sflag:s20], $0x4000  }
0x3f: {  	s24 =	simm.s32 $0x800;
	s22 =	simm.s32 $0x400;
	[sflag:s20] =	ssyncset.done $0x0  }
.LBB2_2:
0x40: {  	s25 =	sadd.s32 s22, s9  }
0x41: {  	[sflag:s20] =	ssyncadd.s32 $0xFFFFC000;
	s22 =	smov.u32 s24;
	s23 =	sadd.s32 $0x400, s24  }
0x42: {  	[tilespmem:s4], [sflag:$0x5] =	stream.linear.gather [hbm4b:s25+s4], $0x80, $0x38;
	[tilespmem:$0x18200] =	vst v63  }
0x43: {  	p1 =	sne.s32 s24, $0x9800;
	_ =	swait.ge [sflag:s11], $0x80  }
0x44: {  	[sflag:s11] =	ssyncset.done $0x0  }
0x45: {  	[sflag:s11] =	ssyncadd.s32 $0xFFFFFF80  }
0x46: {  	[spmem:s3] =	stream.indirect.scatter.add.f32 [tilespmem:s10], [sflag:$0x1], $0x80, s4, s14, $0xb8;
	[tilespmem:$0x18200] =	vst v63  }
0x47: {  	s24 =	sadd.s32 $0x100, s25  }
0x48: {  	[tilespmem:s14], [sflag:$0x5] =	stream.linear.gather [hbm4b:s24+s4], $0x80, $0x38;
	[tilespmem:$0x18200] =	vst v63  }
0x49: {  	_ =	swait.ge [sflag:s11], $0x80  }
0x4a: {  	[sflag:s11] =	ssyncset.done $0x0  }
0x4b: {  	[sflag:s11] =	ssyncadd.s32 $0xFFFFFF80  }
0x4c: {  	[spmem:s3] =	stream.indirect.scatter.add.f32 [tilespmem:s10], [sflag:$0x2], $0x80, s14, s14, $0xb8;
	[tilespmem:$0x18200] =	vst v63  }
0x4d: {  	s24 =	sadd.s32 $0x200, s25  }
0x4e: {  	[tilespmem:s15], [sflag:$0x5] =	stream.linear.gather [hbm4b:s24+s4], $0x80, $0x38;
	[tilespmem:$0x18200] =	vst v63  }
0x4f: {  	_ =	swait.ge [sflag:s11], $0x80  }
0x50: {  	[sflag:s11] =	ssyncset.done $0x0  }
0x51: {  	[sflag:s11] =	ssyncadd.s32 $0xFFFFFF80  }
0x52: {  	[spmem:s3] =	stream.indirect.scatter.add.f32 [tilespmem:s10], [sflag:$0x3], $0x80, s15, s14, $0xb8;
	[tilespmem:$0x18200] =	vst v63  }
0x53: {  	s24 =	sadd.s32 $0x300, s25  }
0x54: {  	[tilespmem:s16], [sflag:$0x5] =	stream.linear.gather [hbm4b:s24+s4], $0x80, $0x38;
	[tilespmem:$0x18200] =	vst v63  }
0x55: {  	_ =	swait.ge [sflag:s11], $0x80  }
0x56: {  	[sflag:s11] =	ssyncset.done $0x0  }
0x57: {  	[sflag:s11] =	ssyncadd.s32 $0xFFFFFF80  }
0x58: {  	[spmem:s3] =	stream.indirect.scatter.add.f32 [tilespmem:s10], [sflag:$0x4], $0x80, s16, s14, $0xb8;
	[tilespmem:$0x18200] =	vst v63  }
0x59: {  	_ =	swait.ge [sflag:s17], $0x4000  }
0x5a: {  	[sflag:s17] =	ssyncset.done $0x0  }
0x5b: {  	[sflag:s17] =	ssyncadd.s32 $0xFFFFC000  }
0x5c: {  	_ =	swait.ge [sflag:s18], $0x4000  }
0x5d: {  	[sflag:s18] =	ssyncset.done $0x0  }
0x5e: {  	[sflag:s18] =	ssyncadd.s32 $0xFFFFC000  }
.Ltmp0:
0x5f: {  	_ =	swait.ge [sflag:s19], $0x4000;
	(pc) =	sbr.rel @p1 .LBB2_2-.Ltmp0, $4  }
0x60: {  	[sflag:s19] =	ssyncset.done $0x0  }
0x61: {  	[sflag:s19] =	ssyncadd.s32 $0xFFFFC000  }
0x62: {  	_ =	swait.ge [sflag:s20], $0x4000  }
0x63: {  	s24 =	smov.u32 s23;
	[sflag:s20] =	ssyncset.done $0x0  }
0x64: {  	s22 =	sadd.s32 s22, s9;
	[sflag:s20] =	ssyncadd.s32 $0xFFFFC000  }
0x65: {  	[tilespmem:s4], [sflag:$0x5] =	stream.linear.gather [hbm4b:s22+s4], $0x80, $0x38;
	[tilespmem:$0x18200] =	vst v63  }
0x66: {  	_ =	swait.ge [sflag:s11], $0x80  }
0x67: {  	[sflag:s11] =	ssyncset.done $0x0  }
0x68: {  	[sflag:s11] =	ssyncadd.s32 $0xFFFFFF80  }
0x69: {  	[spmem:s3] =	stream.indirect.scatter.add.f32 [tilespmem:s10], [sflag:$0x1], $0x80, s4, s14, $0xb8;
	[tilespmem:$0x18200] =	vst v63  }
0x6a: {  	s23 =	sadd.s32 $0x100, s22  }
0x6b: {  	[tilespmem:s14], [sflag:$0x5] =	stream.linear.gather [hbm4b:s23+s4], $0x80, $0x38;
	[tilespmem:$0x18200] =	vst v63  }
0x6c: {  	_ =	swait.ge [sflag:s11], $0x80  }
0x6d: {  	[sflag:s11] =	ssyncset.done $0x0  }
0x6e: {  	[sflag:s11] =	ssyncadd.s32 $0xFFFFFF80  }
0x6f: {  	[spmem:s3] =	stream.indirect.scatter.add.f32 [tilespmem:s10], [sflag:$0x2], $0x80, s14, s14, $0xb8;
	[tilespmem:$0x18200] =	vst v63  }
0x70: {  	s31 =	sadd.s32 $0x200, s22  }
0x71: {  	[tilespmem:s15], [sflag:$0x5] =	stream.linear.gather [hbm4b:s31+s4], $0x80, $0x38;
	[tilespmem:$0x18200] =	vst v63  }
0x72: {  	_ =	swait.ge [sflag:s11], $0x80  }
0x73: {  	[sflag:s11] =	ssyncset.done $0x0  }
0x74: {  	[sflag:s11] =	ssyncadd.s32 $0xFFFFFF80  }
0x75: {  	[spmem:s3] =	stream.indirect.scatter.add.f32 [tilespmem:s10], [sflag:$0x3], $0x80, s15, s14, $0xb8;
	[tilespmem:$0x18200] =	vst v63  }
0x76: {  	s22 =	sadd.s32 $0x300, s22  }
0x77: {  	[tilespmem:s16], [sflag:$0x5] =	stream.linear.gather [hbm4b:s22+s4], $0x80, $0x38;
	[tilespmem:$0x18200] =	vst v63  }
0x78: {  	_ =	swait.ge [sflag:s11], $0x80  }
0x79: {  	[sflag:s11] =	ssyncset.done $0x0  }
0x7a: {  	[sflag:s11] =	ssyncadd.s32 $0xFFFFFF80  }
0x7b: {  	[spmem:s3] =	stream.indirect.scatter.add.f32 [tilespmem:s10], [sflag:$0x4], $0x80, s16, s14, $0xb8;
	[tilespmem:$0x18200] =	vst v63  }
0x7c: {  	_ =	swait.ge [sflag:s17], $0x4000  }
0x7d: {  	[sflag:s17] =	ssyncset.done $0x0  }
0x7e: {  	[sflag:s17] =	ssyncadd.s32 $0xFFFFC000  }
0x7f: {  	_ =	swait.ge [sflag:s18], $0x4000  }
0x80: {  	[sflag:s18] =	ssyncset.done $0x0  }
0x81: {  	[sflag:s18] =	ssyncadd.s32 $0xFFFFC000  }
0x82: {  	_ =	swait.ge [sflag:s19], $0x4000  }
0x83: {  	[sflag:s19] =	ssyncset.done $0x0  }
0x84: {  	[sflag:s19] =	ssyncadd.s32 $0xFFFFC000  }
0x85: {  	_ =	swait.ge [sflag:s20], $0x4000  }
0x86: {  	[sflag:s20] =	ssyncset.done $0x0  }
0x87: {  	s23 =	simm.s32 @!p0 $0x5;
	s22 =	simm.s32 @!p0 $0x0;
	[sflag:s20] =	ssyncadd.s32 $0xFFFFC000  }
0x88: {  	[tilespmem:s22], [sflag:$0x5] =	stream.linear.gather @!p0 [hbm4b:s8+s22], $0x80, $0x38;
	[tilespmem:$0x18200] =	vst v63  }
0x89: {  	_ =	swait.ge @!p0 [sflag:s23], $0x80  }
0x8a: {  	[sflag:s23] =	ssyncset.done @!p0 $0x0  }
0x8b: {  	s24 =	simm.s32 @!p0 $0x80;
	s25 =	simm.s32 @!p0 $0x200;
	[sflag:s23] =	ssyncadd.s32 @!p0 $0xFFFFFF80  }
0x8c: {  	[spmem:s3] =	stream.indirect.scatter.add.f32 @!p0 [tilespmem:s25], [sflag:$0x5], $0x80, s22, s24, $0xb8;
	[tilespmem:$0x18200] =	vst v63  }
0x8d: {  	_ =	swait.ge @!p0 [sflag:s23], $0x4000  }
0x8e: {  	s21 =	sadd.s32 $0x1, s21;
	[sflag:s23] =	ssyncset.done @!p0 $0x0  }
0x8f: {  	p1 =	sne.s32 s21, s7;
	[sflag:s23] =	ssyncadd.s32 @!p0 $0xFFFFC000  }
.Ltmp1:
0x90: {  	[bflag:$0x0] =	sbarrier.arrive $0xFFFF;
	(pc) =	sbr.rel @p1 .LBB2_1-.Ltmp1, $4  }
0x91: {  	[hbm:s6], [sflag:s12] =	dma.local [spmem:s13], $0x2800  }
0x92: {  	_ =	swait.ge [sflag:s11], $0x2800  }
0x93: {  	[sflag:s11] =	ssyncset.done $0x0  }
0x94: {  	[sflag:s11] =	ssyncadd.s32 $0xFFFFD800  }
0x95: {  	_ =	sfence.sel $0x180000  }
0x96: {  	[bflag:$0x0] =	sbarrier.arrive $0xFFFF  }
0x97: {  	p0 =	sne.s32 s1, $0x0;
	_ =	strace $0x90000047  }
0x98: {  	s0 =	sadd.s32 @!p0 $0x100000, s0;
	[bflag:$0x2] =	sbarrier.arrive $0xFFFF  }
0x99: {  	[sflag:s0] =	ssyncadd.tile.s32 @!p0 $0x1;
	_ =	shalt  }
.Lfunc_end2:
_tile_overlayer_lowered:
.L_overlay_start_2:
0x9a: {  	(tag) =	ssettag $0x2  }
0x9b: {  	s0 =	rddreg [dreg:$0x0];
	s2 =	stileid.u32  }
0x9c: {  	s1 =	rddreg [dreg:$0x1];
	p0 =	sne.s32 s2, $0x0  }
0x9d: {  	s3 =	rddreg [dreg:$0x2];
	[bflag:$0x3] =	sbarrier.arrive $0xFFFF;
	s2 =	simm.s32 @!p0 $0x1C05  }
0x9e: {  	[timem:s3], [sflag:s2] =	dma.local @!p0 [hbm:s0], s1  }
0x9f: {  	s0 =	simm.s32 @!p0 $0x5  }
0xa0: {  	_ =	swait.ge @!p0 [sflag:s0], s1  }
0xa1: {  	s1 =	ssub.s32 @!p0 $0x0, s1;
	[sflag:s0] =	ssyncset.done @!p0 $0x0  }
0xa2: {  	[sflag:s0] =	ssyncadd.s32 @!p0 s1  }
0xa3: {  	[bflag:$0x3] =	sbarrier.arrive $0xFFFF  }
0xa4: {  	_ =	shalt  }

// kernel: kernel.13.cloned.1.call-start
scs
__scs_entry_jumppad:
0x0: {  	(pc) =	sbr.rel $0x88, $3  }
0x1: {  	(tag) =	ssettag $0x0;
	lr =	simm.s32 $0x1  }
0x2: {  	[smem:$0x3F86] =	sst lr;
	_ =	strace $0xD0000000  }
0x3: {  	_ = 	snop  }
0x4: {  	_ = 	snop  }
0x5: {  	_ = 	snop  }
0x6: {  	_ = 	snop  }
0x7: {  	_ = 	snop  }
__scs_overlays_trampoline_lowered:
0x8: {  	[smem:$0x3F95] =	sst s0  }
0x9: {  	[smem:$0x3F96] =	sst s1  }
0xa: {  	[smem:$0x3F97] =	sst s2  }
0xb: {  	[smem:$0x3F98] =	sst s3  }
0xc: {  	[smem:$0x3F99] =	sst s4  }
0xd: {  	[smem:$0x3F9A] =	sst s5  }
0xe: {  	[smem:$0x3F9B] =	sst s6  }
0xf: {  	[smem:$0x3F9C] =	sst s7  }
0x10: {  	[smem:$0x3F9D] =	sst s8  }
0x11: {  	[smem:$0x3F9E] =	sst s9;
	s0 =	simm.s32 @!p0 $0x0  }
0x12: {  	s1 =	sld [smem:$0x3F84];
	s0 =	simm.s32 @p0 $0x1  }
0x13: {  	[smem:$0x3F9F] =	sst s0;
	s0 =	simm.s32 @!p1 $0x0  }
0x14: {  	s2 =	sld [smem:$0x3F83];
	s0 =	simm.s32 @p1 $0x1  }
0x15: {  	[smem:$0x3FA0] =	sst s0;
	s0 =	simm.s32 @!p2 $0x0  }
0x16: {  	s3 =	sld [smem:$0x3FDB];
	s0 =	simm.s32 @p2 $0x1  }
0x17: {  	s4 =	simm.s32 $0x1BF5;
	[smem:$0x3FA2] =	sst s0  }
0x18: {  	s0 =	sld [smem:$0x3F85];
	_ =	swait.ge [sflag:s4], $0x0  }
0x19: {  	s7 =	sld [smem:$0x3F86]  }
0x1a: {  	s8 =	sadd.s32 $0xFFFFE003, lr  }
0x1b: {  	s9 =	sadd.s32 $0xFFFFFEF7, lr;
	s5 =	simm.s32 $0xFFFFFFFF;
	p2 =	slt.u32 s8, $0xFFFFF086  }
0x1c: {  	p1 =	slt.u32 s9, $0xF7A;
	s5 =	simm.s32 @!p2 $0x0  }
0x1d: {  	s5 =	simm.s32 @p1 $0x1;
	p0 =	seq.s32 s7, s2  }
0x1e: {  	s7 =	smul.u32 @!p0 $0xF7A, s2;
	p2 =	seq.s32 @!p0 s5, $0x0  }
0x1f: {  	s9 =	smul.u32 $0xF7A, s1;
	s8 =	simm.s32 @!p0 $0x1BF5;
	p2 =	por !p2, p0  }
0x20: {  	[sflag:s8] =	ssyncset.s32 @!p0 $0xFFFFF086;
	s6 =	sadd.s32 @!p0 s3, s7;
	s7 =	simm.s32 @!p0 $0x108  }
0x21: {  	s3 =	sadd.s32 s3, s9;
	s6 =	sadd.s32 @!p0 $0x88, s6;
	s7 =	simm.s32 @p2 $0x1082  }
0x22: {  	[simem:s7], [sflag:s8] =	dma.local @!p0 [hbm:s6], $0xF7A  }
0x23: {  	s9 =	sor.u32 $0xD0000000, s2;
	s6 =	simm.s32 $0x108;
	_ =	swait.ge @!p0 [sflag:s8], $0x0  }
0x24: {  	s3 =	sadd.s32 $0x88, s3;
	s6 =	simm.s32 @!p1 $0x1082;
	[sflag:s4] =	ssyncset.s32 $0xFFFFF086  }
0x25: {  	[simem:s6], [sflag:s4] =	dma.local [hbm:s3], $0xF7A  }
0x26: {  	[smem:$0x3F86] =	sst s1;
	(tag) =	ssettag s2;
	_ =	strace s9  }
0x27: {  	s1 =	sld [smem:$0x3F96]  }
0x28: {  	s2 =	sld [smem:$0x3F97]  }
0x29: {  	s4 =	sld [smem:$0x3F99]  }
0x2a: {  	p0 =	seq.s32 s5, $0x0;
	s5 =	sld [smem:$0x3F9A]  }
0x2b: {  	s6 =	sld [smem:$0x3F9B]  }
0x2c: {  	s7 =	sld [smem:$0x3F9C]  }
0x2d: {  	s3 =	simm.s32 $0x108;
	s8 =	sld [smem:$0x3F9D]  }
0x2e: {  	s3 =	simm.s32 @!p0 $0x1082;
	s9 =	sld [smem:$0x3F9E]  }
0x2f: {  	lr =	sadd.s32 s0, s3;
	s0 =	sld [smem:$0x3F95]  }
0x30: {  	s3 =	sld [smem:$0x3F98]  }
0x31: {  	[smem:$0x3FA1] =	sst s10  }
0x32: {  	s10 =	sld [smem:$0x3F9F];
	_ =	sdelay $0x3  }
0x33: {  	p0 =	seq.s32 s10, $0x1;
	s10 =	sld [smem:$0x3FA1];
	_ =	sdelay $0x3  }
0x34: {  	[smem:$0x3FA1] =	sst s10  }
0x35: {  	s10 =	sld [smem:$0x3FA0];
	_ =	sdelay $0x3  }
0x36: {  	p1 =	seq.s32 s10, $0x1;
	s10 =	sld [smem:$0x3FA1];
	_ =	sdelay $0x3  }
0x37: {  	[smem:$0x3FA1] =	sst s10  }
0x38: {  	s10 =	sld [smem:$0x3FA2]  }
0x39: {  	_ = 	snop;
	(pc) =	sbr.ind lr, $3  }
0x3a: {  	_ = 	snop  }
0x3b: {  	_ = 	snop  }
0x3c: {  	p2 =	seq.s32 s10, $0x1;
	s10 =	sld [smem:$0x3FA1]  }
0x3d: {  	_ =	shalt  }
0x3e: {  	_ =	shalt  }
0x3f: {  	_ =	shalt  }
0x40: {  	_ =	shalt  }
0x41: {  	_ =	shalt  }
0x42: {  	_ =	shalt  }
0x43: {  	_ =	shalt  }
0x44: {  	_ =	shalt  }
0x45: {  	_ =	shalt  }
0x46: {  	_ =	shalt  }
0x47: {  	_ =	shalt  }
0x48: {  	_ =	shalt  }
0x49: {  	_ =	shalt  }
0x4a: {  	_ =	shalt  }
0x4b: {  	_ =	shalt  }
0x4c: {  	_ =	shalt  }
0x4d: {  	_ =	shalt  }
0x4e: {  	_ =	shalt  }
0x4f: {  	_ =	shalt  }
0x50: {  	_ =	shalt  }
0x51: {  	_ =	shalt  }
0x52: {  	_ =	shalt  }
0x53: {  	_ =	shalt  }
0x54: {  	_ =	shalt  }
0x55: {  	_ =	shalt  }
0x56: {  	_ =	shalt  }
0x57: {  	_ =	shalt  }
0x58: {  	_ =	shalt  }
0x59: {  	_ =	shalt  }
0x5a: {  	_ =	shalt  }
0x5b: {  	_ =	shalt  }
0x5c: {  	_ =	shalt  }
0x5d: {  	_ =	shalt  }
0x5e: {  	_ =	shalt  }
0x5f: {  	_ =	shalt  }
0x60: {  	_ =	shalt  }
0x61: {  	_ =	shalt  }
0x62: {  	_ =	shalt  }
0x63: {  	_ =	shalt  }
0x64: {  	_ =	shalt  }
0x65: {  	_ =	shalt  }
0x66: {  	_ =	shalt  }
0x67: {  	_ =	shalt  }
0x68: {  	_ =	shalt  }
0x69: {  	_ =	shalt  }
0x6a: {  	_ =	shalt  }
0x6b: {  	_ =	shalt  }
0x6c: {  	_ =	shalt  }
0x6d: {  	_ =	shalt  }
0x6e: {  	_ =	shalt  }
0x6f: {  	_ =	shalt  }
0x70: {  	_ =	shalt  }
0x71: {  	_ =	shalt  }
0x72: {  	_ =	shalt  }
0x73: {  	_ =	shalt  }
0x74: {  	_ =	shalt  }
0x75: {  	_ =	shalt  }
0x76: {  	_ =	shalt  }
0x77: {  	_ =	shalt  }
0x78: {  	_ =	shalt  }
0x79: {  	_ =	shalt  }
0x7a: {  	_ =	shalt  }
0x7b: {  	_ =	shalt  }
0x7c: {  	_ =	shalt  }
0x7d: {  	_ =	shalt  }
0x7e: {  	_ =	shalt  }
0x7f: {  	_ =	shalt  }
0x80: {  	_ =	shalt  }
0x81: {  	_ =	shalt  }
0x82: {  	_ =	shalt  }
0x83: {  	_ =	shalt  }
0x84: {  	_ =	shalt  }
0x85: {  	_ =	shalt  }
0x86: {  	_ =	shalt  }
0x87: {  	_ =	shalt  }
.Lfunc_end0:
.L_simem_size_0:
called_computation.1_lowered:
.L_overlay_start_0:
0x88: {  	s2 =	sld [smem:$0x3FD9]  }
0x89: {  	s3 =	sld [smem:$0x3FFE];
	_ =	sdelay $0x1  }
0x8a: {  	s1 =	srdreg.scid  }
0x8b: {  	s0 =	sand.u32 $0x1, s1  }
0x8c: {  	s17 =	sshll.u32 s0, $0xA;
	s2 =	sadd.s32 s3, s2  }
0x8d: {  	s2 =	sadd.s32 s2, s17  }
0x8e: {  	[smem:$0x3FAD] =	sst s2  }
0x8f: {  	_ = 	snop  }
0x90: {  	s2 =	sld [smem:$0x3FD0];
	(tm) =	ssettm $0x1  }
0x91: {  	s18 =	sld [smem:$0x3FFB];
	_ =	sdelay $0x3  }
0x92: {  	_ =	strace s18  }
0x93: {  	s3 =	sld [smem:$0x3FFC];
	_ =	sdelay $0x3  }
0x94: {  	_ =	strace s3  }
0x95: {  	s3 =	sld [smem:$0x3FFD];
	_ =	sdelay $0x3  }
0x96: {  	_ =	strace s3  }
0x97: {  	_ =	strace $0x8FFFFFFF  }
0x98: {  	s19 =	sld [smem:$0x3FDB];
	_ =	sdelay $0x1  }
0x99: {  	s4 =	simm.s32 $_scs_section_size  }
0x9a: {  	s5 =	simm.s32 $_size__tile_overlayer_lowered;
	s6 =	simm.s32 $_tile_overlayer_lowered  }
0x9b: {  	s22 =	simm.s32 $0x1BFF;
	s21 =	sshll.u32 s6, $0x1;
	s3 =	sadd.s32 s4, s19  }
0x9c: {  	s7 =	simm.s32 $0x0;
	s20 =	sshll.u32 s5, $0x1;
	s5 =	sadd.s32 s21, s3  }
0x9d: {  	[timem:s7], [sflag:s22] =	dma.local [hbm:s5], s20  }
0x9e: {  	_ =	swait.ge [sflag:s22], s20  }
0x9f: {  	s4 =	ssub.s32 $0x0, s20;
	[sflag:s22] =	ssyncset.done $0x0  }
0xa0: {  	[sflag:s22] =	ssyncadd.s32 s4;
	_ =	sdelay $0x1  }
0xa1: {  	s23 =	simm.s32 $0x1B8B  }
0xa2: {  	_ =	swait.ge [sflag:s23], $0x1  }
0xa3: {  	[sflag:s23] =	ssyncset.done $0x0  }
0xa4: {  	s25 =	simm.s32 $0x1B8E;
	s24 =	sld [smem:$0x3FFE];
	[sflag:s23] =	ssyncadd.s32 $0xFFFFFFFF  }
0xa5: {  	s26 =	simm.s32 $execute0_lowered;
	[smem:$0x3FD2] =	sst s25  }
0xa6: {  	s5 =	sshll.u32 s26, $0x1;
	_ =	strace $0x80000049;
	[dreg:$0x1] =	wrdreg $0xFFFFFFFF  }
0xa7: {  	s28 =	simm.s32 $_size_execute0_lowered;
	s3 =	sadd.s32 s3, s5;
	[dreg:$0x0] =	wrdreg $0x0  }
0xa8: {  	s5 =	sshll.u32 s28, $0x1;
	[dreg:$0x2] =	wrdreg s3  }
0xa9: {  	[dreg:$0x3] =	wrdreg s5  }
0xaa: {  	[dreg:$0x4] =	wrdreg $0xC0  }
0xab: {  	_ =	task [dreg:s7], $0x5FFFF  }
0xac: {  	[dreg:$0x1] =	wrdreg $0xFFFFFFFF  }
0xad: {  	[dreg:$0x0] =	wrdreg $0x60  }
0xae: {  	[dreg:$0x2] =	wrdreg s2  }
0xaf: {  	[dreg:$0x3] =	wrdreg s24  }
0xb0: {  	[dreg:$0x4] =	wrdreg $0x9  }
0xb1: {  	_ =	task.clear_ibuf [dreg:s7], $0x5FFFF;
	_ =	strace $0x90000049  }
0xb2: {  	s29 =	simm.s32 $0x9;
	_ =	strace $0x8000004B  }
0xb3: {  	_ =	swait.ge [sflag:s29], $0x1  }
0xb4: {  	[sflag:s29] =	ssyncadd.s32 $0xFFFFFFFF  }
0xb5: {  	_ =	strace $0x9000004B  }
0xb6: {  	_ =	sfence  }
0xb7: {  	s30 =	sld [smem:$0x0];
	_ =	sdelay $0x2  }
0xb8: {  	s31 =	sshll.u32 s1, $0xD;
	s1 =	sshrl.u32 s1, $0x2  }
0xb9: {  	s3 =	sand.u32 $0x4000, s31;
	s1 =	sadd.s32 s1, s30  }
0xba: {  	s0 =	sor.u32 s3, s0;
	s1 =	sshll.u32 s1, $0x11  }
0xbb: {  	s0 =	sor.u32 s1, s0  }
0xbc: {  	s0 =	sadd.s32 $0x8F2B, s0  }
0xbd: {  	[sflag:s0] =	ssyncadd.remote.s32 $0x1  }
0xbe: {  	_ =	sfence.sel $0xFFFF  }
0xbf: {  	[dreg:$0x0] =	wrdreg $0xFFFFFFFF;
	(pc) =	sbr.abs _section_cstart, $3  }
0xc0: {  	[dreg:$0x1] =	wrdreg $0xFFFFFFFF  }
0xc1: {  	_ =	task.clear_ibuf [dreg:s7], $0x2FFFF;
	_ =	strace $0x9FFFFFFF  }
0xc2: {  	(tm) =	ssettm $0x7FFFFFFF  }
0xc3: {  	_ =	shalt  }
tec
execute0_lowered:
.L_overlay_start_1:
0x0: {  	(tag) =	ssettag $0x1  }
0x1: {  	s1 =	rddreg [dreg:$0x0]  }
0x2: {  	s0 =	rddreg [dreg:$0x1];
	s3 =	simm.s32 $0x0;
	s8 =	stileid.u32  }
0x3: {  	s2 =	srdreg.scid;
	s12 =	simm.s32 $0x9;
	s13 =	simm.s32 $0x80  }
0x4: {  	s14 =	simm.s32 $0x200;
	s15 =	simm.s32 $0x4200;
	s16 =	simm.s32 $0x100  }
0x5: {  	s17 =	simm.s32 $0x8200;
	s18 =	simm.s32 $0x180;
	s19 =	simm.s32 $0xC200  }
0x6: {  	s20 =	simm.s32 $0x1;
	s28 =	simm.s32 $0x8;
	s29 =	simm.s32 $0x0  }
0x7: {  	[smem:$0x7FF] =	sst s3;
	s4 =	sadd.s32 $0x6600, s0;
	s2 =	sand.u32 $0x1, s2  }
0x8: {  	s5 =	sshll.u32 s8, $0x1;
	s6 =	sshll.u32 s8, $0xC;
	s24 =	sshll.u32 s8, $0x5  }
0x9: {  	s25 =	sshll.u32 s8, $0x8;
	_ =	strace $0x8000004A;
	s7 =	ssub.s32 $0x2, s2  }
0xa: {  	s5 =	sor.u32 s2, s5;
	s0 =	sadd.s32 s6, s0;
	s22 =	sshll.u32 s2, $0xB  }
0xb: {  	s26 =	sshll.u32 s2, $0x7;
	s2 =	sshll.u32 s2, $0x4;
	s21 =	sshrl.u32 s7, $0x1  }
0xc: {  	s5 =	ssub.s32 $0x9E3, s5;
	s23 =	sadd.s32 s22, s0;
	s0 =	sadd.s32 s24, s4  }
0xd: {  	s8 =	sor.u32 s26, s25;
	s22 =	simm.s32 $0x3;
	s24 =	simm.s32 $0x5  }
0xe: {  	s25 =	simm.s32 $0x6;
	s26 =	simm.s32 $0x7;
	s6 =	ssub.s32 s7, s21  }
0xf: {  	s5 =	sshrl.u32 s5, $0x5;
	s7 =	sadd.s32 $0x574C00, s23;
	s0 =	sadd.s32 s2, s0  }
0x10: {  	s30 =	sshrl.u32 s8, $0x3;
	s31 =	sadd.s32 $0xA34C00, s23;
	s10 =	sor.u32 $0x4C000, s8  }
0x11: {  	s21 =	simm.s32 $0x2;
	s6 =	smax.u32 s6, $0x1;
	[dreg:$0x5] =	wrdreg s31  }
0x12: {  	s23 =	simm.s32 $0x4;
	s2 =	sadd.s32 s30, s4;
	[dreg:$0x3] =	wrdreg s6  }
0x13: {  	s5 =	sadd.s32 $0xFFFFFFB4, s5;
	s0 =	sadd.s32 $0x600, s0;
	[dreg:$0x4] =	wrdreg s2  }
.LBB2_1:
0x14: {  	s8 =	rddreg [dreg:$0x4]  }
0x15: {  	[tilespmem:s3], [sflag:$0x9] =	stream.linear.gather [hbm4b:s8+s3], $0x80, $0x38;
	[tilespmem:$0x10200] =	vst v63  }
0x16: {  	_ =	swait.ge [sflag:s12], $0x80  }
0x17: {  	[sflag:s12] =	ssyncset.done $0x0  }
0x18: {  	[sflag:s12] =	ssyncadd.s32 $0xFFFFFF80  }
0x19: {  	[tilespmem:s14], [sflag:$0x1] =	stream.indirect.gather [hbm4b:s1+s13], $0x80, s3, s13, $0xb8;
	[tilespmem:$0x10200] =	vst v63  }
0x1a: {  	s2 =	sadd.s32 $0xFFFFFC00, s0  }
0x1b: {  	[tilespmem:s13], [sflag:$0x9] =	stream.linear.gather [hbm4b:s2+s3], $0x80, $0x38;
	[tilespmem:$0x10200] =	vst v63  }
0x1c: {  	_ =	swait.ge [sflag:s12], $0x80  }
0x1d: {  	[sflag:s12] =	ssyncset.done $0x0  }
0x1e: {  	[sflag:s12] =	ssyncadd.s32 $0xFFFFFF80  }
0x1f: {  	[tilespmem:s15], [sflag:$0x2] =	stream.indirect.gather [hbm4b:s1+s13], $0x80, s13, s13, $0xb8;
	[tilespmem:$0x10200] =	vst v63  }
0x20: {  	s9 =	sadd.s32 $0xFFFFFE00, s0  }
0x21: {  	[tilespmem:s16], [sflag:$0x9] =	stream.linear.gather [hbm4b:s9+s3], $0x80, $0x38;
	[tilespmem:$0x10200] =	vst v63  }
0x22: {  	_ =	swait.ge [sflag:s12], $0x80  }
0x23: {  	[sflag:s12] =	ssyncset.done $0x0  }
0x24: {  	[sflag:s12] =	ssyncadd.s32 $0xFFFFFF80  }
0x25: {  	[tilespmem:s17], [sflag:$0x3] =	stream.indirect.gather [hbm4b:s1+s13], $0x80, s16, s13, $0xb8;
	[tilespmem:$0x10200] =	vst v63  }
0x26: {  	_ = 	snop  }
0x27: {  	[tilespmem:s18], [sflag:$0x9] =	stream.linear.gather [hbm4b:s0+s3], $0x80, $0x38;
	[tilespmem:$0x10200] =	vst v63  }
0x28: {  	_ =	swait.ge [sflag:s12], $0x80  }
0x29: {  	[sflag:s12] =	ssyncset.done $0x0  }
0x2a: {  	[sflag:s12] =	ssyncadd.s32 $0xFFFFFF80  }
0x2b: {  	[tilespmem:s19], [sflag:$0x4] =	stream.indirect.gather [hbm4b:s1+s13], $0x80, s18, s13, $0xb8;
	[tilespmem:$0x10200] =	vst v63  }
0x2c: {  	_ =	swait.ge [sflag:s20], $0x4000  }
0x2d: {  	[sflag:s20] =	ssyncset.done $0x0  }
0x2e: {  	s11 =	sadd.s32 $0x0, s7;
	[sflag:s20] =	ssyncadd.s32 $0xFFFFC000  }
0x2f: {  	[hbm4b:s11+s3] =	stream.linear.scatter [tilespmem:s14], [sflag:$0x5], $0x4000, $0x38;
	[tilespmem:$0x10200] =	vst v63  }
0x30: {  	_ =	swait.ge [sflag:s21], $0x4000  }
0x31: {  	[sflag:s21] =	ssyncset.done $0x0  }
0x32: {  	s6 =	sadd.s32 $0x10000, s11;
	[sflag:s21] =	ssyncadd.s32 $0xFFFFC000  }
0x33: {  	[hbm4b:s6+s3] =	stream.linear.scatter [tilespmem:s15], [sflag:$0x6], $0x4000, $0x38;
	[tilespmem:$0x10200] =	vst v63  }
0x34: {  	_ =	swait.ge [sflag:s22], $0x4000  }
0x35: {  	[sflag:s22] =	ssyncset.done $0x0  }
0x36: {  	s30 =	sadd.s32 $0x20000, s11;
	[sflag:s22] =	ssyncadd.s32 $0xFFFFC000  }
0x37: {  	[hbm4b:s30+s3] =	stream.linear.scatter [tilespmem:s17], [sflag:$0x7], $0x4000, $0x38;
	[tilespmem:$0x10200] =	vst v63  }
0x38: {  	_ =	swait.ge [sflag:s23], $0x4000  }
0x39: {  	[sflag:s23] =	ssyncset.done $0x0  }
0x3a: {  	s2 =	sadd.s32 $0x30000, s11;
	[sflag:s23] =	ssyncadd.s32 $0xFFFFC000  }
0x3b: {  	[hbm4b:s2+s3] =	stream.linear.scatter [tilespmem:s19], [sflag:$0x8], $0x4000, $0x38;
	[tilespmem:$0x10200] =	vst v63  }
0x3c: {  	_ =	swait.ge [sflag:s24], $0x4000  }
0x3d: {  	[sflag:s24] =	ssyncset.done $0x0  }
0x3e: {  	[sflag:s24] =	ssyncadd.s32 $0xFFFFC000  }
0x3f: {  	_ =	swait.ge [sflag:s25], $0x4000  }
0x40: {  	[sflag:s25] =	ssyncset.done $0x0  }
0x41: {  	[sflag:s25] =	ssyncadd.s32 $0xFFFFC000  }
0x42: {  	_ =	swait.ge [sflag:s26], $0x4000  }
0x43: {  	[sflag:s26] =	ssyncset.done $0x0  }
0x44: {  	[sflag:s26] =	ssyncadd.s32 $0xFFFFC000  }
0x45: {  	s31 =	simm.s32 $0x40000;
	s6 =	simm.s32 $0x80000;
	_ =	swait.ge [sflag:s28], $0x4000  }
0x46: {  	s2 =	sadd.s32 $0x800, s8;
	s8 =	smov.u32 s0;
	[sflag:s28] =	ssyncset.done $0x0  }
.LBB2_2:
0x47: {  	s30 =	simm.s32 $0x0  }
0x48: {  	[sflag:s28] =	ssyncadd.s32 $0xFFFFC000;
	s8 =	sadd.s32 $0x800, s8;
	s9 =	smov.u32 s6  }
0x49: {  	[tilespmem:s30], [sflag:$0x9] =	stream.linear.gather [hbm4b:s2+s30], $0x80, $0x38;
	[tilespmem:$0x10200] =	vst v63  }
0x4a: {  	p0 =	sne.s32 s6, $0x480000;
	s6 =	sadd.s32 $0x40000, s6;
	_ =	swait.ge [sflag:s12], $0x80  }
0x4b: {  	[sflag:s12] =	ssyncset.done $0x0  }
0x4c: {  	[sflag:s12] =	ssyncadd.s32 $0xFFFFFF80  }
0x4d: {  	[tilespmem:s14], [sflag:$0x1] =	stream.indirect.gather [hbm4b:s1+s13], $0x80, s30, s13, $0xb8;
	[tilespmem:$0x10200] =	vst v63  }
0x4e: {  	s11 =	sadd.s32 $0xFFFFFC00, s8  }
0x4f: {  	[tilespmem:s13], [sflag:$0x9] =	stream.linear.gather [hbm4b:s11+s30], $0x80, $0x38;
	[tilespmem:$0x10200] =	vst v63  }
0x50: {  	_ =	swait.ge [sflag:s12], $0x80  }
0x51: {  	[sflag:s12] =	ssyncset.done $0x0  }
0x52: {  	[sflag:s12] =	ssyncadd.s32 $0xFFFFFF80  }
0x53: {  	[tilespmem:s15], [sflag:$0x2] =	stream.indirect.gather [hbm4b:s1+s13], $0x80, s13, s13, $0xb8;
	[tilespmem:$0x10200] =	vst v63  }
0x54: {  	s11 =	sadd.s32 $0xFFFFFE00, s8  }
0x55: {  	[tilespmem:s16], [sflag:$0x9] =	stream.linear.gather [hbm4b:s11+s30], $0x80, $0x38;
	[tilespmem:$0x10200] =	vst v63  }
0x56: {  	_ =	swait.ge [sflag:s12], $0x80  }
0x57: {  	[sflag:s12] =	ssyncset.done $0x0  }
0x58: {  	[sflag:s12] =	ssyncadd.s32 $0xFFFFFF80  }
0x59: {  	[tilespmem:s17], [sflag:$0x3] =	stream.indirect.gather [hbm4b:s1+s13], $0x80, s16, s13, $0xb8;
	[tilespmem:$0x10200] =	vst v63  }
0x5a: {  	_ = 	snop  }
0x5b: {  	[tilespmem:s18], [sflag:$0x9] =	stream.linear.gather [hbm4b:s8+s30], $0x80, $0x38;
	[tilespmem:$0x10200] =	vst v63  }
0x5c: {  	_ =	swait.ge [sflag:s12], $0x80  }
0x5d: {  	[sflag:s12] =	ssyncset.done $0x0  }
0x5e: {  	[sflag:s12] =	ssyncadd.s32 $0xFFFFFF80  }
0x5f: {  	[tilespmem:s19], [sflag:$0x4] =	stream.indirect.gather [hbm4b:s1+s13], $0x80, s18, s13, $0xb8;
	[tilespmem:$0x10200] =	vst v63  }
0x60: {  	_ =	swait.ge [sflag:s20], $0x4000  }
0x61: {  	[sflag:s20] =	ssyncset.done $0x0  }
0x62: {  	s11 =	sadd.s32 s31, s7;
	s31 =	smov.u32 s9;
	[sflag:s20] =	ssyncadd.s32 $0xFFFFC000  }
0x63: {  	[hbm4b:s11+s30] =	stream.linear.scatter [tilespmem:s14], [sflag:$0x5], $0x4000, $0x38;
	[tilespmem:$0x10200] =	vst v63  }
0x64: {  	_ =	swait.ge [sflag:s21], $0x4000  }
0x65: {  	[sflag:s21] =	ssyncset.done $0x0  }
0x66: {  	s9 =	sadd.s32 $0x10000, s11;
	[sflag:s21] =	ssyncadd.s32 $0xFFFFC000  }
0x67: {  	[hbm4b:s9+s30] =	stream.linear.scatter [tilespmem:s15], [sflag:$0x6], $0x4000, $0x38;
	[tilespmem:$0x10200] =	vst v63  }
0x68: {  	_ =	swait.ge [sflag:s22], $0x4000  }
0x69: {  	[sflag:s22] =	ssyncset.done $0x0  }
0x6a: {  	s9 =	sadd.s32 $0x20000, s11;
	[sflag:s22] =	ssyncadd.s32 $0xFFFFC000  }
0x6b: {  	[hbm4b:s9+s30] =	stream.linear.scatter [tilespmem:s17], [sflag:$0x7], $0x4000, $0x38;
	[tilespmem:$0x10200] =	vst v63  }
0x6c: {  	_ =	swait.ge [sflag:s23], $0x4000  }
0x6d: {  	[sflag:s23] =	ssyncset.done $0x0  }
0x6e: {  	s9 =	sadd.s32 $0x30000, s11;
	[sflag:s23] =	ssyncadd.s32 $0xFFFFC000  }
0x6f: {  	[hbm4b:s9+s30] =	stream.linear.scatter [tilespmem:s19], [sflag:$0x8], $0x4000, $0x38;
	[tilespmem:$0x10200] =	vst v63  }
0x70: {  	_ =	swait.ge [sflag:s24], $0x4000  }
0x71: {  	[sflag:s24] =	ssyncset.done $0x0  }
0x72: {  	[sflag:s24] =	ssyncadd.s32 $0xFFFFC000  }
0x73: {  	_ =	swait.ge [sflag:s25], $0x4000  }
0x74: {  	[sflag:s25] =	ssyncset.done $0x0  }
0x75: {  	[sflag:s25] =	ssyncadd.s32 $0xFFFFC000  }
.Ltmp0:
0x76: {  	_ =	swait.ge [sflag:s26], $0x4000;
	(pc) =	sbr.rel @p0 .LBB2_2-.Ltmp0, $4  }
0x77: {  	[sflag:s26] =	ssyncset.done $0x0  }
0x78: {  	[sflag:s26] =	ssyncadd.s32 $0xFFFFC000  }
0x79: {  	_ =	swait.ge [sflag:s28], $0x4000  }
0x7a: {  	s2 =	sadd.s32 $0x800, s2;
	[sflag:s28] =	ssyncset.done $0x0  }
0x7b: {  	[sflag:s28] =	ssyncadd.s32 $0xFFFFC000  }
0x7c: {  	[tilespmem:s30], [sflag:$0x9] =	stream.linear.gather [hbm4b:s2+s30], $0x80, $0x38;
	[tilespmem:$0x10200] =	vst v63  }
0x7d: {  	_ =	swait.ge [sflag:s12], $0x80  }
0x7e: {  	[sflag:s12] =	ssyncset.done $0x0  }
0x7f: {  	s11 =	sadd.s32 $0x800, s8;
	[sflag:s12] =	ssyncadd.s32 $0xFFFFFF80  }
0x80: {  	[tilespmem:s14], [sflag:$0x1] =	stream.indirect.gather [hbm4b:s1+s13], $0x80, s30, s13, $0xb8;
	[tilespmem:$0x10200] =	vst v63  }
0x81: {  	s6 =	sadd.s32 $0xFFFFFC00, s11  }
0x82: {  	[tilespmem:s13], [sflag:$0x9] =	stream.linear.gather [hbm4b:s6+s30], $0x80, $0x38;
	[tilespmem:$0x10200] =	vst v63  }
0x83: {  	_ =	swait.ge [sflag:s12], $0x80  }
0x84: {  	[sflag:s12] =	ssyncset.done $0x0  }
0x85: {  	[sflag:s12] =	ssyncadd.s32 $0xFFFFFF80  }
0x86: {  	[tilespmem:s15], [sflag:$0x2] =	stream.indirect.gather [hbm4b:s1+s13], $0x80, s13, s13, $0xb8;
	[tilespmem:$0x10200] =	vst v63  }
0x87: {  	s8 =	sadd.s32 $0xFFFFFE00, s11  }
0x88: {  	[tilespmem:s16], [sflag:$0x9] =	stream.linear.gather [hbm4b:s8+s30], $0x80, $0x38;
	[tilespmem:$0x10200] =	vst v63  }
0x89: {  	_ =	swait.ge [sflag:s12], $0x80  }
0x8a: {  	[sflag:s12] =	ssyncset.done $0x0  }
0x8b: {  	[sflag:s12] =	ssyncadd.s32 $0xFFFFFF80  }
0x8c: {  	[tilespmem:s17], [sflag:$0x3] =	stream.indirect.gather [hbm4b:s1+s13], $0x80, s16, s13, $0xb8;
	[tilespmem:$0x10200] =	vst v63  }
0x8d: {  	_ = 	snop  }
0x8e: {  	[tilespmem:s18], [sflag:$0x9] =	stream.linear.gather [hbm4b:s11+s30], $0x80, $0x38;
	[tilespmem:$0x10200] =	vst v63  }
0x8f: {  	_ =	swait.ge [sflag:s12], $0x80  }
0x90: {  	[sflag:s12] =	ssyncset.done $0x0  }
0x91: {  	[sflag:s12] =	ssyncadd.s32 $0xFFFFFF80  }
0x92: {  	[tilespmem:s19], [sflag:$0x4] =	stream.indirect.gather [hbm4b:s1+s13], $0x80, s18, s13, $0xb8;
	[tilespmem:$0x10200] =	vst v63  }
0x93: {  	_ =	swait.ge [sflag:s20], $0x4000  }
0x94: {  	[sflag:s20] =	ssyncset.done $0x0  }
0x95: {  	s9 =	sadd.s32 s31, s7;
	[sflag:s20] =	ssyncadd.s32 $0xFFFFC000  }
0x96: {  	[hbm4b:s9+s30] =	stream.linear.scatter [tilespmem:s14], [sflag:$0x5], $0x4000, $0x38;
	[tilespmem:$0x10200] =	vst v63  }
0x97: {  	_ =	swait.ge [sflag:s21], $0x4000  }
0x98: {  	[sflag:s21] =	ssyncset.done $0x0  }
0x99: {  	s11 =	sadd.s32 $0x10000, s9;
	[sflag:s21] =	ssyncadd.s32 $0xFFFFC000  }
0x9a: {  	[hbm4b:s11+s30] =	stream.linear.scatter [tilespmem:s15], [sflag:$0x6], $0x4000, $0x38;
	[tilespmem:$0x10200] =	vst v63  }
0x9b: {  	_ =	swait.ge [sflag:s22], $0x4000  }
0x9c: {  	[sflag:s22] =	ssyncset.done $0x0  }
0x9d: {  	s31 =	sadd.s32 $0x20000, s9;
	[sflag:s22] =	ssyncadd.s32 $0xFFFFC000  }
0x9e: {  	[hbm4b:s31+s30] =	stream.linear.scatter [tilespmem:s17], [sflag:$0x7], $0x4000, $0x38;
	[tilespmem:$0x10200] =	vst v63  }
0x9f: {  	_ =	swait.ge [sflag:s23], $0x4000  }
0xa0: {  	[sflag:s23] =	ssyncset.done $0x0  }
0xa1: {  	s2 =	sadd.s32 $0x30000, s9;
	[sflag:s23] =	ssyncadd.s32 $0xFFFFC000  }
0xa2: {  	[hbm4b:s2+s30] =	stream.linear.scatter [tilespmem:s19], [sflag:$0x8], $0x4000, $0x38;
	[tilespmem:$0x10200] =	vst v63  }
0xa3: {  	_ =	swait.ge [sflag:s24], $0x4000  }
0xa4: {  	[sflag:s24] =	ssyncset.done $0x0  }
0xa5: {  	[sflag:s24] =	ssyncadd.s32 $0xFFFFC000  }
0xa6: {  	_ =	swait.ge [sflag:s25], $0x4000  }
0xa7: {  	[sflag:s25] =	ssyncset.done $0x0  }
0xa8: {  	[sflag:s25] =	ssyncadd.s32 $0xFFFFC000  }
0xa9: {  	p1 =	sgt.u32 s5, $0x1;
	_ =	swait.ge [sflag:s26], $0x4000  }
.Ltmp1:
0xaa: {  	[sflag:s26] =	ssyncset.done $0x0;
	(pc) =	sbr.rel @!p1 .LBB2_4-.Ltmp1, $4  }
0xab: {  	[sflag:s26] =	ssyncadd.s32 $0xFFFFC000  }
0xac: {  	_ =	swait.ge [sflag:s28], $0x4000  }
0xad: {  	[sflag:s28] =	ssyncset.done $0x0  }
0xae: {  	p0 =	por $0x0, $0x0;
	s30 =	sshrl.u32 s10, $0x3;
	[sflag:s28] =	ssyncadd.s32 $0xFFFFC000  }
0xaf: {  	s2 =	sadd.s32 s4, s30  }
0xb0: {  	[tilespmem:s3], [sflag:$0x9] =	stream.linear.gather [hbm4b:s2+s3], $0x80, $0x38;
	[tilespmem:$0x10200] =	vst v63  }
0xb1: {  	_ =	swait.ge [sflag:s12], $0x80  }
0xb2: {  	[sflag:s12] =	ssyncset.done $0x0  }
0xb3: {  	[sflag:s12] =	ssyncadd.s32 $0xFFFFFF80  }
0xb4: {  	[tilespmem:s14], [sflag:$0x1] =	stream.indirect.gather [hbm4b:s1+s13], $0x80, s3, s13, $0xb8;
	[tilespmem:$0x10200] =	vst v63  }
0xb5: {  	p1 =	sgt.u32 s5, $0x2;
	_ =	swait.ge [sflag:s20], $0x4000  }
.Ltmp2:
0xb6: {  	[sflag:s20] =	ssyncset.done $0x0;
	(pc) =	sbr.rel @!p1 .LBB2_7-.Ltmp2, $4  }
0xb7: {  	s6 =	simm.s32 $0x2;
	s31 =	rddreg [dreg:$0x5];
	[sflag:s20] =	ssyncadd.s32 $0xFFFFC000  }
0xb8: {  	[hbm4b:s31+s3] =	stream.linear.scatter [tilespmem:s14], [sflag:$0x9], $0x4000, $0x38;
	[tilespmem:$0x10200] =	vst v63  }
0xb9: {  	s8 =	sadd.s32 $0x1000, s10;
	p0 =	por $0x1, $0x1;
	_ =	swait.ge [sflag:s12], $0x4000  }
0xba: {  	s30 =	sshrl.u32 s8, $0x3;
	s2 =	sadd.s32 $0x10000, s31;
	[sflag:s12] =	ssyncset.done $0x0  }
.LBB2_6:
0xbb: {  	s6 =	sadd.s32 $0x1, s6;
	s9 =	sadd.s32 s4, s30;
	[sflag:s12] =	ssyncadd.s32 $0xFFFFC000  }
0xbc: {  	[tilespmem:s3], [sflag:$0x9] =	stream.linear.gather [hbm4b:s9+s3], $0x80, $0x38;
	[tilespmem:$0x10200] =	vst v63  }
0xbd: {  	p1 =	slt.u32 s6, s5;
	_ =	swait.ge [sflag:s12], $0x80  }
0xbe: {  	[sflag:s12] =	ssyncset.done $0x0  }
0xbf: {  	[sflag:s12] =	ssyncadd.s32 $0xFFFFFF80  }
0xc0: {  	[tilespmem:s14], [sflag:$0x1] =	stream.indirect.gather [hbm4b:s1+s13], $0x80, s3, s13, $0xb8;
	[tilespmem:$0x10200] =	vst v63  }
0xc1: {  	_ =	swait.ge [sflag:s20], $0x4000  }
.Ltmp3:
0xc2: {  	[sflag:s20] =	ssyncset.done $0x0;
	(pc) =	sbr.rel @p1 .LBB2_6-.Ltmp3, $4  }
0xc3: {  	[sflag:s20] =	ssyncadd.s32 $0xFFFFC000  }
0xc4: {  	[hbm4b:s2+s3] =	stream.linear.scatter [tilespmem:s14], [sflag:$0x9], $0x4000, $0x38;
	[tilespmem:$0x10200] =	vst v63  }
0xc5: {  	s8 =	sadd.s32 $0x1000, s8;
	_ =	swait.ge [sflag:s12], $0x4000  }
0xc6: {  	s30 =	sshrl.u32 s8, $0x3;
	s2 =	sadd.s32 $0x10000, s2;
	[sflag:s12] =	ssyncset.done $0x0  }
.LBB2_7:
0xc7: {  	s6 =	sadd.s32 s4, s30;
	[sflag:s12] =	ssyncadd.s32 @p0 $0xFFFFC000  }
0xc8: {  	[tilespmem:s3], [sflag:$0x9] =	stream.linear.gather [hbm4b:s6+s3], $0x80, $0x38;
	[tilespmem:$0x10200] =	vst v63  }
0xc9: {  	_ =	swait.ge [sflag:s12], $0x80  }
0xca: {  	[sflag:s12] =	ssyncset.done $0x0  }
0xcb: {  	[sflag:s12] =	ssyncadd.s32 $0xFFFFFF80  }
0xcc: {  	[tilespmem:s14], [sflag:$0x1] =	stream.indirect.gather [hbm4b:s1+s13], $0x80, s3, s13, $0xb8;
	[tilespmem:$0x10200] =	vst v63  }
0xcd: {  	_ =	swait.ge [sflag:s20], $0x4000  }
0xce: {  	[sflag:s20] =	ssyncset.done $0x0  }
0xcf: {  	[sflag:s20] =	ssyncadd.s32 $0xFFFFC000  }
0xd0: {  	[hbm4b:s2+s3] =	stream.linear.scatter [tilespmem:s14], [sflag:$0x9], $0x4000, $0x38;
	[tilespmem:$0x10200] =	vst v63  }
0xd1: {  	_ =	swait.ge [sflag:s12], $0x4000  }
0xd2: {  	s29 =	sadd.s32 $0x1, s29;
	s31 =	rddreg [dreg:$0x3]  }
0xd3: {  	p0 =	sne.s32 s29, s31  }
.Ltmp4:
0xd4: {  	_ = 	snop;
	(pc) =	sbr.rel @p0 .LBB2_1-.Ltmp4, $4  }
.Ltmp5:
0xd5: {  	_ = 	snop;
	(pc) =	sbr.rel @!p0 .LBB2_8-.Ltmp5, $4  }
0xd6: {  	_ = 	snop  }
0xd7: {  	[sflag:s12] =	ssyncset.done $0x0  }
0xd8: {  	[sflag:s12] =	ssyncadd.s32 $0xFFFFC000  }
0xd9: {  	_ = 	snop  }
.LBB2_4:
.Ltmp6:
0xda: {  	(pc) =	sbr.rel .LBB2_7-.Ltmp6, $2  }
0xdb: {  	_ =	sdelay $0x2  }
0xdc: {  	s2 =	rddreg [dreg:$0x5]  }
.LBB2_8:
0xdd: {  	_ =	sfence.sel $0x180000  }
0xde: {  	[bflag:$0x0] =	sbarrier.arrive $0xFFFF  }
0xdf: {  	_ =	strace $0x9000004A  }
0xe0: {  	s0 =	stileid.u32;
	[bflag:$0x2] =	sbarrier.arrive $0xFFFF  }
0xe1: {  	p0 =	sne.s32 s0, $0x0;
	s0 =	rddreg [dreg:$0x2]  }
0xe2: {  	s0 =	sadd.s32 @!p0 $0x100000, s0  }
0xe3: {  	[sflag:s0] =	ssyncadd.tile.s32 @!p0 $0x1;
	_ =	shalt  }
.Lfunc_end2:
_tile_overlayer_lowered:
.L_overlay_start_2:
0xe4: {  	(tag) =	ssettag $0x2  }
0xe5: {  	s0 =	rddreg [dreg:$0x0];
	s2 =	stileid.u32  }
0xe6: {  	s1 =	rddreg [dreg:$0x1];
	p0 =	sne.s32 s2, $0x0  }
0xe7: {  	s3 =	rddreg [dreg:$0x2];
	[bflag:$0x3] =	sbarrier.arrive $0xFFFF;
	s2 =	simm.s32 @!p0 $0x1C09  }
0xe8: {  	[timem:s3], [sflag:s2] =	dma.local @!p0 [hbm:s0], s1  }
0xe9: {  	s0 =	simm.s32 @!p0 $0x9  }
0xea: {  	_ =	swait.ge @!p0 [sflag:s0], s1  }
0xeb: {  	s1 =	ssub.s32 @!p0 $0x0, s1;
	[sflag:s0] =	ssyncset.done @!p0 $0x0  }
0xec: {  	[sflag:s0] =	ssyncadd.s32 @!p0 s1  }
0xed: {  	[bflag:$0x3] =	sbarrier.arrive $0xFFFF  }
0xee: {  	_ =	shalt  }

// kernel: kernel.16.cloned.1.call-start
scs
__scs_entry_jumppad:
0x0: {  	(pc) =	sbr.rel $0x88, $3  }
0x1: {  	(tag) =	ssettag $0x0;
	lr =	simm.s32 $0x1  }
0x2: {  	[smem:$0x3F86] =	sst lr;
	_ =	strace $0xD0000000  }
0x3: {  	_ = 	snop  }
0x4: {  	_ = 	snop  }
0x5: {  	_ = 	snop  }
0x6: {  	_ = 	snop  }
0x7: {  	_ = 	snop  }
__scs_overlays_trampoline_lowered:
0x8: {  	[smem:$0x3F95] =	sst s0  }
0x9: {  	[smem:$0x3F96] =	sst s1  }
0xa: {  	[smem:$0x3F97] =	sst s2  }
0xb: {  	[smem:$0x3F98] =	sst s3  }
0xc: {  	[smem:$0x3F99] =	sst s4  }
0xd: {  	[smem:$0x3F9A] =	sst s5  }
0xe: {  	[smem:$0x3F9B] =	sst s6  }
0xf: {  	[smem:$0x3F9C] =	sst s7  }
0x10: {  	[smem:$0x3F9D] =	sst s8  }
0x11: {  	[smem:$0x3F9E] =	sst s9;
	s0 =	simm.s32 @!p0 $0x0  }
0x12: {  	s1 =	sld [smem:$0x3F84];
	s0 =	simm.s32 @p0 $0x1  }
0x13: {  	[smem:$0x3F9F] =	sst s0;
	s0 =	simm.s32 @!p1 $0x0  }
0x14: {  	s2 =	sld [smem:$0x3F83];
	s0 =	simm.s32 @p1 $0x1  }
0x15: {  	[smem:$0x3FA0] =	sst s0;
	s0 =	simm.s32 @!p2 $0x0  }
0x16: {  	s3 =	sld [smem:$0x3FDB];
	s0 =	simm.s32 @p2 $0x1  }
0x17: {  	s4 =	simm.s32 $0x1BF5;
	[smem:$0x3FA2] =	sst s0  }
0x18: {  	s0 =	sld [smem:$0x3F85];
	_ =	swait.ge [sflag:s4], $0x0  }
0x19: {  	s7 =	sld [smem:$0x3F86]  }
0x1a: {  	s8 =	sadd.s32 $0xFFFFE003, lr  }
0x1b: {  	s9 =	sadd.s32 $0xFFFFFEF7, lr;
	s5 =	simm.s32 $0xFFFFFFFF;
	p2 =	slt.u32 s8, $0xFFFFF086  }
0x1c: {  	p1 =	slt.u32 s9, $0xF7A;
	s5 =	simm.s32 @!p2 $0x0  }
0x1d: {  	s5 =	simm.s32 @p1 $0x1;
	p0 =	seq.s32 s7, s2  }
0x1e: {  	s7 =	smul.u32 @!p0 $0xF7A, s2;
	p2 =	seq.s32 @!p0 s5, $0x0  }
0x1f: {  	s9 =	smul.u32 $0xF7A, s1;
	s8 =	simm.s32 @!p0 $0x1BF5;
	p2 =	por !p2, p0  }
0x20: {  	[sflag:s8] =	ssyncset.s32 @!p0 $0xFFFFF086;
	s6 =	sadd.s32 @!p0 s3, s7;
	s7 =	simm.s32 @!p0 $0x108  }
0x21: {  	s3 =	sadd.s32 s3, s9;
	s6 =	sadd.s32 @!p0 $0x88, s6;
	s7 =	simm.s32 @p2 $0x1082  }
0x22: {  	[simem:s7], [sflag:s8] =	dma.local @!p0 [hbm:s6], $0xF7A  }
0x23: {  	s9 =	sor.u32 $0xD0000000, s2;
	s6 =	simm.s32 $0x108;
	_ =	swait.ge @!p0 [sflag:s8], $0x0  }
0x24: {  	s3 =	sadd.s32 $0x88, s3;
	s6 =	simm.s32 @!p1 $0x1082;
	[sflag:s4] =	ssyncset.s32 $0xFFFFF086  }
0x25: {  	[simem:s6], [sflag:s4] =	dma.local [hbm:s3], $0xF7A  }
0x26: {  	[smem:$0x3F86] =	sst s1;
	(tag) =	ssettag s2;
	_ =	strace s9  }
0x27: {  	s1 =	sld [smem:$0x3F96]  }
0x28: {  	s2 =	sld [smem:$0x3F97]  }
0x29: {  	s4 =	sld [smem:$0x3F99]  }
0x2a: {  	p0 =	seq.s32 s5, $0x0;
	s5 =	sld [smem:$0x3F9A]  }
0x2b: {  	s6 =	sld [smem:$0x3F9B]  }
0x2c: {  	s7 =	sld [smem:$0x3F9C]  }
0x2d: {  	s3 =	simm.s32 $0x108;
	s8 =	sld [smem:$0x3F9D]  }
0x2e: {  	s3 =	simm.s32 @!p0 $0x1082;
	s9 =	sld [smem:$0x3F9E]  }
0x2f: {  	lr =	sadd.s32 s0, s3;
	s0 =	sld [smem:$0x3F95]  }
0x30: {  	s3 =	sld [smem:$0x3F98]  }
0x31: {  	[smem:$0x3FA1] =	sst s10  }
0x32: {  	s10 =	sld [smem:$0x3F9F];
	_ =	sdelay $0x3  }
0x33: {  	p0 =	seq.s32 s10, $0x1;
	s10 =	sld [smem:$0x3FA1];
	_ =	sdelay $0x3  }
0x34: {  	[smem:$0x3FA1] =	sst s10  }
0x35: {  	s10 =	sld [smem:$0x3FA0];
	_ =	sdelay $0x3  }
0x36: {  	p1 =	seq.s32 s10, $0x1;
	s10 =	sld [smem:$0x3FA1];
	_ =	sdelay $0x3  }
0x37: {  	[smem:$0x3FA1] =	sst s10  }
0x38: {  	s10 =	sld [smem:$0x3FA2]  }
0x39: {  	_ = 	snop;
	(pc) =	sbr.ind lr, $3  }
0x3a: {  	_ = 	snop  }
0x3b: {  	_ = 	snop  }
0x3c: {  	p2 =	seq.s32 s10, $0x1;
	s10 =	sld [smem:$0x3FA1]  }
0x3d: {  	_ =	shalt  }
0x3e: {  	_ =	shalt  }
0x3f: {  	_ =	shalt  }
0x40: {  	_ =	shalt  }
0x41: {  	_ =	shalt  }
0x42: {  	_ =	shalt  }
0x43: {  	_ =	shalt  }
0x44: {  	_ =	shalt  }
0x45: {  	_ =	shalt  }
0x46: {  	_ =	shalt  }
0x47: {  	_ =	shalt  }
0x48: {  	_ =	shalt  }
0x49: {  	_ =	shalt  }
0x4a: {  	_ =	shalt  }
0x4b: {  	_ =	shalt  }
0x4c: {  	_ =	shalt  }
0x4d: {  	_ =	shalt  }
0x4e: {  	_ =	shalt  }
0x4f: {  	_ =	shalt  }
0x50: {  	_ =	shalt  }
0x51: {  	_ =	shalt  }
0x52: {  	_ =	shalt  }
0x53: {  	_ =	shalt  }
0x54: {  	_ =	shalt  }
0x55: {  	_ =	shalt  }
0x56: {  	_ =	shalt  }
0x57: {  	_ =	shalt  }
0x58: {  	_ =	shalt  }
0x59: {  	_ =	shalt  }
0x5a: {  	_ =	shalt  }
0x5b: {  	_ =	shalt  }
0x5c: {  	_ =	shalt  }
0x5d: {  	_ =	shalt  }
0x5e: {  	_ =	shalt  }
0x5f: {  	_ =	shalt  }
0x60: {  	_ =	shalt  }
0x61: {  	_ =	shalt  }
0x62: {  	_ =	shalt  }
0x63: {  	_ =	shalt  }
0x64: {  	_ =	shalt  }
0x65: {  	_ =	shalt  }
0x66: {  	_ =	shalt  }
0x67: {  	_ =	shalt  }
0x68: {  	_ =	shalt  }
0x69: {  	_ =	shalt  }
0x6a: {  	_ =	shalt  }
0x6b: {  	_ =	shalt  }
0x6c: {  	_ =	shalt  }
0x6d: {  	_ =	shalt  }
0x6e: {  	_ =	shalt  }
0x6f: {  	_ =	shalt  }
0x70: {  	_ =	shalt  }
0x71: {  	_ =	shalt  }
0x72: {  	_ =	shalt  }
0x73: {  	_ =	shalt  }
0x74: {  	_ =	shalt  }
0x75: {  	_ =	shalt  }
0x76: {  	_ =	shalt  }
0x77: {  	_ =	shalt  }
0x78: {  	_ =	shalt  }
0x79: {  	_ =	shalt  }
0x7a: {  	_ =	shalt  }
0x7b: {  	_ =	shalt  }
0x7c: {  	_ =	shalt  }
0x7d: {  	_ =	shalt  }
0x7e: {  	_ =	shalt  }
0x7f: {  	_ =	shalt  }
0x80: {  	_ =	shalt  }
0x81: {  	_ =	shalt  }
0x82: {  	_ =	shalt  }
0x83: {  	_ =	shalt  }
0x84: {  	_ =	shalt  }
0x85: {  	_ =	shalt  }
0x86: {  	_ =	shalt  }
0x87: {  	_ =	shalt  }
.Lfunc_end0:
.L_simem_size_0:
called_computation.2_lowered:
.L_overlay_start_0:
0x88: {  	s2 =	sld [smem:$0x3FD9]  }
0x89: {  	s3 =	sld [smem:$0x3FFE];
	_ =	sdelay $0x1  }
0x8a: {  	s1 =	srdreg.scid  }
0x8b: {  	s0 =	sand.u32 $0x1, s1  }
0x8c: {  	s16 =	sshll.u32 s0, $0xA;
	s2 =	sadd.s32 s3, s2  }
0x8d: {  	s2 =	sadd.s32 s2, s16  }
0x8e: {  	[smem:$0x3FAD] =	sst s2  }
0x8f: {  	_ = 	snop  }
0x90: {  	(tm) =	ssettm $0x1  }
0x91: {  	s17 =	sld [smem:$0x3FFB];
	_ =	sdelay $0x3  }
0x92: {  	_ =	strace s17  }
0x93: {  	s2 =	sld [smem:$0x3FFC];
	_ =	sdelay $0x3  }
0x94: {  	_ =	strace s2  }
0x95: {  	s2 =	sld [smem:$0x3FFD];
	_ =	sdelay $0x3  }
0x96: {  	_ =	strace s2  }
0x97: {  	_ =	strace $0x8FFFFFFF  }
0x98: {  	s18 =	sld [smem:$0x3FDB];
	_ =	sdelay $0x1  }
0x99: {  	s19 =	simm.s32 $_scs_section_size  }
0x9a: {  	s4 =	simm.s32 $_size__tile_overlayer_lowered;
	s5 =	simm.s32 $_tile_overlayer_lowered  }
0x9b: {  	s22 =	simm.s32 $0x1BFF;
	s21 =	sshll.u32 s5, $0x1;
	s2 =	sadd.s32 s19, s18  }
0x9c: {  	s6 =	simm.s32 $0x0;
	s20 =	sshll.u32 s4, $0x1;
	s4 =	sadd.s32 s21, s2  }
0x9d: {  	[timem:s6], [sflag:s22] =	dma.local [hbm:s4], s20  }
0x9e: {  	_ =	swait.ge [sflag:s22], s20  }
0x9f: {  	s3 =	ssub.s32 $0x0, s20;
	[sflag:s22] =	ssyncset.done $0x0  }
0xa0: {  	[sflag:s22] =	ssyncadd.s32 s3;
	_ =	sdelay $0x1  }
0xa1: {  	s23 =	simm.s32 $0x1B8B  }
0xa2: {  	_ =	swait.ge [sflag:s23], $0x1  }
0xa3: {  	[sflag:s23] =	ssyncset.done $0x0  }
0xa4: {  	s25 =	simm.s32 $0x1B8E;
	s24 =	sld [smem:$0x3FFE];
	[sflag:s23] =	ssyncadd.s32 $0xFFFFFFFF  }
0xa5: {  	s26 =	simm.s32 $execute0_lowered;
	[smem:$0x3FD2] =	sst s25  }
0xa6: {  	s4 =	sshll.u32 s26, $0x1;
	_ =	strace $0x8000004C;
	[dreg:$0x1] =	wrdreg $0xFFFFFFFF  }
0xa7: {  	s28 =	simm.s32 $_size_execute0_lowered;
	s2 =	sadd.s32 s2, s4;
	[dreg:$0x0] =	wrdreg $0x0  }
0xa8: {  	s4 =	sshll.u32 s28, $0x1;
	[dreg:$0x2] =	wrdreg s2  }
0xa9: {  	[dreg:$0x3] =	wrdreg s4  }
0xaa: {  	[dreg:$0x4] =	wrdreg $0xC0  }
0xab: {  	_ =	task [dreg:s6], $0x5FFFF  }
0xac: {  	[dreg:$0x1] =	wrdreg $0xFFFFFFFF  }
0xad: {  	[dreg:$0x0] =	wrdreg $0x60  }
0xae: {  	[dreg:$0x2] =	wrdreg s24  }
0xaf: {  	[dreg:$0x3] =	wrdreg $0x81000  }
0xb0: {  	[dreg:$0x4] =	wrdreg $0x9  }
0xb1: {  	_ =	task.clear_ibuf [dreg:s6], $0x5FFFF;
	_ =	strace $0x9000004C  }
0xb2: {  	s29 =	simm.s32 $0x9;
	_ =	strace $0x8000004E  }
0xb3: {  	_ =	swait.ge [sflag:s29], $0x1  }
0xb4: {  	[sflag:s29] =	ssyncadd.s32 $0xFFFFFFFF  }
0xb5: {  	_ =	strace $0x9000004E  }
0xb6: {  	_ =	sfence  }
0xb7: {  	s30 =	sld [smem:$0x0];
	_ =	sdelay $0x2  }
0xb8: {  	s31 =	sshll.u32 s1, $0xD;
	s1 =	sshrl.u32 s1, $0x2  }
0xb9: {  	s3 =	sand.u32 $0x4000, s31;
	s1 =	sadd.s32 s1, s30  }
0xba: {  	s0 =	sor.u32 s3, s0;
	s1 =	sshll.u32 s1, $0x11  }
0xbb: {  	s0 =	sor.u32 s1, s0  }
0xbc: {  	s0 =	sadd.s32 $0x8F2B, s0  }
0xbd: {  	[sflag:s0] =	ssyncadd.remote.s32 $0x1  }
0xbe: {  	_ =	sfence.sel $0xFFFF  }
0xbf: {  	[dreg:$0x0] =	wrdreg $0xFFFFFFFF;
	(pc) =	sbr.abs _section_cstart, $3  }
0xc0: {  	[dreg:$0x1] =	wrdreg $0xFFFFFFFF  }
0xc1: {  	_ =	task.clear_ibuf [dreg:s6], $0x2FFFF;
	_ =	strace $0x9FFFFFFF  }
0xc2: {  	(tm) =	ssettm $0x7FFFFFFF  }
0xc3: {  	_ =	shalt  }
tec
execute0_lowered:
.L_overlay_start_1:
0x0: {  	(tag) =	ssettag $0x1  }
0x1: {  	s4 =	rddreg [dreg:$0x0]  }
0x2: {  	s2 =	rddreg [dreg:$0x1]  }
0x3: {  	s0 =	rddreg [dreg:$0x2];
	s3 =	simm.s32 $0x0;
	s1 =	stileid.u32  }
0x4: {  	s5 =	srdreg.scid;
	[smem:$0x7FF] =	sst s3  }
0x5: {  	s6 =	smul.u32 $0x14000, s1;
	s10 =	sand.u32 $0x1, s5;
	s11 =	sadd.s32 $0xA56C00, s4  }
0x6: {  	s12 =	sadd.s32 $0x10400, s4;
	s15 =	sshll.u32 s1, $0x1;
	s9 =	smul.u32 $0x50000, s1  }
0x7: {  	s19 =	sshll.u32 s1, $0x6;
	s24 =	sshll.u32 s1, $0xC;
	s25 =	sshll.u32 s1, $0x5  }
0x8: {  	_ =	strace $0x8000004D;
	s5 =	smul.u32 $0x140000, s10;
	s8 =	ssub.s32 $0x2, s10  }
0x9: {  	s26 =	sshll.u32 s10, $0xB;
	s28 =	sshll.u32 s10, $0x4;
	s7 =	sshrl.u32 s6, $0x3  }
0xa: {  	s16 =	sshrl.u32 s8, $0x1;
	s18 =	sshrl.u32 s9, $0x2;
	s5 =	sadd.s32 s6, s5  }
0xb: {  	s7 =	sadd.s32 s7, s4;
	s6 =	sor.u32 s10, s15;
	s15 =	ssub.s32 s8, s16  }
0xc: {  	s16 =	sadd.s32 s18, s2;
	s10 =	sshll.u32 s10, $0x7;
	s18 =	simm.s32 $0x1  }
0xd: {  	s5 =	sshrl.u32 s5, $0x3;
	s13 =	ssub.s32 $0x9E3, s6;
	s9 =	smax.u32 s15, $0x1  }
0xe: {  	s15 =	simm.s32 $0x100;
	s14 =	sadd.s32 s5, s4;
	s17 =	sand.u32 $0x9E0, s13  }
0xf: {  	s4 =	sadd.s32 $0x1A200, s7;
	s22 =	sand.u32 $0x20, s13;
	s13 =	sshrl.u32 s16, $0x3  }
0x10: {  	s16 =	simm.s32 $0x80;
	s5 =	sor.u32 s6, s17;
	s8 =	sadd.s32 $0x92200, s14  }
0x11: {  	s14 =	sadd.s32 s25, s12;
	s17 =	sshll.u32 s1, $0x8;
	p0 =	seq.s32 s22, $0x0  }
0x12: {  	s22 =	simm.s32 $0x0;
	s20 =	sadd.s32 $0x1FFFFE0, s5;
	s5 =	sor.u32 $0x1C05, s19  }
0x13: {  	s29 =	sadd.s32 s28, s14;
	s30 =	sor.u32 s10, s17;
	s14 =	simm.s32 $0x5  }
0x14: {  	s17 =	simm.s32 $0x4100;
	s19 =	simm.s32 $0x2;
	s21 =	sshll.u32 s20, $0x4  }
0x15: {  	s23 =	sshll.u32 s20, $0xB;
	s31 =	sshrl.u32 s30, $0x3;
	s20 =	simm.s32 $0x3  }
0x16: {  	s6 =	sand.u32 $0x9DF0, s21;
	s7 =	sadd.s32 s11, s23;
	s11 =	sadd.s32 s24, s11  }
0x17: {  	s21 =	simm.s32 $0x4;
	s6 =	sadd.s32 s12, s6;
	s11 =	sadd.s32 s26, s11  }
0x18: {  	s12 =	sadd.s32 s31, s12;
	s10 =	sadd.s32 $0x10000, s11;
	s11 =	sadd.s32 $0x200, s29  }
.LBB2_1:
0x19: {  	[spmem:s13], [sflag:s5] =	dma.local [hbm:s4], $0x2800  }
0x1a: {  	_ =	swait.ge [sflag:s14], $0x2800  }
0x1b: {  	[sflag:s14] =	ssyncset.done $0x0  }
0x1c: {  	[sflag:s14] =	ssyncadd.s32 $0xFFFFD800  }
0x1d: {  	s23 =	sadd.s32 $0x0, s12;
	[bflag:$0x0] =	sbarrier.arrive $0xFFFF  }
0x1e: {  	[tilespmem:s3], [sflag:$0x5] =	stream.linear.gather [hbm4b:s23+s3], $0x80, $0x38;
	[tilespmem:$0x1C100] =	vst v63  }
0x1f: {  	_ =	swait.ge [sflag:s14], $0x80  }
0x20: {  	[sflag:s14] =	ssyncset.done $0x0  }
0x21: {  	s30 =	sadd.s32 $0xFFFF0000, s10;
	[sflag:s14] =	ssyncadd.s32 $0xFFFFFF80  }
0x22: {  	[tilespmem:s15], [sflag:$0x1] =	stream.linear.gather [hbm4b:s30+s3], $0x4000, $0x38;
	[tilespmem:$0x1C100] =	vst v63  }
0x23: {  	s31 =	sadd.s32 $0x0, s11  }
0x24: {  	[tilespmem:s16], [sflag:$0x5] =	stream.linear.gather [hbm4b:s31+s3], $0x80, $0x38;
	[tilespmem:$0x1C100] =	vst v63  }
0x25: {  	_ =	swait.ge [sflag:s14], $0x80  }
0x26: {  	[sflag:s14] =	ssyncset.done $0x0  }
0x27: {  	[sflag:s14] =	ssyncadd.s32 $0xFFFFFF80  }
0x28: {  	[tilespmem:s17], [sflag:$0x2] =	stream.linear.gather [hbm4b:s10+s3], $0x4000, $0x38;
	[tilespmem:$0x1C100] =	vst v63  }
0x29: {  	_ =	swait.ge [sflag:s18], $0x4000  }
0x2a: {  	[sflag:s18] =	ssyncset.done $0x0  }
0x2b: {  	[sflag:s18] =	ssyncadd.s32 $0xFFFFC000  }
0x2c: {  	[spmem:s2] =	stream.indirect.scatter.add.f32 [tilespmem:s15], [sflag:$0x3], $0x80, s3, s16, $0xb8;
	[tilespmem:$0x1C100] =	vst v63  }
0x2d: {  	_ =	swait.ge [sflag:s19], $0x4000  }
0x2e: {  	[sflag:s19] =	ssyncset.done $0x0  }
0x2f: {  	[sflag:s19] =	ssyncadd.s32 $0xFFFFC000  }
0x30: {  	[spmem:s2] =	stream.indirect.scatter.add.f32 [tilespmem:s17], [sflag:$0x4], $0x80, s16, s16, $0xb8;
	[tilespmem:$0x1C100] =	vst v63  }
0x31: {  	_ =	swait.ge [sflag:s20], $0x4000  }
0x32: {  	[sflag:s20] =	ssyncset.done $0x0  }
0x33: {  	[sflag:s20] =	ssyncadd.s32 $0xFFFFC000  }
0x34: {  	s24 =	simm.s32 $0x400;
	_ =	swait.ge [sflag:s21], $0x4000  }
0x35: {  	s25 =	simm.s32 $0x800;
	s23 =	sadd.s32 $0x20000, s10;
	[sflag:s21] =	ssyncset.done $0x0  }
.LBB2_2:
0x36: {  	s26 =	sadd.s32 s24, s12  }
0x37: {  	[sflag:s21] =	ssyncadd.s32 $0xFFFFC000;
	s28 =	smov.u32 s25;
	s29 =	sadd.s32 $0x400, s25  }
0x38: {  	[tilespmem:s3], [sflag:$0x5] =	stream.linear.gather [hbm4b:s26+s3], $0x80, $0x38;
	[tilespmem:$0x1C100] =	vst v63  }
0x39: {  	p1 =	sne.s32 s25, $0x9800;
	_ =	swait.ge [sflag:s14], $0x80  }
0x3a: {  	[sflag:s14] =	ssyncset.done $0x0  }
0x3b: {  	s25 =	sadd.s32 $0xFFFF0000, s23;
	[sflag:s14] =	ssyncadd.s32 $0xFFFFFF80  }
0x3c: {  	[tilespmem:s15], [sflag:$0x1] =	stream.linear.gather [hbm4b:s25+s3], $0x4000, $0x38;
	[tilespmem:$0x1C100] =	vst v63  }
0x3d: {  	s25 =	sadd.s32 s24, s11;
	s24 =	smov.u32 s28  }
0x3e: {  	[tilespmem:s16], [sflag:$0x5] =	stream.linear.gather [hbm4b:s25+s3], $0x80, $0x38;
	[tilespmem:$0x1C100] =	vst v63  }
0x3f: {  	_ =	swait.ge [sflag:s14], $0x80  }
0x40: {  	[sflag:s14] =	ssyncset.done $0x0  }
0x41: {  	[sflag:s14] =	ssyncadd.s32 $0xFFFFFF80  }
0x42: {  	[tilespmem:s17], [sflag:$0x2] =	stream.linear.gather [hbm4b:s23+s3], $0x4000, $0x38;
	[tilespmem:$0x1C100] =	vst v63  }
0x43: {  	_ =	swait.ge [sflag:s18], $0x4000  }
0x44: {  	[sflag:s18] =	ssyncset.done $0x0  }
0x45: {  	[sflag:s18] =	ssyncadd.s32 $0xFFFFC000  }
0x46: {  	[spmem:s2] =	stream.indirect.scatter.add.f32 [tilespmem:s15], [sflag:$0x3], $0x80, s3, s16, $0xb8;
	[tilespmem:$0x1C100] =	vst v63  }
0x47: {  	_ =	swait.ge [sflag:s19], $0x4000  }
0x48: {  	[sflag:s19] =	ssyncset.done $0x0  }
0x49: {  	[sflag:s19] =	ssyncadd.s32 $0xFFFFC000  }
0x4a: {  	[spmem:s2] =	stream.indirect.scatter.add.f32 [tilespmem:s17], [sflag:$0x4], $0x80, s16, s16, $0xb8;
	[tilespmem:$0x1C100] =	vst v63  }
.Ltmp0:
0x4b: {  	_ =	swait.ge [sflag:s20], $0x4000;
	(pc) =	sbr.rel @p1 .LBB2_2-.Ltmp0, $4  }
0x4c: {  	[sflag:s20] =	ssyncset.done $0x0  }
0x4d: {  	[sflag:s20] =	ssyncadd.s32 $0xFFFFC000  }
0x4e: {  	_ =	swait.ge [sflag:s21], $0x4000  }
0x4f: {  	s25 =	smov.u32 s29;
	s23 =	sadd.s32 $0x20000, s23;
	[sflag:s21] =	ssyncset.done $0x0  }
0x50: {  	s25 =	sadd.s32 s24, s12;
	[sflag:s21] =	ssyncadd.s32 $0xFFFFC000  }
0x51: {  	[tilespmem:s3], [sflag:$0x5] =	stream.linear.gather [hbm4b:s25+s3], $0x80, $0x38;
	[tilespmem:$0x1C100] =	vst v63  }
0x52: {  	_ =	swait.ge [sflag:s14], $0x80  }
0x53: {  	[sflag:s14] =	ssyncset.done $0x0  }
0x54: {  	s30 =	sadd.s32 $0xFFFF0000, s23;
	[sflag:s14] =	ssyncadd.s32 $0xFFFFFF80  }
0x55: {  	[tilespmem:s15], [sflag:$0x1] =	stream.linear.gather [hbm4b:s30+s3], $0x4000, $0x38;
	[tilespmem:$0x1C100] =	vst v63  }
0x56: {  	s31 =	sadd.s32 s24, s11  }
0x57: {  	[tilespmem:s16], [sflag:$0x5] =	stream.linear.gather [hbm4b:s31+s3], $0x80, $0x38;
	[tilespmem:$0x1C100] =	vst v63  }
0x58: {  	_ =	swait.ge [sflag:s14], $0x80  }
0x59: {  	[sflag:s14] =	ssyncset.done $0x0  }
0x5a: {  	[sflag:s14] =	ssyncadd.s32 $0xFFFFFF80  }
0x5b: {  	[tilespmem:s17], [sflag:$0x2] =	stream.linear.gather [hbm4b:s23+s3], $0x4000, $0x38;
	[tilespmem:$0x1C100] =	vst v63  }
0x5c: {  	_ =	swait.ge [sflag:s18], $0x4000  }
0x5d: {  	[sflag:s18] =	ssyncset.done $0x0  }
0x5e: {  	[sflag:s18] =	ssyncadd.s32 $0xFFFFC000  }
0x5f: {  	[spmem:s2] =	stream.indirect.scatter.add.f32 [tilespmem:s15], [sflag:$0x3], $0x80, s3, s16, $0xb8;
	[tilespmem:$0x1C100] =	vst v63  }
0x60: {  	_ =	swait.ge [sflag:s19], $0x4000  }
0x61: {  	[sflag:s19] =	ssyncset.done $0x0  }
0x62: {  	[sflag:s19] =	ssyncadd.s32 $0xFFFFC000  }
0x63: {  	[spmem:s2] =	stream.indirect.scatter.add.f32 [tilespmem:s17], [sflag:$0x4], $0x80, s16, s16, $0xb8;
	[tilespmem:$0x1C100] =	vst v63  }
0x64: {  	_ =	swait.ge [sflag:s20], $0x4000  }
0x65: {  	[sflag:s20] =	ssyncset.done $0x0  }
0x66: {  	[sflag:s20] =	ssyncadd.s32 $0xFFFFC000  }
0x67: {  	_ =	swait.ge [sflag:s21], $0x4000  }
0x68: {  	[sflag:s21] =	ssyncset.done $0x0  }
0x69: {  	s24 =	simm.s32 @!p0 $0x5;
	s23 =	simm.s32 @!p0 $0x0;
	[sflag:s21] =	ssyncadd.s32 $0xFFFFC000  }
0x6a: {  	[tilespmem:s23], [sflag:$0x5] =	stream.linear.gather @!p0 [hbm4b:s6+s23], $0x80, $0x38;
	[tilespmem:$0x1C100] =	vst v63  }
0x6b: {  	_ =	swait.ge @!p0 [sflag:s24], $0x80  }
0x6c: {  	[sflag:s24] =	ssyncset.done @!p0 $0x0  }
0x6d: {  	s25 =	simm.s32 @!p0 $0x100;
	[sflag:s24] =	ssyncadd.s32 @!p0 $0xFFFFFF80  }
0x6e: {  	[tilespmem:s25], [sflag:$0x5] =	stream.linear.gather @!p0 [hbm4b:s7+s23], $0x4000, $0x38;
	[tilespmem:$0x1C100] =	vst v63  }
0x6f: {  	_ =	swait.ge @!p0 [sflag:s24], $0x4000  }
0x70: {  	[sflag:s24] =	ssyncset.done @!p0 $0x0  }
0x71: {  	s26 =	simm.s32 @!p0 $0x80;
	[sflag:s24] =	ssyncadd.s32 @!p0 $0xFFFFC000  }
0x72: {  	[spmem:s2] =	stream.indirect.scatter.add.f32 @!p0 [tilespmem:s25], [sflag:$0x5], $0x80, s23, s26, $0xb8;
	[tilespmem:$0x1C100] =	vst v63  }
0x73: {  	_ =	swait.ge @!p0 [sflag:s24], $0x4000  }
0x74: {  	s22 =	sadd.s32 $0x1, s22;
	[sflag:s24] =	ssyncset.done @!p0 $0x0  }
0x75: {  	p1 =	sne.s32 s22, s9;
	[sflag:s24] =	ssyncadd.s32 @!p0 $0xFFFFC000  }
.Ltmp1:
0x76: {  	[bflag:$0x0] =	sbarrier.arrive $0xFFFF;
	(pc) =	sbr.rel @p1 .LBB2_1-.Ltmp1, $4  }
0x77: {  	[hbm:s8], [sflag:s5] =	dma.local [spmem:s13], $0x2800  }
0x78: {  	_ =	swait.ge [sflag:s14], $0x2800  }
0x79: {  	[sflag:s14] =	ssyncset.done $0x0  }
0x7a: {  	[sflag:s14] =	ssyncadd.s32 $0xFFFFD800  }
0x7b: {  	_ =	sfence.sel $0x180000  }
0x7c: {  	[bflag:$0x0] =	sbarrier.arrive $0xFFFF  }
0x7d: {  	p0 =	sne.s32 s1, $0x0;
	_ =	strace $0x9000004D  }
0x7e: {  	s0 =	sadd.s32 @!p0 $0x100000, s0;
	[bflag:$0x2] =	sbarrier.arrive $0xFFFF  }
0x7f: {  	[sflag:s0] =	ssyncadd.tile.s32 @!p0 $0x1;
	_ =	shalt  }
.Lfunc_end2:
_tile_overlayer_lowered:
.L_overlay_start_2:
0x80: {  	(tag) =	ssettag $0x2  }
0x81: {  	s0 =	rddreg [dreg:$0x0];
	s2 =	stileid.u32  }
0x82: {  	s1 =	rddreg [dreg:$0x1];
	p0 =	sne.s32 s2, $0x0  }
0x83: {  	s3 =	rddreg [dreg:$0x2];
	[bflag:$0x3] =	sbarrier.arrive $0xFFFF;
	s2 =	simm.s32 @!p0 $0x1C05  }
0x84: {  	[timem:s3], [sflag:s2] =	dma.local @!p0 [hbm:s0], s1  }
0x85: {  	s0 =	simm.s32 @!p0 $0x5  }
0x86: {  	_ =	swait.ge @!p0 [sflag:s0], s1  }
0x87: {  	s1 =	ssub.s32 @!p0 $0x0, s1;
	[sflag:s0] =	ssyncset.done @!p0 $0x0  }
0x88: {  	[sflag:s0] =	ssyncadd.s32 @!p0 s1  }
0x89: {  	[bflag:$0x3] =	sbarrier.arrive $0xFFFF  }
0x8a: {  	_ =	shalt  }

</sc_bundles>
